<compile_context>
chip_gen: v7x
topology: tpu7x:2x2x1
jax: 0.10.2.dev20260603
libtpu: 0.0.44.dev20260713+nightly
codegen_flags: <defaults>
</compile_context>

<pallas_src>
import dataclasses
import functools

import numpy as np

import jax
import jax.numpy as jnp
from jax import lax
from jax.experimental import pallas as pl
from jax.experimental.pallas import tpu as pltpu
from jax.experimental.pallas import tpu_sc as plsc

_N = 10000
_C = 128
_E = 320000

_NC = 2
_NS = 16
_NW = _NC * _NS
_L = 16

_BLK = 128
_BPW = 80
_CH = 16
_NCHUNK = _BPW // _CH
_EPW = _BPW * _BLK
_EPAD = _NW * _EPW

_RPAD = 10240
_DUMMY = _N
_HISTW = 10240
_ACC = 10240
_DBLK = 512
_NBLK_E = 20

_f32 = jnp.float32

_PI = np.arange(_EPAD - _E, dtype=np.int32)
_PAD_EDGES = np.stack([_N + (7 * _PI + 3) % (_RPAD - _N),
                       _N + _PI % (_ACC - _N)])
del _PI


def _sc_compiler_params():
    cp = pltpu.CompilerParams()
    if "needs_layout_passes" in pltpu.CompilerParams.__dataclass_fields__:
        cp = dataclasses.replace(cp, needs_layout_passes=False)
    return cp


def _score_body(pw_ref, x_ref, o_ref):
    pw = pw_ref[...]
    inv = lax.rsqrt(jnp.sum(pw * pw))
    xb = x_ref[...]
    o_ref[...] = jnp.tanh(jnp.sum(xb * pw, axis=1, keepdims=True) * inv)


def _scores(x, pool_weight):
    return pl.pallas_call(
        _score_body,
        grid=(5,),
        in_specs=[
            pl.BlockSpec((1, _C), lambda i: (0, 0)),
            pl.BlockSpec((2000, _C), lambda i: (i, 0)),
        ],
        out_specs=pl.BlockSpec((2000, 1), lambda i: (i, 0)),
        out_shape=jax.ShapeDtypeStruct((_N, 1), _f32),
    )(pool_weight, x)


def _topk_gru_body(s_in, x_ref, wih_ref, whh_ref, bih_ref, bhh_ref, h_ref,
                   hist_ref, y_ref, dinv_ref, xt_ref):
    ri = lax.broadcasted_iota(jnp.int32, (80, _C), 0)
    ci = lax.broadcasted_iota(jnp.int32, (80, _C), 1)
    flat = ri * _C + ci

    def body(k, s):
        m = jnp.max(s, keepdims=True)
        idx2 = jnp.min(jnp.where(s == m, flat, jnp.int32(2 ** 30)),
                       keepdims=True)
        s = jnp.where(flat == idx2, jnp.float32(-2.0), s)
        row = x_ref[pl.ds(idx2[0, 0], 1), :]
        xt_ref[pl.ds(k, 1), :] = row * m
        return s

    lax.fori_loop(0, _C, body, s_in[...])

    xt = xt_ref[...]
    h = h_ref[...]
    dn = (((1,), (1,)), ((), ()))
    gi = lax.dot_general(xt, wih_ref[...], dn,
                         preferred_element_type=_f32,
                         precision=lax.Precision.HIGHEST) + bih_ref[...]
    gh = lax.dot_general(h, whh_ref[...], dn,
                         preferred_element_type=_f32,
                         precision=lax.Precision.HIGHEST) + bhh_ref[...]
    r = jax.nn.sigmoid(gi[:, :_C] + gh[:, :_C])
    z = jax.nn.sigmoid(gi[:, _C:2 * _C] + gh[:, _C:2 * _C])
    n = jnp.tanh(gi[:, 2 * _C:] + r * gh[:, 2 * _C:])
    w_new = (1.0 - z) * n + z * h
    xw = lax.dot_general(x_ref[...], w_new, (((1,), (0,)), ((), ())),
                         preferred_element_type=_f32,
                         precision=lax.Precision.HIGHEST)
    ones = jnp.ones((_NW, 1), _f32)
    deg = lax.dot_general(hist_ref[...], ones, (((0,), (0,)), ((), ())),
                          preferred_element_type=_f32,
                          precision=lax.Precision.HIGHEST) + 1.0
    dinv = lax.rsqrt(deg)[:_RPAD]
    dinv_ref[...] = dinv
    y_ref[...] = dinv * xw


def _topk_gru_y(s2d, x_pad, w_ih, w_hh, b_ih2, b_hh2, h0, hist):
    return pl.pallas_call(
        _topk_gru_body,
        out_shape=[
            jax.ShapeDtypeStruct((_RPAD, _C), _f32),
            jax.ShapeDtypeStruct((_RPAD, 1), _f32),
        ],
        scratch_shapes=[
            pltpu.VMEM((_C, _C), _f32),
        ],
    )(s2d, x_pad, w_ih, w_hh, b_ih2, b_hh2, h0, hist)


def _hist_sc(edges4d):
    mesh = plsc.VectorSubcoreMesh(core_axis_name="c", subcore_axis_name="s", num_cores=_NC, num_subcores=_NS)

    @functools.partial(
        pl.kernel,
        mesh=mesh,
        out_type=jax.ShapeDtypeStruct((_NW, _HISTW), _f32),
        scratch_types=[
            pltpu.VMEM((_HISTW,), _f32),
            pltpu.VMEM((_BPW, _BLK), jnp.int32),
            pltpu.VMEM((_BPW, _BLK), jnp.int32),
            pltpu.SemaphoreType.DMA,
        ],
        compiler_params=_sc_compiler_params(),
    )
    def hist_kernel(edge_hbm, hist_hbm, hist_t, row_t, col_t, sem):
        ci = lax.axis_index("c")
        si = lax.axis_index("s")
        wid = si * _NC + ci

        z16 = jnp.zeros((_L,), _f32)

        @pl.loop(0, _HISTW, step=_L)
        def _(i):
            hist_t[pl.ds(i, _L)] = z16

        pltpu.async_copy(edge_hbm.at[0, wid], row_t, sem).wait()
        pltpu.async_copy(edge_hbm.at[1, wid], col_t, sem).wait()

        ones16 = jnp.ones((_L,), _f32)

        @pl.loop(0, _BPW)
        def _(j):
            for t in range(_BLK // _L):
                r = row_t[j, pl.ds(t * _L, _L)]
                c = col_t[j, pl.ds(t * _L, _L)]
                plsc.addupdate_scatter(hist_t, [c], ones16, mask=r != c)

        pltpu.async_copy(hist_t, hist_hbm.at[wid], sem).wait()

    return hist_kernel(edges4d)


def _scatter_sc(edges4d, y):
    mesh = plsc.VectorSubcoreMesh(core_axis_name="c", subcore_axis_name="s", num_cores=_NC, num_subcores=_NS)

    @functools.partial(
        pl.kernel,
        mesh=mesh,
        out_type=jax.ShapeDtypeStruct((_NC, _ACC, _C), _f32),
        scratch_types=[
            pltpu.VMEM_SHARED((_ACC, _C), _f32),
            pltpu.VMEM((2, _CH, _BLK), jnp.int32),
            pltpu.VMEM((2, _CH, _BLK), jnp.int32),
            pltpu.VMEM((_BLK, _C), _f32),
            pltpu.VMEM((_BLK, _C), _f32),
            pltpu.SemaphoreType.DMA,
            pltpu.SemaphoreType.DMA,
            pltpu.SemaphoreType.DMA,
        ],
        compiler_params=_sc_compiler_params(),
    )
    def scatter_kernel(edge_hbm, y_hbm, out_hbm, acc, rowc, colc, rv0, rv1,
                       sem, sg0, sg1):
        ci = lax.axis_index("c")
        si = lax.axis_index("s")
        wid = si * _NC + ci

        z16 = jnp.zeros((_L,), _f32)
        dummy = jnp.full((_L,), _DUMMY, jnp.int32)

        @pl.loop(0, _BLK)
        def _(j):
            for t in range(_C // _L):
                rv0[j, pl.ds(t * _L, _L)] = z16

        arow = 640 * si
        for j in range(5):
            pltpu.async_copy(rv0, acc.at[pl.ds(arow + _BLK * j, _BLK)],
                             sem).wait()
        plsc.subcore_barrier()

        def load_idx_chunk(c, p, wait):
            cp0 = pltpu.async_copy(edge_hbm.at[0, wid, pl.ds(c * _CH, _CH)],
                                   rowc.at[p], sem)
            cp1 = pltpu.async_copy(edge_hbm.at[1, wid, pl.ds(c * _CH, _CH)],
                                   colc.at[p], sem)
            if wait:
                cp0.wait()
                cp1.wait()
            return cp0, cp1

        def remap_chunk(p):
            @pl.loop(0, _CH)
            def _(j):
                for t in range(_BLK // _L):
                    r = rowc[p, j, pl.ds(t * _L, _L)]
                    c = colc[p, j, pl.ds(t * _L, _L)]
                    rowc[p, j, pl.ds(t * _L, _L)] = jnp.where(r == c, dummy, r)

        load_idx_chunk(0, 0, True)
        remap_chunk(0)
        pltpu.async_copy(y_hbm.at[rowc.at[0, 0]], rv0, sg0)

        for c in range(_NCHUNK):
            p = c & 1
            if c + 1 < _NCHUNK:
                nxt = load_idx_chunk(c + 1, 1 - p, False)

            @pl.loop(0, _CH, step=2)
            def _(g):
                pltpu.async_copy(y_hbm.at[rowc.at[p, g + 1]], rv1, sg1)
                pltpu.make_async_copy(y_hbm.at[rowc.at[p, g]], rv0, sg0).wait()
                pltpu.sync_copy(rv0, acc.at[colc.at[p, g]], add=True)

                @pl.when(g + 2 < _CH)
                def _():
                    pltpu.async_copy(y_hbm.at[rowc.at[p, g + 2]], rv0, sg0)

                pltpu.make_async_copy(y_hbm.at[rowc.at[p, g + 1]], rv1,
                                      sg1).wait()
                pltpu.sync_copy(rv1, acc.at[colc.at[p, g + 1]], add=True)

            if c + 1 < _NCHUNK:
                nxt[0].wait()
                nxt[1].wait()
                remap_chunk(1 - p)
                pltpu.async_copy(y_hbm.at[rowc.at[1 - p, 0]], rv0, sg0)

        plsc.subcore_barrier()

        for j in range(5):
            sl = pl.ds(arow + 128 * j, 128)
            pltpu.async_copy(acc.at[sl], out_hbm.at[ci].at[sl], sem).wait()

    return scatter_kernel(edges4d, y)


def _combine_body(sp_ref, y_ref, dinv_ref, o_ref):
    s = sp_ref[0] + sp_ref[1]
    o_ref[...] = jnp.maximum(dinv_ref[...] * (s + y_ref[...]), 0.0)


def _combine(s_part, y, dinv):
    return pl.pallas_call(
        _combine_body,
        grid=(_NBLK_E,),
        in_specs=[
            pl.BlockSpec((_NC, _DBLK, _C), lambda b: (0, b, 0)),
            pl.BlockSpec((_DBLK, _C), lambda b: (b, 0)),
            pl.BlockSpec((_DBLK, 1), lambda b: (b, 0)),
        ],
        out_specs=pl.BlockSpec((_DBLK, _C), lambda b: (b, 0)),
        out_shape=jax.ShapeDtypeStruct((_N, _C), _f32),
    )(s_part, y, dinv)


def kernel(x, edge_index, pool_weight, w_ih, w_hh, b_ih, b_hh, init_weight):
    x_pad = jnp.concatenate([x, jnp.zeros((_RPAD - _N, _C), _f32)], axis=0)
    edges4d = jnp.concatenate([edge_index, _PAD_EDGES], axis=1).reshape(
        2, _NW, _BPW, _BLK)
    b_ih2 = b_ih.reshape(1, 3 * _C)
    b_hh2 = b_hh.reshape(1, 3 * _C)
    h0 = init_weight.reshape(_C, _C)

    hist = _hist_sc(edges4d)

    score = _scores(x, pool_weight)
    s2d = jnp.concatenate(
        [score.reshape(_N), jnp.full((80 * _C - _N,), -2.0, _f32)]).reshape(
            80, _C)
    y, dinv = _topk_gru_y(s2d, x_pad, w_ih, w_hh, b_ih2, b_hh2, h0, hist)
    s_part = _scatter_sc(edges4d, y)
    return _combine(s_part, y, dinv)

# --- scband reference (transcript-rebuilt; emitter-appended) ---
"""Pipeline reference for scband-evolve-gcn-h-encoder-48859547959771 (READ-ONLY COPY).

The authoritative reference and input builder live on the scoring server;
editing this copy changes nothing except your own understanding.
"""

import jax, jax.numpy as jnp
import numpy as np

N = 10000
C = 128
E = 320000


def setup_inputs(seed: int = 0) -> dict:
    key = jax.random.key(seed)
    ks = jax.random.split(key, 8)
    x = jax.random.normal(ks[0], (N, C), dtype=jnp.float32)
    edge_index = jax.random.randint(ks[1], (2, E), 0, N, dtype=jnp.int32)
    glorot = float(np.sqrt(6.0 / (C + C)))
    pool_weight = jax.random.uniform(ks[2], (1, C), dtype=jnp.float32, minval=-glorot, maxval=glorot)
    stdv = 1.0 / float(np.sqrt(C))
    w_ih = jax.random.uniform(ks[3], (3 * C, C), dtype=jnp.float32, minval=-stdv, maxval=stdv)
    w_hh = jax.random.uniform(ks[4], (3 * C, C), dtype=jnp.float32, minval=-stdv, maxval=stdv)
    b_ih = jax.random.uniform(ks[5], (3 * C,), dtype=jnp.float32, minval=-stdv, maxval=stdv)
    b_hh = jax.random.uniform(ks[6], (3 * C,), dtype=jnp.float32, minval=-stdv, maxval=stdv)
    init_weight = jax.random.uniform(ks[7], (1, C, C), dtype=jnp.float32, minval=-glorot, maxval=glorot)
    return {"x": x, "edge_index": edge_index, "pool_weight": pool_weight,
            "w_ih": w_ih, "w_hh": w_hh, "b_ih": b_ih, "b_hh": b_hh,
            "init_weight": init_weight}


def reference(x, edge_index, pool_weight, w_ih, w_hh, b_ih, b_hh, init_weight):
    Nn, Cn = x.shape
    # --- TopKPooling (ratio = C/N -> k = C) ---
    score = jnp.tanh((x * pool_weight).sum(axis=-1) / jnp.linalg.norm(pool_weight))
    vals, perm = jax.lax.top_k(score, Cn)
    x_tilde = x[perm] * vals[:, None]  # (C, C)
    # --- single GRU step evolving the GCN weight matrix ---
    h = init_weight[0]  # (C, C) hidden state (torch uses .data -> detached)
    gi = x_tilde @ w_ih.T + b_ih
    gh = h @ w_hh.T + b_hh
    i_r, i_z, i_n = jnp.split(gi, 3, axis=1)
    h_r, h_z, h_n = jnp.split(gh, 3, axis=1)
    r = jax.nn.sigmoid(i_r + h_r)
    z = jax.nn.sigmoid(i_z + h_z)
    n = jnp.tanh(i_n + r * h_n)
    W = (1.0 - z) * n + z * h  # (C, C)
    # --- GCNConv with fixed W: gcn_norm (add remaining self loops) + propagate ---
    row, col = edge_index[0], edge_index[1]
    nonloop_w = (row != col).astype(x.dtype)  # existing self loops replaced by the appended ones
    loop = jnp.arange(Nn, dtype=row.dtype)
    row_f = jnp.concatenate([row, loop])
    col_f = jnp.concatenate([col, loop])
    w_f = jnp.concatenate([nonloop_w, jnp.ones((Nn,), x.dtype)])
    deg = jax.ops.segment_sum(w_f, col_f, num_segments=Nn)
    dinv = jnp.where(deg > 0, deg ** -0.5, 0.0)
    norm = dinv[row_f] * w_f * dinv[col_f]
    xw = x @ W
    out = jax.ops.segment_sum(norm[:, None] * xw[row_f], col_f, num_segments=Nn)
    return jax.nn.relu(out)

if __name__ == "__main__":
    import jax
    _d = setup_inputs()
    print(jax.jit(kernel)(*tuple(_d.values())))

</pallas_src>

<mosaic_0001>
#map = affine_map<(d0, d1) -> (0, 0, 0, 0)>
#map1 = affine_map<(d0, d1) -> (0, 0)>
module attributes {stable_mosaic.version = 14 : i64} {
  func.func @hist_kernel(%arg0: i32, %arg1: i32, %arg2: memref<2x32x80x128xi32, #tpu.memory_space<hbm>>, %arg3: memref<32x10240xf32, #tpu.memory_space<hbm>>, %arg4: memref<10240xf32, #tpu.memory_space<vmem>>, %arg5: memref<80x128xi32, #tpu.memory_space<vmem>>, %arg6: memref<80x128xi32, #tpu.memory_space<vmem>>, %arg7: memref<!tpu.dma_semaphore, #tpu.memory_space<semaphore_mem>>) attributes {dimension_semantics = [#tpu.dimension_semantics<core_parallel>, #tpu.dimension_semantics<subcore_parallel>], iteration_bounds = array<i64: 2, 16>, scalar_prefetch = 0 : i64, scratch_operands = 4 : i64, tpu.core_type = #tpu.core_type<sc_vector_subcore>, window_params = [{transform_indices = #map}, {transform_indices = #map1}]} {
    %mul3A = arith.constant 2 : i32
    %mul3A_0 = arith.muli %arg1, %mul3A : i32
    %add3A = arith.addi %mul3A_0, %arg0 : i32
    %broadcast_in_dim3A = arith.constant 0.000000e+00 : f32
    %broadcast_in_dim3A_1 = vector.broadcast %broadcast_in_dim3A : f32 to vector<16xf32>
    %scan3A = arith.constant 0 : i32
    %scan3A_2 = arith.constant 640 : i32
    %scan3A_3 = arith.addi %scan3A, %scan3A_2 : i32
    %scan3A_4 = arith.constant 1 : i32
    scf.for %scan3A_59 = %scan3A to %scan3A_3 step %scan3A_4  : i32 {
      %mul3A_60 = arith.constant 16 : i32
      %mul3A_61 = arith.muli %scan3A_59, %mul3A_60 : i32
      %add3A_62 = arith.constant 0 : i32
      %add3A_63 = arith.addi %add3A_62, %mul3A_61 : i32
      %swap3A = arith.index_cast %add3A_63 : i32 to index
      %swap3A_64 = tpu.vector_load %arg4[%swap3A] {strides = array<i32>} : memref<10240xf32, #tpu.memory_space<vmem>>, vector<16xf32>,
      tpu.vector_store %arg4[%swap3A], %broadcast_in_dim3A_1 {strides = array<i32>} : memref<10240xf32, #tpu.memory_space<vmem>>, vector<16xf32>,
    }
    %scan3A_5 = arith.constant 640 : i32
    %dma_start3A = arith.constant 0 : i32
    %dma_start3A_6 = arith.constant 0 : i32
    %dma_start3A_7 = arith.constant 0 : i32
    %dma_start3A_8 = tpu.memref_slice %arg2[%dma_start3A, %add3A, %dma_start3A_6, %dma_start3A_7] : memref<2x32x80x128xi32, #tpu.memory_space<hbm>> -> memref<1x1x80x128xi32, #tpu.memory_space<hbm>>
    %dma_start3A_9 = tpu.memref_squeeze %dma_start3A_8 : memref<1x1x80x128xi32, #tpu.memory_space<hbm>> -> memref<80x128xi32, #tpu.memory_space<hbm>>
    %dma_start3A_10 = arith.constant 0 : i32
    %dma_start3A_11 = arith.constant 0 : i32
    %dma_start3A_12 = tpu.memref_slice %arg2[%dma_start3A, %add3A, %dma_start3A_10, %dma_start3A_11] : memref<2x32x80x128xi32, #tpu.memory_space<hbm>> -> memref<1x1x80x128xi32, #tpu.memory_space<hbm>>
    %dma_start3A_13 = tpu.memref_squeeze %dma_start3A_12 : memref<1x1x80x128xi32, #tpu.memory_space<hbm>> -> memref<80x128xi32, #tpu.memory_space<hbm>>
    tpu.enqueue_dma source(%dma_start3A_13 : memref<80x128xi32, #tpu.memory_space<hbm>>) target(%arg5 : memref<80x128xi32, #tpu.memory_space<vmem>>) target_semaphore(%arg7 : memref<!tpu.dma_semaphore, #tpu.memory_space<semaphore_mem>>)
    %dma_wait3A = arith.constant 0 : i32
    %dma_wait3A_14 = arith.constant 0 : i32
    %dma_wait3A_15 = arith.constant 0 : i32
    %dma_wait3A_16 = tpu.memref_slice %arg2[%dma_wait3A, %add3A, %dma_wait3A_14, %dma_wait3A_15] : memref<2x32x80x128xi32, #tpu.memory_space<hbm>> -> memref<1x1x80x128xi32, #tpu.memory_space<hbm>>
    %dma_wait3A_17 = tpu.memref_squeeze %dma_wait3A_16 : memref<1x1x80x128xi32, #tpu.memory_space<hbm>> -> memref<80x128xi32, #tpu.memory_space<hbm>>
    %dma_wait3A_18 = arith.constant 0 : i32
    %dma_wait3A_19 = arith.constant 0 : i32
    %dma_wait3A_20 = tpu.memref_slice %arg2[%dma_wait3A, %add3A, %dma_wait3A_18, %dma_wait3A_19] : memref<2x32x80x128xi32, #tpu.memory_space<hbm>> -> memref<1x1x80x128xi32, #tpu.memory_space<hbm>>
    %dma_wait3A_21 = tpu.memref_squeeze %dma_wait3A_20 : memref<1x1x80x128xi32, #tpu.memory_space<hbm>> -> memref<80x128xi32, #tpu.memory_space<hbm>>
    tpu.wait_dma2 semaphore(%arg7 : memref<!tpu.dma_semaphore, #tpu.memory_space<semaphore_mem>>) src(%dma_wait3A_21 : memref<80x128xi32, #tpu.memory_space<hbm>>) dst(%arg5 : memref<80x128xi32, #tpu.memory_space<vmem>>)
    %dma_start3A_22 = arith.constant 1 : i32
    %dma_start3A_23 = arith.constant 0 : i32
    %dma_start3A_24 = arith.constant 0 : i32
    %dma_start3A_25 = tpu.memref_slice %arg2[%dma_start3A_22, %add3A, %dma_start3A_23, %dma_start3A_24] : memref<2x32x80x128xi32, #tpu.memory_space<hbm>> -> memref<1x1x80x128xi32, #tpu.memory_space<hbm>>
    %dma_start3A_26 = tpu.memref_squeeze %dma_start3A_25 : memref<1x1x80x128xi32, #tpu.memory_space<hbm>> -> memref<80x128xi32, #tpu.memory_space<hbm>>
    %dma_start3A_27 = arith.constant 0 : i32
    %dma_start3A_28 = arith.constant 0 : i32
    %dma_start3A_29 = tpu.memref_slice %arg2[%dma_start3A_22, %add3A, %dma_start3A_27, %dma_start3A_28] : memref<2x32x80x128xi32, #tpu.memory_space<hbm>> -> memref<1x1x80x128xi32, #tpu.memory_space<hbm>>
    %dma_start3A_30 = tpu.memref_squeeze %dma_start3A_29 : memref<1x1x80x128xi32, #tpu.memory_space<hbm>> -> memref<80x128xi32, #tpu.memory_space<hbm>>
    tpu.enqueue_dma source(%dma_start3A_30 : memref<80x128xi32, #tpu.memory_space<hbm>>) target(%arg6 : memref<80x128xi32, #tpu.memory_space<vmem>>) target_semaphore(%arg7 : memref<!tpu.dma_semaphore, #tpu.memory_space<semaphore_mem>>)
    %dma_wait3A_31 = arith.constant 1 : i32
    %dma_wait3A_32 = arith.constant 0 : i32
    %dma_wait3A_33 = arith.constant 0 : i32
    %dma_wait3A_34 = tpu.memref_slice %arg2[%dma_wait3A_31, %add3A, %dma_wait3A_32, %dma_wait3A_33] : memref<2x32x80x128xi32, #tpu.memory_space<hbm>> -> memref<1x1x80x128xi32, #tpu.memory_space<hbm>>
    %dma_wait3A_35 = tpu.memref_squeeze %dma_wait3A_34 : memref<1x1x80x128xi32, #tpu.memory_space<hbm>> -> memref<80x128xi32, #tpu.memory_space<hbm>>
    %dma_wait3A_36 = arith.constant 0 : i32
    %dma_wait3A_37 = arith.constant 0 : i32
    %dma_wait3A_38 = tpu.memref_slice %arg2[%dma_wait3A_31, %add3A, %dma_wait3A_36, %dma_wait3A_37] : memref<2x32x80x128xi32, #tpu.memory_space<hbm>> -> memref<1x1x80x128xi32, #tpu.memory_space<hbm>>
    %dma_wait3A_39 = tpu.memref_squeeze %dma_wait3A_38 : memref<1x1x80x128xi32, #tpu.memory_space<hbm>> -> memref<80x128xi32, #tpu.memory_space<hbm>>
    tpu.wait_dma2 semaphore(%arg7 : memref<!tpu.dma_semaphore, #tpu.memory_space<semaphore_mem>>) src(%dma_wait3A_39 : memref<80x128xi32, #tpu.memory_space<hbm>>) dst(%arg6 : memref<80x128xi32, #tpu.memory_space<vmem>>)
    %broadcast_in_dim3A_40 = arith.constant 1.000000e+00 : f32
    %broadcast_in_dim3A_41 = vector.broadcast %broadcast_in_dim3A_40 : f32 to vector<16xf32>
    %scan3A_42 = arith.constant 0 : i32
    %scan3A_43 = arith.constant 80 : i32
    %scan3A_44 = arith.addi %scan3A_42, %scan3A_43 : i32
    %scan3A_45 = arith.constant 1 : i32
    scf.for %scan3A_59 = %scan3A_42 to %scan3A_44 step %scan3A_45  : i32 {
      %mul3A_60 = arith.constant 1 : i32
      %mul3A_61 = arith.muli %scan3A_59, %mul3A_60 : i32
      %add3A_62 = arith.constant 0 : i32
      %add3A_63 = arith.addi %add3A_62, %mul3A_61 : i32
      %get3A = arith.index_cast %add3A_63 : i32 to index
      %get3A_64 = arith.constant 0 : index
      %get3A_65 = tpu.vector_load %arg5[%get3A, %get3A_64] {strides = array<i32>} : memref<80x128xi32, #tpu.memory_space<vmem>>, vector<16xi32>,
      %get3A_66 = arith.index_cast %add3A_63 : i32 to index
      %get3A_67 = arith.constant 0 : index
      %get3A_68 = tpu.vector_load %arg6[%get3A_66, %get3A_67] {strides = array<i32>} : memref<80x128xi32, #tpu.memory_space<vmem>>, vector<16xi32>,
      %ne3A = arith.cmpi ne, %get3A_65, %get3A_68 : vector<16xi32>
      tpu.vector_store_idx %arg4[%get3A_68], %broadcast_in_dim3A_41 masked %ne3A {add = true} : memref<10240xf32, #tpu.memory_space<vmem>>[vector<16xi32>], vector<16xf32>, vector<16xi1>
      %get3A_69 = arith.index_cast %add3A_63 : i32 to index
      %get3A_70 = arith.constant 16 : index
      %get3A_71 = tpu.vector_load %arg5[%get3A_69, %get3A_70] {strides = array<i32>} : memref<80x128xi32, #tpu.memory_space<vmem>>, vector<16xi32>,
      %get3A_72 = arith.index_cast %add3A_63 : i32 to index
      %get3A_73 = arith.constant 16 : index
      %get3A_74 = tpu.vector_load %arg6[%get3A_72, %get3A_73] {strides = array<i32>} : memref<80x128xi32, #tpu.memory_space<vmem>>, vector<16xi32>,
      %ne3A_75 = arith.cmpi ne, %get3A_71, %get3A_74 : vector<16xi32>
      tpu.vector_store_idx %arg4[%get3A_74], %broadcast_in_dim3A_41 masked %ne3A_75 {add = true} : memref<10240xf32, #tpu.memory_space<vmem>>[vector<16xi32>], vector<16xf32>, vector<16xi1>
      %get3A_76 = arith.index_cast %add3A_63 : i32 to index
      %get3A_77 = arith.constant 32 : index
      %get3A_78 = tpu.vector_load %arg5[%get3A_76, %get3A_77] {strides = array<i32>} : memref<80x128xi32, #tpu.memory_space<vmem>>, vector<16xi32>,
      %get3A_79 = arith.index_cast %add3A_63 : i32 to index
      %get3A_80 = arith.constant 32 : index
      %get3A_81 = tpu.vector_load %arg6[%get3A_79, %get3A_80] {strides = array<i32>} : memref<80x128xi32, #tpu.memory_space<vmem>>, vector<16xi32>,
      %ne3A_82 = arith.cmpi ne, %get3A_78, %get3A_81 : vector<16xi32>
      tpu.vector_store_idx %arg4[%get3A_81], %broadcast_in_dim3A_41 masked %ne3A_82 {add = true} : memref<10240xf32, #tpu.memory_space<vmem>>[vector<16xi32>], vector<16xf32>, vector<16xi1>
      %get3A_83 = arith.index_cast %add3A_63 : i32 to index
      %get3A_84 = arith.constant 48 : index
      %get3A_85 = tpu.vector_load %arg5[%get3A_83, %get3A_84] {strides = array<i32>} : memref<80x128xi32, #tpu.memory_space<vmem>>, vector<16xi32>,
      %get3A_86 = arith.index_cast %add3A_63 : i32 to index
      %get3A_87 = arith.constant 48 : index
      %get3A_88 = tpu.vector_load %arg6[%get3A_86, %get3A_87] {strides = array<i32>} : memref<80x128xi32, #tpu.memory_space<vmem>>, vector<16xi32>,
      %ne3A_89 = arith.cmpi ne, %get3A_85, %get3A_88 : vector<16xi32>
      tpu.vector_store_idx %arg4[%get3A_88], %broadcast_in_dim3A_41 masked %ne3A_89 {add = true} : memref<10240xf32, #tpu.memory_space<vmem>>[vector<16xi32>], vector<16xf32>, vector<16xi1>
      %get3A_90 = arith.index_cast %add3A_63 : i32 to index
      %get3A_91 = arith.constant 64 : index
      %get3A_92 = tpu.vector_load %arg5[%get3A_90, %get3A_91] {strides = array<i32>} : memref<80x128xi32, #tpu.memory_space<vmem>>, vector<16xi32>,
      %get3A_93 = arith.index_cast %add3A_63 : i32 to index
      %get3A_94 = arith.constant 64 : index
      %get3A_95 = tpu.vector_load %arg6[%get3A_93, %get3A_94] {strides = array<i32>} : memref<80x128xi32, #tpu.memory_space<vmem>>, vector<16xi32>,
      %ne3A_96 = arith.cmpi ne, %get3A_92, %get3A_95 : vector<16xi32>
      tpu.vector_store_idx %arg4[%get3A_95], %broadcast_in_dim3A_41 masked %ne3A_96 {add = true} : memref<10240xf32, #tpu.memory_space<vmem>>[vector<16xi32>], vector<16xf32>, vector<16xi1>
      %get3A_97 = arith.index_cast %add3A_63 : i32 to index
      %get3A_98 = arith.constant 80 : index
      %get3A_99 = tpu.vector_load %arg5[%get3A_97, %get3A_98] {strides = array<i32>} : memref<80x128xi32, #tpu.memory_space<vmem>>, vector<16xi32>,
      %get3A_100 = arith.index_cast %add3A_63 : i32 to index
      %get3A_101 = arith.constant 80 : index
      %get3A_102 = tpu.vector_load %arg6[%get3A_100, %get3A_101] {strides = array<i32>} : memref<80x128xi32, #tpu.memory_space<vmem>>, vector<16xi32>,
      %ne3A_103 = arith.cmpi ne, %get3A_99, %get3A_102 : vector<16xi32>
      tpu.vector_store_idx %arg4[%get3A_102], %broadcast_in_dim3A_41 masked %ne3A_103 {add = true} : memref<10240xf32, #tpu.memory_space<vmem>>[vector<16xi32>], vector<16xf32>, vector<16xi1>
      %get3A_104 = arith.index_cast %add3A_63 : i32 to index
      %get3A_105 = arith.constant 96 : index
      %get3A_106 = tpu.vector_load %arg5[%get3A_104, %get3A_105] {strides = array<i32>} : memref<80x128xi32, #tpu.memory_space<vmem>>, vector<16xi32>,
      %get3A_107 = arith.index_cast %add3A_63 : i32 to index
      %get3A_108 = arith.constant 96 : index
      %get3A_109 = tpu.vector_load %arg6[%get3A_107, %get3A_108] {strides = array<i32>} : memref<80x128xi32, #tpu.memory_space<vmem>>, vector<16xi32>,
      %ne3A_110 = arith.cmpi ne, %get3A_106, %get3A_109 : vector<16xi32>
      tpu.vector_store_idx %arg4[%get3A_109], %broadcast_in_dim3A_41 masked %ne3A_110 {add = true} : memref<10240xf32, #tpu.memory_space<vmem>>[vector<16xi32>], vector<16xf32>, vector<16xi1>
      %get3A_111 = arith.index_cast %add3A_63 : i32 to index
      %get3A_112 = arith.constant 112 : index
      %get3A_113 = tpu.vector_load %arg5[%get3A_111, %get3A_112] {strides = array<i32>} : memref<80x128xi32, #tpu.memory_space<vmem>>, vector<16xi32>,
      %get3A_114 = arith.index_cast %add3A_63 : i32 to index
      %get3A_115 = arith.constant 112 : index
      %get3A_116 = tpu.vector_load %arg6[%get3A_114, %get3A_115] {strides = array<i32>} : memref<80x128xi32, #tpu.memory_space<vmem>>, vector<16xi32>,
      %ne3A_117 = arith.cmpi ne, %get3A_113, %get3A_116 : vector<16xi32>
      tpu.vector_store_idx %arg4[%get3A_116], %broadcast_in_dim3A_41 masked %ne3A_117 {add = true} : memref<10240xf32, #tpu.memory_space<vmem>>[vector<16xi32>], vector<16xf32>, vector<16xi1>
    }
    %scan3A_46 = arith.constant 80 : i32
    %dma_start3A_47 = arith.constant 0 : i32
    %dma_start3A_48 = tpu.memref_slice %arg3[%add3A, %dma_start3A_47] : memref<32x10240xf32, #tpu.memory_space<hbm>> -> memref<1x10240xf32, #tpu.memory_space<hbm>>
    %dma_start3A_49 = tpu.memref_squeeze %dma_start3A_48 : memref<1x10240xf32, #tpu.memory_space<hbm>> -> memref<10240xf32, #tpu.memory_space<hbm>>
    %dma_start3A_50 = arith.constant 0 : i32
    %dma_start3A_51 = tpu.memref_slice %arg3[%add3A, %dma_start3A_50] : memref<32x10240xf32, #tpu.memory_space<hbm>> -> memref<1x10240xf32, #tpu.memory_space<hbm>>
    %dma_start3A_52 = tpu.memref_squeeze %dma_start3A_51 : memref<1x10240xf32, #tpu.memory_space<hbm>> -> memref<10240xf32, #tpu.memory_space<hbm>>
    tpu.enqueue_dma source(%arg4 : memref<10240xf32, #tpu.memory_space<vmem>>) target(%dma_start3A_52 : memref<10240xf32, #tpu.memory_space<hbm>>) target_semaphore(%arg7 : memref<!tpu.dma_semaphore, #tpu.memory_space<semaphore_mem>>)
    %dma_wait3A_53 = arith.constant 0 : i32
    %dma_wait3A_54 = tpu.memref_slice %arg3[%add3A, %dma_wait3A_53] : memref<32x10240xf32, #tpu.memory_space<hbm>> -> memref<1x10240xf32, #tpu.memory_space<hbm>>
    %dma_wait3A_55 = tpu.memref_squeeze %dma_wait3A_54 : memref<1x10240xf32, #tpu.memory_space<hbm>> -> memref<10240xf32, #tpu.memory_space<hbm>>
    %dma_wait3A_56 = arith.constant 0 : i32
    %dma_wait3A_57 = tpu.memref_slice %arg3[%add3A, %dma_wait3A_56] : memref<32x10240xf32, #tpu.memory_space<hbm>> -> memref<1x10240xf32, #tpu.memory_space<hbm>>
    %dma_wait3A_58 = tpu.memref_squeeze %dma_wait3A_57 : memref<1x10240xf32, #tpu.memory_space<hbm>> -> memref<10240xf32, #tpu.memory_space<hbm>>
    tpu.wait_dma2 semaphore(%arg7 : memref<!tpu.dma_semaphore, #tpu.memory_space<semaphore_mem>>) src(%arg4 : memref<10240xf32, #tpu.memory_space<vmem>>) dst(%dma_wait3A_58 : memref<10240xf32, #tpu.memory_space<hbm>>)
    return
  }
}

#map = affine_map<(d0, d1) -> (0, 0, 0, 0)>
#map1 = affine_map<(d0, d1) -> (0, 0)>
#map2 = affine_map<(d0, d1) -> (0, 0, 0)>
module attributes {stable_mosaic.version = 14 : i64} {
  func.func @scatter_kernel(%arg0: i32, %arg1: i32, %arg2: memref<2x32x80x128xi32, #tpu.memory_space<hbm>>, %arg3: memref<10240x128xf32, #tpu.memory_space<hbm>>, %arg4: memref<2x10240x128xf32, #tpu.memory_space<hbm>>, %arg5: memref<10240x128xf32, #tpu.memory_space<vmem_shared>>, %arg6: memref<2x16x128xi32, #tpu.memory_space<vmem>>, %arg7: memref<2x16x128xi32, #tpu.memory_space<vmem>>, %arg8: memref<128x128xf32, #tpu.memory_space<vmem>>, %arg9: memref<128x128xf32, #tpu.memory_space<vmem>>, %arg10: memref<!tpu.dma_semaphore, #tpu.memory_space<semaphore_mem>>, %arg11: memref<!tpu.dma_semaphore, #tpu.memory_space<semaphore_mem>>, %arg12: memref<!tpu.dma_semaphore, #tpu.memory_space<semaphore_mem>>) attributes {dimension_semantics = [#tpu.dimension_semantics<core_parallel>, #tpu.dimension_semantics<subcore_parallel>], iteration_bounds = array<i64: 2, 16>, scalar_prefetch = 0 : i64, scratch_operands = 8 : i64, tpu.core_type = #tpu.core_type<sc_vector_subcore>, window_params = [{transform_indices = #map}, {transform_indices = #map1}, {transform_indices = #map2}]} {
    %mul3A = arith.constant 2 : i32
    %mul3A_0 = arith.muli %arg1, %mul3A : i32
    %add3A = arith.addi %mul3A_0, %arg0 : i32
    %broadcast_in_dim3A = arith.constant 0.000000e+00 : f32
    %broadcast_in_dim3A_1 = vector.broadcast %broadcast_in_dim3A : f32 to vector<16xf32>
    %broadcast_in_dim3A_2 = arith.constant 10000 : i32
    %broadcast_in_dim3A_3 = vector.broadcast %broadcast_in_dim3A_2 : i32 to vector<16xi32>
    %scan3A = arith.constant 0 : i32
    %scan3A_4 = arith.constant 128 : i32
    %scan3A_5 = arith.addi %scan3A, %scan3A_4 : i32
    %scan3A_6 = arith.constant 1 : i32
    scf.for %scan3A_599 = %scan3A to %scan3A_5 step %scan3A_6  : i32 {
      %mul3A_600 = arith.constant 1 : i32
      %mul3A_601 = arith.muli %scan3A_599, %mul3A_600 : i32
      %add3A_602 = arith.constant 0 : i32
      %add3A_603 = arith.addi %add3A_602, %mul3A_601 : i32
      %swap3A = arith.index_cast %add3A_603 : i32 to index
      %swap3A_604 = arith.constant 0 : index
      %swap3A_605 = tpu.vector_load %arg8[%swap3A, %swap3A_604] {strides = array<i32>} : memref<128x128xf32, #tpu.memory_space<vmem>>, vector<16xf32>,
      tpu.vector_store %arg8[%swap3A, %swap3A_604], %broadcast_in_dim3A_1 {strides = array<i32>} : memref<128x128xf32, #tpu.memory_space<vmem>>, vector<16xf32>,
      %swap3A_606 = arith.index_cast %add3A_603 : i32 to index
      %swap3A_607 = arith.constant 16 : index
      %swap3A_608 = tpu.vector_load %arg8[%swap3A_606, %swap3A_607] {strides = array<i32>} : memref<128x128xf32, #tpu.memory_space<vmem>>, vector<16xf32>,
      tpu.vector_store %arg8[%swap3A_606, %swap3A_607], %broadcast_in_dim3A_1 {strides = array<i32>} : memref<128x128xf32, #tpu.memory_space<vmem>>, vector<16xf32>,
      %swap3A_609 = arith.index_cast %add3A_603 : i32 to index
      %swap3A_610 = arith.constant 32 : index
      %swap3A_611 = tpu.vector_load %arg8[%swap3A_609, %swap3A_610] {strides = array<i32>} : memref<128x128xf32, #tpu.memory_space<vmem>>, vector<16xf32>,
      tpu.vector_store %arg8[%swap3A_609, %swap3A_610], %broadcast_in_dim3A_1 {strides = array<i32>} : memref<128x128xf32, #tpu.memory_space<vmem>>, vector<16xf32>,
      %swap3A_612 = arith.index_cast %add3A_603 : i32 to index
      %swap3A_613 = arith.constant 48 : index
      %swap3A_614 = tpu.vector_load %arg8[%swap3A_612, %swap3A_613] {strides = array<i32>} : memref<128x128xf32, #tpu.memory_space<vmem>>, vector<16xf32>,
      tpu.vector_store %arg8[%swap3A_612, %swap3A_613], %broadcast_in_dim3A_1 {strides = array<i32>} : memref<128x128xf32, #tpu.memory_space<vmem>>, vector<16xf32>,
      %swap3A_615 = arith.index_cast %add3A_603 : i32 to index
      %swap3A_616 = arith.constant 64 : index
      %swap3A_617 = tpu.vector_load %arg8[%swap3A_615, %swap3A_616] {strides = array<i32>} : memref<128x128xf32, #tpu.memory_space<vmem>>, vector<16xf32>,
      tpu.vector_store %arg8[%swap3A_615, %swap3A_616], %broadcast_in_dim3A_1 {strides = array<i32>} : memref<128x128xf32, #tpu.memory_space<vmem>>, vector<16xf32>,
      %swap3A_618 = arith.index_cast %add3A_603 : i32 to index
      %swap3A_619 = arith.constant 80 : index
      %swap3A_620 = tpu.vector_load %arg8[%swap3A_618, %swap3A_619] {strides = array<i32>} : memref<128x128xf32, #tpu.memory_space<vmem>>, vector<16xf32>,
      tpu.vector_store %arg8[%swap3A_618, %swap3A_619], %broadcast_in_dim3A_1 {strides = array<i32>} : memref<128x128xf32, #tpu.memory_space<vmem>>, vector<16xf32>,
      %swap3A_621 = arith.index_cast %add3A_603 : i32 to index
      %swap3A_622 = arith.constant 96 : index
      %swap3A_623 = tpu.vector_load %arg8[%swap3A_621, %swap3A_622] {strides = array<i32>} : memref<128x128xf32, #tpu.memory_space<vmem>>, vector<16xf32>,
      tpu.vector_store %arg8[%swap3A_621, %swap3A_622], %broadcast_in_dim3A_1 {strides = array<i32>} : memref<128x128xf32, #tpu.memory_space<vmem>>, vector<16xf32>,
      %swap3A_624 = arith.index_cast %add3A_603 : i32 to index
      %swap3A_625 = arith.constant 112 : index
      %swap3A_626 = tpu.vector_load %arg8[%swap3A_624, %swap3A_625] {strides = array<i32>} : memref<128x128xf32, #tpu.memory_space<vmem>>, vector<16xf32>,
      tpu.vector_store %arg8[%swap3A_624, %swap3A_625], %broadcast_in_dim3A_1 {strides = array<i32>} : memref<128x128xf32, #tpu.memory_space<vmem>>, vector<16xf32>,
    }
    %scan3A_7 = arith.constant 128 : i32
    %mul3A_8 = arith.constant 640 : i32
    %mul3A_9 = arith.muli %mul3A_8, %arg1 : i32
    %add3A_10 = arith.constant 0 : i32
    %add3A_11 = arith.addi %mul3A_9, %add3A_10 : i32
    %dma_start3A = arith.constant 0 : i32
    %dma_start3A_12 = tpu.memref_slice %arg5[%add3A_11, %dma_start3A] : memref<10240x128xf32, #tpu.memory_space<vmem_shared>> -> memref<128x128xf32, #tpu.memory_space<vmem_shared>>
    %dma_start3A_13 = arith.constant 0 : i32
    %dma_start3A_14 = tpu.memref_slice %arg5[%add3A_11, %dma_start3A_13] : memref<10240x128xf32, #tpu.memory_space<vmem_shared>> -> memref<128x128xf32, #tpu.memory_space<vmem_shared>>
    tpu.enqueue_dma source(%arg8 : memref<128x128xf32, #tpu.memory_space<vmem>>) target(%dma_start3A_14 : memref<128x128xf32, #tpu.memory_space<vmem_shared>>) target_semaphore(%arg10 : memref<!tpu.dma_semaphore, #tpu.memory_space<semaphore_mem>>)
    %dma_wait3A = arith.constant 0 : i32
    %dma_wait3A_15 = tpu.memref_slice %arg5[%add3A_11, %dma_wait3A] : memref<10240x128xf32, #tpu.memory_space<vmem_shared>> -> memref<128x128xf32, #tpu.memory_space<vmem_shared>>
    %dma_wait3A_16 = arith.constant 0 : i32
    %dma_wait3A_17 = tpu.memref_slice %arg5[%add3A_11, %dma_wait3A_16] : memref<10240x128xf32, #tpu.memory_space<vmem_shared>> -> memref<128x128xf32, #tpu.memory_space<vmem_shared>>
    tpu.wait_dma2 semaphore(%arg10 : memref<!tpu.dma_semaphore, #tpu.memory_space<semaphore_mem>>) src(%arg8 : memref<128x128xf32, #tpu.memory_space<vmem>>) dst(%dma_wait3A_17 : memref<128x128xf32, #tpu.memory_space<vmem_shared>>)
    %add3A_18 = arith.constant 128 : i32
    %add3A_19 = arith.addi %mul3A_9, %add3A_18 : i32
    %dma_start3A_20 = arith.constant 0 : i32
    %dma_start3A_21 = tpu.memref_slice %arg5[%add3A_19, %dma_start3A_20] : memref<10240x128xf32, #tpu.memory_space<vmem_shared>> -> memref<128x128xf32, #tpu.memory_space<vmem_shared>>
    %dma_start3A_22 = arith.constant 0 : i32
    %dma_start3A_23 = tpu.memref_slice %arg5[%add3A_19, %dma_start3A_22] : memref<10240x128xf32, #tpu.memory_space<vmem_shared>> -> memref<128x128xf32, #tpu.memory_space<vmem_shared>>
    tpu.enqueue_dma source(%arg8 : memref<128x128xf32, #tpu.memory_space<vmem>>) target(%dma_start3A_23 : memref<128x128xf32, #tpu.memory_space<vmem_shared>>) target_semaphore(%arg10 : memref<!tpu.dma_semaphore, #tpu.memory_space<semaphore_mem>>)
    %dma_wait3A_24 = arith.constant 0 : i32
    %dma_wait3A_25 = tpu.memref_slice %arg5[%add3A_19, %dma_wait3A_24] : memref<10240x128xf32, #tpu.memory_space<vmem_shared>> -> memref<128x128xf32, #tpu.memory_space<vmem_shared>>
    %dma_wait3A_26 = arith.constant 0 : i32
    %dma_wait3A_27 = tpu.memref_slice %arg5[%add3A_19, %dma_wait3A_26] : memref<10240x128xf32, #tpu.memory_space<vmem_shared>> -> memref<128x128xf32, #tpu.memory_space<vmem_shared>>
    tpu.wait_dma2 semaphore(%arg10 : memref<!tpu.dma_semaphore, #tpu.memory_space<semaphore_mem>>) src(%arg8 : memref<128x128xf32, #tpu.memory_space<vmem>>) dst(%dma_wait3A_27 : memref<128x128xf32, #tpu.memory_space<vmem_shared>>)
    %add3A_28 = arith.constant 256 : i32
    %add3A_29 = arith.addi %mul3A_9, %add3A_28 : i32
    %dma_start3A_30 = arith.constant 0 : i32
    %dma_start3A_31 = tpu.memref_slice %arg5[%add3A_29, %dma_start3A_30] : memref<10240x128xf32, #tpu.memory_space<vmem_shared>> -> memref<128x128xf32, #tpu.memory_space<vmem_shared>>
    %dma_start3A_32 = arith.constant 0 : i32
    %dma_start3A_33 = tpu.memref_slice %arg5[%add3A_29, %dma_start3A_32] : memref<10240x128xf32, #tpu.memory_space<vmem_shared>> -> memref<128x128xf32, #tpu.memory_space<vmem_shared>>
    tpu.enqueue_dma source(%arg8 : memref<128x128xf32, #tpu.memory_space<vmem>>) target(%dma_start3A_33 : memref<128x128xf32, #tpu.memory_space<vmem_shared>>) target_semaphore(%arg10 : memref<!tpu.dma_semaphore, #tpu.memory_space<semaphore_mem>>)
    %dma_wait3A_34 = arith.constant 0 : i32
    %dma_wait3A_35 = tpu.memref_slice %arg5[%add3A_29, %dma_wait3A_34] : memref<10240x128xf32, #tpu.memory_space<vmem_shared>> -> memref<128x128xf32, #tpu.memory_space<vmem_shared>>
    %dma_wait3A_36 = arith.constant 0 : i32
    %dma_wait3A_37 = tpu.memref_slice %arg5[%add3A_29, %dma_wait3A_36] : memref<10240x128xf32, #tpu.memory_space<vmem_shared>> -> memref<128x128xf32, #tpu.memory_space<vmem_shared>>
    tpu.wait_dma2 semaphore(%arg10 : memref<!tpu.dma_semaphore, #tpu.memory_space<semaphore_mem>>) src(%arg8 : memref<128x128xf32, #tpu.memory_space<vmem>>) dst(%dma_wait3A_37 : memref<128x128xf32, #tpu.memory_space<vmem_shared>>)
    %add3A_38 = arith.constant 384 : i32
    %add3A_39 = arith.addi %mul3A_9, %add3A_38 : i32
    %dma_start3A_40 = arith.constant 0 : i32
    %dma_start3A_41 = tpu.memref_slice %arg5[%add3A_39, %dma_start3A_40] : memref<10240x128xf32, #tpu.memory_space<vmem_shared>> -> memref<128x128xf32, #tpu.memory_space<vmem_shared>>
    %dma_start3A_42 = arith.constant 0 : i32
    %dma_start3A_43 = tpu.memref_slice %arg5[%add3A_39, %dma_start3A_42] : memref<10240x128xf32, #tpu.memory_space<vmem_shared>> -> memref<128x128xf32, #tpu.memory_space<vmem_shared>>
    tpu.enqueue_dma source(%arg8 : memref<128x128xf32, #tpu.memory_space<vmem>>) target(%dma_start3A_43 : memref<128x128xf32, #tpu.memory_space<vmem_shared>>) target_semaphore(%arg10 : memref<!tpu.dma_semaphore, #tpu.memory_space<semaphore_mem>>)
    %dma_wait3A_44 = arith.constant 0 : i32
    %dma_wait3A_45 = tpu.memref_slice %arg5[%add3A_39, %dma_wait3A_44] : memref<10240x128xf32, #tpu.memory_space<vmem_shared>> -> memref<128x128xf32, #tpu.memory_space<vmem_shared>>
    %dma_wait3A_46 = arith.constant 0 : i32
    %dma_wait3A_47 = tpu.memref_slice %arg5[%add3A_39, %dma_wait3A_46] : memref<10240x128xf32, #tpu.memory_space<vmem_shared>> -> memref<128x128xf32, #tpu.memory_space<vmem_shared>>
    tpu.wait_dma2 semaphore(%arg10 : memref<!tpu.dma_semaphore, #tpu.memory_space<semaphore_mem>>) src(%arg8 : memref<128x128xf32, #tpu.memory_space<vmem>>) dst(%dma_wait3A_47 : memref<128x128xf32, #tpu.memory_space<vmem_shared>>)
    %add3A_48 = arith.constant 512 : i32
    %add3A_49 = arith.addi %mul3A_9, %add3A_48 : i32
    %dma_start3A_50 = arith.constant 0 : i32
    %dma_start3A_51 = tpu.memref_slice %arg5[%add3A_49, %dma_start3A_50] : memref<10240x128xf32, #tpu.memory_space<vmem_shared>> -> memref<128x128xf32, #tpu.memory_space<vmem_shared>>
    %dma_start3A_52 = arith.constant 0 : i32
    %dma_start3A_53 = tpu.memref_slice %arg5[%add3A_49, %dma_start3A_52] : memref<10240x128xf32, #tpu.memory_space<vmem_shared>> -> memref<128x128xf32, #tpu.memory_space<vmem_shared>>
    tpu.enqueue_dma source(%arg8 : memref<128x128xf32, #tpu.memory_space<vmem>>) target(%dma_start3A_53 : memref<128x128xf32, #tpu.memory_space<vmem_shared>>) target_semaphore(%arg10 : memref<!tpu.dma_semaphore, #tpu.memory_space<semaphore_mem>>)
    %dma_wait3A_54 = arith.constant 0 : i32
    %dma_wait3A_55 = tpu.memref_slice %arg5[%add3A_49, %dma_wait3A_54] : memref<10240x128xf32, #tpu.memory_space<vmem_shared>> -> memref<128x128xf32, #tpu.memory_space<vmem_shared>>
    %dma_wait3A_56 = arith.constant 0 : i32
    %dma_wait3A_57 = tpu.memref_slice %arg5[%add3A_49, %dma_wait3A_56] : memref<10240x128xf32, #tpu.memory_space<vmem_shared>> -> memref<128x128xf32, #tpu.memory_space<vmem_shared>>
    tpu.wait_dma2 semaphore(%arg10 : memref<!tpu.dma_semaphore, #tpu.memory_space<semaphore_mem>>) src(%arg8 : memref<128x128xf32, #tpu.memory_space<vmem>>) dst(%dma_wait3A_57 : memref<128x128xf32, #tpu.memory_space<vmem_shared>>)
    %barrier3A = arith.constant 0 : index
    tpu.barrier barrier_id(%barrier3A)
    %dma_start3A_58 = arith.constant 0 : i32
    %dma_start3A_59 = arith.constant 0 : i32
    %dma_start3A_60 = arith.constant 0 : i32
    %dma_start3A_61 = arith.constant 0 : i32
    %dma_start3A_62 = tpu.memref_slice %arg6[%dma_start3A_59, %dma_start3A_60, %dma_start3A_61] : memref<2x16x128xi32, #tpu.memory_space<vmem>> -> memref<1x16x128xi32, #tpu.memory_space<vmem>>
    %dma_start3A_63 = tpu.memref_squeeze %dma_start3A_62 : memref<1x16x128xi32, #tpu.memory_space<vmem>> -> memref<16x128xi32, #tpu.memory_space<vmem>>
    %dma_start3A_64 = arith.constant 0 : i32
    %dma_start3A_65 = arith.constant 0 : i32
    %dma_start3A_66 = tpu.memref_slice %arg2[%dma_start3A_58, %add3A, %dma_start3A_64, %dma_start3A_65] : memref<2x32x80x128xi32, #tpu.memory_space<hbm>> -> memref<1x1x16x128xi32, #tpu.memory_space<hbm>>
    %dma_start3A_67 = tpu.memref_squeeze %dma_start3A_66 : memref<1x1x16x128xi32, #tpu.memory_space<hbm>> -> memref<16x128xi32, #tpu.memory_space<hbm>>
    %dma_start3A_68 = arith.constant 0 : i32
    %dma_start3A_69 = arith.constant 0 : i32
    %dma_start3A_70 = tpu.memref_slice %arg6[%dma_start3A_59, %dma_start3A_68, %dma_start3A_69] : memref<2x16x128xi32, #tpu.memory_space<vmem>> -> memref<1x16x128xi32, #tpu.memory_space<vmem>>
    %dma_start3A_71 = tpu.memref_squeeze %dma_start3A_70 : memref<1x16x128xi32, #tpu.memory_space<vmem>> -> memref<16x128xi32, #tpu.memory_space<vmem>>
    %dma_start3A_72 = arith.constant 0 : i32
    %dma_start3A_73 = arith.constant 0 : i32
    %dma_start3A_74 = tpu.memref_slice %arg2[%dma_start3A_58, %add3A, %dma_start3A_72, %dma_start3A_73] : memref<2x32x80x128xi32, #tpu.memory_space<hbm>> -> memref<1x1x16x128xi32, #tpu.memory_space<hbm>>
    %dma_start3A_75 = tpu.memref_squeeze %dma_start3A_74 : memref<1x1x16x128xi32, #tpu.memory_space<hbm>> -> memref<16x128xi32, #tpu.memory_space<hbm>>
    tpu.enqueue_dma source(%dma_start3A_75 : memref<16x128xi32, #tpu.memory_space<hbm>>) target(%dma_start3A_71 : memref<16x128xi32, #tpu.memory_space<vmem>>) target_semaphore(%arg10 : memref<!tpu.dma_semaphore, #tpu.memory_space<semaphore_mem>>)
    %dma_start3A_76 = arith.constant 1 : i32
    %dma_start3A_77 = arith.constant 0 : i32
    %dma_start3A_78 = arith.constant 0 : i32
    %dma_start3A_79 = arith.constant 0 : i32
    %dma_start3A_80 = tpu.memref_slice %arg7[%dma_start3A_77, %dma_start3A_78, %dma_start3A_79] : memref<2x16x128xi32, #tpu.memory_space<vmem>> -> memref<1x16x128xi32, #tpu.memory_space<vmem>>
    %dma_start3A_81 = tpu.memref_squeeze %dma_start3A_80 : memref<1x16x128xi32, #tpu.memory_space<vmem>> -> memref<16x128xi32, #tpu.memory_space<vmem>>
    %dma_start3A_82 = arith.constant 0 : i32
    %dma_start3A_83 = arith.constant 0 : i32
    %dma_start3A_84 = tpu.memref_slice %arg2[%dma_start3A_76, %add3A, %dma_start3A_82, %dma_start3A_83] : memref<2x32x80x128xi32, #tpu.memory_space<hbm>> -> memref<1x1x16x128xi32, #tpu.memory_space<hbm>>
    %dma_start3A_85 = tpu.memref_squeeze %dma_start3A_84 : memref<1x1x16x128xi32, #tpu.memory_space<hbm>> -> memref<16x128xi32, #tpu.memory_space<hbm>>
    %dma_start3A_86 = arith.constant 0 : i32
    %dma_start3A_87 = arith.constant 0 : i32
    %dma_start3A_88 = tpu.memref_slice %arg7[%dma_start3A_77, %dma_start3A_86, %dma_start3A_87] : memref<2x16x128xi32, #tpu.memory_space<vmem>> -> memref<1x16x128xi32, #tpu.memory_space<vmem>>
    %dma_start3A_89 = tpu.memref_squeeze %dma_start3A_88 : memref<1x16x128xi32, #tpu.memory_space<vmem>> -> memref<16x128xi32, #tpu.memory_space<vmem>>
    %dma_start3A_90 = arith.constant 0 : i32
    %dma_start3A_91 = arith.constant 0 : i32
    %dma_start3A_92 = tpu.memref_slice %arg2[%dma_start3A_76, %add3A, %dma_start3A_90, %dma_start3A_91] : memref<2x32x80x128xi32, #tpu.memory_space<hbm>> -> memref<1x1x16x128xi32, #tpu.memory_space<hbm>>
    %dma_start3A_93 = tpu.memref_squeeze %dma_start3A_92 : memref<1x1x16x128xi32, #tpu.memory_space<hbm>> -> memref<16x128xi32, #tpu.memory_space<hbm>>
    tpu.enqueue_dma source(%dma_start3A_93 : memref<16x128xi32, #tpu.memory_space<hbm>>) target(%dma_start3A_89 : memref<16x128xi32, #tpu.memory_space<vmem>>) target_semaphore(%arg10 : memref<!tpu.dma_semaphore, #tpu.memory_space<semaphore_mem>>)
    %dma_wait3A_94 = arith.constant 0 : i32
    %dma_wait3A_95 = arith.constant 0 : i32
    %dma_wait3A_96 = arith.constant 0 : i32
    %dma_wait3A_97 = arith.constant 0 : i32
    %dma_wait3A_98 = tpu.memref_slice %arg6[%dma_wait3A_95, %dma_wait3A_96, %dma_wait3A_97] : memref<2x16x128xi32, #tpu.memory_space<vmem>> -> memref<1x16x128xi32, #tpu.memory_space<vmem>>
    %dma_wait3A_99 = tpu.memref_squeeze %dma_wait3A_98 : memref<1x16x128xi32, #tpu.memory_space<vmem>> -> memref<16x128xi32, #tpu.memory_space<vmem>>
    %dma_wait3A_100 = arith.constant 0 : i32
    %dma_wait3A_101 = arith.constant 0 : i32
    %dma_wait3A_102 = tpu.memref_slice %arg2[%dma_wait3A_94, %add3A, %dma_wait3A_100, %dma_wait3A_101] : memref<2x32x80x128xi32, #tpu.memory_space<hbm>> -> memref<1x1x16x128xi32, #tpu.memory_space<hbm>>
    %dma_wait3A_103 = tpu.memref_squeeze %dma_wait3A_102 : memref<1x1x16x128xi32, #tpu.memory_space<hbm>> -> memref<16x128xi32, #tpu.memory_space<hbm>>
    %dma_wait3A_104 = arith.constant 0 : i32
    %dma_wait3A_105 = arith.constant 0 : i32
    %dma_wait3A_106 = tpu.memref_slice %arg6[%dma_wait3A_95, %dma_wait3A_104, %dma_wait3A_105] : memref<2x16x128xi32, #tpu.memory_space<vmem>> -> memref<1x16x128xi32, #tpu.memory_space<vmem>>
    %dma_wait3A_107 = tpu.memref_squeeze %dma_wait3A_106 : memref<1x16x128xi32, #tpu.memory_space<vmem>> -> memref<16x128xi32, #tpu.memory_space<vmem>>
    %dma_wait3A_108 = arith.constant 0 : i32
    %dma_wait3A_109 = arith.constant 0 : i32
    %dma_wait3A_110 = tpu.memref_slice %arg2[%dma_wait3A_94, %add3A, %dma_wait3A_108, %dma_wait3A_109] : memref<2x32x80x128xi32, #tpu.memory_space<hbm>> -> memref<1x1x16x128xi32, #tpu.memory_space<hbm>>
    %dma_wait3A_111 = tpu.memref_squeeze %dma_wait3A_110 : memref<1x1x16x128xi32, #tpu.memory_space<hbm>> -> memref<16x128xi32, #tpu.memory_space<hbm>>
    tpu.wait_dma2 semaphore(%arg10 : memref<!tpu.dma_semaphore, #tpu.memory_space<semaphore_mem>>) src(%dma_wait3A_111 : memref<16x128xi32, #tpu.memory_space<hbm>>) dst(%dma_wait3A_107 : memref<16x128xi32, #tpu.memory_space<vmem>>)
    %dma_wait3A_112 = arith.constant 1 : i32
    %dma_wait3A_113 = arith.constant 0 : i32
    %dma_wait3A_114 = arith.constant 0 : i32
    %dma_wait3A_115 = arith.constant 0 : i32
    %dma_wait3A_116 = tpu.memref_slice %arg7[%dma_wait3A_113, %dma_wait3A_114, %dma_wait3A_115] : memref<2x16x128xi32, #tpu.memory_space<vmem>> -> memref<1x16x128xi32, #tpu.memory_space<vmem>>
    %dma_wait3A_117 = tpu.memref_squeeze %dma_wait3A_116 : memref<1x16x128xi32, #tpu.memory_space<vmem>> -> memref<16x128xi32, #tpu.memory_space<vmem>>
    %dma_wait3A_118 = arith.constant 0 : i32
    %dma_wait3A_119 = arith.constant 0 : i32
    %dma_wait3A_120 = tpu.memref_slice %arg2[%dma_wait3A_112, %add3A, %dma_wait3A_118, %dma_wait3A_119] : memref<2x32x80x128xi32, #tpu.memory_space<hbm>> -> memref<1x1x16x128xi32, #tpu.memory_space<hbm>>
    %dma_wait3A_121 = tpu.memref_squeeze %dma_wait3A_120 : memref<1x1x16x128xi32, #tpu.memory_space<hbm>> -> memref<16x128xi32, #tpu.memory_space<hbm>>
    %dma_wait3A_122 = arith.constant 0 : i32
    %dma_wait3A_123 = arith.constant 0 : i32
    %dma_wait3A_124 = tpu.memref_slice %arg7[%dma_wait3A_113, %dma_wait3A_122, %dma_wait3A_123] : memref<2x16x128xi32, #tpu.memory_space<vmem>> -> memref<1x16x128xi32, #tpu.memory_space<vmem>>
    %dma_wait3A_125 = tpu.memref_squeeze %dma_wait3A_124 : memref<1x16x128xi32, #tpu.memory_space<vmem>> -> memref<16x128xi32, #tpu.memory_space<vmem>>
    %dma_wait3A_126 = arith.constant 0 : i32
    %dma_wait3A_127 = arith.constant 0 : i32
    %dma_wait3A_128 = tpu.memref_slice %arg2[%dma_wait3A_112, %add3A, %dma_wait3A_126, %dma_wait3A_127] : memref<2x32x80x128xi32, #tpu.memory_space<hbm>> -> memref<1x1x16x128xi32, #tpu.memory_space<hbm>>
    %dma_wait3A_129 = tpu.memref_squeeze %dma_wait3A_128 : memref<1x1x16x128xi32, #tpu.memory_space<hbm>> -> memref<16x128xi32, #tpu.memory_space<hbm>>
    tpu.wait_dma2 semaphore(%arg10 : memref<!tpu.dma_semaphore, #tpu.memory_space<semaphore_mem>>) src(%dma_wait3A_129 : memref<16x128xi32, #tpu.memory_space<hbm>>) dst(%dma_wait3A_125 : memref<16x128xi32, #tpu.memory_space<vmem>>)
    %scan3A_130 = arith.constant 0 : i32
    %scan3A_131 = arith.constant 16 : i32
    %scan3A_132 = arith.addi %scan3A_130, %scan3A_131 : i32
    %scan3A_133 = arith.constant 1 : i32
    scf.for %scan3A_599 = %scan3A_130 to %scan3A_132 step %scan3A_133  : i32 {
      %mul3A_600 = arith.constant 1 : i32
      %mul3A_601 = arith.muli %scan3A_599, %mul3A_600 : i32
      %add3A_602 = arith.constant 0 : i32
      %add3A_603 = arith.addi %add3A_602, %mul3A_601 : i32
      %get3A = arith.constant 0 : i32
      %get3A_604 = arith.index_cast %get3A : i32 to index
      %get3A_605 = arith.index_cast %add3A_603 : i32 to index
      %get3A_606 = arith.constant 0 : index
      %get3A_607 = tpu.vector_load %arg6[%get3A_604, %get3A_605, %get3A_606] {strides = array<i32>} : memref<2x16x128xi32, #tpu.memory_space<vmem>>, vector<16xi32>,
      %get3A_608 = arith.constant 0 : i32
      %get3A_609 = arith.index_cast %get3A_608 : i32 to index
      %get3A_610 = arith.index_cast %add3A_603 : i32 to index
      %get3A_611 = arith.constant 0 : index
      %get3A_612 = tpu.vector_load %arg7[%get3A_609, %get3A_610, %get3A_611] {strides = array<i32>} : memref<2x16x128xi32, #tpu.memory_space<vmem>>, vector<16xi32>,
      %eq3A = arith.cmpi eq, %get3A_607, %get3A_612 : vector<16xi32>
      %select_n3A = arith.select %eq3A, %broadcast_in_dim3A_3, %get3A_607 : vector<16xi1>, vector<16xi32>
      %swap3A = arith.constant 0 : i32
      %swap3A_613 = arith.index_cast %swap3A : i32 to index
      %swap3A_614 = arith.index_cast %add3A_603 : i32 to index
      %swap3A_615 = arith.constant 0 : index
      %swap3A_616 = tpu.vector_load %arg6[%swap3A_613, %swap3A_614, %swap3A_615] {strides = array<i32>} : memref<2x16x128xi32, #tpu.memory_space<vmem>>, vector<16xi32>,
      tpu.vector_store %arg6[%swap3A_613, %swap3A_614, %swap3A_615], %select_n3A {strides = array<i32>} : memref<2x16x128xi32, #tpu.memory_space<vmem>>, vector<16xi32>,
      %get3A_617 = arith.constant 0 : i32
      %get3A_618 = arith.index_cast %get3A_617 : i32 to index
      %get3A_619 = arith.index_cast %add3A_603 : i32 to index
      %get3A_620 = arith.constant 16 : index
      %get3A_621 = tpu.vector_load %arg6[%get3A_618, %get3A_619, %get3A_620] {strides = array<i32>} : memref<2x16x128xi32, #tpu.memory_space<vmem>>, vector<16xi32>,
      %get3A_622 = arith.constant 0 : i32
      %get3A_623 = arith.index_cast %get3A_622 : i32 to index
      %get3A_624 = arith.index_cast %add3A_603 : i32 to index
      %get3A_625 = arith.constant 16 : index
      %get3A_626 = tpu.vector_load %arg7[%get3A_623, %get3A_624, %get3A_625] {strides = array<i32>} : memref<2x16x128xi32, #tpu.memory_space<vmem>>, vector<16xi32>,
      %eq3A_627 = arith.cmpi eq, %get3A_621, %get3A_626 : vector<16xi32>
      %select_n3A_628 = arith.select %eq3A_627, %broadcast_in_dim3A_3, %get3A_621 : vector<16xi1>, vector<16xi32>
      %swap3A_629 = arith.constant 0 : i32
      %swap3A_630 = arith.index_cast %swap3A_629 : i32 to index
      %swap3A_631 = arith.index_cast %add3A_603 : i32 to index
      %swap3A_632 = arith.constant 16 : index
      %swap3A_633 = tpu.vector_load %arg6[%swap3A_630, %swap3A_631, %swap3A_632] {strides = array<i32>} : memref<2x16x128xi32, #tpu.memory_space<vmem>>, vector<16xi32>,
      tpu.vector_store %arg6[%swap3A_630, %swap3A_631, %swap3A_632], %select_n3A_628 {strides = array<i32>} : memref<2x16x128xi32, #tpu.memory_space<vmem>>, vector<16xi32>,
      %get3A_634 = arith.constant 0 : i32
      %get3A_635 = arith.index_cast %get3A_634 : i32 to index
      %get3A_636 = arith.index_cast %add3A_603 : i32 to index
      %get3A_637 = arith.constant 32 : index
      %get3A_638 = tpu.vector_load %arg6[%get3A_635, %get3A_636, %get3A_637] {strides = array<i32>} : memref<2x16x128xi32, #tpu.memory_space<vmem>>, vector<16xi32>,
      %get3A_639 = arith.constant 0 : i32
      %get3A_640 = arith.index_cast %get3A_639 : i32 to index
      %get3A_641 = arith.index_cast %add3A_603 : i32 to index
      %get3A_642 = arith.constant 32 : index
      %get3A_643 = tpu.vector_load %arg7[%get3A_640, %get3A_641, %get3A_642] {strides = array<i32>} : memref<2x16x128xi32, #tpu.memory_space<vmem>>, vector<16xi32>,
      %eq3A_644 = arith.cmpi eq, %get3A_638, %get3A_643 : vector<16xi32>
      %select_n3A_645 = arith.select %eq3A_644, %broadcast_in_dim3A_3, %get3A_638 : vector<16xi1>, vector<16xi32>
      %swap3A_646 = arith.constant 0 : i32
      %swap3A_647 = arith.index_cast %swap3A_646 : i32 to index
      %swap3A_648 = arith.index_cast %add3A_603 : i32 to index
      %swap3A_649 = arith.constant 32 : index
      %swap3A_650 = tpu.vector_load %arg6[%swap3A_647, %swap3A_648, %swap3A_649] {strides = array<i32>} : memref<2x16x128xi32, #tpu.memory_space<vmem>>, vector<16xi32>,
      tpu.vector_store %arg6[%swap3A_647, %swap3A_648, %swap3A_649], %select_n3A_645 {strides = array<i32>} : memref<2x16x128xi32, #tpu.memory_space<vmem>>, vector<16xi32>,
      %get3A_651 = arith.constant 0 : i32
      %get3A_652 = arith.index_cast %get3A_651 : i32 to index
      %get3A_653 = arith.index_cast %add3A_603 : i32 to index
      %get3A_654 = arith.constant 48 : index
      %get3A_655 = tpu.vector_load %arg6[%get3A_652, %get3A_653, %get3A_654] {strides = array<i32>} : memref<2x16x128xi32, #tpu.memory_space<vmem>>, vector<16xi32>,
      %get3A_656 = arith.constant 0 : i32
      %get3A_657 = arith.index_cast %get3A_656 : i32 to index
      %get3A_658 = arith.index_cast %add3A_603 : i32 to index
      %get3A_659 = arith.constant 48 : index
      %get3A_660 = tpu.vector_load %arg7[%get3A_657, %get3A_658, %get3A_659] {strides = array<i32>} : memref<2x16x128xi32, #tpu.memory_space<vmem>>, vector<16xi32>,
      %eq3A_661 = arith.cmpi eq, %get3A_655, %get3A_660 : vector<16xi32>
      %select_n3A_662 = arith.select %eq3A_661, %broadcast_in_dim3A_3, %get3A_655 : vector<16xi1>, vector<16xi32>
      %swap3A_663 = arith.constant 0 : i32
      %swap3A_664 = arith.index_cast %swap3A_663 : i32 to index
      %swap3A_665 = arith.index_cast %add3A_603 : i32 to index
      %swap3A_666 = arith.constant 48 : index
      %swap3A_667 = tpu.vector_load %arg6[%swap3A_664, %swap3A_665, %swap3A_666] {strides = array<i32>} : memref<2x16x128xi32, #tpu.memory_space<vmem>>, vector<16xi32>,
      tpu.vector_store %arg6[%swap3A_664, %swap3A_665, %swap3A_666], %select_n3A_662 {strides = array<i32>} : memref<2x16x128xi32, #tpu.memory_space<vmem>>, vector<16xi32>,
      %get3A_668 = arith.constant 0 : i32
      %get3A_669 = arith.index_cast %get3A_668 : i32 to index
      %get3A_670 = arith.index_cast %add3A_603 : i32 to index
      %get3A_671 = arith.constant 64 : index
      %get3A_672 = tpu.vector_load %arg6[%get3A_669, %get3A_670, %get3A_671] {strides = array<i32>} : memref<2x16x128xi32, #tpu.memory_space<vmem>>, vector<16xi32>,
      %get3A_673 = arith.constant 0 : i32
      %get3A_674 = arith.index_cast %get3A_673 : i32 to index
      %get3A_675 = arith.index_cast %add3A_603 : i32 to index
      %get3A_676 = arith.constant 64 : index
      %get3A_677 = tpu.vector_load %arg7[%get3A_674, %get3A_675, %get3A_676] {strides = array<i32>} : memref<2x16x128xi32, #tpu.memory_space<vmem>>, vector<16xi32>,
      %eq3A_678 = arith.cmpi eq, %get3A_672, %get3A_677 : vector<16xi32>
      %select_n3A_679 = arith.select %eq3A_678, %broadcast_in_dim3A_3, %get3A_672 : vector<16xi1>, vector<16xi32>
      %swap3A_680 = arith.constant 0 : i32
      %swap3A_681 = arith.index_cast %swap3A_680 : i32 to index
      %swap3A_682 = arith.index_cast %add3A_603 : i32 to index
      %swap3A_683 = arith.constant 64 : index
      %swap3A_684 = tpu.vector_load %arg6[%swap3A_681, %swap3A_682, %swap3A_683] {strides = array<i32>} : memref<2x16x128xi32, #tpu.memory_space<vmem>>, vector<16xi32>,
      tpu.vector_store %arg6[%swap3A_681, %swap3A_682, %swap3A_683], %select_n3A_679 {strides = array<i32>} : memref<2x16x128xi32, #tpu.memory_space<vmem>>, vector<16xi32>,
      %get3A_685 = arith.constant 0 : i32
      %get3A_686 = arith.index_cast %get3A_685 : i32 to index
      %get3A_687 = arith.index_cast %add3A_603 : i32 to index
      %get3A_688 = arith.constant 80 : index
      %get3A_689 = tpu.vector_load %arg6[%get3A_686, %get3A_687, %get3A_688] {strides = array<i32>} : memref<2x16x128xi32, #tpu.memory_space<vmem>>, vector<16xi32>,
      %get3A_690 = arith.constant 0 : i32
      %get3A_691 = arith.index_cast %get3A_690 : i32 to index
      %get3A_692 = arith.index_cast %add3A_603 : i32 to index
      %get3A_693 = arith.constant 80 : index
      %get3A_694 = tpu.vector_load %arg7[%get3A_691, %get3A_692, %get3A_693] {strides = array<i32>} : memref<2x16x128xi32, #tpu.memory_space<vmem>>, vector<16xi32>,
      %eq3A_695 = arith.cmpi eq, %get3A_689, %get3A_694 : vector<16xi32>
      %select_n3A_696 = arith.select %eq3A_695, %broadcast_in_dim3A_3, %get3A_689 : vector<16xi1>, vector<16xi32>
      %swap3A_697 = arith.constant 0 : i32
      %swap3A_698 = arith.index_cast %swap3A_697 : i32 to index
      %swap3A_699 = arith.index_cast %add3A_603 : i32 to index
      %swap3A_700 = arith.constant 80 : index
      %swap3A_701 = tpu.vector_load %arg6[%swap3A_698, %swap3A_699, %swap3A_700] {strides = array<i32>} : memref<2x16x128xi32, #tpu.memory_space<vmem>>, vector<16xi32>,
      tpu.vector_store %arg6[%swap3A_698, %swap3A_699, %swap3A_700], %select_n3A_696 {strides = array<i32>} : memref<2x16x128xi32, #tpu.memory_space<vmem>>, vector<16xi32>,
      %get3A_702 = arith.constant 0 : i32
      %get3A_703 = arith.index_cast %get3A_702 : i32 to index
      %get3A_704 = arith.index_cast %add3A_603 : i32 to index
      %get3A_705 = arith.constant 96 : index
      %get3A_706 = tpu.vector_load %arg6[%get3A_703, %get3A_704, %get3A_705] {strides = array<i32>} : memref<2x16x128xi32, #tpu.memory_space<vmem>>, vector<16xi32>,
      %get3A_707 = arith.constant 0 : i32
      %get3A_708 = arith.index_cast %get3A_707 : i32 to index
      %get3A_709 = arith.index_cast %add3A_603 : i32 to index
      %get3A_710 = arith.constant 96 : index
      %get3A_711 = tpu.vector_load %arg7[%get3A_708, %get3A_709, %get3A_710] {strides = array<i32>} : memref<2x16x128xi32, #tpu.memory_space<vmem>>, vector<16xi32>,
      %eq3A_712 = arith.cmpi eq, %get3A_706, %get3A_711 : vector<16xi32>
      %select_n3A_713 = arith.select %eq3A_712, %broadcast_in_dim3A_3, %get3A_706 : vector<16xi1>, vector<16xi32>
      %swap3A_714 = arith.constant 0 : i32
      %swap3A_715 = arith.index_cast %swap3A_714 : i32 to index
      %swap3A_716 = arith.index_cast %add3A_603 : i32 to index
      %swap3A_717 = arith.constant 96 : index
      %swap3A_718 = tpu.vector_load %arg6[%swap3A_715, %swap3A_716, %swap3A_717] {strides = array<i32>} : memref<2x16x128xi32, #tpu.memory_space<vmem>>, vector<16xi32>,
      tpu.vector_store %arg6[%swap3A_715, %swap3A_716, %swap3A_717], %select_n3A_713 {strides = array<i32>} : memref<2x16x128xi32, #tpu.memory_space<vmem>>, vector<16xi32>,
      %get3A_719 = arith.constant 0 : i32
      %get3A_720 = arith.index_cast %get3A_719 : i32 to index
      %get3A_721 = arith.index_cast %add3A_603 : i32 to index
      %get3A_722 = arith.constant 112 : index
      %get3A_723 = tpu.vector_load %arg6[%get3A_720, %get3A_721, %get3A_722] {strides = array<i32>} : memref<2x16x128xi32, #tpu.memory_space<vmem>>, vector<16xi32>,
      %get3A_724 = arith.constant 0 : i32
      %get3A_725 = arith.index_cast %get3A_724 : i32 to index
      %get3A_726 = arith.index_cast %add3A_603 : i32 to index
      %get3A_727 = arith.constant 112 : index
      %get3A_728 = tpu.vector_load %arg7[%get3A_725, %get3A_726, %get3A_727] {strides = array<i32>} : memref<2x16x128xi32, #tpu.memory_space<vmem>>, vector<16xi32>,
      %eq3A_729 = arith.cmpi eq, %get3A_723, %get3A_728 : vector<16xi32>
      %select_n3A_730 = arith.select %eq3A_729, %broadcast_in_dim3A_3, %get3A_723 : vector<16xi1>, vector<16xi32>
      %swap3A_731 = arith.constant 0 : i32
      %swap3A_732 = arith.index_cast %swap3A_731 : i32 to index
      %swap3A_733 = arith.index_cast %add3A_603 : i32 to index
      %swap3A_734 = arith.constant 112 : index
      %swap3A_735 = tpu.vector_load %arg6[%swap3A_732, %swap3A_733, %swap3A_734] {strides = array<i32>} : memref<2x16x128xi32, #tpu.memory_space<vmem>>, vector<16xi32>,
      tpu.vector_store %arg6[%swap3A_732, %swap3A_733, %swap3A_734], %select_n3A_730 {strides = array<i32>} : memref<2x16x128xi32, #tpu.memory_space<vmem>>, vector<16xi32>,
    }
    %scan3A_134 = arith.constant 16 : i32
    %dma_start3A_135 = arith.constant 0 : i32
    %dma_start3A_136 = arith.constant 0 : i32
    %dma_start3A_137 = arith.constant 0 : i32
    %dma_start3A_138 = tpu.memref_slice %arg6[%dma_start3A_135, %dma_start3A_136, %dma_start3A_137] : memref<2x16x128xi32, #tpu.memory_space<vmem>> -> memref<1x1x128xi32, #tpu.memory_space<vmem>>
    %dma_start3A_139 = tpu.memref_squeeze %dma_start3A_138 : memref<1x1x128xi32, #tpu.memory_space<vmem>> -> memref<128xi32, #tpu.memory_space<vmem>>
    %dma_start3A_140 = arith.constant 0 : i32
    %dma_start3A_141 = arith.constant 0 : i32
    %dma_start3A_142 = tpu.memref_slice %arg3[%dma_start3A_140, %dma_start3A_141] : memref<10240x128xf32, #tpu.memory_space<hbm>> -> memref<10240x128xf32, #tpu.memory_space<hbm>>
    tpu.enqueue_indirect_dma source(%dma_start3A_142 : memref<10240x128xf32, #tpu.memory_space<hbm>>) target(%arg8 : memref<128x128xf32, #tpu.memory_space<vmem>>) offsets(%dma_start3A_139 : memref<128xi32, #tpu.memory_space<vmem>>) semaphore(%arg11 : memref<!tpu.dma_semaphore, #tpu.memory_space<semaphore_mem>>)
    %dma_start3A_143 = arith.constant 0 : i32
    %dma_start3A_144 = arith.constant 1 : i32
    %dma_start3A_145 = arith.constant 0 : i32
    %dma_start3A_146 = arith.constant 0 : i32
    %dma_start3A_147 = tpu.memref_slice %arg6[%dma_start3A_144, %dma_start3A_145, %dma_start3A_146] : memref<2x16x128xi32, #tpu.memory_space<vmem>> -> memref<1x16x128xi32, #tpu.memory_space<vmem>>
    %dma_start3A_148 = tpu.memref_squeeze %dma_start3A_147 : memref<1x16x128xi32, #tpu.memory_space<vmem>> -> memref<16x128xi32, #tpu.memory_space<vmem>>
    %dma_start3A_149 = arith.constant 16 : i32
    %dma_start3A_150 = arith.constant 0 : i32
    %dma_start3A_151 = tpu.memref_slice %arg2[%dma_start3A_143, %add3A, %dma_start3A_149, %dma_start3A_150] : memref<2x32x80x128xi32, #tpu.memory_space<hbm>> -> memref<1x1x16x128xi32, #tpu.memory_space<hbm>>
    %dma_start3A_152 = tpu.memref_squeeze %dma_start3A_151 : memref<1x1x16x128xi32, #tpu.memory_space<hbm>> -> memref<16x128xi32, #tpu.memory_space<hbm>>
    %dma_start3A_153 = arith.constant 0 : i32
    %dma_start3A_154 = arith.constant 0 : i32
    %dma_start3A_155 = tpu.memref_slice %arg6[%dma_start3A_144, %dma_start3A_153, %dma_start3A_154] : memref<2x16x128xi32, #tpu.memory_space<vmem>> -> memref<1x16x128xi32, #tpu.memory_space<vmem>>
    %dma_start3A_156 = tpu.memref_squeeze %dma_start3A_155 : memref<1x16x128xi32, #tpu.memory_space<vmem>> -> memref<16x128xi32, #tpu.memory_space<vmem>>
    %dma_start3A_157 = arith.constant 16 : i32
    %dma_start3A_158 = arith.constant 0 : i32
    %dma_start3A_159 = tpu.memref_slice %arg2[%dma_start3A_143, %add3A, %dma_start3A_157, %dma_start3A_158] : memref<2x32x80x128xi32, #tpu.memory_space<hbm>> -> memref<1x1x16x128xi32, #tpu.memory_space<hbm>>
    %dma_start3A_160 = tpu.memref_squeeze %dma_start3A_159 : memref<1x1x16x128xi32, #tpu.memory_space<hbm>> -> memref<16x128xi32, #tpu.memory_space<hbm>>
    tpu.enqueue_dma source(%dma_start3A_160 : memref<16x128xi32, #tpu.memory_space<hbm>>) target(%dma_start3A_156 : memref<16x128xi32, #tpu.memory_space<vmem>>) target_semaphore(%arg10 : memref<!tpu.dma_semaphore, #tpu.memory_space<semaphore_mem>>)
    %dma_start3A_161 = arith.constant 1 : i32
    %dma_start3A_162 = arith.constant 1 : i32
    %dma_start3A_163 = arith.constant 0 : i32
    %dma_start3A_164 = arith.constant 0 : i32
    %dma_start3A_165 = tpu.memref_slice %arg7[%dma_start3A_162, %dma_start3A_163, %dma_start3A_164] : memref<2x16x128xi32, #tpu.memory_space<vmem>> -> memref<1x16x128xi32, #tpu.memory_space<vmem>>
    %dma_start3A_166 = tpu.memref_squeeze %dma_start3A_165 : memref<1x16x128xi32, #tpu.memory_space<vmem>> -> memref<16x128xi32, #tpu.memory_space<vmem>>
    %dma_start3A_167 = arith.constant 16 : i32
    %dma_start3A_168 = arith.constant 0 : i32
    %dma_start3A_169 = tpu.memref_slice %arg2[%dma_start3A_161, %add3A, %dma_start3A_167, %dma_start3A_168] : memref<2x32x80x128xi32, #tpu.memory_space<hbm>> -> memref<1x1x16x128xi32, #tpu.memory_space<hbm>>
    %dma_start3A_170 = tpu.memref_squeeze %dma_start3A_169 : memref<1x1x16x128xi32, #tpu.memory_space<hbm>> -> memref<16x128xi32, #tpu.memory_space<hbm>>
    %dma_start3A_171 = arith.constant 0 : i32
    %dma_start3A_172 = arith.constant 0 : i32
    %dma_start3A_173 = tpu.memref_slice %arg7[%dma_start3A_162, %dma_start3A_171, %dma_start3A_172] : memref<2x16x128xi32, #tpu.memory_space<vmem>> -> memref<1x16x128xi32, #tpu.memory_space<vmem>>
    %dma_start3A_174 = tpu.memref_squeeze %dma_start3A_173 : memref<1x16x128xi32, #tpu.memory_space<vmem>> -> memref<16x128xi32, #tpu.memory_space<vmem>>
    %dma_start3A_175 = arith.constant 16 : i32
    %dma_start3A_176 = arith.constant 0 : i32
    %dma_start3A_177 = tpu.memref_slice %arg2[%dma_start3A_161, %add3A, %dma_start3A_175, %dma_start3A_176] : memref<2x32x80x128xi32, #tpu.memory_space<hbm>> -> memref<1x1x16x128xi32, #tpu.memory_space<hbm>>
    %dma_start3A_178 = tpu.memref_squeeze %dma_start3A_177 : memref<1x1x16x128xi32, #tpu.memory_space<hbm>> -> memref<16x128xi32, #tpu.memory_space<hbm>>
    tpu.enqueue_dma source(%dma_start3A_178 : memref<16x128xi32, #tpu.memory_space<hbm>>) target(%dma_start3A_174 : memref<16x128xi32, #tpu.memory_space<vmem>>) target_semaphore(%arg10 : memref<!tpu.dma_semaphore, #tpu.memory_space<semaphore_mem>>)
    %scan3A_179 = arith.constant 0 : i32
    %scan3A_180 = arith.constant 8 : i32
    %scan3A_181 = arith.addi %scan3A_179, %scan3A_180 : i32
    %scan3A_182 = arith.constant 1 : i32
    scf.for %scan3A_599 = %scan3A_179 to %scan3A_181 step %scan3A_182  : i32 {
      %mul3A_600 = arith.constant 2 : i32
      %mul3A_601 = arith.muli %scan3A_599, %mul3A_600 : i32
      %add3A_602 = arith.constant 0 : i32
      %add3A_603 = arith.addi %add3A_602, %mul3A_601 : i32
      %add3A_604 = arith.constant 1 : i32
      %add3A_605 = arith.addi %add3A_603, %add3A_604 : i32
      %dma_start3A_606 = arith.constant 0 : i32
      %dma_start3A_607 = arith.constant 0 : i32
      %dma_start3A_608 = tpu.memref_slice %arg6[%dma_start3A_606, %add3A_605, %dma_start3A_607] : memref<2x16x128xi32, #tpu.memory_space<vmem>> -> memref<1x1x128xi32, #tpu.memory_space<vmem>>
      %dma_start3A_609 = tpu.memref_squeeze %dma_start3A_608 : memref<1x1x128xi32, #tpu.memory_space<vmem>> -> memref<128xi32, #tpu.memory_space<vmem>>
      %dma_start3A_610 = arith.constant 0 : i32
      %dma_start3A_611 = arith.constant 0 : i32
      %dma_start3A_612 = tpu.memref_slice %arg3[%dma_start3A_610, %dma_start3A_611] : memref<10240x128xf32, #tpu.memory_space<hbm>> -> memref<10240x128xf32, #tpu.memory_space<hbm>>
      tpu.enqueue_indirect_dma source(%dma_start3A_612 : memref<10240x128xf32, #tpu.memory_space<hbm>>) target(%arg9 : memref<128x128xf32, #tpu.memory_space<vmem>>) offsets(%dma_start3A_609 : memref<128xi32, #tpu.memory_space<vmem>>) semaphore(%arg12 : memref<!tpu.dma_semaphore, #tpu.memory_space<semaphore_mem>>)
      %dma_wait3A_613 = arith.constant 0 : i32
      %dma_wait3A_614 = arith.constant 0 : i32
      %dma_wait3A_615 = tpu.memref_slice %arg6[%dma_wait3A_613, %add3A_603, %dma_wait3A_614] : memref<2x16x128xi32, #tpu.memory_space<vmem>> -> memref<1x1x128xi32, #tpu.memory_space<vmem>>
      %dma_wait3A_616 = tpu.memref_squeeze %dma_wait3A_615 : memref<1x1x128xi32, #tpu.memory_space<vmem>> -> memref<128xi32, #tpu.memory_space<vmem>>
      %dma_wait3A_617 = arith.constant 0 : i32
      %dma_wait3A_618 = arith.constant 0 : i32
      %dma_wait3A_619 = tpu.memref_slice %arg3[%dma_wait3A_617, %dma_wait3A_618] : memref<10240x128xf32, #tpu.memory_space<hbm>> -> memref<10240x128xf32, #tpu.memory_space<hbm>>
      tpu.wait_indirect_dma semaphore(%arg11 : memref<!tpu.dma_semaphore, #tpu.memory_space<semaphore_mem>>) src(%dma_wait3A_619 : memref<10240x128xf32, #tpu.memory_space<hbm>>) dst(%arg8 : memref<128x128xf32, #tpu.memory_space<vmem>>)
      %run_scoped3A = arith.constant 0 : i32
      "tpu.region"() ({
        %run_scoped3A_636 = tpu.sem_alloc : memref<!tpu.dma_semaphore, #tpu.memory_space<semaphore_mem>>
        %dma_start3A_637 = arith.constant 0 : i32
        %dma_start3A_638 = tpu.memref_slice %arg7[%run_scoped3A, %add3A_603, %dma_start3A_637] : memref<2x16x128xi32, #tpu.memory_space<vmem>> -> memref<1x1x128xi32, #tpu.memory_space<vmem>>
        %dma_start3A_639 = tpu.memref_squeeze %dma_start3A_638 : memref<1x1x128xi32, #tpu.memory_space<vmem>> -> memref<128xi32, #tpu.memory_space<vmem>>
        %dma_start3A_640 = arith.constant 0 : i32
        %dma_start3A_641 = arith.constant 0 : i32
        %dma_start3A_642 = tpu.memref_slice %arg5[%dma_start3A_640, %dma_start3A_641] : memref<10240x128xf32, #tpu.memory_space<vmem_shared>> -> memref<10240x128xf32, #tpu.memory_space<vmem_shared>>
        tpu.enqueue_indirect_dma source(%arg8 : memref<128x128xf32, #tpu.memory_space<vmem>>) target(%dma_start3A_642 : memref<10240x128xf32, #tpu.memory_space<vmem_shared>>) offsets(%dma_start3A_639 : memref<128xi32, #tpu.memory_space<vmem>>) semaphore(%run_scoped3A_636 : memref<!tpu.dma_semaphore, #tpu.memory_space<semaphore_mem>>) {add = true}
        %dma_wait3A_643 = arith.constant 0 : i32
        %dma_wait3A_644 = tpu.memref_slice %arg7[%run_scoped3A, %add3A_603, %dma_wait3A_643] : memref<2x16x128xi32, #tpu.memory_space<vmem>> -> memref<1x1x128xi32, #tpu.memory_space<vmem>>
        %dma_wait3A_645 = tpu.memref_squeeze %dma_wait3A_644 : memref<1x1x128xi32, #tpu.memory_space<vmem>> -> memref<128xi32, #tpu.memory_space<vmem>>
        %dma_wait3A_646 = arith.constant 0 : i32
        %dma_wait3A_647 = arith.constant 0 : i32
        %dma_wait3A_648 = tpu.memref_slice %arg5[%dma_wait3A_646, %dma_wait3A_647] : memref<10240x128xf32, #tpu.memory_space<vmem_shared>> -> memref<10240x128xf32, #tpu.memory_space<vmem_shared>>
        tpu.wait_indirect_dma semaphore(%run_scoped3A_636 : memref<!tpu.dma_semaphore, #tpu.memory_space<semaphore_mem>>) src(%arg8 : memref<128x128xf32, #tpu.memory_space<vmem>>) dst(%dma_wait3A_648 : memref<10240x128xf32, #tpu.memory_space<vmem_shared>>)
        tpu.yield
      }) : () -> ()
      %add3A_620 = arith.constant 2 : i32
      %add3A_621 = arith.addi %add3A_603, %add3A_620 : i32
      %lt3A = arith.constant 16 : i32
      %lt3A_622 = arith.cmpi slt, %add3A_621, %lt3A : i32
      %convert_element_type3A = arith.extui %lt3A_622 : i1 to i32
      %cond3A = arith.constant 0 : i32
      %cond3A_623 = arith.cmpi ne, %convert_element_type3A, %cond3A : i32
      scf.if %cond3A_623 {
        %add3A_636 = arith.constant 2 : i32
        %add3A_637 = arith.addi %add3A_603, %add3A_636 : i32
        %dma_start3A_638 = arith.constant 0 : i32
        %dma_start3A_639 = arith.constant 0 : i32
        %dma_start3A_640 = tpu.memref_slice %arg6[%dma_start3A_638, %add3A_637, %dma_start3A_639] : memref<2x16x128xi32, #tpu.memory_space<vmem>> -> memref<1x1x128xi32, #tpu.memory_space<vmem>>
        %dma_start3A_641 = tpu.memref_squeeze %dma_start3A_640 : memref<1x1x128xi32, #tpu.memory_space<vmem>> -> memref<128xi32, #tpu.memory_space<vmem>>
        %dma_start3A_642 = arith.constant 0 : i32
        %dma_start3A_643 = arith.constant 0 : i32
        %dma_start3A_644 = tpu.memref_slice %arg3[%dma_start3A_642, %dma_start3A_643] : memref<10240x128xf32, #tpu.memory_space<hbm>> -> memref<10240x128xf32, #tpu.memory_space<hbm>>
        tpu.enqueue_indirect_dma source(%dma_start3A_644 : memref<10240x128xf32, #tpu.memory_space<hbm>>) target(%arg8 : memref<128x128xf32, #tpu.memory_space<vmem>>) offsets(%dma_start3A_641 : memref<128xi32, #tpu.memory_space<vmem>>) semaphore(%arg11 : memref<!tpu.dma_semaphore, #tpu.memory_space<semaphore_mem>>)
      } else {
      }
      %add3A_624 = arith.constant 1 : i32
      %add3A_625 = arith.addi %add3A_603, %add3A_624 : i32
      %dma_wait3A_626 = arith.constant 0 : i32
      %dma_wait3A_627 = arith.constant 0 : i32
      %dma_wait3A_628 = tpu.memref_slice %arg6[%dma_wait3A_626, %add3A_625, %dma_wait3A_627] : memref<2x16x128xi32, #tpu.memory_space<vmem>> -> memref<1x1x128xi32, #tpu.memory_space<vmem>>
      %dma_wait3A_629 = tpu.memref_squeeze %dma_wait3A_628 : memref<1x1x128xi32, #tpu.memory_space<vmem>> -> memref<128xi32, #tpu.memory_space<vmem>>
      %dma_wait3A_630 = arith.constant 0 : i32
      %dma_wait3A_631 = arith.constant 0 : i32
      %dma_wait3A_632 = tpu.memref_slice %arg3[%dma_wait3A_630, %dma_wait3A_631] : memref<10240x128xf32, #tpu.memory_space<hbm>> -> memref<10240x128xf32, #tpu.memory_space<hbm>>
      tpu.wait_indirect_dma semaphore(%arg12 : memref<!tpu.dma_semaphore, #tpu.memory_space<semaphore_mem>>) src(%dma_wait3A_632 : memref<10240x128xf32, #tpu.memory_space<hbm>>) dst(%arg9 : memref<128x128xf32, #tpu.memory_space<vmem>>)
      %add3A_633 = arith.constant 1 : i32
      %add3A_634 = arith.addi %add3A_603, %add3A_633 : i32
      %run_scoped3A_635 = arith.constant 0 : i32
      "tpu.region"() ({
        %run_scoped3A_636 = tpu.sem_alloc : memref<!tpu.dma_semaphore, #tpu.memory_space<semaphore_mem>>
        %dma_start3A_637 = arith.constant 0 : i32
        %dma_start3A_638 = tpu.memref_slice %arg7[%run_scoped3A_635, %add3A_634, %dma_start3A_637] : memref<2x16x128xi32, #tpu.memory_space<vmem>> -> memref<1x1x128xi32, #tpu.memory_space<vmem>>
        %dma_start3A_639 = tpu.memref_squeeze %dma_start3A_638 : memref<1x1x128xi32, #tpu.memory_space<vmem>> -> memref<128xi32, #tpu.memory_space<vmem>>
        %dma_start3A_640 = arith.constant 0 : i32
        %dma_start3A_641 = arith.constant 0 : i32
        %dma_start3A_642 = tpu.memref_slice %arg5[%dma_start3A_640, %dma_start3A_641] : memref<10240x128xf32, #tpu.memory_space<vmem_shared>> -> memref<10240x128xf32, #tpu.memory_space<vmem_shared>>
        tpu.enqueue_indirect_dma source(%arg9 : memref<128x128xf32, #tpu.memory_space<vmem>>) target(%dma_start3A_642 : memref<10240x128xf32, #tpu.memory_space<vmem_shared>>) offsets(%dma_start3A_639 : memref<128xi32, #tpu.memory_space<vmem>>) semaphore(%run_scoped3A_636 : memref<!tpu.dma_semaphore, #tpu.memory_space<semaphore_mem>>) {add = true}
        %dma_wait3A_643 = arith.constant 0 : i32
        %dma_wait3A_644 = tpu.memref_slice %arg7[%run_scoped3A_635, %add3A_634, %dma_wait3A_643] : memref<2x16x128xi32, #tpu.memory_space<vmem>> -> memref<1x1x128xi32, #tpu.memory_space<vmem>>
        %dma_wait3A_645 = tpu.memref_squeeze %dma_wait3A_644 : memref<1x1x128xi32, #tpu.memory_space<vmem>> -> memref<128xi32, #tpu.memory_space<vmem>>
        %dma_wait3A_646 = arith.constant 0 : i32
        %dma_wait3A_647 = arith.constant 0 : i32
        %dma_wait3A_648 = tpu.memref_slice %arg5[%dma_wait3A_646, %dma_wait3A_647] : memref<10240x128xf32, #tpu.memory_space<vmem_shared>> -> memref<10240x128xf32, #tpu.memory_space<vmem_shared>>
        tpu.wait_indirect_dma semaphore(%run_scoped3A_636 : memref<!tpu.dma_semaphore, #tpu.memory_space<semaphore_mem>>) src(%arg9 : memref<128x128xf32, #tpu.memory_space<vmem>>) dst(%dma_wait3A_648 : memref<10240x128xf32, #tpu.memory_space<vmem_shared>>)
        tpu.yield
      }) : () -> ()
    }
    %scan3A_183 = arith.constant 8 : i32
    %dma_wait3A_184 = arith.constant 0 : i32
    %dma_wait3A_185 = arith.constant 1 : i32
    %dma_wait3A_186 = arith.constant 0 : i32
    %dma_wait3A_187 = arith.constant 0 : i32
    %dma_wait3A_188 = tpu.memref_slice %arg6[%dma_wait3A_185, %dma_wait3A_186, %dma_wait3A_187] : memref<2x16x128xi32, #tpu.memory_space<vmem>> -> memref<1x16x128xi32, #tpu.memory_space<vmem>>
    %dma_wait3A_189 = tpu.memref_squeeze %dma_wait3A_188 : memref<1x16x128xi32, #tpu.memory_space<vmem>> -> memref<16x128xi32, #tpu.memory_space<vmem>>
    %dma_wait3A_190 = arith.constant 16 : i32
    %dma_wait3A_191 = arith.constant 0 : i32
    %dma_wait3A_192 = tpu.memref_slice %arg2[%dma_wait3A_184, %add3A, %dma_wait3A_190, %dma_wait3A_191] : memref<2x32x80x128xi32, #tpu.memory_space<hbm>> -> memref<1x1x16x128xi32, #tpu.memory_space<hbm>>
    %dma_wait3A_193 = tpu.memref_squeeze %dma_wait3A_192 : memref<1x1x16x128xi32, #tpu.memory_space<hbm>> -> memref<16x128xi32, #tpu.memory_space<hbm>>
    %dma_wait3A_194 = arith.constant 0 : i32
    %dma_wait3A_195 = arith.constant 0 : i32
    %dma_wait3A_196 = tpu.memref_slice %arg6[%dma_wait3A_185, %dma_wait3A_194, %dma_wait3A_195] : memref<2x16x128xi32, #tpu.memory_space<vmem>> -> memref<1x16x128xi32, #tpu.memory_space<vmem>>
    %dma_wait3A_197 = tpu.memref_squeeze %dma_wait3A_196 : memref<1x16x128xi32, #tpu.memory_space<vmem>> -> memref<16x128xi32, #tpu.memory_space<vmem>>
    %dma_wait3A_198 = arith.constant 16 : i32
    %dma_wait3A_199 = arith.constant 0 : i32
    %dma_wait3A_200 = tpu.memref_slice %arg2[%dma_wait3A_184, %add3A, %dma_wait3A_198, %dma_wait3A_199] : memref<2x32x80x128xi32, #tpu.memory_space<hbm>> -> memref<1x1x16x128xi32, #tpu.memory_space<hbm>>
    %dma_wait3A_201 = tpu.memref_squeeze %dma_wait3A_200 : memref<1x1x16x128xi32, #tpu.memory_space<hbm>> -> memref<16x128xi32, #tpu.memory_space<hbm>>
    tpu.wait_dma2 semaphore(%arg10 : memref<!tpu.dma_semaphore, #tpu.memory_space<semaphore_mem>>) src(%dma_wait3A_201 : memref<16x128xi32, #tpu.memory_space<hbm>>) dst(%dma_wait3A_197 : memref<16x128xi32, #tpu.memory_space<vmem>>)
    %dma_wait3A_202 = arith.constant 1 : i32
    %dma_wait3A_203 = arith.constant 1 : i32
    %dma_wait3A_204 = arith.constant 0 : i32
    %dma_wait3A_205 = arith.constant 0 : i32
    %dma_wait3A_206 = tpu.memref_slice %arg7[%dma_wait3A_203, %dma_wait3A_204, %dma_wait3A_205] : memref<2x16x128xi32, #tpu.memory_space<vmem>> -> memref<1x16x128xi32, #tpu.memory_space<vmem>>
    %dma_wait3A_207 = tpu.memref_squeeze %dma_wait3A_206 : memref<1x16x128xi32, #tpu.memory_space<vmem>> -> memref<16x128xi32, #tpu.memory_space<vmem>>
    %dma_wait3A_208 = arith.constant 16 : i32
    %dma_wait3A_209 = arith.constant 0 : i32
    %dma_wait3A_210 = tpu.memref_slice %arg2[%dma_wait3A_202, %add3A, %dma_wait3A_208, %dma_wait3A_209] : memref<2x32x80x128xi32, #tpu.memory_space<hbm>> -> memref<1x1x16x128xi32, #tpu.memory_space<hbm>>
    %dma_wait3A_211 = tpu.memref_squeeze %dma_wait3A_210 : memref<1x1x16x128xi32, #tpu.memory_space<hbm>> -> memref<16x128xi32, #tpu.memory_space<hbm>>
    %dma_wait3A_212 = arith.constant 0 : i32
    %dma_wait3A_213 = arith.constant 0 : i32
    %dma_wait3A_214 = tpu.memref_slice %arg7[%dma_wait3A_203, %dma_wait3A_212, %dma_wait3A_213] : memref<2x16x128xi32, #tpu.memory_space<vmem>> -> memref<1x16x128xi32, #tpu.memory_space<vmem>>
    %dma_wait3A_215 = tpu.memref_squeeze %dma_wait3A_214 : memref<1x16x128xi32, #tpu.memory_space<vmem>> -> memref<16x128xi32, #tpu.memory_space<vmem>>
    %dma_wait3A_216 = arith.constant 16 : i32
    %dma_wait3A_217 = arith.constant 0 : i32
    %dma_wait3A_218 = tpu.memref_slice %arg2[%dma_wait3A_202, %add3A, %dma_wait3A_216, %dma_wait3A_217] : memref<2x32x80x128xi32, #tpu.memory_space<hbm>> -> memref<1x1x16x128xi32, #tpu.memory_space<hbm>>
    %dma_wait3A_219 = tpu.memref_squeeze %dma_wait3A_218 : memref<1x1x16x128xi32, #tpu.memory_space<hbm>> -> memref<16x128xi32, #tpu.memory_space<hbm>>
    tpu.wait_dma2 semaphore(%arg10 : memref<!tpu.dma_semaphore, #tpu.memory_space<semaphore_mem>>) src(%dma_wait3A_219 : memref<16x128xi32, #tpu.memory_space<hbm>>) dst(%dma_wait3A_215 : memref<16x128xi32, #tpu.memory_space<vmem>>)
    %scan3A_220 = arith.constant 0 : i32
    %scan3A_221 = arith.constant 16 : i32
    %scan3A_222 = arith.addi %scan3A_220, %scan3A_221 : i32
    %scan3A_223 = arith.constant 1 : i32
    scf.for %scan3A_599 = %scan3A_220 to %scan3A_222 step %scan3A_223  : i32 {
      %mul3A_600 = arith.constant 1 : i32
      %mul3A_601 = arith.muli %scan3A_599, %mul3A_600 : i32
      %add3A_602 = arith.constant 0 : i32
      %add3A_603 = arith.addi %add3A_602, %mul3A_601 : i32
      %get3A = arith.constant 1 : i32
      %get3A_604 = arith.index_cast %get3A : i32 to index
      %get3A_605 = arith.index_cast %add3A_603 : i32 to index
      %get3A_606 = arith.constant 0 : index
      %get3A_607 = tpu.vector_load %arg6[%get3A_604, %get3A_605, %get3A_606] {strides = array<i32>} : memref<2x16x128xi32, #tpu.memory_space<vmem>>, vector<16xi32>,
      %get3A_608 = arith.constant 1 : i32
      %get3A_609 = arith.index_cast %get3A_608 : i32 to index
      %get3A_610 = arith.index_cast %add3A_603 : i32 to index
      %get3A_611 = arith.constant 0 : index
      %get3A_612 = tpu.vector_load %arg7[%get3A_609, %get3A_610, %get3A_611] {strides = array<i32>} : memref<2x16x128xi32, #tpu.memory_space<vmem>>, vector<16xi32>,
      %eq3A = arith.cmpi eq, %get3A_607, %get3A_612 : vector<16xi32>
      %select_n3A = arith.select %eq3A, %broadcast_in_dim3A_3, %get3A_607 : vector<16xi1>, vector<16xi32>
      %swap3A = arith.constant 1 : i32
      %swap3A_613 = arith.index_cast %swap3A : i32 to index
      %swap3A_614 = arith.index_cast %add3A_603 : i32 to index
      %swap3A_615 = arith.constant 0 : index
      %swap3A_616 = tpu.vector_load %arg6[%swap3A_613, %swap3A_614, %swap3A_615] {strides = array<i32>} : memref<2x16x128xi32, #tpu.memory_space<vmem>>, vector<16xi32>,
      tpu.vector_store %arg6[%swap3A_613, %swap3A_614, %swap3A_615], %select_n3A {strides = array<i32>} : memref<2x16x128xi32, #tpu.memory_space<vmem>>, vector<16xi32>,
      %get3A_617 = arith.constant 1 : i32
      %get3A_618 = arith.index_cast %get3A_617 : i32 to index
      %get3A_619 = arith.index_cast %add3A_603 : i32 to index
      %get3A_620 = arith.constant 16 : index
      %get3A_621 = tpu.vector_load %arg6[%get3A_618, %get3A_619, %get3A_620] {strides = array<i32>} : memref<2x16x128xi32, #tpu.memory_space<vmem>>, vector<16xi32>,
      %get3A_622 = arith.constant 1 : i32
      %get3A_623 = arith.index_cast %get3A_622 : i32 to index
      %get3A_624 = arith.index_cast %add3A_603 : i32 to index
      %get3A_625 = arith.constant 16 : index
      %get3A_626 = tpu.vector_load %arg7[%get3A_623, %get3A_624, %get3A_625] {strides = array<i32>} : memref<2x16x128xi32, #tpu.memory_space<vmem>>, vector<16xi32>,
      %eq3A_627 = arith.cmpi eq, %get3A_621, %get3A_626 : vector<16xi32>
      %select_n3A_628 = arith.select %eq3A_627, %broadcast_in_dim3A_3, %get3A_621 : vector<16xi1>, vector<16xi32>
      %swap3A_629 = arith.constant 1 : i32
      %swap3A_630 = arith.index_cast %swap3A_629 : i32 to index
      %swap3A_631 = arith.index_cast %add3A_603 : i32 to index
      %swap3A_632 = arith.constant 16 : index
      %swap3A_633 = tpu.vector_load %arg6[%swap3A_630, %swap3A_631, %swap3A_632] {strides = array<i32>} : memref<2x16x128xi32, #tpu.memory_space<vmem>>, vector<16xi32>,
      tpu.vector_store %arg6[%swap3A_630, %swap3A_631, %swap3A_632], %select_n3A_628 {strides = array<i32>} : memref<2x16x128xi32, #tpu.memory_space<vmem>>, vector<16xi32>,
      %get3A_634 = arith.constant 1 : i32
      %get3A_635 = arith.index_cast %get3A_634 : i32 to index
      %get3A_636 = arith.index_cast %add3A_603 : i32 to index
      %get3A_637 = arith.constant 32 : index
      %get3A_638 = tpu.vector_load %arg6[%get3A_635, %get3A_636, %get3A_637] {strides = array<i32>} : memref<2x16x128xi32, #tpu.memory_space<vmem>>, vector<16xi32>,
      %get3A_639 = arith.constant 1 : i32
      %get3A_640 = arith.index_cast %get3A_639 : i32 to index
      %get3A_641 = arith.index_cast %add3A_603 : i32 to index
      %get3A_642 = arith.constant 32 : index
      %get3A_643 = tpu.vector_load %arg7[%get3A_640, %get3A_641, %get3A_642] {strides = array<i32>} : memref<2x16x128xi32, #tpu.memory_space<vmem>>, vector<16xi32>,
      %eq3A_644 = arith.cmpi eq, %get3A_638, %get3A_643 : vector<16xi32>
      %select_n3A_645 = arith.select %eq3A_644, %broadcast_in_dim3A_3, %get3A_638 : vector<16xi1>, vector<16xi32>
      %swap3A_646 = arith.constant 1 : i32
      %swap3A_647 = arith.index_cast %swap3A_646 : i32 to index
      %swap3A_648 = arith.index_cast %add3A_603 : i32 to index
      %swap3A_649 = arith.constant 32 : index
      %swap3A_650 = tpu.vector_load %arg6[%swap3A_647, %swap3A_648, %swap3A_649] {strides = array<i32>} : memref<2x16x128xi32, #tpu.memory_space<vmem>>, vector<16xi32>,
      tpu.vector_store %arg6[%swap3A_647, %swap3A_648, %swap3A_649], %select_n3A_645 {strides = array<i32>} : memref<2x16x128xi32, #tpu.memory_space<vmem>>, vector<16xi32>,
      %get3A_651 = arith.constant 1 : i32
      %get3A_652 = arith.index_cast %get3A_651 : i32 to index
      %get3A_653 = arith.index_cast %add3A_603 : i32 to index
      %get3A_654 = arith.constant 48 : index
      %get3A_655 = tpu.vector_load %arg6[%get3A_652, %get3A_653, %get3A_654] {strides = array<i32>} : memref<2x16x128xi32, #tpu.memory_space<vmem>>, vector<16xi32>,
      %get3A_656 = arith.constant 1 : i32
      %get3A_657 = arith.index_cast %get3A_656 : i32 to index
      %get3A_658 = arith.index_cast %add3A_603 : i32 to index
      %get3A_659 = arith.constant 48 : index
      %get3A_660 = tpu.vector_load %arg7[%get3A_657, %get3A_658, %get3A_659] {strides = array<i32>} : memref<2x16x128xi32, #tpu.memory_space<vmem>>, vector<16xi32>,
      %eq3A_661 = arith.cmpi eq, %get3A_655, %get3A_660 : vector<16xi32>
      %select_n3A_662 = arith.select %eq3A_661, %broadcast_in_dim3A_3, %get3A_655 : vector<16xi1>, vector<16xi32>
      %swap3A_663 = arith.constant 1 : i32
      %swap3A_664 = arith.index_cast %swap3A_663 : i32 to index
      %swap3A_665 = arith.index_cast %add3A_603 : i32 to index
      %swap3A_666 = arith.constant 48 : index
      %swap3A_667 = tpu.vector_load %arg6[%swap3A_664, %swap3A_665, %swap3A_666] {strides = array<i32>} : memref<2x16x128xi32, #tpu.memory_space<vmem>>, vector<16xi32>,
      tpu.vector_store %arg6[%swap3A_664, %swap3A_665, %swap3A_666], %select_n3A_662 {strides = array<i32>} : memref<2x16x128xi32, #tpu.memory_space<vmem>>, vector<16xi32>,
      %get3A_668 = arith.constant 1 : i32
      %get3A_669 = arith.index_cast %get3A_668 : i32 to index
      %get3A_670 = arith.index_cast %add3A_603 : i32 to index
      %get3A_671 = arith.constant 64 : index
      %get3A_672 = tpu.vector_load %arg6[%get3A_669, %get3A_670, %get3A_671] {strides = array<i32>} : memref<2x16x128xi32, #tpu.memory_space<vmem>>, vector<16xi32>,
      %get3A_673 = arith.constant 1 : i32
      %get3A_674 = arith.index_cast %get3A_673 : i32 to index
      %get3A_675 = arith.index_cast %add3A_603 : i32 to index
      %get3A_676 = arith.constant 64 : index
      %get3A_677 = tpu.vector_load %arg7[%get3A_674, %get3A_675, %get3A_676] {strides = array<i32>} : memref<2x16x128xi32, #tpu.memory_space<vmem>>, vector<16xi32>,
      %eq3A_678 = arith.cmpi eq, %get3A_672, %get3A_677 : vector<16xi32>
      %select_n3A_679 = arith.select %eq3A_678, %broadcast_in_dim3A_3, %get3A_672 : vector<16xi1>, vector<16xi32>
      %swap3A_680 = arith.constant 1 : i32
      %swap3A_681 = arith.index_cast %swap3A_680 : i32 to index
      %swap3A_682 = arith.index_cast %add3A_603 : i32 to index
      %swap3A_683 = arith.constant 64 : index
      %swap3A_684 = tpu.vector_load %arg6[%swap3A_681, %swap3A_682, %swap3A_683] {strides = array<i32>} : memref<2x16x128xi32, #tpu.memory_space<vmem>>, vector<16xi32>,
      tpu.vector_store %arg6[%swap3A_681, %swap3A_682, %swap3A_683], %select_n3A_679 {strides = array<i32>} : memref<2x16x128xi32, #tpu.memory_space<vmem>>, vector<16xi32>,
      %get3A_685 = arith.constant 1 : i32
      %get3A_686 = arith.index_cast %get3A_685 : i32 to index
      %get3A_687 = arith.index_cast %add3A_603 : i32 to index
      %get3A_688 = arith.constant 80 : index
      %get3A_689 = tpu.vector_load %arg6[%get3A_686, %get3A_687, %get3A_688] {strides = array<i32>} : memref<2x16x128xi32, #tpu.memory_space<vmem>>, vector<16xi32>,
      %get3A_690 = arith.constant 1 : i32
      %get3A_691 = arith.index_cast %get3A_690 : i32 to index
      %get3A_692 = arith.index_cast %add3A_603 : i32 to index
      %get3A_693 = arith.constant 80 : index
      %get3A_694 = tpu.vector_load %arg7[%get3A_691, %get3A_692, %get3A_693] {strides = array<i32>} : memref<2x16x128xi32, #tpu.memory_space<vmem>>, vector<16xi32>,
      %eq3A_695 = arith.cmpi eq, %get3A_689, %get3A_694 : vector<16xi32>
      %select_n3A_696 = arith.select %eq3A_695, %broadcast_in_dim3A_3, %get3A_689 : vector<16xi1>, vector<16xi32>
      %swap3A_697 = arith.constant 1 : i32
      %swap3A_698 = arith.index_cast %swap3A_697 : i32 to index
      %swap3A_699 = arith.index_cast %add3A_603 : i32 to index
      %swap3A_700 = arith.constant 80 : index
      %swap3A_701 = tpu.vector_load %arg6[%swap3A_698, %swap3A_699, %swap3A_700] {strides = array<i32>} : memref<2x16x128xi32, #tpu.memory_space<vmem>>, vector<16xi32>,
      tpu.vector_store %arg6[%swap3A_698, %swap3A_699, %swap3A_700], %select_n3A_696 {strides = array<i32>} : memref<2x16x128xi32, #tpu.memory_space<vmem>>, vector<16xi32>,
      %get3A_702 = arith.constant 1 : i32
      %get3A_703 = arith.index_cast %get3A_702 : i32 to index
      %get3A_704 = arith.index_cast %add3A_603 : i32 to index
      %get3A_705 = arith.constant 96 : index
      %get3A_706 = tpu.vector_load %arg6[%get3A_703, %get3A_704, %get3A_705] {strides = array<i32>} : memref<2x16x128xi32, #tpu.memory_space<vmem>>, vector<16xi32>,
      %get3A_707 = arith.constant 1 : i32
      %get3A_708 = arith.index_cast %get3A_707 : i32 to index
      %get3A_709 = arith.index_cast %add3A_603 : i32 to index
      %get3A_710 = arith.constant 96 : index
      %get3A_711 = tpu.vector_load %arg7[%get3A_708, %get3A_709, %get3A_710] {strides = array<i32>} : memref<2x16x128xi32, #tpu.memory_space<vmem>>, vector<16xi32>,
      %eq3A_712 = arith.cmpi eq, %get3A_706, %get3A_711 : vector<16xi32>
      %select_n3A_713 = arith.select %eq3A_712, %broadcast_in_dim3A_3, %get3A_706 : vector<16xi1>, vector<16xi32>
      %swap3A_714 = arith.constant 1 : i32
      %swap3A_715 = arith.index_cast %swap3A_714 : i32 to index
      %swap3A_716 = arith.index_cast %add3A_603 : i32 to index
      %swap3A_717 = arith.constant 96 : index
      %swap3A_718 = tpu.vector_load %arg6[%swap3A_715, %swap3A_716, %swap3A_717] {strides = array<i32>} : memref<2x16x128xi32, #tpu.memory_space<vmem>>, vector<16xi32>,
      tpu.vector_store %arg6[%swap3A_715, %swap3A_716, %swap3A_717], %select_n3A_713 {strides = array<i32>} : memref<2x16x128xi32, #tpu.memory_space<vmem>>, vector<16xi32>,
      %get3A_719 = arith.constant 1 : i32
      %get3A_720 = arith.index_cast %get3A_719 : i32 to index
      %get3A_721 = arith.index_cast %add3A_603 : i32 to index
      %get3A_722 = arith.constant 112 : index
      %get3A_723 = tpu.vector_load %arg6[%get3A_720, %get3A_721, %get3A_722] {strides = array<i32>} : memref<2x16x128xi32, #tpu.memory_space<vmem>>, vector<16xi32>,
      %get3A_724 = arith.constant 1 : i32
      %get3A_725 = arith.index_cast %get3A_724 : i32 to index
      %get3A_726 = arith.index_cast %add3A_603 : i32 to index
      %get3A_727 = arith.constant 112 : index
      %get3A_728 = tpu.vector_load %arg7[%get3A_725, %get3A_726, %get3A_727] {strides = array<i32>} : memref<2x16x128xi32, #tpu.memory_space<vmem>>, vector<16xi32>,
      %eq3A_729 = arith.cmpi eq, %get3A_723, %get3A_728 : vector<16xi32>
      %select_n3A_730 = arith.select %eq3A_729, %broadcast_in_dim3A_3, %get3A_723 : vector<16xi1>, vector<16xi32>
      %swap3A_731 = arith.constant 1 : i32
      %swap3A_732 = arith.index_cast %swap3A_731 : i32 to index
      %swap3A_733 = arith.index_cast %add3A_603 : i32 to index
      %swap3A_734 = arith.constant 112 : index
      %swap3A_735 = tpu.vector_load %arg6[%swap3A_732, %swap3A_733, %swap3A_734] {strides = array<i32>} : memref<2x16x128xi32, #tpu.memory_space<vmem>>, vector<16xi32>,
      tpu.vector_store %arg6[%swap3A_732, %swap3A_733, %swap3A_734], %select_n3A_730 {strides = array<i32>} : memref<2x16x128xi32, #tpu.memory_space<vmem>>, vector<16xi32>,
    }
    %scan3A_224 = arith.constant 16 : i32
    %dma_start3A_225 = arith.constant 1 : i32
    %dma_start3A_226 = arith.constant 0 : i32
    %dma_start3A_227 = arith.constant 0 : i32
    %dma_start3A_228 = tpu.memref_slice %arg6[%dma_start3A_225, %dma_start3A_226, %dma_start3A_227] : memref<2x16x128xi32, #tpu.memory_space<vmem>> -> memref<1x1x128xi32, #tpu.memory_space<vmem>>
    %dma_start3A_229 = tpu.memref_squeeze %dma_start3A_228 : memref<1x1x128xi32, #tpu.memory_space<vmem>> -> memref<128xi32, #tpu.memory_space<vmem>>
    %dma_start3A_230 = arith.constant 0 : i32
    %dma_start3A_231 = arith.constant 0 : i32
    %dma_start3A_232 = tpu.memref_slice %arg3[%dma_start3A_230, %dma_start3A_231] : memref<10240x128xf32, #tpu.memory_space<hbm>> -> memref<10240x128xf32, #tpu.memory_space<hbm>>
    tpu.enqueue_indirect_dma source(%dma_start3A_232 : memref<10240x128xf32, #tpu.memory_space<hbm>>) target(%arg8 : memref<128x128xf32, #tpu.memory_space<vmem>>) offsets(%dma_start3A_229 : memref<128xi32, #tpu.memory_space<vmem>>) semaphore(%arg11 : memref<!tpu.dma_semaphore, #tpu.memory_space<semaphore_mem>>)
    %dma_start3A_233 = arith.constant 0 : i32
    %dma_start3A_234 = arith.constant 0 : i32
    %dma_start3A_235 = arith.constant 0 : i32
    %dma_start3A_236 = arith.constant 0 : i32
    %dma_start3A_237 = tpu.memref_slice %arg6[%dma_start3A_234, %dma_start3A_235, %dma_start3A_236] : memref<2x16x128xi32, #tpu.memory_space<vmem>> -> memref<1x16x128xi32, #tpu.memory_space<vmem>>
    %dma_start3A_238 = tpu.memref_squeeze %dma_start3A_237 : memref<1x16x128xi32, #tpu.memory_space<vmem>> -> memref<16x128xi32, #tpu.memory_space<vmem>>
    %dma_start3A_239 = arith.constant 32 : i32
    %dma_start3A_240 = arith.constant 0 : i32
    %dma_start3A_241 = tpu.memref_slice %arg2[%dma_start3A_233, %add3A, %dma_start3A_239, %dma_start3A_240] : memref<2x32x80x128xi32, #tpu.memory_space<hbm>> -> memref<1x1x16x128xi32, #tpu.memory_space<hbm>>
    %dma_start3A_242 = tpu.memref_squeeze %dma_start3A_241 : memref<1x1x16x128xi32, #tpu.memory_space<hbm>> -> memref<16x128xi32, #tpu.memory_space<hbm>>
    %dma_start3A_243 = arith.constant 0 : i32
    %dma_start3A_244 = arith.constant 0 : i32
    %dma_start3A_245 = tpu.memref_slice %arg6[%dma_start3A_234, %dma_start3A_243, %dma_start3A_244] : memref<2x16x128xi32, #tpu.memory_space<vmem>> -> memref<1x16x128xi32, #tpu.memory_space<vmem>>
    %dma_start3A_246 = tpu.memref_squeeze %dma_start3A_245 : memref<1x16x128xi32, #tpu.memory_space<vmem>> -> memref<16x128xi32, #tpu.memory_space<vmem>>
    %dma_start3A_247 = arith.constant 32 : i32
    %dma_start3A_248 = arith.constant 0 : i32
    %dma_start3A_249 = tpu.memref_slice %arg2[%dma_start3A_233, %add3A, %dma_start3A_247, %dma_start3A_248] : memref<2x32x80x128xi32, #tpu.memory_space<hbm>> -> memref<1x1x16x128xi32, #tpu.memory_space<hbm>>
    %dma_start3A_250 = tpu.memref_squeeze %dma_start3A_249 : memref<1x1x16x128xi32, #tpu.memory_space<hbm>> -> memref<16x128xi32, #tpu.memory_space<hbm>>
    tpu.enqueue_dma source(%dma_start3A_250 : memref<16x128xi32, #tpu.memory_space<hbm>>) target(%dma_start3A_246 : memref<16x128xi32, #tpu.memory_space<vmem>>) target_semaphore(%arg10 : memref<!tpu.dma_semaphore, #tpu.memory_space<semaphore_mem>>)
    %dma_start3A_251 = arith.constant 1 : i32
    %dma_start3A_252 = arith.constant 0 : i32
    %dma_start3A_253 = arith.constant 0 : i32
    %dma_start3A_254 = arith.constant 0 : i32
    %dma_start3A_255 = tpu.memref_slice %arg7[%dma_start3A_252, %dma_start3A_253, %dma_start3A_254] : memref<2x16x128xi32, #tpu.memory_space<vmem>> -> memref<1x16x128xi32, #tpu.memory_space<vmem>>
    %dma_start3A_256 = tpu.memref_squeeze %dma_start3A_255 : memref<1x16x128xi32, #tpu.memory_space<vmem>> -> memref<16x128xi32, #tpu.memory_space<vmem>>
    %dma_start3A_257 = arith.constant 32 : i32
    %dma_start3A_258 = arith.constant 0 : i32
    %dma_start3A_259 = tpu.memref_slice %arg2[%dma_start3A_251, %add3A, %dma_start3A_257, %dma_start3A_258] : memref<2x32x80x128xi32, #tpu.memory_space<hbm>> -> memref<1x1x16x128xi32, #tpu.memory_space<hbm>>
    %dma_start3A_260 = tpu.memref_squeeze %dma_start3A_259 : memref<1x1x16x128xi32, #tpu.memory_space<hbm>> -> memref<16x128xi32, #tpu.memory_space<hbm>>
    %dma_start3A_261 = arith.constant 0 : i32
    %dma_start3A_262 = arith.constant 0 : i32
    %dma_start3A_263 = tpu.memref_slice %arg7[%dma_start3A_252, %dma_start3A_261, %dma_start3A_262] : memref<2x16x128xi32, #tpu.memory_space<vmem>> -> memref<1x16x128xi32, #tpu.memory_space<vmem>>
    %dma_start3A_264 = tpu.memref_squeeze %dma_start3A_263 : memref<1x16x128xi32, #tpu.memory_space<vmem>> -> memref<16x128xi32, #tpu.memory_space<vmem>>
    %dma_start3A_265 = arith.constant 32 : i32
    %dma_start3A_266 = arith.constant 0 : i32
    %dma_start3A_267 = tpu.memref_slice %arg2[%dma_start3A_251, %add3A, %dma_start3A_265, %dma_start3A_266] : memref<2x32x80x128xi32, #tpu.memory_space<hbm>> -> memref<1x1x16x128xi32, #tpu.memory_space<hbm>>
    %dma_start3A_268 = tpu.memref_squeeze %dma_start3A_267 : memref<1x1x16x128xi32, #tpu.memory_space<hbm>> -> memref<16x128xi32, #tpu.memory_space<hbm>>
    tpu.enqueue_dma source(%dma_start3A_268 : memref<16x128xi32, #tpu.memory_space<hbm>>) target(%dma_start3A_264 : memref<16x128xi32, #tpu.memory_space<vmem>>) target_semaphore(%arg10 : memref<!tpu.dma_semaphore, #tpu.memory_space<semaphore_mem>>)
    %scan3A_269 = arith.constant 0 : i32
    %scan3A_270 = arith.constant 8 : i32
    %scan3A_271 = arith.addi %scan3A_269, %scan3A_270 : i32
    %scan3A_272 = arith.constant 1 : i32
    scf.for %scan3A_599 = %scan3A_269 to %scan3A_271 step %scan3A_272  : i32 {
      %mul3A_600 = arith.constant 2 : i32
      %mul3A_601 = arith.muli %scan3A_599, %mul3A_600 : i32
      %add3A_602 = arith.constant 0 : i32
      %add3A_603 = arith.addi %add3A_602, %mul3A_601 : i32
      %add3A_604 = arith.constant 1 : i32
      %add3A_605 = arith.addi %add3A_603, %add3A_604 : i32
      %dma_start3A_606 = arith.constant 1 : i32
      %dma_start3A_607 = arith.constant 0 : i32
      %dma_start3A_608 = tpu.memref_slice %arg6[%dma_start3A_606, %add3A_605, %dma_start3A_607] : memref<2x16x128xi32, #tpu.memory_space<vmem>> -> memref<1x1x128xi32, #tpu.memory_space<vmem>>
      %dma_start3A_609 = tpu.memref_squeeze %dma_start3A_608 : memref<1x1x128xi32, #tpu.memory_space<vmem>> -> memref<128xi32, #tpu.memory_space<vmem>>
      %dma_start3A_610 = arith.constant 0 : i32
      %dma_start3A_611 = arith.constant 0 : i32
      %dma_start3A_612 = tpu.memref_slice %arg3[%dma_start3A_610, %dma_start3A_611] : memref<10240x128xf32, #tpu.memory_space<hbm>> -> memref<10240x128xf32, #tpu.memory_space<hbm>>
      tpu.enqueue_indirect_dma source(%dma_start3A_612 : memref<10240x128xf32, #tpu.memory_space<hbm>>) target(%arg9 : memref<128x128xf32, #tpu.memory_space<vmem>>) offsets(%dma_start3A_609 : memref<128xi32, #tpu.memory_space<vmem>>) semaphore(%arg12 : memref<!tpu.dma_semaphore, #tpu.memory_space<semaphore_mem>>)
      %dma_wait3A_613 = arith.constant 1 : i32
      %dma_wait3A_614 = arith.constant 0 : i32
      %dma_wait3A_615 = tpu.memref_slice %arg6[%dma_wait3A_613, %add3A_603, %dma_wait3A_614] : memref<2x16x128xi32, #tpu.memory_space<vmem>> -> memref<1x1x128xi32, #tpu.memory_space<vmem>>
      %dma_wait3A_616 = tpu.memref_squeeze %dma_wait3A_615 : memref<1x1x128xi32, #tpu.memory_space<vmem>> -> memref<128xi32, #tpu.memory_space<vmem>>
      %dma_wait3A_617 = arith.constant 0 : i32
      %dma_wait3A_618 = arith.constant 0 : i32
      %dma_wait3A_619 = tpu.memref_slice %arg3[%dma_wait3A_617, %dma_wait3A_618] : memref<10240x128xf32, #tpu.memory_space<hbm>> -> memref<10240x128xf32, #tpu.memory_space<hbm>>
      tpu.wait_indirect_dma semaphore(%arg11 : memref<!tpu.dma_semaphore, #tpu.memory_space<semaphore_mem>>) src(%dma_wait3A_619 : memref<10240x128xf32, #tpu.memory_space<hbm>>) dst(%arg8 : memref<128x128xf32, #tpu.memory_space<vmem>>)
      %run_scoped3A = arith.constant 1 : i32
      "tpu.region"() ({
        %run_scoped3A_636 = tpu.sem_alloc : memref<!tpu.dma_semaphore, #tpu.memory_space<semaphore_mem>>
        %dma_start3A_637 = arith.constant 0 : i32
        %dma_start3A_638 = tpu.memref_slice %arg7[%run_scoped3A, %add3A_603, %dma_start3A_637] : memref<2x16x128xi32, #tpu.memory_space<vmem>> -> memref<1x1x128xi32, #tpu.memory_space<vmem>>
        %dma_start3A_639 = tpu.memref_squeeze %dma_start3A_638 : memref<1x1x128xi32, #tpu.memory_space<vmem>> -> memref<128xi32, #tpu.memory_space<vmem>>
        %dma_start3A_640 = arith.constant 0 : i32
        %dma_start3A_641 = arith.constant 0 : i32
        %dma_start3A_642 = tpu.memref_slice %arg5[%dma_start3A_640, %dma_start3A_641] : memref<10240x128xf32, #tpu.memory_space<vmem_shared>> -> memref<10240x128xf32, #tpu.memory_space<vmem_shared>>
        tpu.enqueue_indirect_dma source(%arg8 : memref<128x128xf32, #tpu.memory_space<vmem>>) target(%dma_start3A_642 : memref<10240x128xf32, #tpu.memory_space<vmem_shared>>) offsets(%dma_start3A_639 : memref<128xi32, #tpu.memory_space<vmem>>) semaphore(%run_scoped3A_636 : memref<!tpu.dma_semaphore, #tpu.memory_space<semaphore_mem>>) {add = true}
        %dma_wait3A_643 = arith.constant 0 : i32
        %dma_wait3A_644 = tpu.memref_slice %arg7[%run_scoped3A, %add3A_603, %dma_wait3A_643] : memref<2x16x128xi32, #tpu.memory_space<vmem>> -> memref<1x1x128xi32, #tpu.memory_space<vmem>>
        %dma_wait3A_645 = tpu.memref_squeeze %dma_wait3A_644 : memref<1x1x128xi32, #tpu.memory_space<vmem>> -> memref<128xi32, #tpu.memory_space<vmem>>
        %dma_wait3A_646 = arith.constant 0 : i32
        %dma_wait3A_647 = arith.constant 0 : i32
        %dma_wait3A_648 = tpu.memref_slice %arg5[%dma_wait3A_646, %dma_wait3A_647] : memref<10240x128xf32, #tpu.memory_space<vmem_shared>> -> memref<10240x128xf32, #tpu.memory_space<vmem_shared>>
        tpu.wait_indirect_dma semaphore(%run_scoped3A_636 : memref<!tpu.dma_semaphore, #tpu.memory_space<semaphore_mem>>) src(%arg8 : memref<128x128xf32, #tpu.memory_space<vmem>>) dst(%dma_wait3A_648 : memref<10240x128xf32, #tpu.memory_space<vmem_shared>>)
        tpu.yield
      }) : () -> ()
      %add3A_620 = arith.constant 2 : i32
      %add3A_621 = arith.addi %add3A_603, %add3A_620 : i32
      %lt3A = arith.constant 16 : i32
      %lt3A_622 = arith.cmpi slt, %add3A_621, %lt3A : i32
      %convert_element_type3A = arith.extui %lt3A_622 : i1 to i32
      %cond3A = arith.constant 0 : i32
      %cond3A_623 = arith.cmpi ne, %convert_element_type3A, %cond3A : i32
      scf.if %cond3A_623 {
        %add3A_636 = arith.constant 2 : i32
        %add3A_637 = arith.addi %add3A_603, %add3A_636 : i32
        %dma_start3A_638 = arith.constant 1 : i32
        %dma_start3A_639 = arith.constant 0 : i32
        %dma_start3A_640 = tpu.memref_slice %arg6[%dma_start3A_638, %add3A_637, %dma_start3A_639] : memref<2x16x128xi32, #tpu.memory_space<vmem>> -> memref<1x1x128xi32, #tpu.memory_space<vmem>>
        %dma_start3A_641 = tpu.memref_squeeze %dma_start3A_640 : memref<1x1x128xi32, #tpu.memory_space<vmem>> -> memref<128xi32, #tpu.memory_space<vmem>>
        %dma_start3A_642 = arith.constant 0 : i32
        %dma_start3A_643 = arith.constant 0 : i32
        %dma_start3A_644 = tpu.memref_slice %arg3[%dma_start3A_642, %dma_start3A_643] : memref<10240x128xf32, #tpu.memory_space<hbm>> -> memref<10240x128xf32, #tpu.memory_space<hbm>>
        tpu.enqueue_indirect_dma source(%dma_start3A_644 : memref<10240x128xf32, #tpu.memory_space<hbm>>) target(%arg8 : memref<128x128xf32, #tpu.memory_space<vmem>>) offsets(%dma_start3A_641 : memref<128xi32, #tpu.memory_space<vmem>>) semaphore(%arg11 : memref<!tpu.dma_semaphore, #tpu.memory_space<semaphore_mem>>)
      } else {
      }
      %add3A_624 = arith.constant 1 : i32
      %add3A_625 = arith.addi %add3A_603, %add3A_624 : i32
      %dma_wait3A_626 = arith.constant 1 : i32
      %dma_wait3A_627 = arith.constant 0 : i32
      %dma_wait3A_628 = tpu.memref_slice %arg6[%dma_wait3A_626, %add3A_625, %dma_wait3A_627] : memref<2x16x128xi32, #tpu.memory_space<vmem>> -> memref<1x1x128xi32, #tpu.memory_space<vmem>>
      %dma_wait3A_629 = tpu.memref_squeeze %dma_wait3A_628 : memref<1x1x128xi32, #tpu.memory_space<vmem>> -> memref<128xi32, #tpu.memory_space<vmem>>
      %dma_wait3A_630 = arith.constant 0 : i32
      %dma_wait3A_631 = arith.constant 0 : i32
      %dma_wait3A_632 = tpu.memref_slice %arg3[%dma_wait3A_630, %dma_wait3A_631] : memref<10240x128xf32, #tpu.memory_space<hbm>> -> memref<10240x128xf32, #tpu.memory_space<hbm>>
      tpu.wait_indirect_dma semaphore(%arg12 : memref<!tpu.dma_semaphore, #tpu.memory_space<semaphore_mem>>) src(%dma_wait3A_632 : memref<10240x128xf32, #tpu.memory_space<hbm>>) dst(%arg9 : memref<128x128xf32, #tpu.memory_space<vmem>>)
      %add3A_633 = arith.constant 1 : i32
      %add3A_634 = arith.addi %add3A_603, %add3A_633 : i32
      %run_scoped3A_635 = arith.constant 1 : i32
      "tpu.region"() ({
        %run_scoped3A_636 = tpu.sem_alloc : memref<!tpu.dma_semaphore, #tpu.memory_space<semaphore_mem>>
        %dma_start3A_637 = arith.constant 0 : i32
        %dma_start3A_638 = tpu.memref_slice %arg7[%run_scoped3A_635, %add3A_634, %dma_start3A_637] : memref<2x16x128xi32, #tpu.memory_space<vmem>> -> memref<1x1x128xi32, #tpu.memory_space<vmem>>
        %dma_start3A_639 = tpu.memref_squeeze %dma_start3A_638 : memref<1x1x128xi32, #tpu.memory_space<vmem>> -> memref<128xi32, #tpu.memory_space<vmem>>
        %dma_start3A_640 = arith.constant 0 : i32
        %dma_start3A_641 = arith.constant 0 : i32
        %dma_start3A_642 = tpu.memref_slice %arg5[%dma_start3A_640, %dma_start3A_641] : memref<10240x128xf32, #tpu.memory_space<vmem_shared>> -> memref<10240x128xf32, #tpu.memory_space<vmem_shared>>
        tpu.enqueue_indirect_dma source(%arg9 : memref<128x128xf32, #tpu.memory_space<vmem>>) target(%dma_start3A_642 : memref<10240x128xf32, #tpu.memory_space<vmem_shared>>) offsets(%dma_start3A_639 : memref<128xi32, #tpu.memory_space<vmem>>) semaphore(%run_scoped3A_636 : memref<!tpu.dma_semaphore, #tpu.memory_space<semaphore_mem>>) {add = true}
        %dma_wait3A_643 = arith.constant 0 : i32
        %dma_wait3A_644 = tpu.memref_slice %arg7[%run_scoped3A_635, %add3A_634, %dma_wait3A_643] : memref<2x16x128xi32, #tpu.memory_space<vmem>> -> memref<1x1x128xi32, #tpu.memory_space<vmem>>
        %dma_wait3A_645 = tpu.memref_squeeze %dma_wait3A_644 : memref<1x1x128xi32, #tpu.memory_space<vmem>> -> memref<128xi32, #tpu.memory_space<vmem>>
        %dma_wait3A_646 = arith.constant 0 : i32
        %dma_wait3A_647 = arith.constant 0 : i32
        %dma_wait3A_648 = tpu.memref_slice %arg5[%dma_wait3A_646, %dma_wait3A_647] : memref<10240x128xf32, #tpu.memory_space<vmem_shared>> -> memref<10240x128xf32, #tpu.memory_space<vmem_shared>>
        tpu.wait_indirect_dma semaphore(%run_scoped3A_636 : memref<!tpu.dma_semaphore, #tpu.memory_space<semaphore_mem>>) src(%arg9 : memref<128x128xf32, #tpu.memory_space<vmem>>) dst(%dma_wait3A_648 : memref<10240x128xf32, #tpu.memory_space<vmem_shared>>)
        tpu.yield
      }) : () -> ()
    }
    %scan3A_273 = arith.constant 8 : i32
    %dma_wait3A_274 = arith.constant 0 : i32
    %dma_wait3A_275 = arith.constant 0 : i32
    %dma_wait3A_276 = arith.constant 0 : i32
    %dma_wait3A_277 = arith.constant 0 : i32
    %dma_wait3A_278 = tpu.memref_slice %arg6[%dma_wait3A_275, %dma_wait3A_276, %dma_wait3A_277] : memref<2x16x128xi32, #tpu.memory_space<vmem>> -> memref<1x16x128xi32, #tpu.memory_space<vmem>>
    %dma_wait3A_279 = tpu.memref_squeeze %dma_wait3A_278 : memref<1x16x128xi32, #tpu.memory_space<vmem>> -> memref<16x128xi32, #tpu.memory_space<vmem>>
    %dma_wait3A_280 = arith.constant 32 : i32
    %dma_wait3A_281 = arith.constant 0 : i32
    %dma_wait3A_282 = tpu.memref_slice %arg2[%dma_wait3A_274, %add3A, %dma_wait3A_280, %dma_wait3A_281] : memref<2x32x80x128xi32, #tpu.memory_space<hbm>> -> memref<1x1x16x128xi32, #tpu.memory_space<hbm>>
    %dma_wait3A_283 = tpu.memref_squeeze %dma_wait3A_282 : memref<1x1x16x128xi32, #tpu.memory_space<hbm>> -> memref<16x128xi32, #tpu.memory_space<hbm>>
    %dma_wait3A_284 = arith.constant 0 : i32
    %dma_wait3A_285 = arith.constant 0 : i32
    %dma_wait3A_286 = tpu.memref_slice %arg6[%dma_wait3A_275, %dma_wait3A_284, %dma_wait3A_285] : memref<2x16x128xi32, #tpu.memory_space<vmem>> -> memref<1x16x128xi32, #tpu.memory_space<vmem>>
    %dma_wait3A_287 = tpu.memref_squeeze %dma_wait3A_286 : memref<1x16x128xi32, #tpu.memory_space<vmem>> -> memref<16x128xi32, #tpu.memory_space<vmem>>
    %dma_wait3A_288 = arith.constant 32 : i32
    %dma_wait3A_289 = arith.constant 0 : i32
    %dma_wait3A_290 = tpu.memref_slice %arg2[%dma_wait3A_274, %add3A, %dma_wait3A_288, %dma_wait3A_289] : memref<2x32x80x128xi32, #tpu.memory_space<hbm>> -> memref<1x1x16x128xi32, #tpu.memory_space<hbm>>
    %dma_wait3A_291 = tpu.memref_squeeze %dma_wait3A_290 : memref<1x1x16x128xi32, #tpu.memory_space<hbm>> -> memref<16x128xi32, #tpu.memory_space<hbm>>
    tpu.wait_dma2 semaphore(%arg10 : memref<!tpu.dma_semaphore, #tpu.memory_space<semaphore_mem>>) src(%dma_wait3A_291 : memref<16x128xi32, #tpu.memory_space<hbm>>) dst(%dma_wait3A_287 : memref<16x128xi32, #tpu.memory_space<vmem>>)
    %dma_wait3A_292 = arith.constant 1 : i32
    %dma_wait3A_293 = arith.constant 0 : i32
    %dma_wait3A_294 = arith.constant 0 : i32
    %dma_wait3A_295 = arith.constant 0 : i32
    %dma_wait3A_296 = tpu.memref_slice %arg7[%dma_wait3A_293, %dma_wait3A_294, %dma_wait3A_295] : memref<2x16x128xi32, #tpu.memory_space<vmem>> -> memref<1x16x128xi32, #tpu.memory_space<vmem>>
    %dma_wait3A_297 = tpu.memref_squeeze %dma_wait3A_296 : memref<1x16x128xi32, #tpu.memory_space<vmem>> -> memref<16x128xi32, #tpu.memory_space<vmem>>
    %dma_wait3A_298 = arith.constant 32 : i32
    %dma_wait3A_299 = arith.constant 0 : i32
    %dma_wait3A_300 = tpu.memref_slice %arg2[%dma_wait3A_292, %add3A, %dma_wait3A_298, %dma_wait3A_299] : memref<2x32x80x128xi32, #tpu.memory_space<hbm>> -> memref<1x1x16x128xi32, #tpu.memory_space<hbm>>
    %dma_wait3A_301 = tpu.memref_squeeze %dma_wait3A_300 : memref<1x1x16x128xi32, #tpu.memory_space<hbm>> -> memref<16x128xi32, #tpu.memory_space<hbm>>
    %dma_wait3A_302 = arith.constant 0 : i32
    %dma_wait3A_303 = arith.constant 0 : i32
    %dma_wait3A_304 = tpu.memref_slice %arg7[%dma_wait3A_293, %dma_wait3A_302, %dma_wait3A_303] : memref<2x16x128xi32, #tpu.memory_space<vmem>> -> memref<1x16x128xi32, #tpu.memory_space<vmem>>
    %dma_wait3A_305 = tpu.memref_squeeze %dma_wait3A_304 : memref<1x16x128xi32, #tpu.memory_space<vmem>> -> memref<16x128xi32, #tpu.memory_space<vmem>>
    %dma_wait3A_306 = arith.constant 32 : i32
    %dma_wait3A_307 = arith.constant 0 : i32
    %dma_wait3A_308 = tpu.memref_slice %arg2[%dma_wait3A_292, %add3A, %dma_wait3A_306, %dma_wait3A_307] : memref<2x32x80x128xi32, #tpu.memory_space<hbm>> -> memref<1x1x16x128xi32, #tpu.memory_space<hbm>>
    %dma_wait3A_309 = tpu.memref_squeeze %dma_wait3A_308 : memref<1x1x16x128xi32, #tpu.memory_space<hbm>> -> memref<16x128xi32, #tpu.memory_space<hbm>>
    tpu.wait_dma2 semaphore(%arg10 : memref<!tpu.dma_semaphore, #tpu.memory_space<semaphore_mem>>) src(%dma_wait3A_309 : memref<16x128xi32, #tpu.memory_space<hbm>>) dst(%dma_wait3A_305 : memref<16x128xi32, #tpu.memory_space<vmem>>)
    %scan3A_310 = arith.constant 0 : i32
    %scan3A_311 = arith.constant 16 : i32
    %scan3A_312 = arith.addi %scan3A_310, %scan3A_311 : i32
    %scan3A_313 = arith.constant 1 : i32
    scf.for %scan3A_599 = %scan3A_310 to %scan3A_312 step %scan3A_313  : i32 {
      %mul3A_600 = arith.constant 1 : i32
      %mul3A_601 = arith.muli %scan3A_599, %mul3A_600 : i32
      %add3A_602 = arith.constant 0 : i32
      %add3A_603 = arith.addi %add3A_602, %mul3A_601 : i32
      %get3A = arith.constant 0 : i32
      %get3A_604 = arith.index_cast %get3A : i32 to index
      %get3A_605 = arith.index_cast %add3A_603 : i32 to index
      %get3A_606 = arith.constant 0 : index
      %get3A_607 = tpu.vector_load %arg6[%get3A_604, %get3A_605, %get3A_606] {strides = array<i32>} : memref<2x16x128xi32, #tpu.memory_space<vmem>>, vector<16xi32>,
      %get3A_608 = arith.constant 0 : i32
      %get3A_609 = arith.index_cast %get3A_608 : i32 to index
      %get3A_610 = arith.index_cast %add3A_603 : i32 to index
      %get3A_611 = arith.constant 0 : index
      %get3A_612 = tpu.vector_load %arg7[%get3A_609, %get3A_610, %get3A_611] {strides = array<i32>} : memref<2x16x128xi32, #tpu.memory_space<vmem>>, vector<16xi32>,
      %eq3A = arith.cmpi eq, %get3A_607, %get3A_612 : vector<16xi32>
      %select_n3A = arith.select %eq3A, %broadcast_in_dim3A_3, %get3A_607 : vector<16xi1>, vector<16xi32>
      %swap3A = arith.constant 0 : i32
      %swap3A_613 = arith.index_cast %swap3A : i32 to index
      %swap3A_614 = arith.index_cast %add3A_603 : i32 to index
      %swap3A_615 = arith.constant 0 : index
      %swap3A_616 = tpu.vector_load %arg6[%swap3A_613, %swap3A_614, %swap3A_615] {strides = array<i32>} : memref<2x16x128xi32, #tpu.memory_space<vmem>>, vector<16xi32>,
      tpu.vector_store %arg6[%swap3A_613, %swap3A_614, %swap3A_615], %select_n3A {strides = array<i32>} : memref<2x16x128xi32, #tpu.memory_space<vmem>>, vector<16xi32>,
      %get3A_617 = arith.constant 0 : i32
      %get3A_618 = arith.index_cast %get3A_617 : i32 to index
      %get3A_619 = arith.index_cast %add3A_603 : i32 to index
      %get3A_620 = arith.constant 16 : index
      %get3A_621 = tpu.vector_load %arg6[%get3A_618, %get3A_619, %get3A_620] {strides = array<i32>} : memref<2x16x128xi32, #tpu.memory_space<vmem>>, vector<16xi32>,
      %get3A_622 = arith.constant 0 : i32
      %get3A_623 = arith.index_cast %get3A_622 : i32 to index
      %get3A_624 = arith.index_cast %add3A_603 : i32 to index
      %get3A_625 = arith.constant 16 : index
      %get3A_626 = tpu.vector_load %arg7[%get3A_623, %get3A_624, %get3A_625] {strides = array<i32>} : memref<2x16x128xi32, #tpu.memory_space<vmem>>, vector<16xi32>,
      %eq3A_627 = arith.cmpi eq, %get3A_621, %get3A_626 : vector<16xi32>
      %select_n3A_628 = arith.select %eq3A_627, %broadcast_in_dim3A_3, %get3A_621 : vector<16xi1>, vector<16xi32>
      %swap3A_629 = arith.constant 0 : i32
      %swap3A_630 = arith.index_cast %swap3A_629 : i32 to index
      %swap3A_631 = arith.index_cast %add3A_603 : i32 to index
      %swap3A_632 = arith.constant 16 : index
      %swap3A_633 = tpu.vector_load %arg6[%swap3A_630, %swap3A_631, %swap3A_632] {strides = array<i32>} : memref<2x16x128xi32, #tpu.memory_space<vmem>>, vector<16xi32>,
      tpu.vector_store %arg6[%swap3A_630, %swap3A_631, %swap3A_632], %select_n3A_628 {strides = array<i32>} : memref<2x16x128xi32, #tpu.memory_space<vmem>>, vector<16xi32>,
      %get3A_634 = arith.constant 0 : i32
      %get3A_635 = arith.index_cast %get3A_634 : i32 to index
      %get3A_636 = arith.index_cast %add3A_603 : i32 to index
      %get3A_637 = arith.constant 32 : index
      %get3A_638 = tpu.vector_load %arg6[%get3A_635, %get3A_636, %get3A_637] {strides = array<i32>} : memref<2x16x128xi32, #tpu.memory_space<vmem>>, vector<16xi32>,
      %get3A_639 = arith.constant 0 : i32
      %get3A_640 = arith.index_cast %get3A_639 : i32 to index
      %get3A_641 = arith.index_cast %add3A_603 : i32 to index
      %get3A_642 = arith.constant 32 : index
      %get3A_643 = tpu.vector_load %arg7[%get3A_640, %get3A_641, %get3A_642] {strides = array<i32>} : memref<2x16x128xi32, #tpu.memory_space<vmem>>, vector<16xi32>,
      %eq3A_644 = arith.cmpi eq, %get3A_638, %get3A_643 : vector<16xi32>
      %select_n3A_645 = arith.select %eq3A_644, %broadcast_in_dim3A_3, %get3A_638 : vector<16xi1>, vector<16xi32>
      %swap3A_646 = arith.constant 0 : i32
      %swap3A_647 = arith.index_cast %swap3A_646 : i32 to index
      %swap3A_648 = arith.index_cast %add3A_603 : i32 to index
      %swap3A_649 = arith.constant 32 : index
      %swap3A_650 = tpu.vector_load %arg6[%swap3A_647, %swap3A_648, %swap3A_649] {strides = array<i32>} : memref<2x16x128xi32, #tpu.memory_space<vmem>>, vector<16xi32>,
      tpu.vector_store %arg6[%swap3A_647, %swap3A_648, %swap3A_649], %select_n3A_645 {strides = array<i32>} : memref<2x16x128xi32, #tpu.memory_space<vmem>>, vector<16xi32>,
      %get3A_651 = arith.constant 0 : i32
      %get3A_652 = arith.index_cast %get3A_651 : i32 to index
      %get3A_653 = arith.index_cast %add3A_603 : i32 to index
      %get3A_654 = arith.constant 48 : index
      %get3A_655 = tpu.vector_load %arg6[%get3A_652, %get3A_653, %get3A_654] {strides = array<i32>} : memref<2x16x128xi32, #tpu.memory_space<vmem>>, vector<16xi32>,
      %get3A_656 = arith.constant 0 : i32
      %get3A_657 = arith.index_cast %get3A_656 : i32 to index
      %get3A_658 = arith.index_cast %add3A_603 : i32 to index
      %get3A_659 = arith.constant 48 : index
      %get3A_660 = tpu.vector_load %arg7[%get3A_657, %get3A_658, %get3A_659] {strides = array<i32>} : memref<2x16x128xi32, #tpu.memory_space<vmem>>, vector<16xi32>,
      %eq3A_661 = arith.cmpi eq, %get3A_655, %get3A_660 : vector<16xi32>
      %select_n3A_662 = arith.select %eq3A_661, %broadcast_in_dim3A_3, %get3A_655 : vector<16xi1>, vector<16xi32>
      %swap3A_663 = arith.constant 0 : i32
      %swap3A_664 = arith.index_cast %swap3A_663 : i32 to index
      %swap3A_665 = arith.index_cast %add3A_603 : i32 to index
      %swap3A_666 = arith.constant 48 : index
      %swap3A_667 = tpu.vector_load %arg6[%swap3A_664, %swap3A_665, %swap3A_666] {strides = array<i32>} : memref<2x16x128xi32, #tpu.memory_space<vmem>>, vector<16xi32>,
      tpu.vector_store %arg6[%swap3A_664, %swap3A_665, %swap3A_666], %select_n3A_662 {strides = array<i32>} : memref<2x16x128xi32, #tpu.memory_space<vmem>>, vector<16xi32>,
      %get3A_668 = arith.constant 0 : i32
      %get3A_669 = arith.index_cast %get3A_668 : i32 to index
      %get3A_670 = arith.index_cast %add3A_603 : i32 to index
      %get3A_671 = arith.constant 64 : index
      %get3A_672 = tpu.vector_load %arg6[%get3A_669, %get3A_670, %get3A_671] {strides = array<i32>} : memref<2x16x128xi32, #tpu.memory_space<vmem>>, vector<16xi32>,
      %get3A_673 = arith.constant 0 : i32
      %get3A_674 = arith.index_cast %get3A_673 : i32 to index
      %get3A_675 = arith.index_cast %add3A_603 : i32 to index
      %get3A_676 = arith.constant 64 : index
      %get3A_677 = tpu.vector_load %arg7[%get3A_674, %get3A_675, %get3A_676] {strides = array<i32>} : memref<2x16x128xi32, #tpu.memory_space<vmem>>, vector<16xi32>,
      %eq3A_678 = arith.cmpi eq, %get3A_672, %get3A_677 : vector<16xi32>
      %select_n3A_679 = arith.select %eq3A_678, %broadcast_in_dim3A_3, %get3A_672 : vector<16xi1>, vector<16xi32>
      %swap3A_680 = arith.constant 0 : i32
      %swap3A_681 = arith.index_cast %swap3A_680 : i32 to index
      %swap3A_682 = arith.index_cast %add3A_603 : i32 to index
      %swap3A_683 = arith.constant 64 : index
      %swap3A_684 = tpu.vector_load %arg6[%swap3A_681, %swap3A_682, %swap3A_683] {strides = array<i32>} : memref<2x16x128xi32, #tpu.memory_space<vmem>>, vector<16xi32>,
      tpu.vector_store %arg6[%swap3A_681, %swap3A_682, %swap3A_683], %select_n3A_679 {strides = array<i32>} : memref<2x16x128xi32, #tpu.memory_space<vmem>>, vector<16xi32>,
      %get3A_685 = arith.constant 0 : i32
      %get3A_686 = arith.index_cast %get3A_685 : i32 to index
      %get3A_687 = arith.index_cast %add3A_603 : i32 to index
      %get3A_688 = arith.constant 80 : index
      %get3A_689 = tpu.vector_load %arg6[%get3A_686, %get3A_687, %get3A_688] {strides = array<i32>} : memref<2x16x128xi32, #tpu.memory_space<vmem>>, vector<16xi32>,
      %get3A_690 = arith.constant 0 : i32
      %get3A_691 = arith.index_cast %get3A_690 : i32 to index
      %get3A_692 = arith.index_cast %add3A_603 : i32 to index
      %get3A_693 = arith.constant 80 : index
      %get3A_694 = tpu.vector_load %arg7[%get3A_691, %get3A_692, %get3A_693] {strides = array<i32>} : memref<2x16x128xi32, #tpu.memory_space<vmem>>, vector<16xi32>,
      %eq3A_695 = arith.cmpi eq, %get3A_689, %get3A_694 : vector<16xi32>
      %select_n3A_696 = arith.select %eq3A_695, %broadcast_in_dim3A_3, %get3A_689 : vector<16xi1>, vector<16xi32>
      %swap3A_697 = arith.constant 0 : i32
      %swap3A_698 = arith.index_cast %swap3A_697 : i32 to index
      %swap3A_699 = arith.index_cast %add3A_603 : i32 to index
      %swap3A_700 = arith.constant 80 : index
      %swap3A_701 = tpu.vector_load %arg6[%swap3A_698, %swap3A_699, %swap3A_700] {strides = array<i32>} : memref<2x16x128xi32, #tpu.memory_space<vmem>>, vector<16xi32>,
      tpu.vector_store %arg6[%swap3A_698, %swap3A_699, %swap3A_700], %select_n3A_696 {strides = array<i32>} : memref<2x16x128xi32, #tpu.memory_space<vmem>>, vector<16xi32>,
      %get3A_702 = arith.constant 0 : i32
      %get3A_703 = arith.index_cast %get3A_702 : i32 to index
      %get3A_704 = arith.index_cast %add3A_603 : i32 to index
      %get3A_705 = arith.constant 96 : index
      %get3A_706 = tpu.vector_load %arg6[%get3A_703, %get3A_704, %get3A_705] {strides = array<i32>} : memref<2x16x128xi32, #tpu.memory_space<vmem>>, vector<16xi32>,
      %get3A_707 = arith.constant 0 : i32
      %get3A_708 = arith.index_cast %get3A_707 : i32 to index
      %get3A_709 = arith.index_cast %add3A_603 : i32 to index
      %get3A_710 = arith.constant 96 : index
      %get3A_711 = tpu.vector_load %arg7[%get3A_708, %get3A_709, %get3A_710] {strides = array<i32>} : memref<2x16x128xi32, #tpu.memory_space<vmem>>, vector<16xi32>,
      %eq3A_712 = arith.cmpi eq, %get3A_706, %get3A_711 : vector<16xi32>
      %select_n3A_713 = arith.select %eq3A_712, %broadcast_in_dim3A_3, %get3A_706 : vector<16xi1>, vector<16xi32>
      %swap3A_714 = arith.constant 0 : i32
      %swap3A_715 = arith.index_cast %swap3A_714 : i32 to index
      %swap3A_716 = arith.index_cast %add3A_603 : i32 to index
      %swap3A_717 = arith.constant 96 : index
      %swap3A_718 = tpu.vector_load %arg6[%swap3A_715, %swap3A_716, %swap3A_717] {strides = array<i32>} : memref<2x16x128xi32, #tpu.memory_space<vmem>>, vector<16xi32>,
      tpu.vector_store %arg6[%swap3A_715, %swap3A_716, %swap3A_717], %select_n3A_713 {strides = array<i32>} : memref<2x16x128xi32, #tpu.memory_space<vmem>>, vector<16xi32>,
      %get3A_719 = arith.constant 0 : i32
      %get3A_720 = arith.index_cast %get3A_719 : i32 to index
      %get3A_721 = arith.index_cast %add3A_603 : i32 to index
      %get3A_722 = arith.constant 112 : index
      %get3A_723 = tpu.vector_load %arg6[%get3A_720, %get3A_721, %get3A_722] {strides = array<i32>} : memref<2x16x128xi32, #tpu.memory_space<vmem>>, vector<16xi32>,
      %get3A_724 = arith.constant 0 : i32
      %get3A_725 = arith.index_cast %get3A_724 : i32 to index
      %get3A_726 = arith.index_cast %add3A_603 : i32 to index
      %get3A_727 = arith.constant 112 : index
      %get3A_728 = tpu.vector_load %arg7[%get3A_725, %get3A_726, %get3A_727] {strides = array<i32>} : memref<2x16x128xi32, #tpu.memory_space<vmem>>, vector<16xi32>,
      %eq3A_729 = arith.cmpi eq, %get3A_723, %get3A_728 : vector<16xi32>
      %select_n3A_730 = arith.select %eq3A_729, %broadcast_in_dim3A_3, %get3A_723 : vector<16xi1>, vector<16xi32>
      %swap3A_731 = arith.constant 0 : i32
      %swap3A_732 = arith.index_cast %swap3A_731 : i32 to index
      %swap3A_733 = arith.index_cast %add3A_603 : i32 to index
      %swap3A_734 = arith.constant 112 : index
      %swap3A_735 = tpu.vector_load %arg6[%swap3A_732, %swap3A_733, %swap3A_734] {strides = array<i32>} : memref<2x16x128xi32, #tpu.memory_space<vmem>>, vector<16xi32>,
      tpu.vector_store %arg6[%swap3A_732, %swap3A_733, %swap3A_734], %select_n3A_730 {strides = array<i32>} : memref<2x16x128xi32, #tpu.memory_space<vmem>>, vector<16xi32>,
    }
    %scan3A_314 = arith.constant 16 : i32
    %dma_start3A_315 = arith.constant 0 : i32
    %dma_start3A_316 = arith.constant 0 : i32
    %dma_start3A_317 = arith.constant 0 : i32
    %dma_start3A_318 = tpu.memref_slice %arg6[%dma_start3A_315, %dma_start3A_316, %dma_start3A_317] : memref<2x16x128xi32, #tpu.memory_space<vmem>> -> memref<1x1x128xi32, #tpu.memory_space<vmem>>
    %dma_start3A_319 = tpu.memref_squeeze %dma_start3A_318 : memref<1x1x128xi32, #tpu.memory_space<vmem>> -> memref<128xi32, #tpu.memory_space<vmem>>
    %dma_start3A_320 = arith.constant 0 : i32
    %dma_start3A_321 = arith.constant 0 : i32
    %dma_start3A_322 = tpu.memref_slice %arg3[%dma_start3A_320, %dma_start3A_321] : memref<10240x128xf32, #tpu.memory_space<hbm>> -> memref<10240x128xf32, #tpu.memory_space<hbm>>
    tpu.enqueue_indirect_dma source(%dma_start3A_322 : memref<10240x128xf32, #tpu.memory_space<hbm>>) target(%arg8 : memref<128x128xf32, #tpu.memory_space<vmem>>) offsets(%dma_start3A_319 : memref<128xi32, #tpu.memory_space<vmem>>) semaphore(%arg11 : memref<!tpu.dma_semaphore, #tpu.memory_space<semaphore_mem>>)
    %dma_start3A_323 = arith.constant 0 : i32
    %dma_start3A_324 = arith.constant 1 : i32
    %dma_start3A_325 = arith.constant 0 : i32
    %dma_start3A_326 = arith.constant 0 : i32
    %dma_start3A_327 = tpu.memref_slice %arg6[%dma_start3A_324, %dma_start3A_325, %dma_start3A_326] : memref<2x16x128xi32, #tpu.memory_space<vmem>> -> memref<1x16x128xi32, #tpu.memory_space<vmem>>
    %dma_start3A_328 = tpu.memref_squeeze %dma_start3A_327 : memref<1x16x128xi32, #tpu.memory_space<vmem>> -> memref<16x128xi32, #tpu.memory_space<vmem>>
    %dma_start3A_329 = arith.constant 48 : i32
    %dma_start3A_330 = arith.constant 0 : i32
    %dma_start3A_331 = tpu.memref_slice %arg2[%dma_start3A_323, %add3A, %dma_start3A_329, %dma_start3A_330] : memref<2x32x80x128xi32, #tpu.memory_space<hbm>> -> memref<1x1x16x128xi32, #tpu.memory_space<hbm>>
    %dma_start3A_332 = tpu.memref_squeeze %dma_start3A_331 : memref<1x1x16x128xi32, #tpu.memory_space<hbm>> -> memref<16x128xi32, #tpu.memory_space<hbm>>
    %dma_start3A_333 = arith.constant 0 : i32
    %dma_start3A_334 = arith.constant 0 : i32
    %dma_start3A_335 = tpu.memref_slice %arg6[%dma_start3A_324, %dma_start3A_333, %dma_start3A_334] : memref<2x16x128xi32, #tpu.memory_space<vmem>> -> memref<1x16x128xi32, #tpu.memory_space<vmem>>
    %dma_start3A_336 = tpu.memref_squeeze %dma_start3A_335 : memref<1x16x128xi32, #tpu.memory_space<vmem>> -> memref<16x128xi32, #tpu.memory_space<vmem>>
    %dma_start3A_337 = arith.constant 48 : i32
    %dma_start3A_338 = arith.constant 0 : i32
    %dma_start3A_339 = tpu.memref_slice %arg2[%dma_start3A_323, %add3A, %dma_start3A_337, %dma_start3A_338] : memref<2x32x80x128xi32, #tpu.memory_space<hbm>> -> memref<1x1x16x128xi32, #tpu.memory_space<hbm>>
    %dma_start3A_340 = tpu.memref_squeeze %dma_start3A_339 : memref<1x1x16x128xi32, #tpu.memory_space<hbm>> -> memref<16x128xi32, #tpu.memory_space<hbm>>
    tpu.enqueue_dma source(%dma_start3A_340 : memref<16x128xi32, #tpu.memory_space<hbm>>) target(%dma_start3A_336 : memref<16x128xi32, #tpu.memory_space<vmem>>) target_semaphore(%arg10 : memref<!tpu.dma_semaphore, #tpu.memory_space<semaphore_mem>>)
    %dma_start3A_341 = arith.constant 1 : i32
    %dma_start3A_342 = arith.constant 1 : i32
    %dma_start3A_343 = arith.constant 0 : i32
    %dma_start3A_344 = arith.constant 0 : i32
    %dma_start3A_345 = tpu.memref_slice %arg7[%dma_start3A_342, %dma_start3A_343, %dma_start3A_344] : memref<2x16x128xi32, #tpu.memory_space<vmem>> -> memref<1x16x128xi32, #tpu.memory_space<vmem>>
    %dma_start3A_346 = tpu.memref_squeeze %dma_start3A_345 : memref<1x16x128xi32, #tpu.memory_space<vmem>> -> memref<16x128xi32, #tpu.memory_space<vmem>>
    %dma_start3A_347 = arith.constant 48 : i32
    %dma_start3A_348 = arith.constant 0 : i32
    %dma_start3A_349 = tpu.memref_slice %arg2[%dma_start3A_341, %add3A, %dma_start3A_347, %dma_start3A_348] : memref<2x32x80x128xi32, #tpu.memory_space<hbm>> -> memref<1x1x16x128xi32, #tpu.memory_space<hbm>>
    %dma_start3A_350 = tpu.memref_squeeze %dma_start3A_349 : memref<1x1x16x128xi32, #tpu.memory_space<hbm>> -> memref<16x128xi32, #tpu.memory_space<hbm>>
    %dma_start3A_351 = arith.constant 0 : i32
    %dma_start3A_352 = arith.constant 0 : i32
    %dma_start3A_353 = tpu.memref_slice %arg7[%dma_start3A_342, %dma_start3A_351, %dma_start3A_352] : memref<2x16x128xi32, #tpu.memory_space<vmem>> -> memref<1x16x128xi32, #tpu.memory_space<vmem>>
    %dma_start3A_354 = tpu.memref_squeeze %dma_start3A_353 : memref<1x16x128xi32, #tpu.memory_space<vmem>> -> memref<16x128xi32, #tpu.memory_space<vmem>>
    %dma_start3A_355 = arith.constant 48 : i32
    %dma_start3A_356 = arith.constant 0 : i32
    %dma_start3A_357 = tpu.memref_slice %arg2[%dma_start3A_341, %add3A, %dma_start3A_355, %dma_start3A_356] : memref<2x32x80x128xi32, #tpu.memory_space<hbm>> -> memref<1x1x16x128xi32, #tpu.memory_space<hbm>>
    %dma_start3A_358 = tpu.memref_squeeze %dma_start3A_357 : memref<1x1x16x128xi32, #tpu.memory_space<hbm>> -> memref<16x128xi32, #tpu.memory_space<hbm>>
    tpu.enqueue_dma source(%dma_start3A_358 : memref<16x128xi32, #tpu.memory_space<hbm>>) target(%dma_start3A_354 : memref<16x128xi32, #tpu.memory_space<vmem>>) target_semaphore(%arg10 : memref<!tpu.dma_semaphore, #tpu.memory_space<semaphore_mem>>)
    %scan3A_359 = arith.constant 0 : i32
    %scan3A_360 = arith.constant 8 : i32
    %scan3A_361 = arith.addi %scan3A_359, %scan3A_360 : i32
    %scan3A_362 = arith.constant 1 : i32
    scf.for %scan3A_599 = %scan3A_359 to %scan3A_361 step %scan3A_362  : i32 {
      %mul3A_600 = arith.constant 2 : i32
      %mul3A_601 = arith.muli %scan3A_599, %mul3A_600 : i32
      %add3A_602 = arith.constant 0 : i32
      %add3A_603 = arith.addi %add3A_602, %mul3A_601 : i32
      %add3A_604 = arith.constant 1 : i32
      %add3A_605 = arith.addi %add3A_603, %add3A_604 : i32
      %dma_start3A_606 = arith.constant 0 : i32
      %dma_start3A_607 = arith.constant 0 : i32
      %dma_start3A_608 = tpu.memref_slice %arg6[%dma_start3A_606, %add3A_605, %dma_start3A_607] : memref<2x16x128xi32, #tpu.memory_space<vmem>> -> memref<1x1x128xi32, #tpu.memory_space<vmem>>
      %dma_start3A_609 = tpu.memref_squeeze %dma_start3A_608 : memref<1x1x128xi32, #tpu.memory_space<vmem>> -> memref<128xi32, #tpu.memory_space<vmem>>
      %dma_start3A_610 = arith.constant 0 : i32
      %dma_start3A_611 = arith.constant 0 : i32
      %dma_start3A_612 = tpu.memref_slice %arg3[%dma_start3A_610, %dma_start3A_611] : memref<10240x128xf32, #tpu.memory_space<hbm>> -> memref<10240x128xf32, #tpu.memory_space<hbm>>
      tpu.enqueue_indirect_dma source(%dma_start3A_612 : memref<10240x128xf32, #tpu.memory_space<hbm>>) target(%arg9 : memref<128x128xf32, #tpu.memory_space<vmem>>) offsets(%dma_start3A_609 : memref<128xi32, #tpu.memory_space<vmem>>) semaphore(%arg12 : memref<!tpu.dma_semaphore, #tpu.memory_space<semaphore_mem>>)
      %dma_wait3A_613 = arith.constant 0 : i32
      %dma_wait3A_614 = arith.constant 0 : i32
      %dma_wait3A_615 = tpu.memref_slice %arg6[%dma_wait3A_613, %add3A_603, %dma_wait3A_614] : memref<2x16x128xi32, #tpu.memory_space<vmem>> -> memref<1x1x128xi32, #tpu.memory_space<vmem>>
      %dma_wait3A_616 = tpu.memref_squeeze %dma_wait3A_615 : memref<1x1x128xi32, #tpu.memory_space<vmem>> -> memref<128xi32, #tpu.memory_space<vmem>>
      %dma_wait3A_617 = arith.constant 0 : i32
      %dma_wait3A_618 = arith.constant 0 : i32
      %dma_wait3A_619 = tpu.memref_slice %arg3[%dma_wait3A_617, %dma_wait3A_618] : memref<10240x128xf32, #tpu.memory_space<hbm>> -> memref<10240x128xf32, #tpu.memory_space<hbm>>
      tpu.wait_indirect_dma semaphore(%arg11 : memref<!tpu.dma_semaphore, #tpu.memory_space<semaphore_mem>>) src(%dma_wait3A_619 : memref<10240x128xf32, #tpu.memory_space<hbm>>) dst(%arg8 : memref<128x128xf32, #tpu.memory_space<vmem>>)
      %run_scoped3A = arith.constant 0 : i32
      "tpu.region"() ({
        %run_scoped3A_636 = tpu.sem_alloc : memref<!tpu.dma_semaphore, #tpu.memory_space<semaphore_mem>>
        %dma_start3A_637 = arith.constant 0 : i32
        %dma_start3A_638 = tpu.memref_slice %arg7[%run_scoped3A, %add3A_603, %dma_start3A_637] : memref<2x16x128xi32, #tpu.memory_space<vmem>> -> memref<1x1x128xi32, #tpu.memory_space<vmem>>
        %dma_start3A_639 = tpu.memref_squeeze %dma_start3A_638 : memref<1x1x128xi32, #tpu.memory_space<vmem>> -> memref<128xi32, #tpu.memory_space<vmem>>
        %dma_start3A_640 = arith.constant 0 : i32
        %dma_start3A_641 = arith.constant 0 : i32
        %dma_start3A_642 = tpu.memref_slice %arg5[%dma_start3A_640, %dma_start3A_641] : memref<10240x128xf32, #tpu.memory_space<vmem_shared>> -> memref<10240x128xf32, #tpu.memory_space<vmem_shared>>
        tpu.enqueue_indirect_dma source(%arg8 : memref<128x128xf32, #tpu.memory_space<vmem>>) target(%dma_start3A_642 : memref<10240x128xf32, #tpu.memory_space<vmem_shared>>) offsets(%dma_start3A_639 : memref<128xi32, #tpu.memory_space<vmem>>) semaphore(%run_scoped3A_636 : memref<!tpu.dma_semaphore, #tpu.memory_space<semaphore_mem>>) {add = true}
        %dma_wait3A_643 = arith.constant 0 : i32
        %dma_wait3A_644 = tpu.memref_slice %arg7[%run_scoped3A, %add3A_603, %dma_wait3A_643] : memref<2x16x128xi32, #tpu.memory_space<vmem>> -> memref<1x1x128xi32, #tpu.memory_space<vmem>>
        %dma_wait3A_645 = tpu.memref_squeeze %dma_wait3A_644 : memref<1x1x128xi32, #tpu.memory_space<vmem>> -> memref<128xi32, #tpu.memory_space<vmem>>
        %dma_wait3A_646 = arith.constant 0 : i32
        %dma_wait3A_647 = arith.constant 0 : i32
        %dma_wait3A_648 = tpu.memref_slice %arg5[%dma_wait3A_646, %dma_wait3A_647] : memref<10240x128xf32, #tpu.memory_space<vmem_shared>> -> memref<10240x128xf32, #tpu.memory_space<vmem_shared>>
        tpu.wait_indirect_dma semaphore(%run_scoped3A_636 : memref<!tpu.dma_semaphore, #tpu.memory_space<semaphore_mem>>) src(%arg8 : memref<128x128xf32, #tpu.memory_space<vmem>>) dst(%dma_wait3A_648 : memref<10240x128xf32, #tpu.memory_space<vmem_shared>>)
        tpu.yield
      }) : () -> ()
      %add3A_620 = arith.constant 2 : i32
      %add3A_621 = arith.addi %add3A_603, %add3A_620 : i32
      %lt3A = arith.constant 16 : i32
      %lt3A_622 = arith.cmpi slt, %add3A_621, %lt3A : i32
      %convert_element_type3A = arith.extui %lt3A_622 : i1 to i32
      %cond3A = arith.constant 0 : i32
      %cond3A_623 = arith.cmpi ne, %convert_element_type3A, %cond3A : i32
      scf.if %cond3A_623 {
        %add3A_636 = arith.constant 2 : i32
        %add3A_637 = arith.addi %add3A_603, %add3A_636 : i32
        %dma_start3A_638 = arith.constant 0 : i32
        %dma_start3A_639 = arith.constant 0 : i32
        %dma_start3A_640 = tpu.memref_slice %arg6[%dma_start3A_638, %add3A_637, %dma_start3A_639] : memref<2x16x128xi32, #tpu.memory_space<vmem>> -> memref<1x1x128xi32, #tpu.memory_space<vmem>>
        %dma_start3A_641 = tpu.memref_squeeze %dma_start3A_640 : memref<1x1x128xi32, #tpu.memory_space<vmem>> -> memref<128xi32, #tpu.memory_space<vmem>>
        %dma_start3A_642 = arith.constant 0 : i32
        %dma_start3A_643 = arith.constant 0 : i32
        %dma_start3A_644 = tpu.memref_slice %arg3[%dma_start3A_642, %dma_start3A_643] : memref<10240x128xf32, #tpu.memory_space<hbm>> -> memref<10240x128xf32, #tpu.memory_space<hbm>>
        tpu.enqueue_indirect_dma source(%dma_start3A_644 : memref<10240x128xf32, #tpu.memory_space<hbm>>) target(%arg8 : memref<128x128xf32, #tpu.memory_space<vmem>>) offsets(%dma_start3A_641 : memref<128xi32, #tpu.memory_space<vmem>>) semaphore(%arg11 : memref<!tpu.dma_semaphore, #tpu.memory_space<semaphore_mem>>)
      } else {
      }
      %add3A_624 = arith.constant 1 : i32
      %add3A_625 = arith.addi %add3A_603, %add3A_624 : i32
      %dma_wait3A_626 = arith.constant 0 : i32
      %dma_wait3A_627 = arith.constant 0 : i32
      %dma_wait3A_628 = tpu.memref_slice %arg6[%dma_wait3A_626, %add3A_625, %dma_wait3A_627] : memref<2x16x128xi32, #tpu.memory_space<vmem>> -> memref<1x1x128xi32, #tpu.memory_space<vmem>>
      %dma_wait3A_629 = tpu.memref_squeeze %dma_wait3A_628 : memref<1x1x128xi32, #tpu.memory_space<vmem>> -> memref<128xi32, #tpu.memory_space<vmem>>
      %dma_wait3A_630 = arith.constant 0 : i32
      %dma_wait3A_631 = arith.constant 0 : i32
      %dma_wait3A_632 = tpu.memref_slice %arg3[%dma_wait3A_630, %dma_wait3A_631] : memref<10240x128xf32, #tpu.memory_space<hbm>> -> memref<10240x128xf32, #tpu.memory_space<hbm>>
      tpu.wait_indirect_dma semaphore(%arg12 : memref<!tpu.dma_semaphore, #tpu.memory_space<semaphore_mem>>) src(%dma_wait3A_632 : memref<10240x128xf32, #tpu.memory_space<hbm>>) dst(%arg9 : memref<128x128xf32, #tpu.memory_space<vmem>>)
      %add3A_633 = arith.constant 1 : i32
      %add3A_634 = arith.addi %add3A_603, %add3A_633 : i32
      %run_scoped3A_635 = arith.constant 0 : i32
      "tpu.region"() ({
        %run_scoped3A_636 = tpu.sem_alloc : memref<!tpu.dma_semaphore, #tpu.memory_space<semaphore_mem>>
        %dma_start3A_637 = arith.constant 0 : i32
        %dma_start3A_638 = tpu.memref_slice %arg7[%run_scoped3A_635, %add3A_634, %dma_start3A_637] : memref<2x16x128xi32, #tpu.memory_space<vmem>> -> memref<1x1x128xi32, #tpu.memory_space<vmem>>
        %dma_start3A_639 = tpu.memref_squeeze %dma_start3A_638 : memref<1x1x128xi32, #tpu.memory_space<vmem>> -> memref<128xi32, #tpu.memory_space<vmem>>
        %dma_start3A_640 = arith.constant 0 : i32
        %dma_start3A_641 = arith.constant 0 : i32
        %dma_start3A_642 = tpu.memref_slice %arg5[%dma_start3A_640, %dma_start3A_641] : memref<10240x128xf32, #tpu.memory_space<vmem_shared>> -> memref<10240x128xf32, #tpu.memory_space<vmem_shared>>
        tpu.enqueue_indirect_dma source(%arg9 : memref<128x128xf32, #tpu.memory_space<vmem>>) target(%dma_start3A_642 : memref<10240x128xf32, #tpu.memory_space<vmem_shared>>) offsets(%dma_start3A_639 : memref<128xi32, #tpu.memory_space<vmem>>) semaphore(%run_scoped3A_636 : memref<!tpu.dma_semaphore, #tpu.memory_space<semaphore_mem>>) {add = true}
        %dma_wait3A_643 = arith.constant 0 : i32
        %dma_wait3A_644 = tpu.memref_slice %arg7[%run_scoped3A_635, %add3A_634, %dma_wait3A_643] : memref<2x16x128xi32, #tpu.memory_space<vmem>> -> memref<1x1x128xi32, #tpu.memory_space<vmem>>
        %dma_wait3A_645 = tpu.memref_squeeze %dma_wait3A_644 : memref<1x1x128xi32, #tpu.memory_space<vmem>> -> memref<128xi32, #tpu.memory_space<vmem>>
        %dma_wait3A_646 = arith.constant 0 : i32
        %dma_wait3A_647 = arith.constant 0 : i32
        %dma_wait3A_648 = tpu.memref_slice %arg5[%dma_wait3A_646, %dma_wait3A_647] : memref<10240x128xf32, #tpu.memory_space<vmem_shared>> -> memref<10240x128xf32, #tpu.memory_space<vmem_shared>>
        tpu.wait_indirect_dma semaphore(%run_scoped3A_636 : memref<!tpu.dma_semaphore, #tpu.memory_space<semaphore_mem>>) src(%arg9 : memref<128x128xf32, #tpu.memory_space<vmem>>) dst(%dma_wait3A_648 : memref<10240x128xf32, #tpu.memory_space<vmem_shared>>)
        tpu.yield
      }) : () -> ()
    }
    %scan3A_363 = arith.constant 8 : i32
    %dma_wait3A_364 = arith.constant 0 : i32
    %dma_wait3A_365 = arith.constant 1 : i32
    %dma_wait3A_366 = arith.constant 0 : i32
    %dma_wait3A_367 = arith.constant 0 : i32
    %dma_wait3A_368 = tpu.memref_slice %arg6[%dma_wait3A_365, %dma_wait3A_366, %dma_wait3A_367] : memref<2x16x128xi32, #tpu.memory_space<vmem>> -> memref<1x16x128xi32, #tpu.memory_space<vmem>>
    %dma_wait3A_369 = tpu.memref_squeeze %dma_wait3A_368 : memref<1x16x128xi32, #tpu.memory_space<vmem>> -> memref<16x128xi32, #tpu.memory_space<vmem>>
    %dma_wait3A_370 = arith.constant 48 : i32
    %dma_wait3A_371 = arith.constant 0 : i32
    %dma_wait3A_372 = tpu.memref_slice %arg2[%dma_wait3A_364, %add3A, %dma_wait3A_370, %dma_wait3A_371] : memref<2x32x80x128xi32, #tpu.memory_space<hbm>> -> memref<1x1x16x128xi32, #tpu.memory_space<hbm>>
    %dma_wait3A_373 = tpu.memref_squeeze %dma_wait3A_372 : memref<1x1x16x128xi32, #tpu.memory_space<hbm>> -> memref<16x128xi32, #tpu.memory_space<hbm>>
    %dma_wait3A_374 = arith.constant 0 : i32
    %dma_wait3A_375 = arith.constant 0 : i32
    %dma_wait3A_376 = tpu.memref_slice %arg6[%dma_wait3A_365, %dma_wait3A_374, %dma_wait3A_375] : memref<2x16x128xi32, #tpu.memory_space<vmem>> -> memref<1x16x128xi32, #tpu.memory_space<vmem>>
    %dma_wait3A_377 = tpu.memref_squeeze %dma_wait3A_376 : memref<1x16x128xi32, #tpu.memory_space<vmem>> -> memref<16x128xi32, #tpu.memory_space<vmem>>
    %dma_wait3A_378 = arith.constant 48 : i32
    %dma_wait3A_379 = arith.constant 0 : i32
    %dma_wait3A_380 = tpu.memref_slice %arg2[%dma_wait3A_364, %add3A, %dma_wait3A_378, %dma_wait3A_379] : memref<2x32x80x128xi32, #tpu.memory_space<hbm>> -> memref<1x1x16x128xi32, #tpu.memory_space<hbm>>
    %dma_wait3A_381 = tpu.memref_squeeze %dma_wait3A_380 : memref<1x1x16x128xi32, #tpu.memory_space<hbm>> -> memref<16x128xi32, #tpu.memory_space<hbm>>
    tpu.wait_dma2 semaphore(%arg10 : memref<!tpu.dma_semaphore, #tpu.memory_space<semaphore_mem>>) src(%dma_wait3A_381 : memref<16x128xi32, #tpu.memory_space<hbm>>) dst(%dma_wait3A_377 : memref<16x128xi32, #tpu.memory_space<vmem>>)
    %dma_wait3A_382 = arith.constant 1 : i32
    %dma_wait3A_383 = arith.constant 1 : i32
    %dma_wait3A_384 = arith.constant 0 : i32
    %dma_wait3A_385 = arith.constant 0 : i32
    %dma_wait3A_386 = tpu.memref_slice %arg7[%dma_wait3A_383, %dma_wait3A_384, %dma_wait3A_385] : memref<2x16x128xi32, #tpu.memory_space<vmem>> -> memref<1x16x128xi32, #tpu.memory_space<vmem>>
    %dma_wait3A_387 = tpu.memref_squeeze %dma_wait3A_386 : memref<1x16x128xi32, #tpu.memory_space<vmem>> -> memref<16x128xi32, #tpu.memory_space<vmem>>
    %dma_wait3A_388 = arith.constant 48 : i32
    %dma_wait3A_389 = arith.constant 0 : i32
    %dma_wait3A_390 = tpu.memref_slice %arg2[%dma_wait3A_382, %add3A, %dma_wait3A_388, %dma_wait3A_389] : memref<2x32x80x128xi32, #tpu.memory_space<hbm>> -> memref<1x1x16x128xi32, #tpu.memory_space<hbm>>
    %dma_wait3A_391 = tpu.memref_squeeze %dma_wait3A_390 : memref<1x1x16x128xi32, #tpu.memory_space<hbm>> -> memref<16x128xi32, #tpu.memory_space<hbm>>
    %dma_wait3A_392 = arith.constant 0 : i32
    %dma_wait3A_393 = arith.constant 0 : i32
    %dma_wait3A_394 = tpu.memref_slice %arg7[%dma_wait3A_383, %dma_wait3A_392, %dma_wait3A_393] : memref<2x16x128xi32, #tpu.memory_space<vmem>> -> memref<1x16x128xi32, #tpu.memory_space<vmem>>
    %dma_wait3A_395 = tpu.memref_squeeze %dma_wait3A_394 : memref<1x16x128xi32, #tpu.memory_space<vmem>> -> memref<16x128xi32, #tpu.memory_space<vmem>>
    %dma_wait3A_396 = arith.constant 48 : i32
    %dma_wait3A_397 = arith.constant 0 : i32
    %dma_wait3A_398 = tpu.memref_slice %arg2[%dma_wait3A_382, %add3A, %dma_wait3A_396, %dma_wait3A_397] : memref<2x32x80x128xi32, #tpu.memory_space<hbm>> -> memref<1x1x16x128xi32, #tpu.memory_space<hbm>>
    %dma_wait3A_399 = tpu.memref_squeeze %dma_wait3A_398 : memref<1x1x16x128xi32, #tpu.memory_space<hbm>> -> memref<16x128xi32, #tpu.memory_space<hbm>>
    tpu.wait_dma2 semaphore(%arg10 : memref<!tpu.dma_semaphore, #tpu.memory_space<semaphore_mem>>) src(%dma_wait3A_399 : memref<16x128xi32, #tpu.memory_space<hbm>>) dst(%dma_wait3A_395 : memref<16x128xi32, #tpu.memory_space<vmem>>)
    %scan3A_400 = arith.constant 0 : i32
    %scan3A_401 = arith.constant 16 : i32
    %scan3A_402 = arith.addi %scan3A_400, %scan3A_401 : i32
    %scan3A_403 = arith.constant 1 : i32
    scf.for %scan3A_599 = %scan3A_400 to %scan3A_402 step %scan3A_403  : i32 {
      %mul3A_600 = arith.constant 1 : i32
      %mul3A_601 = arith.muli %scan3A_599, %mul3A_600 : i32
      %add3A_602 = arith.constant 0 : i32
      %add3A_603 = arith.addi %add3A_602, %mul3A_601 : i32
      %get3A = arith.constant 1 : i32
      %get3A_604 = arith.index_cast %get3A : i32 to index
      %get3A_605 = arith.index_cast %add3A_603 : i32 to index
      %get3A_606 = arith.constant 0 : index
      %get3A_607 = tpu.vector_load %arg6[%get3A_604, %get3A_605, %get3A_606] {strides = array<i32>} : memref<2x16x128xi32, #tpu.memory_space<vmem>>, vector<16xi32>,
      %get3A_608 = arith.constant 1 : i32
      %get3A_609 = arith.index_cast %get3A_608 : i32 to index
      %get3A_610 = arith.index_cast %add3A_603 : i32 to index
      %get3A_611 = arith.constant 0 : index
      %get3A_612 = tpu.vector_load %arg7[%get3A_609, %get3A_610, %get3A_611] {strides = array<i32>} : memref<2x16x128xi32, #tpu.memory_space<vmem>>, vector<16xi32>,
      %eq3A = arith.cmpi eq, %get3A_607, %get3A_612 : vector<16xi32>
      %select_n3A = arith.select %eq3A, %broadcast_in_dim3A_3, %get3A_607 : vector<16xi1>, vector<16xi32>
      %swap3A = arith.constant 1 : i32
      %swap3A_613 = arith.index_cast %swap3A : i32 to index
      %swap3A_614 = arith.index_cast %add3A_603 : i32 to index
      %swap3A_615 = arith.constant 0 : index
      %swap3A_616 = tpu.vector_load %arg6[%swap3A_613, %swap3A_614, %swap3A_615] {strides = array<i32>} : memref<2x16x128xi32, #tpu.memory_space<vmem>>, vector<16xi32>,
      tpu.vector_store %arg6[%swap3A_613, %swap3A_614, %swap3A_615], %select_n3A {strides = array<i32>} : memref<2x16x128xi32, #tpu.memory_space<vmem>>, vector<16xi32>,
      %get3A_617 = arith.constant 1 : i32
      %get3A_618 = arith.index_cast %get3A_617 : i32 to index
      %get3A_619 = arith.index_cast %add3A_603 : i32 to index
      %get3A_620 = arith.constant 16 : index
      %get3A_621 = tpu.vector_load %arg6[%get3A_618, %get3A_619, %get3A_620] {strides = array<i32>} : memref<2x16x128xi32, #tpu.memory_space<vmem>>, vector<16xi32>,
      %get3A_622 = arith.constant 1 : i32
      %get3A_623 = arith.index_cast %get3A_622 : i32 to index
      %get3A_624 = arith.index_cast %add3A_603 : i32 to index
      %get3A_625 = arith.constant 16 : index
      %get3A_626 = tpu.vector_load %arg7[%get3A_623, %get3A_624, %get3A_625] {strides = array<i32>} : memref<2x16x128xi32, #tpu.memory_space<vmem>>, vector<16xi32>,
      %eq3A_627 = arith.cmpi eq, %get3A_621, %get3A_626 : vector<16xi32>
      %select_n3A_628 = arith.select %eq3A_627, %broadcast_in_dim3A_3, %get3A_621 : vector<16xi1>, vector<16xi32>
      %swap3A_629 = arith.constant 1 : i32
      %swap3A_630 = arith.index_cast %swap3A_629 : i32 to index
      %swap3A_631 = arith.index_cast %add3A_603 : i32 to index
      %swap3A_632 = arith.constant 16 : index
      %swap3A_633 = tpu.vector_load %arg6[%swap3A_630, %swap3A_631, %swap3A_632] {strides = array<i32>} : memref<2x16x128xi32, #tpu.memory_space<vmem>>, vector<16xi32>,
      tpu.vector_store %arg6[%swap3A_630, %swap3A_631, %swap3A_632], %select_n3A_628 {strides = array<i32>} : memref<2x16x128xi32, #tpu.memory_space<vmem>>, vector<16xi32>,
      %get3A_634 = arith.constant 1 : i32
      %get3A_635 = arith.index_cast %get3A_634 : i32 to index
      %get3A_636 = arith.index_cast %add3A_603 : i32 to index
      %get3A_637 = arith.constant 32 : index
      %get3A_638 = tpu.vector_load %arg6[%get3A_635, %get3A_636, %get3A_637] {strides = array<i32>} : memref<2x16x128xi32, #tpu.memory_space<vmem>>, vector<16xi32>,
      %get3A_639 = arith.constant 1 : i32
      %get3A_640 = arith.index_cast %get3A_639 : i32 to index
      %get3A_641 = arith.index_cast %add3A_603 : i32 to index
      %get3A_642 = arith.constant 32 : index
      %get3A_643 = tpu.vector_load %arg7[%get3A_640, %get3A_641, %get3A_642] {strides = array<i32>} : memref<2x16x128xi32, #tpu.memory_space<vmem>>, vector<16xi32>,
      %eq3A_644 = arith.cmpi eq, %get3A_638, %get3A_643 : vector<16xi32>
      %select_n3A_645 = arith.select %eq3A_644, %broadcast_in_dim3A_3, %get3A_638 : vector<16xi1>, vector<16xi32>
      %swap3A_646 = arith.constant 1 : i32
      %swap3A_647 = arith.index_cast %swap3A_646 : i32 to index
      %swap3A_648 = arith.index_cast %add3A_603 : i32 to index
      %swap3A_649 = arith.constant 32 : index
      %swap3A_650 = tpu.vector_load %arg6[%swap3A_647, %swap3A_648, %swap3A_649] {strides = array<i32>} : memref<2x16x128xi32, #tpu.memory_space<vmem>>, vector<16xi32>,
      tpu.vector_store %arg6[%swap3A_647, %swap3A_648, %swap3A_649], %select_n3A_645 {strides = array<i32>} : memref<2x16x128xi32, #tpu.memory_space<vmem>>, vector<16xi32>,
      %get3A_651 = arith.constant 1 : i32
      %get3A_652 = arith.index_cast %get3A_651 : i32 to index
      %get3A_653 = arith.index_cast %add3A_603 : i32 to index
      %get3A_654 = arith.constant 48 : index
      %get3A_655 = tpu.vector_load %arg6[%get3A_652, %get3A_653, %get3A_654] {strides = array<i32>} : memref<2x16x128xi32, #tpu.memory_space<vmem>>, vector<16xi32>,
      %get3A_656 = arith.constant 1 : i32
      %get3A_657 = arith.index_cast %get3A_656 : i32 to index
      %get3A_658 = arith.index_cast %add3A_603 : i32 to index
      %get3A_659 = arith.constant 48 : index
      %get3A_660 = tpu.vector_load %arg7[%get3A_657, %get3A_658, %get3A_659] {strides = array<i32>} : memref<2x16x128xi32, #tpu.memory_space<vmem>>, vector<16xi32>,
      %eq3A_661 = arith.cmpi eq, %get3A_655, %get3A_660 : vector<16xi32>
      %select_n3A_662 = arith.select %eq3A_661, %broadcast_in_dim3A_3, %get3A_655 : vector<16xi1>, vector<16xi32>
      %swap3A_663 = arith.constant 1 : i32
      %swap3A_664 = arith.index_cast %swap3A_663 : i32 to index
      %swap3A_665 = arith.index_cast %add3A_603 : i32 to index
      %swap3A_666 = arith.constant 48 : index
      %swap3A_667 = tpu.vector_load %arg6[%swap3A_664, %swap3A_665, %swap3A_666] {strides = array<i32>} : memref<2x16x128xi32, #tpu.memory_space<vmem>>, vector<16xi32>,
      tpu.vector_store %arg6[%swap3A_664, %swap3A_665, %swap3A_666], %select_n3A_662 {strides = array<i32>} : memref<2x16x128xi32, #tpu.memory_space<vmem>>, vector<16xi32>,
      %get3A_668 = arith.constant 1 : i32
      %get3A_669 = arith.index_cast %get3A_668 : i32 to index
      %get3A_670 = arith.index_cast %add3A_603 : i32 to index
      %get3A_671 = arith.constant 64 : index
      %get3A_672 = tpu.vector_load %arg6[%get3A_669, %get3A_670, %get3A_671] {strides = array<i32>} : memref<2x16x128xi32, #tpu.memory_space<vmem>>, vector<16xi32>,
      %get3A_673 = arith.constant 1 : i32
      %get3A_674 = arith.index_cast %get3A_673 : i32 to index
      %get3A_675 = arith.index_cast %add3A_603 : i32 to index
      %get3A_676 = arith.constant 64 : index
      %get3A_677 = tpu.vector_load %arg7[%get3A_674, %get3A_675, %get3A_676] {strides = array<i32>} : memref<2x16x128xi32, #tpu.memory_space<vmem>>, vector<16xi32>,
      %eq3A_678 = arith.cmpi eq, %get3A_672, %get3A_677 : vector<16xi32>
      %select_n3A_679 = arith.select %eq3A_678, %broadcast_in_dim3A_3, %get3A_672 : vector<16xi1>, vector<16xi32>
      %swap3A_680 = arith.constant 1 : i32
      %swap3A_681 = arith.index_cast %swap3A_680 : i32 to index
      %swap3A_682 = arith.index_cast %add3A_603 : i32 to index
      %swap3A_683 = arith.constant 64 : index
      %swap3A_684 = tpu.vector_load %arg6[%swap3A_681, %swap3A_682, %swap3A_683] {strides = array<i32>} : memref<2x16x128xi32, #tpu.memory_space<vmem>>, vector<16xi32>,
      tpu.vector_store %arg6[%swap3A_681, %swap3A_682, %swap3A_683], %select_n3A_679 {strides = array<i32>} : memref<2x16x128xi32, #tpu.memory_space<vmem>>, vector<16xi32>,
      %get3A_685 = arith.constant 1 : i32
      %get3A_686 = arith.index_cast %get3A_685 : i32 to index
      %get3A_687 = arith.index_cast %add3A_603 : i32 to index
      %get3A_688 = arith.constant 80 : index
      %get3A_689 = tpu.vector_load %arg6[%get3A_686, %get3A_687, %get3A_688] {strides = array<i32>} : memref<2x16x128xi32, #tpu.memory_space<vmem>>, vector<16xi32>,
      %get3A_690 = arith.constant 1 : i32
      %get3A_691 = arith.index_cast %get3A_690 : i32 to index
      %get3A_692 = arith.index_cast %add3A_603 : i32 to index
      %get3A_693 = arith.constant 80 : index
      %get3A_694 = tpu.vector_load %arg7[%get3A_691, %get3A_692, %get3A_693] {strides = array<i32>} : memref<2x16x128xi32, #tpu.memory_space<vmem>>, vector<16xi32>,
      %eq3A_695 = arith.cmpi eq, %get3A_689, %get3A_694 : vector<16xi32>
      %select_n3A_696 = arith.select %eq3A_695, %broadcast_in_dim3A_3, %get3A_689 : vector<16xi1>, vector<16xi32>
      %swap3A_697 = arith.constant 1 : i32
      %swap3A_698 = arith.index_cast %swap3A_697 : i32 to index
      %swap3A_699 = arith.index_cast %add3A_603 : i32 to index
      %swap3A_700 = arith.constant 80 : index
      %swap3A_701 = tpu.vector_load %arg6[%swap3A_698, %swap3A_699, %swap3A_700] {strides = array<i32>} : memref<2x16x128xi32, #tpu.memory_space<vmem>>, vector<16xi32>,
      tpu.vector_store %arg6[%swap3A_698, %swap3A_699, %swap3A_700], %select_n3A_696 {strides = array<i32>} : memref<2x16x128xi32, #tpu.memory_space<vmem>>, vector<16xi32>,
      %get3A_702 = arith.constant 1 : i32
      %get3A_703 = arith.index_cast %get3A_702 : i32 to index
      %get3A_704 = arith.index_cast %add3A_603 : i32 to index
      %get3A_705 = arith.constant 96 : index
      %get3A_706 = tpu.vector_load %arg6[%get3A_703, %get3A_704, %get3A_705] {strides = array<i32>} : memref<2x16x128xi32, #tpu.memory_space<vmem>>, vector<16xi32>,
      %get3A_707 = arith.constant 1 : i32
      %get3A_708 = arith.index_cast %get3A_707 : i32 to index
      %get3A_709 = arith.index_cast %add3A_603 : i32 to index
      %get3A_710 = arith.constant 96 : index
      %get3A_711 = tpu.vector_load %arg7[%get3A_708, %get3A_709, %get3A_710] {strides = array<i32>} : memref<2x16x128xi32, #tpu.memory_space<vmem>>, vector<16xi32>,
      %eq3A_712 = arith.cmpi eq, %get3A_706, %get3A_711 : vector<16xi32>
      %select_n3A_713 = arith.select %eq3A_712, %broadcast_in_dim3A_3, %get3A_706 : vector<16xi1>, vector<16xi32>
      %swap3A_714 = arith.constant 1 : i32
      %swap3A_715 = arith.index_cast %swap3A_714 : i32 to index
      %swap3A_716 = arith.index_cast %add3A_603 : i32 to index
      %swap3A_717 = arith.constant 96 : index
      %swap3A_718 = tpu.vector_load %arg6[%swap3A_715, %swap3A_716, %swap3A_717] {strides = array<i32>} : memref<2x16x128xi32, #tpu.memory_space<vmem>>, vector<16xi32>,
      tpu.vector_store %arg6[%swap3A_715, %swap3A_716, %swap3A_717], %select_n3A_713 {strides = array<i32>} : memref<2x16x128xi32, #tpu.memory_space<vmem>>, vector<16xi32>,
      %get3A_719 = arith.constant 1 : i32
      %get3A_720 = arith.index_cast %get3A_719 : i32 to index
      %get3A_721 = arith.index_cast %add3A_603 : i32 to index
      %get3A_722 = arith.constant 112 : index
      %get3A_723 = tpu.vector_load %arg6[%get3A_720, %get3A_721, %get3A_722] {strides = array<i32>} : memref<2x16x128xi32, #tpu.memory_space<vmem>>, vector<16xi32>,
      %get3A_724 = arith.constant 1 : i32
      %get3A_725 = arith.index_cast %get3A_724 : i32 to index
      %get3A_726 = arith.index_cast %add3A_603 : i32 to index
      %get3A_727 = arith.constant 112 : index
      %get3A_728 = tpu.vector_load %arg7[%get3A_725, %get3A_726, %get3A_727] {strides = array<i32>} : memref<2x16x128xi32, #tpu.memory_space<vmem>>, vector<16xi32>,
      %eq3A_729 = arith.cmpi eq, %get3A_723, %get3A_728 : vector<16xi32>
      %select_n3A_730 = arith.select %eq3A_729, %broadcast_in_dim3A_3, %get3A_723 : vector<16xi1>, vector<16xi32>
      %swap3A_731 = arith.constant 1 : i32
      %swap3A_732 = arith.index_cast %swap3A_731 : i32 to index
      %swap3A_733 = arith.index_cast %add3A_603 : i32 to index
      %swap3A_734 = arith.constant 112 : index
      %swap3A_735 = tpu.vector_load %arg6[%swap3A_732, %swap3A_733, %swap3A_734] {strides = array<i32>} : memref<2x16x128xi32, #tpu.memory_space<vmem>>, vector<16xi32>,
      tpu.vector_store %arg6[%swap3A_732, %swap3A_733, %swap3A_734], %select_n3A_730 {strides = array<i32>} : memref<2x16x128xi32, #tpu.memory_space<vmem>>, vector<16xi32>,
    }
    %scan3A_404 = arith.constant 16 : i32
    %dma_start3A_405 = arith.constant 1 : i32
    %dma_start3A_406 = arith.constant 0 : i32
    %dma_start3A_407 = arith.constant 0 : i32
    %dma_start3A_408 = tpu.memref_slice %arg6[%dma_start3A_405, %dma_start3A_406, %dma_start3A_407] : memref<2x16x128xi32, #tpu.memory_space<vmem>> -> memref<1x1x128xi32, #tpu.memory_space<vmem>>
    %dma_start3A_409 = tpu.memref_squeeze %dma_start3A_408 : memref<1x1x128xi32, #tpu.memory_space<vmem>> -> memref<128xi32, #tpu.memory_space<vmem>>
    %dma_start3A_410 = arith.constant 0 : i32
    %dma_start3A_411 = arith.constant 0 : i32
    %dma_start3A_412 = tpu.memref_slice %arg3[%dma_start3A_410, %dma_start3A_411] : memref<10240x128xf32, #tpu.memory_space<hbm>> -> memref<10240x128xf32, #tpu.memory_space<hbm>>
    tpu.enqueue_indirect_dma source(%dma_start3A_412 : memref<10240x128xf32, #tpu.memory_space<hbm>>) target(%arg8 : memref<128x128xf32, #tpu.memory_space<vmem>>) offsets(%dma_start3A_409 : memref<128xi32, #tpu.memory_space<vmem>>) semaphore(%arg11 : memref<!tpu.dma_semaphore, #tpu.memory_space<semaphore_mem>>)
    %dma_start3A_413 = arith.constant 0 : i32
    %dma_start3A_414 = arith.constant 0 : i32
    %dma_start3A_415 = arith.constant 0 : i32
    %dma_start3A_416 = arith.constant 0 : i32
    %dma_start3A_417 = tpu.memref_slice %arg6[%dma_start3A_414, %dma_start3A_415, %dma_start3A_416] : memref<2x16x128xi32, #tpu.memory_space<vmem>> -> memref<1x16x128xi32, #tpu.memory_space<vmem>>
    %dma_start3A_418 = tpu.memref_squeeze %dma_start3A_417 : memref<1x16x128xi32, #tpu.memory_space<vmem>> -> memref<16x128xi32, #tpu.memory_space<vmem>>
    %dma_start3A_419 = arith.constant 64 : i32
    %dma_start3A_420 = arith.constant 0 : i32
    %dma_start3A_421 = tpu.memref_slice %arg2[%dma_start3A_413, %add3A, %dma_start3A_419, %dma_start3A_420] : memref<2x32x80x128xi32, #tpu.memory_space<hbm>> -> memref<1x1x16x128xi32, #tpu.memory_space<hbm>>
    %dma_start3A_422 = tpu.memref_squeeze %dma_start3A_421 : memref<1x1x16x128xi32, #tpu.memory_space<hbm>> -> memref<16x128xi32, #tpu.memory_space<hbm>>
    %dma_start3A_423 = arith.constant 0 : i32
    %dma_start3A_424 = arith.constant 0 : i32
    %dma_start3A_425 = tpu.memref_slice %arg6[%dma_start3A_414, %dma_start3A_423, %dma_start3A_424] : memref<2x16x128xi32, #tpu.memory_space<vmem>> -> memref<1x16x128xi32, #tpu.memory_space<vmem>>
    %dma_start3A_426 = tpu.memref_squeeze %dma_start3A_425 : memref<1x16x128xi32, #tpu.memory_space<vmem>> -> memref<16x128xi32, #tpu.memory_space<vmem>>
    %dma_start3A_427 = arith.constant 64 : i32
    %dma_start3A_428 = arith.constant 0 : i32
    %dma_start3A_429 = tpu.memref_slice %arg2[%dma_start3A_413, %add3A, %dma_start3A_427, %dma_start3A_428] : memref<2x32x80x128xi32, #tpu.memory_space<hbm>> -> memref<1x1x16x128xi32, #tpu.memory_space<hbm>>
    %dma_start3A_430 = tpu.memref_squeeze %dma_start3A_429 : memref<1x1x16x128xi32, #tpu.memory_space<hbm>> -> memref<16x128xi32, #tpu.memory_space<hbm>>
    tpu.enqueue_dma source(%dma_start3A_430 : memref<16x128xi32, #tpu.memory_space<hbm>>) target(%dma_start3A_426 : memref<16x128xi32, #tpu.memory_space<vmem>>) target_semaphore(%arg10 : memref<!tpu.dma_semaphore, #tpu.memory_space<semaphore_mem>>)
    %dma_start3A_431 = arith.constant 1 : i32
    %dma_start3A_432 = arith.constant 0 : i32
    %dma_start3A_433 = arith.constant 0 : i32
    %dma_start3A_434 = arith.constant 0 : i32
    %dma_start3A_435 = tpu.memref_slice %arg7[%dma_start3A_432, %dma_start3A_433, %dma_start3A_434] : memref<2x16x128xi32, #tpu.memory_space<vmem>> -> memref<1x16x128xi32, #tpu.memory_space<vmem>>
    %dma_start3A_436 = tpu.memref_squeeze %dma_start3A_435 : memref<1x16x128xi32, #tpu.memory_space<vmem>> -> memref<16x128xi32, #tpu.memory_space<vmem>>
    %dma_start3A_437 = arith.constant 64 : i32
    %dma_start3A_438 = arith.constant 0 : i32
    %dma_start3A_439 = tpu.memref_slice %arg2[%dma_start3A_431, %add3A, %dma_start3A_437, %dma_start3A_438] : memref<2x32x80x128xi32, #tpu.memory_space<hbm>> -> memref<1x1x16x128xi32, #tpu.memory_space<hbm>>
    %dma_start3A_440 = tpu.memref_squeeze %dma_start3A_439 : memref<1x1x16x128xi32, #tpu.memory_space<hbm>> -> memref<16x128xi32, #tpu.memory_space<hbm>>
    %dma_start3A_441 = arith.constant 0 : i32
    %dma_start3A_442 = arith.constant 0 : i32
    %dma_start3A_443 = tpu.memref_slice %arg7[%dma_start3A_432, %dma_start3A_441, %dma_start3A_442] : memref<2x16x128xi32, #tpu.memory_space<vmem>> -> memref<1x16x128xi32, #tpu.memory_space<vmem>>
    %dma_start3A_444 = tpu.memref_squeeze %dma_start3A_443 : memref<1x16x128xi32, #tpu.memory_space<vmem>> -> memref<16x128xi32, #tpu.memory_space<vmem>>
    %dma_start3A_445 = arith.constant 64 : i32
    %dma_start3A_446 = arith.constant 0 : i32
    %dma_start3A_447 = tpu.memref_slice %arg2[%dma_start3A_431, %add3A, %dma_start3A_445, %dma_start3A_446] : memref<2x32x80x128xi32, #tpu.memory_space<hbm>> -> memref<1x1x16x128xi32, #tpu.memory_space<hbm>>
    %dma_start3A_448 = tpu.memref_squeeze %dma_start3A_447 : memref<1x1x16x128xi32, #tpu.memory_space<hbm>> -> memref<16x128xi32, #tpu.memory_space<hbm>>
    tpu.enqueue_dma source(%dma_start3A_448 : memref<16x128xi32, #tpu.memory_space<hbm>>) target(%dma_start3A_444 : memref<16x128xi32, #tpu.memory_space<vmem>>) target_semaphore(%arg10 : memref<!tpu.dma_semaphore, #tpu.memory_space<semaphore_mem>>)
    %scan3A_449 = arith.constant 0 : i32
    %scan3A_450 = arith.constant 8 : i32
    %scan3A_451 = arith.addi %scan3A_449, %scan3A_450 : i32
    %scan3A_452 = arith.constant 1 : i32
    scf.for %scan3A_599 = %scan3A_449 to %scan3A_451 step %scan3A_452  : i32 {
      %mul3A_600 = arith.constant 2 : i32
      %mul3A_601 = arith.muli %scan3A_599, %mul3A_600 : i32
      %add3A_602 = arith.constant 0 : i32
      %add3A_603 = arith.addi %add3A_602, %mul3A_601 : i32
      %add3A_604 = arith.constant 1 : i32
      %add3A_605 = arith.addi %add3A_603, %add3A_604 : i32
      %dma_start3A_606 = arith.constant 1 : i32
      %dma_start3A_607 = arith.constant 0 : i32
      %dma_start3A_608 = tpu.memref_slice %arg6[%dma_start3A_606, %add3A_605, %dma_start3A_607] : memref<2x16x128xi32, #tpu.memory_space<vmem>> -> memref<1x1x128xi32, #tpu.memory_space<vmem>>
      %dma_start3A_609 = tpu.memref_squeeze %dma_start3A_608 : memref<1x1x128xi32, #tpu.memory_space<vmem>> -> memref<128xi32, #tpu.memory_space<vmem>>
      %dma_start3A_610 = arith.constant 0 : i32
      %dma_start3A_611 = arith.constant 0 : i32
      %dma_start3A_612 = tpu.memref_slice %arg3[%dma_start3A_610, %dma_start3A_611] : memref<10240x128xf32, #tpu.memory_space<hbm>> -> memref<10240x128xf32, #tpu.memory_space<hbm>>
      tpu.enqueue_indirect_dma source(%dma_start3A_612 : memref<10240x128xf32, #tpu.memory_space<hbm>>) target(%arg9 : memref<128x128xf32, #tpu.memory_space<vmem>>) offsets(%dma_start3A_609 : memref<128xi32, #tpu.memory_space<vmem>>) semaphore(%arg12 : memref<!tpu.dma_semaphore, #tpu.memory_space<semaphore_mem>>)
      %dma_wait3A_613 = arith.constant 1 : i32
      %dma_wait3A_614 = arith.constant 0 : i32
      %dma_wait3A_615 = tpu.memref_slice %arg6[%dma_wait3A_613, %add3A_603, %dma_wait3A_614] : memref<2x16x128xi32, #tpu.memory_space<vmem>> -> memref<1x1x128xi32, #tpu.memory_space<vmem>>
      %dma_wait3A_616 = tpu.memref_squeeze %dma_wait3A_615 : memref<1x1x128xi32, #tpu.memory_space<vmem>> -> memref<128xi32, #tpu.memory_space<vmem>>
      %dma_wait3A_617 = arith.constant 0 : i32
      %dma_wait3A_618 = arith.constant 0 : i32
      %dma_wait3A_619 = tpu.memref_slice %arg3[%dma_wait3A_617, %dma_wait3A_618] : memref<10240x128xf32, #tpu.memory_space<hbm>> -> memref<10240x128xf32, #tpu.memory_space<hbm>>
      tpu.wait_indirect_dma semaphore(%arg11 : memref<!tpu.dma_semaphore, #tpu.memory_space<semaphore_mem>>) src(%dma_wait3A_619 : memref<10240x128xf32, #tpu.memory_space<hbm>>) dst(%arg8 : memref<128x128xf32, #tpu.memory_space<vmem>>)
      %run_scoped3A = arith.constant 1 : i32
      "tpu.region"() ({
        %run_scoped3A_636 = tpu.sem_alloc : memref<!tpu.dma_semaphore, #tpu.memory_space<semaphore_mem>>
        %dma_start3A_637 = arith.constant 0 : i32
        %dma_start3A_638 = tpu.memref_slice %arg7[%run_scoped3A, %add3A_603, %dma_start3A_637] : memref<2x16x128xi32, #tpu.memory_space<vmem>> -> memref<1x1x128xi32, #tpu.memory_space<vmem>>
        %dma_start3A_639 = tpu.memref_squeeze %dma_start3A_638 : memref<1x1x128xi32, #tpu.memory_space<vmem>> -> memref<128xi32, #tpu.memory_space<vmem>>
        %dma_start3A_640 = arith.constant 0 : i32
        %dma_start3A_641 = arith.constant 0 : i32
        %dma_start3A_642 = tpu.memref_slice %arg5[%dma_start3A_640, %dma_start3A_641] : memref<10240x128xf32, #tpu.memory_space<vmem_shared>> -> memref<10240x128xf32, #tpu.memory_space<vmem_shared>>
        tpu.enqueue_indirect_dma source(%arg8 : memref<128x128xf32, #tpu.memory_space<vmem>>) target(%dma_start3A_642 : memref<10240x128xf32, #tpu.memory_space<vmem_shared>>) offsets(%dma_start3A_639 : memref<128xi32, #tpu.memory_space<vmem>>) semaphore(%run_scoped3A_636 : memref<!tpu.dma_semaphore, #tpu.memory_space<semaphore_mem>>) {add = true}
        %dma_wait3A_643 = arith.constant 0 : i32
        %dma_wait3A_644 = tpu.memref_slice %arg7[%run_scoped3A, %add3A_603, %dma_wait3A_643] : memref<2x16x128xi32, #tpu.memory_space<vmem>> -> memref<1x1x128xi32, #tpu.memory_space<vmem>>
        %dma_wait3A_645 = tpu.memref_squeeze %dma_wait3A_644 : memref<1x1x128xi32, #tpu.memory_space<vmem>> -> memref<128xi32, #tpu.memory_space<vmem>>
        %dma_wait3A_646 = arith.constant 0 : i32
        %dma_wait3A_647 = arith.constant 0 : i32
        %dma_wait3A_648 = tpu.memref_slice %arg5[%dma_wait3A_646, %dma_wait3A_647] : memref<10240x128xf32, #tpu.memory_space<vmem_shared>> -> memref<10240x128xf32, #tpu.memory_space<vmem_shared>>
        tpu.wait_indirect_dma semaphore(%run_scoped3A_636 : memref<!tpu.dma_semaphore, #tpu.memory_space<semaphore_mem>>) src(%arg8 : memref<128x128xf32, #tpu.memory_space<vmem>>) dst(%dma_wait3A_648 : memref<10240x128xf32, #tpu.memory_space<vmem_shared>>)
        tpu.yield
      }) : () -> ()
      %add3A_620 = arith.constant 2 : i32
      %add3A_621 = arith.addi %add3A_603, %add3A_620 : i32
      %lt3A = arith.constant 16 : i32
      %lt3A_622 = arith.cmpi slt, %add3A_621, %lt3A : i32
      %convert_element_type3A = arith.extui %lt3A_622 : i1 to i32
      %cond3A = arith.constant 0 : i32
      %cond3A_623 = arith.cmpi ne, %convert_element_type3A, %cond3A : i32
      scf.if %cond3A_623 {
        %add3A_636 = arith.constant 2 : i32
        %add3A_637 = arith.addi %add3A_603, %add3A_636 : i32
        %dma_start3A_638 = arith.constant 1 : i32
        %dma_start3A_639 = arith.constant 0 : i32
        %dma_start3A_640 = tpu.memref_slice %arg6[%dma_start3A_638, %add3A_637, %dma_start3A_639] : memref<2x16x128xi32, #tpu.memory_space<vmem>> -> memref<1x1x128xi32, #tpu.memory_space<vmem>>
        %dma_start3A_641 = tpu.memref_squeeze %dma_start3A_640 : memref<1x1x128xi32, #tpu.memory_space<vmem>> -> memref<128xi32, #tpu.memory_space<vmem>>
        %dma_start3A_642 = arith.constant 0 : i32
        %dma_start3A_643 = arith.constant 0 : i32
        %dma_start3A_644 = tpu.memref_slice %arg3[%dma_start3A_642, %dma_start3A_643] : memref<10240x128xf32, #tpu.memory_space<hbm>> -> memref<10240x128xf32, #tpu.memory_space<hbm>>
        tpu.enqueue_indirect_dma source(%dma_start3A_644 : memref<10240x128xf32, #tpu.memory_space<hbm>>) target(%arg8 : memref<128x128xf32, #tpu.memory_space<vmem>>) offsets(%dma_start3A_641 : memref<128xi32, #tpu.memory_space<vmem>>) semaphore(%arg11 : memref<!tpu.dma_semaphore, #tpu.memory_space<semaphore_mem>>)
      } else {
      }
      %add3A_624 = arith.constant 1 : i32
      %add3A_625 = arith.addi %add3A_603, %add3A_624 : i32
      %dma_wait3A_626 = arith.constant 1 : i32
      %dma_wait3A_627 = arith.constant 0 : i32
      %dma_wait3A_628 = tpu.memref_slice %arg6[%dma_wait3A_626, %add3A_625, %dma_wait3A_627] : memref<2x16x128xi32, #tpu.memory_space<vmem>> -> memref<1x1x128xi32, #tpu.memory_space<vmem>>
      %dma_wait3A_629 = tpu.memref_squeeze %dma_wait3A_628 : memref<1x1x128xi32, #tpu.memory_space<vmem>> -> memref<128xi32, #tpu.memory_space<vmem>>
      %dma_wait3A_630 = arith.constant 0 : i32
      %dma_wait3A_631 = arith.constant 0 : i32
      %dma_wait3A_632 = tpu.memref_slice %arg3[%dma_wait3A_630, %dma_wait3A_631] : memref<10240x128xf32, #tpu.memory_space<hbm>> -> memref<10240x128xf32, #tpu.memory_space<hbm>>
      tpu.wait_indirect_dma semaphore(%arg12 : memref<!tpu.dma_semaphore, #tpu.memory_space<semaphore_mem>>) src(%dma_wait3A_632 : memref<10240x128xf32, #tpu.memory_space<hbm>>) dst(%arg9 : memref<128x128xf32, #tpu.memory_space<vmem>>)
      %add3A_633 = arith.constant 1 : i32
      %add3A_634 = arith.addi %add3A_603, %add3A_633 : i32
      %run_scoped3A_635 = arith.constant 1 : i32
      "tpu.region"() ({
        %run_scoped3A_636 = tpu.sem_alloc : memref<!tpu.dma_semaphore, #tpu.memory_space<semaphore_mem>>
        %dma_start3A_637 = arith.constant 0 : i32
        %dma_start3A_638 = tpu.memref_slice %arg7[%run_scoped3A_635, %add3A_634, %dma_start3A_637] : memref<2x16x128xi32, #tpu.memory_space<vmem>> -> memref<1x1x128xi32, #tpu.memory_space<vmem>>
        %dma_start3A_639 = tpu.memref_squeeze %dma_start3A_638 : memref<1x1x128xi32, #tpu.memory_space<vmem>> -> memref<128xi32, #tpu.memory_space<vmem>>
        %dma_start3A_640 = arith.constant 0 : i32
        %dma_start3A_641 = arith.constant 0 : i32
        %dma_start3A_642 = tpu.memref_slice %arg5[%dma_start3A_640, %dma_start3A_641] : memref<10240x128xf32, #tpu.memory_space<vmem_shared>> -> memref<10240x128xf32, #tpu.memory_space<vmem_shared>>
        tpu.enqueue_indirect_dma source(%arg9 : memref<128x128xf32, #tpu.memory_space<vmem>>) target(%dma_start3A_642 : memref<10240x128xf32, #tpu.memory_space<vmem_shared>>) offsets(%dma_start3A_639 : memref<128xi32, #tpu.memory_space<vmem>>) semaphore(%run_scoped3A_636 : memref<!tpu.dma_semaphore, #tpu.memory_space<semaphore_mem>>) {add = true}
        %dma_wait3A_643 = arith.constant 0 : i32
        %dma_wait3A_644 = tpu.memref_slice %arg7[%run_scoped3A_635, %add3A_634, %dma_wait3A_643] : memref<2x16x128xi32, #tpu.memory_space<vmem>> -> memref<1x1x128xi32, #tpu.memory_space<vmem>>
        %dma_wait3A_645 = tpu.memref_squeeze %dma_wait3A_644 : memref<1x1x128xi32, #tpu.memory_space<vmem>> -> memref<128xi32, #tpu.memory_space<vmem>>
        %dma_wait3A_646 = arith.constant 0 : i32
        %dma_wait3A_647 = arith.constant 0 : i32
        %dma_wait3A_648 = tpu.memref_slice %arg5[%dma_wait3A_646, %dma_wait3A_647] : memref<10240x128xf32, #tpu.memory_space<vmem_shared>> -> memref<10240x128xf32, #tpu.memory_space<vmem_shared>>
        tpu.wait_indirect_dma semaphore(%run_scoped3A_636 : memref<!tpu.dma_semaphore, #tpu.memory_space<semaphore_mem>>) src(%arg9 : memref<128x128xf32, #tpu.memory_space<vmem>>) dst(%dma_wait3A_648 : memref<10240x128xf32, #tpu.memory_space<vmem_shared>>)
        tpu.yield
      }) : () -> ()
    }
    %scan3A_453 = arith.constant 8 : i32
    %dma_wait3A_454 = arith.constant 0 : i32
    %dma_wait3A_455 = arith.constant 0 : i32
    %dma_wait3A_456 = arith.constant 0 : i32
    %dma_wait3A_457 = arith.constant 0 : i32
    %dma_wait3A_458 = tpu.memref_slice %arg6[%dma_wait3A_455, %dma_wait3A_456, %dma_wait3A_457] : memref<2x16x128xi32, #tpu.memory_space<vmem>> -> memref<1x16x128xi32, #tpu.memory_space<vmem>>
    %dma_wait3A_459 = tpu.memref_squeeze %dma_wait3A_458 : memref<1x16x128xi32, #tpu.memory_space<vmem>> -> memref<16x128xi32, #tpu.memory_space<vmem>>
    %dma_wait3A_460 = arith.constant 64 : i32
    %dma_wait3A_461 = arith.constant 0 : i32
    %dma_wait3A_462 = tpu.memref_slice %arg2[%dma_wait3A_454, %add3A, %dma_wait3A_460, %dma_wait3A_461] : memref<2x32x80x128xi32, #tpu.memory_space<hbm>> -> memref<1x1x16x128xi32, #tpu.memory_space<hbm>>
    %dma_wait3A_463 = tpu.memref_squeeze %dma_wait3A_462 : memref<1x1x16x128xi32, #tpu.memory_space<hbm>> -> memref<16x128xi32, #tpu.memory_space<hbm>>
    %dma_wait3A_464 = arith.constant 0 : i32
    %dma_wait3A_465 = arith.constant 0 : i32
    %dma_wait3A_466 = tpu.memref_slice %arg6[%dma_wait3A_455, %dma_wait3A_464, %dma_wait3A_465] : memref<2x16x128xi32, #tpu.memory_space<vmem>> -> memref<1x16x128xi32, #tpu.memory_space<vmem>>
    %dma_wait3A_467 = tpu.memref_squeeze %dma_wait3A_466 : memref<1x16x128xi32, #tpu.memory_space<vmem>> -> memref<16x128xi32, #tpu.memory_space<vmem>>
    %dma_wait3A_468 = arith.constant 64 : i32
    %dma_wait3A_469 = arith.constant 0 : i32
    %dma_wait3A_470 = tpu.memref_slice %arg2[%dma_wait3A_454, %add3A, %dma_wait3A_468, %dma_wait3A_469] : memref<2x32x80x128xi32, #tpu.memory_space<hbm>> -> memref<1x1x16x128xi32, #tpu.memory_space<hbm>>
    %dma_wait3A_471 = tpu.memref_squeeze %dma_wait3A_470 : memref<1x1x16x128xi32, #tpu.memory_space<hbm>> -> memref<16x128xi32, #tpu.memory_space<hbm>>
    tpu.wait_dma2 semaphore(%arg10 : memref<!tpu.dma_semaphore, #tpu.memory_space<semaphore_mem>>) src(%dma_wait3A_471 : memref<16x128xi32, #tpu.memory_space<hbm>>) dst(%dma_wait3A_467 : memref<16x128xi32, #tpu.memory_space<vmem>>)
    %dma_wait3A_472 = arith.constant 1 : i32
    %dma_wait3A_473 = arith.constant 0 : i32
    %dma_wait3A_474 = arith.constant 0 : i32
    %dma_wait3A_475 = arith.constant 0 : i32
    %dma_wait3A_476 = tpu.memref_slice %arg7[%dma_wait3A_473, %dma_wait3A_474, %dma_wait3A_475] : memref<2x16x128xi32, #tpu.memory_space<vmem>> -> memref<1x16x128xi32, #tpu.memory_space<vmem>>
    %dma_wait3A_477 = tpu.memref_squeeze %dma_wait3A_476 : memref<1x16x128xi32, #tpu.memory_space<vmem>> -> memref<16x128xi32, #tpu.memory_space<vmem>>
    %dma_wait3A_478 = arith.constant 64 : i32
    %dma_wait3A_479 = arith.constant 0 : i32
    %dma_wait3A_480 = tpu.memref_slice %arg2[%dma_wait3A_472, %add3A, %dma_wait3A_478, %dma_wait3A_479] : memref<2x32x80x128xi32, #tpu.memory_space<hbm>> -> memref<1x1x16x128xi32, #tpu.memory_space<hbm>>
    %dma_wait3A_481 = tpu.memref_squeeze %dma_wait3A_480 : memref<1x1x16x128xi32, #tpu.memory_space<hbm>> -> memref<16x128xi32, #tpu.memory_space<hbm>>
    %dma_wait3A_482 = arith.constant 0 : i32
    %dma_wait3A_483 = arith.constant 0 : i32
    %dma_wait3A_484 = tpu.memref_slice %arg7[%dma_wait3A_473, %dma_wait3A_482, %dma_wait3A_483] : memref<2x16x128xi32, #tpu.memory_space<vmem>> -> memref<1x16x128xi32, #tpu.memory_space<vmem>>
    %dma_wait3A_485 = tpu.memref_squeeze %dma_wait3A_484 : memref<1x16x128xi32, #tpu.memory_space<vmem>> -> memref<16x128xi32, #tpu.memory_space<vmem>>
    %dma_wait3A_486 = arith.constant 64 : i32
    %dma_wait3A_487 = arith.constant 0 : i32
    %dma_wait3A_488 = tpu.memref_slice %arg2[%dma_wait3A_472, %add3A, %dma_wait3A_486, %dma_wait3A_487] : memref<2x32x80x128xi32, #tpu.memory_space<hbm>> -> memref<1x1x16x128xi32, #tpu.memory_space<hbm>>
    %dma_wait3A_489 = tpu.memref_squeeze %dma_wait3A_488 : memref<1x1x16x128xi32, #tpu.memory_space<hbm>> -> memref<16x128xi32, #tpu.memory_space<hbm>>
    tpu.wait_dma2 semaphore(%arg10 : memref<!tpu.dma_semaphore, #tpu.memory_space<semaphore_mem>>) src(%dma_wait3A_489 : memref<16x128xi32, #tpu.memory_space<hbm>>) dst(%dma_wait3A_485 : memref<16x128xi32, #tpu.memory_space<vmem>>)
    %scan3A_490 = arith.constant 0 : i32
    %scan3A_491 = arith.constant 16 : i32
    %scan3A_492 = arith.addi %scan3A_490, %scan3A_491 : i32
    %scan3A_493 = arith.constant 1 : i32
    scf.for %scan3A_599 = %scan3A_490 to %scan3A_492 step %scan3A_493  : i32 {
      %mul3A_600 = arith.constant 1 : i32
      %mul3A_601 = arith.muli %scan3A_599, %mul3A_600 : i32
      %add3A_602 = arith.constant 0 : i32
      %add3A_603 = arith.addi %add3A_602, %mul3A_601 : i32
      %get3A = arith.constant 0 : i32
      %get3A_604 = arith.index_cast %get3A : i32 to index
      %get3A_605 = arith.index_cast %add3A_603 : i32 to index
      %get3A_606 = arith.constant 0 : index
      %get3A_607 = tpu.vector_load %arg6[%get3A_604, %get3A_605, %get3A_606] {strides = array<i32>} : memref<2x16x128xi32, #tpu.memory_space<vmem>>, vector<16xi32>,
      %get3A_608 = arith.constant 0 : i32
      %get3A_609 = arith.index_cast %get3A_608 : i32 to index
      %get3A_610 = arith.index_cast %add3A_603 : i32 to index
      %get3A_611 = arith.constant 0 : index
      %get3A_612 = tpu.vector_load %arg7[%get3A_609, %get3A_610, %get3A_611] {strides = array<i32>} : memref<2x16x128xi32, #tpu.memory_space<vmem>>, vector<16xi32>,
      %eq3A = arith.cmpi eq, %get3A_607, %get3A_612 : vector<16xi32>
      %select_n3A = arith.select %eq3A, %broadcast_in_dim3A_3, %get3A_607 : vector<16xi1>, vector<16xi32>
      %swap3A = arith.constant 0 : i32
      %swap3A_613 = arith.index_cast %swap3A : i32 to index
      %swap3A_614 = arith.index_cast %add3A_603 : i32 to index
      %swap3A_615 = arith.constant 0 : index
      %swap3A_616 = tpu.vector_load %arg6[%swap3A_613, %swap3A_614, %swap3A_615] {strides = array<i32>} : memref<2x16x128xi32, #tpu.memory_space<vmem>>, vector<16xi32>,
      tpu.vector_store %arg6[%swap3A_613, %swap3A_614, %swap3A_615], %select_n3A {strides = array<i32>} : memref<2x16x128xi32, #tpu.memory_space<vmem>>, vector<16xi32>,
      %get3A_617 = arith.constant 0 : i32
      %get3A_618 = arith.index_cast %get3A_617 : i32 to index
      %get3A_619 = arith.index_cast %add3A_603 : i32 to index
      %get3A_620 = arith.constant 16 : index
      %get3A_621 = tpu.vector_load %arg6[%get3A_618, %get3A_619, %get3A_620] {strides = array<i32>} : memref<2x16x128xi32, #tpu.memory_space<vmem>>, vector<16xi32>,
      %get3A_622 = arith.constant 0 : i32
      %get3A_623 = arith.index_cast %get3A_622 : i32 to index
      %get3A_624 = arith.index_cast %add3A_603 : i32 to index
      %get3A_625 = arith.constant 16 : index
      %get3A_626 = tpu.vector_load %arg7[%get3A_623, %get3A_624, %get3A_625] {strides = array<i32>} : memref<2x16x128xi32, #tpu.memory_space<vmem>>, vector<16xi32>,
      %eq3A_627 = arith.cmpi eq, %get3A_621, %get3A_626 : vector<16xi32>
      %select_n3A_628 = arith.select %eq3A_627, %broadcast_in_dim3A_3, %get3A_621 : vector<16xi1>, vector<16xi32>
      %swap3A_629 = arith.constant 0 : i32
      %swap3A_630 = arith.index_cast %swap3A_629 : i32 to index
      %swap3A_631 = arith.index_cast %add3A_603 : i32 to index
      %swap3A_632 = arith.constant 16 : index
      %swap3A_633 = tpu.vector_load %arg6[%swap3A_630, %swap3A_631, %swap3A_632] {strides = array<i32>} : memref<2x16x128xi32, #tpu.memory_space<vmem>>, vector<16xi32>,
      tpu.vector_store %arg6[%swap3A_630, %swap3A_631, %swap3A_632], %select_n3A_628 {strides = array<i32>} : memref<2x16x128xi32, #tpu.memory_space<vmem>>, vector<16xi32>,
      %get3A_634 = arith.constant 0 : i32
      %get3A_635 = arith.index_cast %get3A_634 : i32 to index
      %get3A_636 = arith.index_cast %add3A_603 : i32 to index
      %get3A_637 = arith.constant 32 : index
      %get3A_638 = tpu.vector_load %arg6[%get3A_635, %get3A_636, %get3A_637] {strides = array<i32>} : memref<2x16x128xi32, #tpu.memory_space<vmem>>, vector<16xi32>,
      %get3A_639 = arith.constant 0 : i32
      %get3A_640 = arith.index_cast %get3A_639 : i32 to index
      %get3A_641 = arith.index_cast %add3A_603 : i32 to index
      %get3A_642 = arith.constant 32 : index
      %get3A_643 = tpu.vector_load %arg7[%get3A_640, %get3A_641, %get3A_642] {strides = array<i32>} : memref<2x16x128xi32, #tpu.memory_space<vmem>>, vector<16xi32>,
      %eq3A_644 = arith.cmpi eq, %get3A_638, %get3A_643 : vector<16xi32>
      %select_n3A_645 = arith.select %eq3A_644, %broadcast_in_dim3A_3, %get3A_638 : vector<16xi1>, vector<16xi32>
      %swap3A_646 = arith.constant 0 : i32
      %swap3A_647 = arith.index_cast %swap3A_646 : i32 to index
      %swap3A_648 = arith.index_cast %add3A_603 : i32 to index
      %swap3A_649 = arith.constant 32 : index
      %swap3A_650 = tpu.vector_load %arg6[%swap3A_647, %swap3A_648, %swap3A_649] {strides = array<i32>} : memref<2x16x128xi32, #tpu.memory_space<vmem>>, vector<16xi32>,
      tpu.vector_store %arg6[%swap3A_647, %swap3A_648, %swap3A_649], %select_n3A_645 {strides = array<i32>} : memref<2x16x128xi32, #tpu.memory_space<vmem>>, vector<16xi32>,
      %get3A_651 = arith.constant 0 : i32
      %get3A_652 = arith.index_cast %get3A_651 : i32 to index
      %get3A_653 = arith.index_cast %add3A_603 : i32 to index
      %get3A_654 = arith.constant 48 : index
      %get3A_655 = tpu.vector_load %arg6[%get3A_652, %get3A_653, %get3A_654] {strides = array<i32>} : memref<2x16x128xi32, #tpu.memory_space<vmem>>, vector<16xi32>,
      %get3A_656 = arith.constant 0 : i32
      %get3A_657 = arith.index_cast %get3A_656 : i32 to index
      %get3A_658 = arith.index_cast %add3A_603 : i32 to index
      %get3A_659 = arith.constant 48 : index
      %get3A_660 = tpu.vector_load %arg7[%get3A_657, %get3A_658, %get3A_659] {strides = array<i32>} : memref<2x16x128xi32, #tpu.memory_space<vmem>>, vector<16xi32>,
      %eq3A_661 = arith.cmpi eq, %get3A_655, %get3A_660 : vector<16xi32>
      %select_n3A_662 = arith.select %eq3A_661, %broadcast_in_dim3A_3, %get3A_655 : vector<16xi1>, vector<16xi32>
      %swap3A_663 = arith.constant 0 : i32
      %swap3A_664 = arith.index_cast %swap3A_663 : i32 to index
      %swap3A_665 = arith.index_cast %add3A_603 : i32 to index
      %swap3A_666 = arith.constant 48 : index
      %swap3A_667 = tpu.vector_load %arg6[%swap3A_664, %swap3A_665, %swap3A_666] {strides = array<i32>} : memref<2x16x128xi32, #tpu.memory_space<vmem>>, vector<16xi32>,
      tpu.vector_store %arg6[%swap3A_664, %swap3A_665, %swap3A_666], %select_n3A_662 {strides = array<i32>} : memref<2x16x128xi32, #tpu.memory_space<vmem>>, vector<16xi32>,
      %get3A_668 = arith.constant 0 : i32
      %get3A_669 = arith.index_cast %get3A_668 : i32 to index
      %get3A_670 = arith.index_cast %add3A_603 : i32 to index
      %get3A_671 = arith.constant 64 : index
      %get3A_672 = tpu.vector_load %arg6[%get3A_669, %get3A_670, %get3A_671] {strides = array<i32>} : memref<2x16x128xi32, #tpu.memory_space<vmem>>, vector<16xi32>,
      %get3A_673 = arith.constant 0 : i32
      %get3A_674 = arith.index_cast %get3A_673 : i32 to index
      %get3A_675 = arith.index_cast %add3A_603 : i32 to index
      %get3A_676 = arith.constant 64 : index
      %get3A_677 = tpu.vector_load %arg7[%get3A_674, %get3A_675, %get3A_676] {strides = array<i32>} : memref<2x16x128xi32, #tpu.memory_space<vmem>>, vector<16xi32>,
      %eq3A_678 = arith.cmpi eq, %get3A_672, %get3A_677 : vector<16xi32>
      %select_n3A_679 = arith.select %eq3A_678, %broadcast_in_dim3A_3, %get3A_672 : vector<16xi1>, vector<16xi32>
      %swap3A_680 = arith.constant 0 : i32
      %swap3A_681 = arith.index_cast %swap3A_680 : i32 to index
      %swap3A_682 = arith.index_cast %add3A_603 : i32 to index
      %swap3A_683 = arith.constant 64 : index
      %swap3A_684 = tpu.vector_load %arg6[%swap3A_681, %swap3A_682, %swap3A_683] {strides = array<i32>} : memref<2x16x128xi32, #tpu.memory_space<vmem>>, vector<16xi32>,
      tpu.vector_store %arg6[%swap3A_681, %swap3A_682, %swap3A_683], %select_n3A_679 {strides = array<i32>} : memref<2x16x128xi32, #tpu.memory_space<vmem>>, vector<16xi32>,
      %get3A_685 = arith.constant 0 : i32
      %get3A_686 = arith.index_cast %get3A_685 : i32 to index
      %get3A_687 = arith.index_cast %add3A_603 : i32 to index
      %get3A_688 = arith.constant 80 : index
      %get3A_689 = tpu.vector_load %arg6[%get3A_686, %get3A_687, %get3A_688] {strides = array<i32>} : memref<2x16x128xi32, #tpu.memory_space<vmem>>, vector<16xi32>,
      %get3A_690 = arith.constant 0 : i32
      %get3A_691 = arith.index_cast %get3A_690 : i32 to index
      %get3A_692 = arith.index_cast %add3A_603 : i32 to index
      %get3A_693 = arith.constant 80 : index
      %get3A_694 = tpu.vector_load %arg7[%get3A_691, %get3A_692, %get3A_693] {strides = array<i32>} : memref<2x16x128xi32, #tpu.memory_space<vmem>>, vector<16xi32>,
      %eq3A_695 = arith.cmpi eq, %get3A_689, %get3A_694 : vector<16xi32>
      %select_n3A_696 = arith.select %eq3A_695, %broadcast_in_dim3A_3, %get3A_689 : vector<16xi1>, vector<16xi32>
      %swap3A_697 = arith.constant 0 : i32
      %swap3A_698 = arith.index_cast %swap3A_697 : i32 to index
      %swap3A_699 = arith.index_cast %add3A_603 : i32 to index
      %swap3A_700 = arith.constant 80 : index
      %swap3A_701 = tpu.vector_load %arg6[%swap3A_698, %swap3A_699, %swap3A_700] {strides = array<i32>} : memref<2x16x128xi32, #tpu.memory_space<vmem>>, vector<16xi32>,
      tpu.vector_store %arg6[%swap3A_698, %swap3A_699, %swap3A_700], %select_n3A_696 {strides = array<i32>} : memref<2x16x128xi32, #tpu.memory_space<vmem>>, vector<16xi32>,
      %get3A_702 = arith.constant 0 : i32
      %get3A_703 = arith.index_cast %get3A_702 : i32 to index
      %get3A_704 = arith.index_cast %add3A_603 : i32 to index
      %get3A_705 = arith.constant 96 : index
      %get3A_706 = tpu.vector_load %arg6[%get3A_703, %get3A_704, %get3A_705] {strides = array<i32>} : memref<2x16x128xi32, #tpu.memory_space<vmem>>, vector<16xi32>,
      %get3A_707 = arith.constant 0 : i32
      %get3A_708 = arith.index_cast %get3A_707 : i32 to index
      %get3A_709 = arith.index_cast %add3A_603 : i32 to index
      %get3A_710 = arith.constant 96 : index
      %get3A_711 = tpu.vector_load %arg7[%get3A_708, %get3A_709, %get3A_710] {strides = array<i32>} : memref<2x16x128xi32, #tpu.memory_space<vmem>>, vector<16xi32>,
      %eq3A_712 = arith.cmpi eq, %get3A_706, %get3A_711 : vector<16xi32>
      %select_n3A_713 = arith.select %eq3A_712, %broadcast_in_dim3A_3, %get3A_706 : vector<16xi1>, vector<16xi32>
      %swap3A_714 = arith.constant 0 : i32
      %swap3A_715 = arith.index_cast %swap3A_714 : i32 to index
      %swap3A_716 = arith.index_cast %add3A_603 : i32 to index
      %swap3A_717 = arith.constant 96 : index
      %swap3A_718 = tpu.vector_load %arg6[%swap3A_715, %swap3A_716, %swap3A_717] {strides = array<i32>} : memref<2x16x128xi32, #tpu.memory_space<vmem>>, vector<16xi32>,
      tpu.vector_store %arg6[%swap3A_715, %swap3A_716, %swap3A_717], %select_n3A_713 {strides = array<i32>} : memref<2x16x128xi32, #tpu.memory_space<vmem>>, vector<16xi32>,
      %get3A_719 = arith.constant 0 : i32
      %get3A_720 = arith.index_cast %get3A_719 : i32 to index
      %get3A_721 = arith.index_cast %add3A_603 : i32 to index
      %get3A_722 = arith.constant 112 : index
      %get3A_723 = tpu.vector_load %arg6[%get3A_720, %get3A_721, %get3A_722] {strides = array<i32>} : memref<2x16x128xi32, #tpu.memory_space<vmem>>, vector<16xi32>,
      %get3A_724 = arith.constant 0 : i32
      %get3A_725 = arith.index_cast %get3A_724 : i32 to index
      %get3A_726 = arith.index_cast %add3A_603 : i32 to index
      %get3A_727 = arith.constant 112 : index
      %get3A_728 = tpu.vector_load %arg7[%get3A_725, %get3A_726, %get3A_727] {strides = array<i32>} : memref<2x16x128xi32, #tpu.memory_space<vmem>>, vector<16xi32>,
      %eq3A_729 = arith.cmpi eq, %get3A_723, %get3A_728 : vector<16xi32>
      %select_n3A_730 = arith.select %eq3A_729, %broadcast_in_dim3A_3, %get3A_723 : vector<16xi1>, vector<16xi32>
      %swap3A_731 = arith.constant 0 : i32
      %swap3A_732 = arith.index_cast %swap3A_731 : i32 to index
      %swap3A_733 = arith.index_cast %add3A_603 : i32 to index
      %swap3A_734 = arith.constant 112 : index
      %swap3A_735 = tpu.vector_load %arg6[%swap3A_732, %swap3A_733, %swap3A_734] {strides = array<i32>} : memref<2x16x128xi32, #tpu.memory_space<vmem>>, vector<16xi32>,
      tpu.vector_store %arg6[%swap3A_732, %swap3A_733, %swap3A_734], %select_n3A_730 {strides = array<i32>} : memref<2x16x128xi32, #tpu.memory_space<vmem>>, vector<16xi32>,
    }
    %scan3A_494 = arith.constant 16 : i32
    %dma_start3A_495 = arith.constant 0 : i32
    %dma_start3A_496 = arith.constant 0 : i32
    %dma_start3A_497 = arith.constant 0 : i32
    %dma_start3A_498 = tpu.memref_slice %arg6[%dma_start3A_495, %dma_start3A_496, %dma_start3A_497] : memref<2x16x128xi32, #tpu.memory_space<vmem>> -> memref<1x1x128xi32, #tpu.memory_space<vmem>>
    %dma_start3A_499 = tpu.memref_squeeze %dma_start3A_498 : memref<1x1x128xi32, #tpu.memory_space<vmem>> -> memref<128xi32, #tpu.memory_space<vmem>>
    %dma_start3A_500 = arith.constant 0 : i32
    %dma_start3A_501 = arith.constant 0 : i32
    %dma_start3A_502 = tpu.memref_slice %arg3[%dma_start3A_500, %dma_start3A_501] : memref<10240x128xf32, #tpu.memory_space<hbm>> -> memref<10240x128xf32, #tpu.memory_space<hbm>>
    tpu.enqueue_indirect_dma source(%dma_start3A_502 : memref<10240x128xf32, #tpu.memory_space<hbm>>) target(%arg8 : memref<128x128xf32, #tpu.memory_space<vmem>>) offsets(%dma_start3A_499 : memref<128xi32, #tpu.memory_space<vmem>>) semaphore(%arg11 : memref<!tpu.dma_semaphore, #tpu.memory_space<semaphore_mem>>)
    %scan3A_503 = arith.constant 0 : i32
    %scan3A_504 = arith.constant 8 : i32
    %scan3A_505 = arith.addi %scan3A_503, %scan3A_504 : i32
    %scan3A_506 = arith.constant 1 : i32
    scf.for %scan3A_599 = %scan3A_503 to %scan3A_505 step %scan3A_506  : i32 {
      %mul3A_600 = arith.constant 2 : i32
      %mul3A_601 = arith.muli %scan3A_599, %mul3A_600 : i32
      %add3A_602 = arith.constant 0 : i32
      %add3A_603 = arith.addi %add3A_602, %mul3A_601 : i32
      %add3A_604 = arith.constant 1 : i32
      %add3A_605 = arith.addi %add3A_603, %add3A_604 : i32
      %dma_start3A_606 = arith.constant 0 : i32
      %dma_start3A_607 = arith.constant 0 : i32
      %dma_start3A_608 = tpu.memref_slice %arg6[%dma_start3A_606, %add3A_605, %dma_start3A_607] : memref<2x16x128xi32, #tpu.memory_space<vmem>> -> memref<1x1x128xi32, #tpu.memory_space<vmem>>
      %dma_start3A_609 = tpu.memref_squeeze %dma_start3A_608 : memref<1x1x128xi32, #tpu.memory_space<vmem>> -> memref<128xi32, #tpu.memory_space<vmem>>
      %dma_start3A_610 = arith.constant 0 : i32
      %dma_start3A_611 = arith.constant 0 : i32
      %dma_start3A_612 = tpu.memref_slice %arg3[%dma_start3A_610, %dma_start3A_611] : memref<10240x128xf32, #tpu.memory_space<hbm>> -> memref<10240x128xf32, #tpu.memory_space<hbm>>
      tpu.enqueue_indirect_dma source(%dma_start3A_612 : memref<10240x128xf32, #tpu.memory_space<hbm>>) target(%arg9 : memref<128x128xf32, #tpu.memory_space<vmem>>) offsets(%dma_start3A_609 : memref<128xi32, #tpu.memory_space<vmem>>) semaphore(%arg12 : memref<!tpu.dma_semaphore, #tpu.memory_space<semaphore_mem>>)
      %dma_wait3A_613 = arith.constant 0 : i32
      %dma_wait3A_614 = arith.constant 0 : i32
      %dma_wait3A_615 = tpu.memref_slice %arg6[%dma_wait3A_613, %add3A_603, %dma_wait3A_614] : memref<2x16x128xi32, #tpu.memory_space<vmem>> -> memref<1x1x128xi32, #tpu.memory_space<vmem>>
      %dma_wait3A_616 = tpu.memref_squeeze %dma_wait3A_615 : memref<1x1x128xi32, #tpu.memory_space<vmem>> -> memref<128xi32, #tpu.memory_space<vmem>>
      %dma_wait3A_617 = arith.constant 0 : i32
      %dma_wait3A_618 = arith.constant 0 : i32
      %dma_wait3A_619 = tpu.memref_slice %arg3[%dma_wait3A_617, %dma_wait3A_618] : memref<10240x128xf32, #tpu.memory_space<hbm>> -> memref<10240x128xf32, #tpu.memory_space<hbm>>
      tpu.wait_indirect_dma semaphore(%arg11 : memref<!tpu.dma_semaphore, #tpu.memory_space<semaphore_mem>>) src(%dma_wait3A_619 : memref<10240x128xf32, #tpu.memory_space<hbm>>) dst(%arg8 : memref<128x128xf32, #tpu.memory_space<vmem>>)
      %run_scoped3A = arith.constant 0 : i32
      "tpu.region"() ({
        %run_scoped3A_636 = tpu.sem_alloc : memref<!tpu.dma_semaphore, #tpu.memory_space<semaphore_mem>>
        %dma_start3A_637 = arith.constant 0 : i32
        %dma_start3A_638 = tpu.memref_slice %arg7[%run_scoped3A, %add3A_603, %dma_start3A_637] : memref<2x16x128xi32, #tpu.memory_space<vmem>> -> memref<1x1x128xi32, #tpu.memory_space<vmem>>
        %dma_start3A_639 = tpu.memref_squeeze %dma_start3A_638 : memref<1x1x128xi32, #tpu.memory_space<vmem>> -> memref<128xi32, #tpu.memory_space<vmem>>
        %dma_start3A_640 = arith.constant 0 : i32
        %dma_start3A_641 = arith.constant 0 : i32
        %dma_start3A_642 = tpu.memref_slice %arg5[%dma_start3A_640, %dma_start3A_641] : memref<10240x128xf32, #tpu.memory_space<vmem_shared>> -> memref<10240x128xf32, #tpu.memory_space<vmem_shared>>
        tpu.enqueue_indirect_dma source(%arg8 : memref<128x128xf32, #tpu.memory_space<vmem>>) target(%dma_start3A_642 : memref<10240x128xf32, #tpu.memory_space<vmem_shared>>) offsets(%dma_start3A_639 : memref<128xi32, #tpu.memory_space<vmem>>) semaphore(%run_scoped3A_636 : memref<!tpu.dma_semaphore, #tpu.memory_space<semaphore_mem>>) {add = true}
        %dma_wait3A_643 = arith.constant 0 : i32
        %dma_wait3A_644 = tpu.memref_slice %arg7[%run_scoped3A, %add3A_603, %dma_wait3A_643] : memref<2x16x128xi32, #tpu.memory_space<vmem>> -> memref<1x1x128xi32, #tpu.memory_space<vmem>>
        %dma_wait3A_645 = tpu.memref_squeeze %dma_wait3A_644 : memref<1x1x128xi32, #tpu.memory_space<vmem>> -> memref<128xi32, #tpu.memory_space<vmem>>
        %dma_wait3A_646 = arith.constant 0 : i32
        %dma_wait3A_647 = arith.constant 0 : i32
        %dma_wait3A_648 = tpu.memref_slice %arg5[%dma_wait3A_646, %dma_wait3A_647] : memref<10240x128xf32, #tpu.memory_space<vmem_shared>> -> memref<10240x128xf32, #tpu.memory_space<vmem_shared>>
        tpu.wait_indirect_dma semaphore(%run_scoped3A_636 : memref<!tpu.dma_semaphore, #tpu.memory_space<semaphore_mem>>) src(%arg8 : memref<128x128xf32, #tpu.memory_space<vmem>>) dst(%dma_wait3A_648 : memref<10240x128xf32, #tpu.memory_space<vmem_shared>>)
        tpu.yield
      }) : () -> ()
      %add3A_620 = arith.constant 2 : i32
      %add3A_621 = arith.addi %add3A_603, %add3A_620 : i32
      %lt3A = arith.constant 16 : i32
      %lt3A_622 = arith.cmpi slt, %add3A_621, %lt3A : i32
      %convert_element_type3A = arith.extui %lt3A_622 : i1 to i32
      %cond3A = arith.constant 0 : i32
      %cond3A_623 = arith.cmpi ne, %convert_element_type3A, %cond3A : i32
      scf.if %cond3A_623 {
        %add3A_636 = arith.constant 2 : i32
        %add3A_637 = arith.addi %add3A_603, %add3A_636 : i32
        %dma_start3A_638 = arith.constant 0 : i32
        %dma_start3A_639 = arith.constant 0 : i32
        %dma_start3A_640 = tpu.memref_slice %arg6[%dma_start3A_638, %add3A_637, %dma_start3A_639] : memref<2x16x128xi32, #tpu.memory_space<vmem>> -> memref<1x1x128xi32, #tpu.memory_space<vmem>>
        %dma_start3A_641 = tpu.memref_squeeze %dma_start3A_640 : memref<1x1x128xi32, #tpu.memory_space<vmem>> -> memref<128xi32, #tpu.memory_space<vmem>>
        %dma_start3A_642 = arith.constant 0 : i32
        %dma_start3A_643 = arith.constant 0 : i32
        %dma_start3A_644 = tpu.memref_slice %arg3[%dma_start3A_642, %dma_start3A_643] : memref<10240x128xf32, #tpu.memory_space<hbm>> -> memref<10240x128xf32, #tpu.memory_space<hbm>>
        tpu.enqueue_indirect_dma source(%dma_start3A_644 : memref<10240x128xf32, #tpu.memory_space<hbm>>) target(%arg8 : memref<128x128xf32, #tpu.memory_space<vmem>>) offsets(%dma_start3A_641 : memref<128xi32, #tpu.memory_space<vmem>>) semaphore(%arg11 : memref<!tpu.dma_semaphore, #tpu.memory_space<semaphore_mem>>)
      } else {
      }
      %add3A_624 = arith.constant 1 : i32
      %add3A_625 = arith.addi %add3A_603, %add3A_624 : i32
      %dma_wait3A_626 = arith.constant 0 : i32
      %dma_wait3A_627 = arith.constant 0 : i32
      %dma_wait3A_628 = tpu.memref_slice %arg6[%dma_wait3A_626, %add3A_625, %dma_wait3A_627] : memref<2x16x128xi32, #tpu.memory_space<vmem>> -> memref<1x1x128xi32, #tpu.memory_space<vmem>>
      %dma_wait3A_629 = tpu.memref_squeeze %dma_wait3A_628 : memref<1x1x128xi32, #tpu.memory_space<vmem>> -> memref<128xi32, #tpu.memory_space<vmem>>
      %dma_wait3A_630 = arith.constant 0 : i32
      %dma_wait3A_631 = arith.constant 0 : i32
      %dma_wait3A_632 = tpu.memref_slice %arg3[%dma_wait3A_630, %dma_wait3A_631] : memref<10240x128xf32, #tpu.memory_space<hbm>> -> memref<10240x128xf32, #tpu.memory_space<hbm>>
      tpu.wait_indirect_dma semaphore(%arg12 : memref<!tpu.dma_semaphore, #tpu.memory_space<semaphore_mem>>) src(%dma_wait3A_632 : memref<10240x128xf32, #tpu.memory_space<hbm>>) dst(%arg9 : memref<128x128xf32, #tpu.memory_space<vmem>>)
      %add3A_633 = arith.constant 1 : i32
      %add3A_634 = arith.addi %add3A_603, %add3A_633 : i32
      %run_scoped3A_635 = arith.constant 0 : i32
      "tpu.region"() ({
        %run_scoped3A_636 = tpu.sem_alloc : memref<!tpu.dma_semaphore, #tpu.memory_space<semaphore_mem>>
        %dma_start3A_637 = arith.constant 0 : i32
        %dma_start3A_638 = tpu.memref_slice %arg7[%run_scoped3A_635, %add3A_634, %dma_start3A_637] : memref<2x16x128xi32, #tpu.memory_space<vmem>> -> memref<1x1x128xi32, #tpu.memory_space<vmem>>
        %dma_start3A_639 = tpu.memref_squeeze %dma_start3A_638 : memref<1x1x128xi32, #tpu.memory_space<vmem>> -> memref<128xi32, #tpu.memory_space<vmem>>
        %dma_start3A_640 = arith.constant 0 : i32
        %dma_start3A_641 = arith.constant 0 : i32
        %dma_start3A_642 = tpu.memref_slice %arg5[%dma_start3A_640, %dma_start3A_641] : memref<10240x128xf32, #tpu.memory_space<vmem_shared>> -> memref<10240x128xf32, #tpu.memory_space<vmem_shared>>
        tpu.enqueue_indirect_dma source(%arg9 : memref<128x128xf32, #tpu.memory_space<vmem>>) target(%dma_start3A_642 : memref<10240x128xf32, #tpu.memory_space<vmem_shared>>) offsets(%dma_start3A_639 : memref<128xi32, #tpu.memory_space<vmem>>) semaphore(%run_scoped3A_636 : memref<!tpu.dma_semaphore, #tpu.memory_space<semaphore_mem>>) {add = true}
        %dma_wait3A_643 = arith.constant 0 : i32
        %dma_wait3A_644 = tpu.memref_slice %arg7[%run_scoped3A_635, %add3A_634, %dma_wait3A_643] : memref<2x16x128xi32, #tpu.memory_space<vmem>> -> memref<1x1x128xi32, #tpu.memory_space<vmem>>
        %dma_wait3A_645 = tpu.memref_squeeze %dma_wait3A_644 : memref<1x1x128xi32, #tpu.memory_space<vmem>> -> memref<128xi32, #tpu.memory_space<vmem>>
        %dma_wait3A_646 = arith.constant 0 : i32
        %dma_wait3A_647 = arith.constant 0 : i32
        %dma_wait3A_648 = tpu.memref_slice %arg5[%dma_wait3A_646, %dma_wait3A_647] : memref<10240x128xf32, #tpu.memory_space<vmem_shared>> -> memref<10240x128xf32, #tpu.memory_space<vmem_shared>>
        tpu.wait_indirect_dma semaphore(%run_scoped3A_636 : memref<!tpu.dma_semaphore, #tpu.memory_space<semaphore_mem>>) src(%arg9 : memref<128x128xf32, #tpu.memory_space<vmem>>) dst(%dma_wait3A_648 : memref<10240x128xf32, #tpu.memory_space<vmem_shared>>)
        tpu.yield
      }) : () -> ()
    }
    %scan3A_507 = arith.constant 8 : i32
    %barrier3A_508 = arith.constant 0 : index
    tpu.barrier barrier_id(%barrier3A_508)
    %add3A_509 = arith.constant 0 : i32
    %add3A_510 = arith.addi %mul3A_9, %add3A_509 : i32
    %dma_start3A_511 = arith.constant 0 : i32
    %dma_start3A_512 = arith.constant 0 : i32
    %dma_start3A_513 = tpu.memref_slice %arg4[%arg0, %dma_start3A_511, %dma_start3A_512] : memref<2x10240x128xf32, #tpu.memory_space<hbm>> -> memref<1x10240x128xf32, #tpu.memory_space<hbm>>
    %dma_start3A_514 = tpu.memref_squeeze %dma_start3A_513 : memref<1x10240x128xf32, #tpu.memory_space<hbm>> -> memref<10240x128xf32, #tpu.memory_space<hbm>>
    %dma_start3A_515 = arith.constant 0 : i32
    %dma_start3A_516 = tpu.memref_slice %dma_start3A_514[%add3A_510, %dma_start3A_515] : memref<10240x128xf32, #tpu.memory_space<hbm>> -> memref<128x128xf32, #tpu.memory_space<hbm>>
    %dma_start3A_517 = arith.constant 0 : i32
    %dma_start3A_518 = tpu.memref_slice %arg5[%add3A_510, %dma_start3A_517] : memref<10240x128xf32, #tpu.memory_space<vmem_shared>> -> memref<128x128xf32, #tpu.memory_space<vmem_shared>>
    tpu.enqueue_dma source(%dma_start3A_518 : memref<128x128xf32, #tpu.memory_space<vmem_shared>>) target(%dma_start3A_516 : memref<128x128xf32, #tpu.memory_space<hbm>>) target_semaphore(%arg10 : memref<!tpu.dma_semaphore, #tpu.memory_space<semaphore_mem>>)
    %dma_wait3A_519 = arith.constant 0 : i32
    %dma_wait3A_520 = arith.constant 0 : i32
    %dma_wait3A_521 = tpu.memref_slice %arg4[%arg0, %dma_wait3A_519, %dma_wait3A_520] : memref<2x10240x128xf32, #tpu.memory_space<hbm>> -> memref<1x10240x128xf32, #tpu.memory_space<hbm>>
    %dma_wait3A_522 = tpu.memref_squeeze %dma_wait3A_521 : memref<1x10240x128xf32, #tpu.memory_space<hbm>> -> memref<10240x128xf32, #tpu.memory_space<hbm>>
    %dma_wait3A_523 = arith.constant 0 : i32
    %dma_wait3A_524 = tpu.memref_slice %dma_wait3A_522[%add3A_510, %dma_wait3A_523] : memref<10240x128xf32, #tpu.memory_space<hbm>> -> memref<128x128xf32, #tpu.memory_space<hbm>>
    %dma_wait3A_525 = arith.constant 0 : i32
    %dma_wait3A_526 = tpu.memref_slice %arg5[%add3A_510, %dma_wait3A_525] : memref<10240x128xf32, #tpu.memory_space<vmem_shared>> -> memref<128x128xf32, #tpu.memory_space<vmem_shared>>
    tpu.wait_dma2 semaphore(%arg10 : memref<!tpu.dma_semaphore, #tpu.memory_space<semaphore_mem>>) src(%dma_wait3A_526 : memref<128x128xf32, #tpu.memory_space<vmem_shared>>) dst(%dma_wait3A_524 : memref<128x128xf32, #tpu.memory_space<hbm>>)
    %add3A_527 = arith.constant 128 : i32
    %add3A_528 = arith.addi %mul3A_9, %add3A_527 : i32
    %dma_start3A_529 = arith.constant 0 : i32
    %dma_start3A_530 = arith.constant 0 : i32
    %dma_start3A_531 = tpu.memref_slice %arg4[%arg0, %dma_start3A_529, %dma_start3A_530] : memref<2x10240x128xf32, #tpu.memory_space<hbm>> -> memref<1x10240x128xf32, #tpu.memory_space<hbm>>
    %dma_start3A_532 = tpu.memref_squeeze %dma_start3A_531 : memref<1x10240x128xf32, #tpu.memory_space<hbm>> -> memref<10240x128xf32, #tpu.memory_space<hbm>>
    %dma_start3A_533 = arith.constant 0 : i32
    %dma_start3A_534 = tpu.memref_slice %dma_start3A_532[%add3A_528, %dma_start3A_533] : memref<10240x128xf32, #tpu.memory_space<hbm>> -> memref<128x128xf32, #tpu.memory_space<hbm>>
    %dma_start3A_535 = arith.constant 0 : i32
    %dma_start3A_536 = tpu.memref_slice %arg5[%add3A_528, %dma_start3A_535] : memref<10240x128xf32, #tpu.memory_space<vmem_shared>> -> memref<128x128xf32, #tpu.memory_space<vmem_shared>>
    tpu.enqueue_dma source(%dma_start3A_536 : memref<128x128xf32, #tpu.memory_space<vmem_shared>>) target(%dma_start3A_534 : memref<128x128xf32, #tpu.memory_space<hbm>>) target_semaphore(%arg10 : memref<!tpu.dma_semaphore, #tpu.memory_space<semaphore_mem>>)
    %dma_wait3A_537 = arith.constant 0 : i32
    %dma_wait3A_538 = arith.constant 0 : i32
    %dma_wait3A_539 = tpu.memref_slice %arg4[%arg0, %dma_wait3A_537, %dma_wait3A_538] : memref<2x10240x128xf32, #tpu.memory_space<hbm>> -> memref<1x10240x128xf32, #tpu.memory_space<hbm>>
    %dma_wait3A_540 = tpu.memref_squeeze %dma_wait3A_539 : memref<1x10240x128xf32, #tpu.memory_space<hbm>> -> memref<10240x128xf32, #tpu.memory_space<hbm>>
    %dma_wait3A_541 = arith.constant 0 : i32
    %dma_wait3A_542 = tpu.memref_slice %dma_wait3A_540[%add3A_528, %dma_wait3A_541] : memref<10240x128xf32, #tpu.memory_space<hbm>> -> memref<128x128xf32, #tpu.memory_space<hbm>>
    %dma_wait3A_543 = arith.constant 0 : i32
    %dma_wait3A_544 = tpu.memref_slice %arg5[%add3A_528, %dma_wait3A_543] : memref<10240x128xf32, #tpu.memory_space<vmem_shared>> -> memref<128x128xf32, #tpu.memory_space<vmem_shared>>
    tpu.wait_dma2 semaphore(%arg10 : memref<!tpu.dma_semaphore, #tpu.memory_space<semaphore_mem>>) src(%dma_wait3A_544 : memref<128x128xf32, #tpu.memory_space<vmem_shared>>) dst(%dma_wait3A_542 : memref<128x128xf32, #tpu.memory_space<hbm>>)
    %add3A_545 = arith.constant 256 : i32
    %add3A_546 = arith.addi %mul3A_9, %add3A_545 : i32
    %dma_start3A_547 = arith.constant 0 : i32
    %dma_start3A_548 = arith.constant 0 : i32
    %dma_start3A_549 = tpu.memref_slice %arg4[%arg0, %dma_start3A_547, %dma_start3A_548] : memref<2x10240x128xf32, #tpu.memory_space<hbm>> -> memref<1x10240x128xf32, #tpu.memory_space<hbm>>
    %dma_start3A_550 = tpu.memref_squeeze %dma_start3A_549 : memref<1x10240x128xf32, #tpu.memory_space<hbm>> -> memref<10240x128xf32, #tpu.memory_space<hbm>>
    %dma_start3A_551 = arith.constant 0 : i32
    %dma_start3A_552 = tpu.memref_slice %dma_start3A_550[%add3A_546, %dma_start3A_551] : memref<10240x128xf32, #tpu.memory_space<hbm>> -> memref<128x128xf32, #tpu.memory_space<hbm>>
    %dma_start3A_553 = arith.constant 0 : i32
    %dma_start3A_554 = tpu.memref_slice %arg5[%add3A_546, %dma_start3A_553] : memref<10240x128xf32, #tpu.memory_space<vmem_shared>> -> memref<128x128xf32, #tpu.memory_space<vmem_shared>>
    tpu.enqueue_dma source(%dma_start3A_554 : memref<128x128xf32, #tpu.memory_space<vmem_shared>>) target(%dma_start3A_552 : memref<128x128xf32, #tpu.memory_space<hbm>>) target_semaphore(%arg10 : memref<!tpu.dma_semaphore, #tpu.memory_space<semaphore_mem>>)
    %dma_wait3A_555 = arith.constant 0 : i32
    %dma_wait3A_556 = arith.constant 0 : i32
    %dma_wait3A_557 = tpu.memref_slice %arg4[%arg0, %dma_wait3A_555, %dma_wait3A_556] : memref<2x10240x128xf32, #tpu.memory_space<hbm>> -> memref<1x10240x128xf32, #tpu.memory_space<hbm>>
    %dma_wait3A_558 = tpu.memref_squeeze %dma_wait3A_557 : memref<1x10240x128xf32, #tpu.memory_space<hbm>> -> memref<10240x128xf32, #tpu.memory_space<hbm>>
    %dma_wait3A_559 = arith.constant 0 : i32
    %dma_wait3A_560 = tpu.memref_slice %dma_wait3A_558[%add3A_546, %dma_wait3A_559] : memref<10240x128xf32, #tpu.memory_space<hbm>> -> memref<128x128xf32, #tpu.memory_space<hbm>>
    %dma_wait3A_561 = arith.constant 0 : i32
    %dma_wait3A_562 = tpu.memref_slice %arg5[%add3A_546, %dma_wait3A_561] : memref<10240x128xf32, #tpu.memory_space<vmem_shared>> -> memref<128x128xf32, #tpu.memory_space<vmem_shared>>
    tpu.wait_dma2 semaphore(%arg10 : memref<!tpu.dma_semaphore, #tpu.memory_space<semaphore_mem>>) src(%dma_wait3A_562 : memref<128x128xf32, #tpu.memory_space<vmem_shared>>) dst(%dma_wait3A_560 : memref<128x128xf32, #tpu.memory_space<hbm>>)
    %add3A_563 = arith.constant 384 : i32
    %add3A_564 = arith.addi %mul3A_9, %add3A_563 : i32
    %dma_start3A_565 = arith.constant 0 : i32
    %dma_start3A_566 = arith.constant 0 : i32
    %dma_start3A_567 = tpu.memref_slice %arg4[%arg0, %dma_start3A_565, %dma_start3A_566] : memref<2x10240x128xf32, #tpu.memory_space<hbm>> -> memref<1x10240x128xf32, #tpu.memory_space<hbm>>
    %dma_start3A_568 = tpu.memref_squeeze %dma_start3A_567 : memref<1x10240x128xf32, #tpu.memory_space<hbm>> -> memref<10240x128xf32, #tpu.memory_space<hbm>>
    %dma_start3A_569 = arith.constant 0 : i32
    %dma_start3A_570 = tpu.memref_slice %dma_start3A_568[%add3A_564, %dma_start3A_569] : memref<10240x128xf32, #tpu.memory_space<hbm>> -> memref<128x128xf32, #tpu.memory_space<hbm>>
    %dma_start3A_571 = arith.constant 0 : i32
    %dma_start3A_572 = tpu.memref_slice %arg5[%add3A_564, %dma_start3A_571] : memref<10240x128xf32, #tpu.memory_space<vmem_shared>> -> memref<128x128xf32, #tpu.memory_space<vmem_shared>>
    tpu.enqueue_dma source(%dma_start3A_572 : memref<128x128xf32, #tpu.memory_space<vmem_shared>>) target(%dma_start3A_570 : memref<128x128xf32, #tpu.memory_space<hbm>>) target_semaphore(%arg10 : memref<!tpu.dma_semaphore, #tpu.memory_space<semaphore_mem>>)
    %dma_wait3A_573 = arith.constant 0 : i32
    %dma_wait3A_574 = arith.constant 0 : i32
    %dma_wait3A_575 = tpu.memref_slice %arg4[%arg0, %dma_wait3A_573, %dma_wait3A_574] : memref<2x10240x128xf32, #tpu.memory_space<hbm>> -> memref<1x10240x128xf32, #tpu.memory_space<hbm>>
    %dma_wait3A_576 = tpu.memref_squeeze %dma_wait3A_575 : memref<1x10240x128xf32, #tpu.memory_space<hbm>> -> memref<10240x128xf32, #tpu.memory_space<hbm>>
    %dma_wait3A_577 = arith.constant 0 : i32
    %dma_wait3A_578 = tpu.memref_slice %dma_wait3A_576[%add3A_564, %dma_wait3A_577] : memref<10240x128xf32, #tpu.memory_space<hbm>> -> memref<128x128xf32, #tpu.memory_space<hbm>>
    %dma_wait3A_579 = arith.constant 0 : i32
    %dma_wait3A_580 = tpu.memref_slice %arg5[%add3A_564, %dma_wait3A_579] : memref<10240x128xf32, #tpu.memory_space<vmem_shared>> -> memref<128x128xf32, #tpu.memory_space<vmem_shared>>
    tpu.wait_dma2 semaphore(%arg10 : memref<!tpu.dma_semaphore, #tpu.memory_space<semaphore_mem>>) src(%dma_wait3A_580 : memref<128x128xf32, #tpu.memory_space<vmem_shared>>) dst(%dma_wait3A_578 : memref<128x128xf32, #tpu.memory_space<hbm>>)
    %add3A_581 = arith.constant 512 : i32
    %add3A_582 = arith.addi %mul3A_9, %add3A_581 : i32
    %dma_start3A_583 = arith.constant 0 : i32
    %dma_start3A_584 = arith.constant 0 : i32
    %dma_start3A_585 = tpu.memref_slice %arg4[%arg0, %dma_start3A_583, %dma_start3A_584] : memref<2x10240x128xf32, #tpu.memory_space<hbm>> -> memref<1x10240x128xf32, #tpu.memory_space<hbm>>
    %dma_start3A_586 = tpu.memref_squeeze %dma_start3A_585 : memref<1x10240x128xf32, #tpu.memory_space<hbm>> -> memref<10240x128xf32, #tpu.memory_space<hbm>>
    %dma_start3A_587 = arith.constant 0 : i32
    %dma_start3A_588 = tpu.memref_slice %dma_start3A_586[%add3A_582, %dma_start3A_587] : memref<10240x128xf32, #tpu.memory_space<hbm>> -> memref<128x128xf32, #tpu.memory_space<hbm>>
    %dma_start3A_589 = arith.constant 0 : i32
    %dma_start3A_590 = tpu.memref_slice %arg5[%add3A_582, %dma_start3A_589] : memref<10240x128xf32, #tpu.memory_space<vmem_shared>> -> memref<128x128xf32, #tpu.memory_space<vmem_shared>>
    tpu.enqueue_dma source(%dma_start3A_590 : memref<128x128xf32, #tpu.memory_space<vmem_shared>>) target(%dma_start3A_588 : memref<128x128xf32, #tpu.memory_space<hbm>>) target_semaphore(%arg10 : memref<!tpu.dma_semaphore, #tpu.memory_space<semaphore_mem>>)
    %dma_wait3A_591 = arith.constant 0 : i32
    %dma_wait3A_592 = arith.constant 0 : i32
    %dma_wait3A_593 = tpu.memref_slice %arg4[%arg0, %dma_wait3A_591, %dma_wait3A_592] : memref<2x10240x128xf32, #tpu.memory_space<hbm>> -> memref<1x10240x128xf32, #tpu.memory_space<hbm>>
    %dma_wait3A_594 = tpu.memref_squeeze %dma_wait3A_593 : memref<1x10240x128xf32, #tpu.memory_space<hbm>> -> memref<10240x128xf32, #tpu.memory_space<hbm>>
    %dma_wait3A_595 = arith.constant 0 : i32
    %dma_wait3A_596 = tpu.memref_slice %dma_wait3A_594[%add3A_582, %dma_wait3A_595] : memref<10240x128xf32, #tpu.memory_space<hbm>> -> memref<128x128xf32, #tpu.memory_space<hbm>>
    %dma_wait3A_597 = arith.constant 0 : i32
    %dma_wait3A_598 = tpu.memref_slice %arg5[%add3A_582, %dma_wait3A_597] : memref<10240x128xf32, #tpu.memory_space<vmem_shared>> -> memref<128x128xf32, #tpu.memory_space<vmem_shared>>
    tpu.wait_dma2 semaphore(%arg10 : memref<!tpu.dma_semaphore, #tpu.memory_space<semaphore_mem>>) src(%dma_wait3A_598 : memref<128x128xf32, #tpu.memory_space<vmem_shared>>) dst(%dma_wait3A_596 : memref<128x128xf32, #tpu.memory_space<hbm>>)
    return
  }
}

module attributes {stable_mosaic.version = 14 : i64} {
  func.func @_score_body(%arg0: i32, %arg1: memref<1x128xf32, #tpu.memory_space<vmem>>, %arg2: memref<2000x128xf32, #tpu.memory_space<vmem>>, %arg3: memref<2000x1xf32, #tpu.memory_space<vmem>>) attributes {dimension_semantics = [#tpu.dimension_semantics<arbitrary>], iteration_bounds = array<i64: 5>, scalar_prefetch = 0 : i64, scratch_operands = 0 : i64, tpu.core_type = #tpu.core_type<tc>, window_params = [{pipeline_mode = #tpu.pipeline_mode<synchronous>, transform_indices = @transform_0, window_bounds = array<i64: 1, 128>}, {transform_indices = @transform_1, window_bounds = array<i64: 2000, 128>}, {transform_indices = @transform_2, window_bounds = array<i64: 2000, 1>}]} {
    %get3A = arith.constant 0 : index
    %get3A_0 = arith.constant 0 : index
    %get3A_1 = vector.load %arg1[%get3A, %get3A_0] : memref<1x128xf32, #tpu.memory_space<vmem>>, vector<1x128xf32>
    %mul3A = arith.mulf %get3A_1, %get3A_1 : vector<1x128xf32>
    %reduce_sum3A = vector.shape_cast %mul3A : vector<1x128xf32> to vector<1x1x128xf32>
    %reduce_sum3A_2 = arith.constant dense<0.000000e+00> : vector<1xf32>
    %reduce_sum3A_3 = vector.multi_reduction <add>, %reduce_sum3A, %reduce_sum3A_2 [1, 2] : vector<1x1x128xf32> to vector<1xf32>
    %reduce_sum3A_4 = vector.shape_cast %reduce_sum3A_3 : vector<1xf32> to vector<1x1x1xf32>
    %reduce_sum3A_5 = vector.extract %reduce_sum3A_4[0, 0, 0] : f32 from vector<1x1x1xf32>
    %rsqrt3A = math.rsqrt %reduce_sum3A_5 : f32
    %get3A_6 = arith.constant 0 : index
    %get3A_7 = arith.constant 0 : index
    %get3A_8 = vector.load %arg2[%get3A_6, %get3A_7] : memref<2000x128xf32, #tpu.memory_space<vmem>>, vector<2000x128xf32>
    %mul3A_9 = vector.broadcast %get3A_1 : vector<1x128xf32> to vector<2000x128xf32>
    %mul3A_10 = arith.mulf %get3A_8, %mul3A_9 : vector<2000x128xf32>
    %reduce_sum3A_11 = arith.constant dense<0.000000e+00> : vector<2000xf32>
    %reduce_sum3A_12 = vector.multi_reduction <add>, %mul3A_10, %reduce_sum3A_11 [1] : vector<2000x128xf32> to vector<2000xf32>
    %broadcast_in_dim3A = vector.shape_cast %reduce_sum3A_12 : vector<2000xf32> to vector<2000x1xf32>
    %mul3A_13 = vector.broadcast %rsqrt3A : f32 to vector<2000x1xf32>
    %mul3A_14 = arith.mulf %broadcast_in_dim3A, %mul3A_13 : vector<2000x1xf32>
    %tanh3A = math.tanh %mul3A_14 : vector<2000x1xf32>
    %swap3A = arith.constant 0 : index
    %swap3A_15 = arith.constant 0 : index
    %swap3A_16 = vector.load %arg3[%swap3A, %swap3A_15] : memref<2000x1xf32, #tpu.memory_space<vmem>>, vector<2000x1xf32>
    tpu.vector_store %arg3[%swap3A, %swap3A_15], %tanh3A {strides = array<i32>} : memref<2000x1xf32, #tpu.memory_space<vmem>>, vector<2000x1xf32>,
    return
  }
  func.func @transform_0(%arg0: i32) -> (i32, i32) {
    %c0_i32 = arith.constant 0 : i32
    %c0_i32_0 = arith.constant 0 : i32
    %c0_i32_1 = arith.constant 0 : i32
    return %c0_i32, %c0_i32_0 : i32, i32
  }
  func.func @transform_1(%arg0: i32) -> (i32, i32) {
    %c0_i32 = arith.constant 0 : i32
    %c0_i32_0 = arith.constant 0 : i32
    return %arg0, %c0_i32 : i32, i32
  }
  func.func @transform_2(%arg0: i32) -> (i32, i32) {
    %c0_i32 = arith.constant 0 : i32
    %c0_i32_0 = arith.constant 0 : i32
    return %arg0, %c0_i32 : i32, i32
  }
}

module attributes {stable_mosaic.version = 14 : i64} {
  func.func @_combine_body(%arg0: i32, %arg1: memref<2x512x128xf32, #tpu.memory_space<vmem>>, %arg2: memref<512x128xf32, #tpu.memory_space<vmem>>, %arg3: memref<512x1xf32, #tpu.memory_space<vmem>>, %arg4: memref<512x128xf32, #tpu.memory_space<vmem>>) attributes {dimension_semantics = [#tpu.dimension_semantics<arbitrary>], iteration_bounds = array<i64: 20>, scalar_prefetch = 0 : i64, scratch_operands = 0 : i64, tpu.core_type = #tpu.core_type<tc>, window_params = [{transform_indices = @transform_0, window_bounds = array<i64: 2, 512, 128>}, {transform_indices = @transform_1, window_bounds = array<i64: 512, 128>}, {transform_indices = @transform_2, window_bounds = array<i64: 512, 1>}, {transform_indices = @transform_3, window_bounds = array<i64: 512, 128>}]} {
    %get3A = arith.constant 0 : index
    %get3A_0 = arith.constant 0 : index
    %get3A_1 = arith.constant 0 : index
    %get3A_2 = vector.load %arg1[%get3A, %get3A_0, %get3A_1] : memref<2x512x128xf32, #tpu.memory_space<vmem>>, vector<1x512x128xf32>
    %get3A_3 = vector.shape_cast %get3A_2 : vector<1x512x128xf32> to vector<512x128xf32>
    %get3A_4 = arith.constant 1 : index
    %get3A_5 = arith.constant 0 : index
    %get3A_6 = arith.constant 0 : index
    %get3A_7 = vector.load %arg1[%get3A_4, %get3A_5, %get3A_6] : memref<2x512x128xf32, #tpu.memory_space<vmem>>, vector<1x512x128xf32>
    %get3A_8 = vector.shape_cast %get3A_7 : vector<1x512x128xf32> to vector<512x128xf32>
    %add3A = arith.addf %get3A_3, %get3A_8 : vector<512x128xf32>
    %get3A_9 = arith.constant 0 : index
    %get3A_10 = arith.constant 0 : index
    %get3A_11 = vector.load %arg3[%get3A_9, %get3A_10] : memref<512x1xf32, #tpu.memory_space<vmem>>, vector<512x1xf32>
    %get3A_12 = arith.constant 0 : index
    %get3A_13 = arith.constant 0 : index
    %get3A_14 = vector.load %arg2[%get3A_12, %get3A_13] : memref<512x128xf32, #tpu.memory_space<vmem>>, vector<512x128xf32>
    %add3A_15 = arith.addf %add3A, %get3A_14 : vector<512x128xf32>
    %mul3A = vector.broadcast %get3A_11 : vector<512x1xf32> to vector<512x128xf32>
    %mul3A_16 = arith.mulf %mul3A, %add3A_15 : vector<512x128xf32>
    %max3A = arith.constant 0.000000e+00 : f32
    %max3A_17 = vector.broadcast %max3A : f32 to vector<512x128xf32>
    %max3A_18 = arith.maximumf %mul3A_16, %max3A_17 : vector<512x128xf32>
    %swap3A = arith.constant 0 : index
    %swap3A_19 = arith.constant 0 : index
    %swap3A_20 = vector.load %arg4[%swap3A, %swap3A_19] : memref<512x128xf32, #tpu.memory_space<vmem>>, vector<512x128xf32>
    tpu.vector_store %arg4[%swap3A, %swap3A_19], %max3A_18 {strides = array<i32>} : memref<512x128xf32, #tpu.memory_space<vmem>>, vector<512x128xf32>,
    return
  }
  func.func @transform_0(%arg0: i32) -> (i32, i32, i32) {
    %c0_i32 = arith.constant 0 : i32
    %c0_i32_0 = arith.constant 0 : i32
    %c0_i32_1 = arith.constant 0 : i32
    return %c0_i32, %arg0, %c0_i32_0 : i32, i32, i32
  }
  func.func @transform_1(%arg0: i32) -> (i32, i32) {
    %c0_i32 = arith.constant 0 : i32
    %c0_i32_0 = arith.constant 0 : i32
    return %arg0, %c0_i32 : i32, i32
  }
  func.func @transform_2(%arg0: i32) -> (i32, i32) {
    %c0_i32 = arith.constant 0 : i32
    %c0_i32_0 = arith.constant 0 : i32
    return %arg0, %c0_i32 : i32, i32
  }
  func.func @transform_3(%arg0: i32) -> (i32, i32) {
    %c0_i32 = arith.constant 0 : i32
    %c0_i32_0 = arith.constant 0 : i32
    return %arg0, %c0_i32 : i32, i32
  }
}

module attributes {stable_mosaic.version = 14 : i64} {
  func.func @_topk_gru_body(%arg0: memref<80x128xf32, #tpu.memory_space<vmem>>, %arg1: memref<10240x128xf32, #tpu.memory_space<vmem>>, %arg2: memref<384x128xf32, #tpu.memory_space<vmem>>, %arg3: memref<384x128xf32, #tpu.memory_space<vmem>>, %arg4: memref<1x384xf32, #tpu.memory_space<vmem>>, %arg5: memref<1x384xf32, #tpu.memory_space<vmem>>, %arg6: memref<128x128xf32, #tpu.memory_space<vmem>>, %arg7: memref<32x10240xf32, #tpu.memory_space<vmem>>, %arg8: memref<10240x128xf32, #tpu.memory_space<vmem>>, %arg9: memref<10240x1xf32, #tpu.memory_space<vmem>>, %arg10: memref<128x128xf32, #tpu.memory_space<vmem>>) attributes {dimension_semantics = [], scalar_prefetch = 0 : i64, scratch_operands = 1 : i64, tpu.core_type = #tpu.core_type<tc>} {
    %iota3A = tpu.iota {dimensions = array<i32: 0>} : vector<80x128xi32>
    %iota3A_0 = tpu.iota {dimensions = array<i32: 1>} : vector<80x128xi32>
    %mul3A = arith.constant 128 : i32
    %mul3A_1 = vector.broadcast %mul3A : i32 to vector<80x128xi32>
    %mul3A_2 = arith.muli %iota3A, %mul3A_1 : vector<80x128xi32>
    %add3A = arith.addi %mul3A_2, %iota3A_0 : vector<80x128xi32>
    %get3A = arith.constant 0 : index
    %get3A_3 = arith.constant 0 : index
    %get3A_4 = vector.load %arg0[%get3A, %get3A_3] : memref<80x128xf32, #tpu.memory_space<vmem>>, vector<80x128xf32>
    %scan3A = arith.constant 0 : i32
    %scan3A_5 = arith.constant 128 : i32
    %scan3A_6 = arith.addi %scan3A, %scan3A_5 : i32
    %scan3A_7 = arith.constant 1 : i32
    %scan3A_8 = scf.for %scan3A_81 = %scan3A to %scan3A_6 step %scan3A_7 iter_args(%scan3A_82 = %get3A_4) -> (vector<80x128xf32>)  : i32 {
      %reduce_max3A = vector.shape_cast %scan3A_82 : vector<80x128xf32> to vector<1x80x128xf32>
      %reduce_max3A_83 = arith.constant dense<0xFF800000> : vector<1xf32>
      %reduce_max3A_84 = vector.multi_reduction <maximumf>, %reduce_max3A, %reduce_max3A_83 [1, 2] : vector<1x80x128xf32> to vector<1xf32>
      %reduce_max3A_85 = vector.shape_cast %reduce_max3A_84 : vector<1xf32> to vector<1x1x1xf32>
      %reduce_max3A_86 = vector.extract %reduce_max3A_85[0, 0, 0] : f32 from vector<1x1x1xf32>
      %broadcast_in_dim3A_87 = vector.broadcast %reduce_max3A_86 : f32 to vector<1x1xf32>
      %eq3A = vector.broadcast %broadcast_in_dim3A_87 : vector<1x1xf32> to vector<80x128xf32>
      %eq3A_88 = arith.cmpf oeq, %scan3A_82, %eq3A : vector<80x128xf32>
      %jit3A = arith.constant 1073741824 : i32
      %broadcast_in_dim3A_89 = vector.broadcast %jit3A : i32 to vector<80x128xi32>
      %select_n3A = arith.select %eq3A_88, %add3A, %broadcast_in_dim3A_89 : vector<80x128xi1>, vector<80x128xi32>
      %reduce_min3A = vector.shape_cast %select_n3A : vector<80x128xi32> to vector<1x80x128xi32>
      %reduce_min3A_90 = arith.constant dense<2147483647> : vector<1xi32>
      %reduce_min3A_91 = vector.multi_reduction <minsi>, %reduce_min3A, %reduce_min3A_90 [1, 2] : vector<1x80x128xi32> to vector<1xi32>
      %reduce_min3A_92 = vector.shape_cast %reduce_min3A_91 : vector<1xi32> to vector<1x1x1xi32>
      %reduce_min3A_93 = vector.extract %reduce_min3A_92[0, 0, 0] : i32 from vector<1x1x1xi32>
      %broadcast_in_dim3A_94 = vector.broadcast %reduce_min3A_93 : i32 to vector<1x1xi32>
      %eq3A_95 = vector.broadcast %broadcast_in_dim3A_94 : vector<1x1xi32> to vector<80x128xi32>
      %eq3A_96 = arith.cmpi eq, %add3A, %eq3A_95 : vector<80x128xi32>
      %jit3A_97 = arith.constant -2.000000e+00 : f32
      %broadcast_in_dim3A_98 = vector.broadcast %jit3A_97 : f32 to vector<80x128xf32>
      %select_n3A_99 = arith.select %eq3A_96, %broadcast_in_dim3A_98, %scan3A_82 : vector<80x128xi1>, vector<80x128xf32>
      %squeeze3A = vector.extract %broadcast_in_dim3A_94[0, 0] : i32 from vector<1x1xi32>
      %get3A_100 = arith.index_cast %squeeze3A : i32 to index
      %get3A_101 = arith.constant 0 : index
      %get3A_102 = vector.load %arg1[%get3A_100, %get3A_101] : memref<10240x128xf32, #tpu.memory_space<vmem>>, vector<1x128xf32>
      %mul3A_103 = vector.broadcast %broadcast_in_dim3A_87 : vector<1x1xf32> to vector<1x128xf32>
      %mul3A_104 = arith.mulf %get3A_102, %mul3A_103 : vector<1x128xf32>
      %swap3A_105 = arith.index_cast %scan3A_81 : i32 to index
      %swap3A_106 = arith.constant 0 : index
      %swap3A_107 = vector.load %arg10[%swap3A_105, %swap3A_106] : memref<128x128xf32, #tpu.memory_space<vmem>>, vector<1x128xf32>
      tpu.vector_store %arg10[%swap3A_105, %swap3A_106], %mul3A_104 {strides = array<i32>} : memref<128x128xf32, #tpu.memory_space<vmem>>, vector<1x128xf32>,
      scf.yield %select_n3A_99 : vector<80x128xf32>
    }
    %scan3A_9 = arith.constant 128 : i32
    %get3A_10 = arith.constant 0 : index
    %get3A_11 = arith.constant 0 : index
    %get3A_12 = vector.load %arg10[%get3A_10, %get3A_11] : memref<128x128xf32, #tpu.memory_space<vmem>>, vector<128x128xf32>
    %get3A_13 = arith.constant 0 : index
    %get3A_14 = arith.constant 0 : index
    %get3A_15 = vector.load %arg6[%get3A_13, %get3A_14] : memref<128x128xf32, #tpu.memory_space<vmem>>, vector<128x128xf32>
    %get3A_16 = arith.constant 0 : index
    %get3A_17 = arith.constant 0 : index
    %get3A_18 = vector.load %arg2[%get3A_16, %get3A_17] : memref<384x128xf32, #tpu.memory_space<vmem>>, vector<384x128xf32>
    %dot_general3A = arith.constant dense<0.000000e+00> : vector<128x384xf32>
    %dot_general3A_19 = tpu.matmul %get3A_12, %get3A_18, %dot_general3A {dimension_numbers = #tpu.dot_dimension_numbers<[1], [1], [0], [0], [0, 0, 1, 0], [], []>, precision = #tpu.contract_precision<fp32>, transpose_lhs_hint = false} : vector<128x128xf32>, vector<384x128xf32>, vector<128x384xf32> -> vector<128x384xf32>
    %get3A_20 = arith.constant 0 : index
    %get3A_21 = arith.constant 0 : index
    %get3A_22 = vector.load %arg4[%get3A_20, %get3A_21] : memref<1x384xf32, #tpu.memory_space<vmem>>, vector<1x384xf32>
    %add3A_23 = vector.broadcast %get3A_22 : vector<1x384xf32> to vector<128x384xf32>
    %add3A_24 = arith.addf %dot_general3A_19, %add3A_23 : vector<128x384xf32>
    %get3A_25 = arith.constant 0 : index
    %get3A_26 = arith.constant 0 : index
    %get3A_27 = vector.load %arg3[%get3A_25, %get3A_26] : memref<384x128xf32, #tpu.memory_space<vmem>>, vector<384x128xf32>
    %dot_general3A_28 = arith.constant dense<0.000000e+00> : vector<128x384xf32>
    %dot_general3A_29 = tpu.matmul %get3A_15, %get3A_27, %dot_general3A_28 {dimension_numbers = #tpu.dot_dimension_numbers<[1], [1], [0], [0], [0, 0, 1, 0], [], []>, precision = #tpu.contract_precision<fp32>, transpose_lhs_hint = false} : vector<128x128xf32>, vector<384x128xf32>, vector<128x384xf32> -> vector<128x384xf32>
    %get3A_30 = arith.constant 0 : index
    %get3A_31 = arith.constant 0 : index
    %get3A_32 = vector.load %arg5[%get3A_30, %get3A_31] : memref<1x384xf32, #tpu.memory_space<vmem>>, vector<1x384xf32>
    %add3A_33 = vector.broadcast %get3A_32 : vector<1x384xf32> to vector<128x384xf32>
    %add3A_34 = arith.addf %dot_general3A_29, %add3A_33 : vector<128x384xf32>
    %slice3A = vector.extract_strided_slice %add3A_24 {offsets = [0, 0], sizes = [128, 128], strides = [1, 1]} : vector<128x384xf32> to vector<128x128xf32>
    %slice3A_35 = vector.extract_strided_slice %add3A_34 {offsets = [0, 0], sizes = [128, 128], strides = [1, 1]} : vector<128x384xf32> to vector<128x128xf32>
    %add3A_36 = arith.addf %slice3A, %slice3A_35 : vector<128x128xf32>
    %logistic3A = arith.negf %add3A_36 : vector<128x128xf32>
    %logistic3A_37 = math.exp %logistic3A : vector<128x128xf32>
    %logistic3A_38 = arith.constant 1.000000e+00 : f32
    %logistic3A_39 = vector.broadcast %logistic3A_38 : f32 to vector<128x128xf32>
    %logistic3A_40 = arith.addf %logistic3A_39, %logistic3A_37 : vector<128x128xf32>
    %logistic3A_41 = arith.divf %logistic3A_39, %logistic3A_40 : vector<128x128xf32>
    %slice3A_42 = vector.extract_strided_slice %add3A_24 {offsets = [0, 128], sizes = [128, 128], strides = [1, 1]} : vector<128x384xf32> to vector<128x128xf32>
    %slice3A_43 = vector.extract_strided_slice %add3A_34 {offsets = [0, 128], sizes = [128, 128], strides = [1, 1]} : vector<128x384xf32> to vector<128x128xf32>
    %add3A_44 = arith.addf %slice3A_42, %slice3A_43 : vector<128x128xf32>
    %logistic3A_45 = arith.negf %add3A_44 : vector<128x128xf32>
    %logistic3A_46 = math.exp %logistic3A_45 : vector<128x128xf32>
    %logistic3A_47 = arith.constant 1.000000e+00 : f32
    %logistic3A_48 = vector.broadcast %logistic3A_47 : f32 to vector<128x128xf32>
    %logistic3A_49 = arith.addf %logistic3A_48, %logistic3A_46 : vector<128x128xf32>
    %logistic3A_50 = arith.divf %logistic3A_48, %logistic3A_49 : vector<128x128xf32>
    %slice3A_51 = vector.extract_strided_slice %add3A_24 {offsets = [0, 256], sizes = [128, 128], strides = [1, 1]} : vector<128x384xf32> to vector<128x128xf32>
    %slice3A_52 = vector.extract_strided_slice %add3A_34 {offsets = [0, 256], sizes = [128, 128], strides = [1, 1]} : vector<128x384xf32> to vector<128x128xf32>
    %mul3A_53 = arith.mulf %logistic3A_41, %slice3A_52 : vector<128x128xf32>
    %add3A_54 = arith.addf %slice3A_51, %mul3A_53 : vector<128x128xf32>
    %tanh3A = math.tanh %add3A_54 : vector<128x128xf32>
    %sub3A = arith.constant 1.000000e+00 : f32
    %sub3A_55 = vector.broadcast %sub3A : f32 to vector<128x128xf32>
    %sub3A_56 = arith.subf %sub3A_55, %logistic3A_50 : vector<128x128xf32>
    %mul3A_57 = arith.mulf %sub3A_56, %tanh3A : vector<128x128xf32>
    %mul3A_58 = arith.mulf %logistic3A_50, %get3A_15 : vector<128x128xf32>
    %add3A_59 = arith.addf %mul3A_57, %mul3A_58 : vector<128x128xf32>
    %get3A_60 = arith.constant 0 : index
    %get3A_61 = arith.constant 0 : index
    %get3A_62 = vector.load %arg1[%get3A_60, %get3A_61] : memref<10240x128xf32, #tpu.memory_space<vmem>>, vector<10240x128xf32>
    %dot_general3A_63 = arith.constant dense<0.000000e+00> : vector<10240x128xf32>
    %dot_general3A_64 = tpu.matmul %get3A_62, %add3A_59, %dot_general3A_63 {dimension_numbers = #tpu.dot_dimension_numbers<[1], [0], [0], [1], [0, 0, 1, 1], [], []>, precision = #tpu.contract_precision<fp32>, transpose_lhs_hint = false} : vector<10240x128xf32>, vector<128x128xf32>, vector<10240x128xf32> -> vector<10240x128xf32>
    %broadcast_in_dim3A = arith.constant 1.000000e+00 : f32
    %broadcast_in_dim3A_65 = vector.broadcast %broadcast_in_dim3A : f32 to vector<32x1xf32>
    %get3A_66 = arith.constant 0 : index
    %get3A_67 = arith.constant 0 : index
    %get3A_68 = vector.load %arg7[%get3A_66, %get3A_67] : memref<32x10240xf32, #tpu.memory_space<vmem>>, vector<32x10240xf32>
    %dot_general3A_69 = arith.constant dense<0.000000e+00> : vector<10240x1xf32>
    %dot_general3A_70 = tpu.matmul %get3A_68, %broadcast_in_dim3A_65, %dot_general3A_69 {dimension_numbers = #tpu.dot_dimension_numbers<[0], [0], [1], [1], [0, 1, 1, 1], [], []>, precision = #tpu.contract_precision<fp32>, transpose_lhs_hint = false} : vector<32x10240xf32>, vector<32x1xf32>, vector<10240x1xf32> -> vector<10240x1xf32>
    %add3A_71 = arith.constant 1.000000e+00 : f32
    %add3A_72 = vector.broadcast %add3A_71 : f32 to vector<10240x1xf32>
    %add3A_73 = arith.addf %dot_general3A_70, %add3A_72 : vector<10240x1xf32>
    %rsqrt3A = math.rsqrt %add3A_73 : vector<10240x1xf32>
    %swap3A = arith.constant 0 : index
    %swap3A_74 = arith.constant 0 : index
    %swap3A_75 = vector.load %arg9[%swap3A, %swap3A_74] : memref<10240x1xf32, #tpu.memory_space<vmem>>, vector<10240x1xf32>
    tpu.vector_store %arg9[%swap3A, %swap3A_74], %rsqrt3A {strides = array<i32>} : memref<10240x1xf32, #tpu.memory_space<vmem>>, vector<10240x1xf32>,
    %mul3A_76 = vector.broadcast %rsqrt3A : vector<10240x1xf32> to vector<10240x128xf32>
    %mul3A_77 = arith.mulf %mul3A_76, %dot_general3A_64 : vector<10240x128xf32>
    %swap3A_78 = arith.constant 0 : index
    %swap3A_79 = arith.constant 0 : index
    %swap3A_80 = vector.load %arg8[%swap3A_78, %swap3A_79] : memref<10240x128xf32, #tpu.memory_space<vmem>>, vector<10240x128xf32>
    tpu.vector_store %arg8[%swap3A_78, %swap3A_79], %mul3A_77 {strides = array<i32>} : memref<10240x128xf32, #tpu.memory_space<vmem>>, vector<10240x128xf32>,
    return
  }
}

</mosaic_0001>

<sc_bundles>
// kernel: kernel.10.cloned.1.call-start
scs
__scs_entry_jumppad:
0x0: {  	(pc) =	sbr.rel $0x88, $3  }
0x1: {  	(tag) =	ssettag $0x0;
	lr =	simm.s32 $0x1  }
0x2: {  	[smem:$0x3F99] =	sst lr;
	_ =	strace $0xD0000000  }
0x3: {  	_ = 	snop  }
0x4: {  	_ = 	snop  }
0x5: {  	_ = 	snop  }
0x6: {  	_ = 	snop  }
0x7: {  	_ = 	snop  }
__scs_overlays_trampoline_lowered:
0x8: {  	[smem:$0x3FA8] =	sst s0  }
0x9: {  	[smem:$0x3FA9] =	sst s1  }
0xa: {  	[smem:$0x3FAA] =	sst s2  }
0xb: {  	[smem:$0x3FAB] =	sst s3  }
0xc: {  	[smem:$0x3FAC] =	sst s4  }
0xd: {  	[smem:$0x3FAD] =	sst s5  }
0xe: {  	[smem:$0x3FAE] =	sst s6  }
0xf: {  	[smem:$0x3FAF] =	sst s7  }
0x10: {  	[smem:$0x3FB0] =	sst s8  }
0x11: {  	[smem:$0x3FB1] =	sst s9;
	s0 =	simm.s32 @!p0 $0x0  }
0x12: {  	s1 =	sld [smem:$0x3F97];
	s0 =	simm.s32 @p0 $0x1  }
0x13: {  	[smem:$0x3FB2] =	sst s0;
	s0 =	simm.s32 @!p1 $0x0  }
0x14: {  	s2 =	sld [smem:$0x3F96];
	s0 =	simm.s32 @p1 $0x1  }
0x15: {  	[smem:$0x3FB3] =	sst s0;
	s0 =	simm.s32 @!p2 $0x0  }
0x16: {  	s3 =	sld [smem:$0x3FDB];
	s0 =	simm.s32 @p2 $0x1  }
0x17: {  	s4 =	simm.s32 $0x1BF5;
	[smem:$0x3FB5] =	sst s0  }
0x18: {  	s0 =	sld [smem:$0x3F98];
	_ =	swait.ge [sflag:s4], $0x0  }
0x19: {  	s7 =	sld [smem:$0x3F99]  }
0x1a: {  	s8 =	sadd.s32 $0xFFFFE003, lr  }
0x1b: {  	s9 =	sadd.s32 $0xFFFFFEF7, lr;
	s5 =	simm.s32 $0xFFFFFFFF;
	p2 =	slt.u32 s8, $0xFFFFF086  }
0x1c: {  	p1 =	slt.u32 s9, $0xF7A;
	s5 =	simm.s32 @!p2 $0x0  }
0x1d: {  	s5 =	simm.s32 @p1 $0x1;
	p0 =	seq.s32 s7, s2  }
0x1e: {  	s7 =	smul.u32 @!p0 $0xF7A, s2;
	p2 =	seq.s32 @!p0 s5, $0x0  }
0x1f: {  	s9 =	smul.u32 $0xF7A, s1;
	s8 =	simm.s32 @!p0 $0x1BF5;
	p2 =	por !p2, p0  }
0x20: {  	[sflag:s8] =	ssyncset.s32 @!p0 $0xFFFFF086;
	s6 =	sadd.s32 @!p0 s3, s7;
	s7 =	simm.s32 @!p0 $0x108  }
0x21: {  	s3 =	sadd.s32 s3, s9;
	s6 =	sadd.s32 @!p0 $0x88, s6;
	s7 =	simm.s32 @p2 $0x1082  }
0x22: {  	[simem:s7], [sflag:s8] =	dma.local @!p0 [hbm:s6], $0xF7A  }
0x23: {  	s9 =	sor.u32 $0xD0000000, s2;
	s6 =	simm.s32 $0x108;
	_ =	swait.ge @!p0 [sflag:s8], $0x0  }
0x24: {  	s3 =	sadd.s32 $0x88, s3;
	s6 =	simm.s32 @!p1 $0x1082;
	[sflag:s4] =	ssyncset.s32 $0xFFFFF086  }
0x25: {  	[simem:s6], [sflag:s4] =	dma.local [hbm:s3], $0xF7A  }
0x26: {  	[smem:$0x3F99] =	sst s1;
	(tag) =	ssettag s2;
	_ =	strace s9  }
0x27: {  	s1 =	sld [smem:$0x3FA9]  }
0x28: {  	s2 =	sld [smem:$0x3FAA]  }
0x29: {  	s4 =	sld [smem:$0x3FAC]  }
0x2a: {  	p0 =	seq.s32 s5, $0x0;
	s5 =	sld [smem:$0x3FAD]  }
0x2b: {  	s6 =	sld [smem:$0x3FAE]  }
0x2c: {  	s7 =	sld [smem:$0x3FAF]  }
0x2d: {  	s3 =	simm.s32 $0x108;
	s8 =	sld [smem:$0x3FB0]  }
0x2e: {  	s3 =	simm.s32 @!p0 $0x1082;
	s9 =	sld [smem:$0x3FB1]  }
0x2f: {  	lr =	sadd.s32 s0, s3;
	s0 =	sld [smem:$0x3FA8]  }
0x30: {  	s3 =	sld [smem:$0x3FAB]  }
0x31: {  	[smem:$0x3FB4] =	sst s10  }
0x32: {  	s10 =	sld [smem:$0x3FB2];
	_ =	sdelay $0x3  }
0x33: {  	p0 =	seq.s32 s10, $0x1;
	s10 =	sld [smem:$0x3FB4];
	_ =	sdelay $0x3  }
0x34: {  	[smem:$0x3FB4] =	sst s10  }
0x35: {  	s10 =	sld [smem:$0x3FB3];
	_ =	sdelay $0x3  }
0x36: {  	p1 =	seq.s32 s10, $0x1;
	s10 =	sld [smem:$0x3FB4];
	_ =	sdelay $0x3  }
0x37: {  	[smem:$0x3FB4] =	sst s10  }
0x38: {  	s10 =	sld [smem:$0x3FB5]  }
0x39: {  	_ = 	snop;
	(pc) =	sbr.ind lr, $3  }
0x3a: {  	_ = 	snop  }
0x3b: {  	_ = 	snop  }
0x3c: {  	p2 =	seq.s32 s10, $0x1;
	s10 =	sld [smem:$0x3FB4]  }
0x3d: {  	_ =	shalt  }
0x3e: {  	_ =	shalt  }
0x3f: {  	_ =	shalt  }
0x40: {  	_ =	shalt  }
0x41: {  	_ =	shalt  }
0x42: {  	_ =	shalt  }
0x43: {  	_ =	shalt  }
0x44: {  	_ =	shalt  }
0x45: {  	_ =	shalt  }
0x46: {  	_ =	shalt  }
0x47: {  	_ =	shalt  }
0x48: {  	_ =	shalt  }
0x49: {  	_ =	shalt  }
0x4a: {  	_ =	shalt  }
0x4b: {  	_ =	shalt  }
0x4c: {  	_ =	shalt  }
0x4d: {  	_ =	shalt  }
0x4e: {  	_ =	shalt  }
0x4f: {  	_ =	shalt  }
0x50: {  	_ =	shalt  }
0x51: {  	_ =	shalt  }
0x52: {  	_ =	shalt  }
0x53: {  	_ =	shalt  }
0x54: {  	_ =	shalt  }
0x55: {  	_ =	shalt  }
0x56: {  	_ =	shalt  }
0x57: {  	_ =	shalt  }
0x58: {  	_ =	shalt  }
0x59: {  	_ =	shalt  }
0x5a: {  	_ =	shalt  }
0x5b: {  	_ =	shalt  }
0x5c: {  	_ =	shalt  }
0x5d: {  	_ =	shalt  }
0x5e: {  	_ =	shalt  }
0x5f: {  	_ =	shalt  }
0x60: {  	_ =	shalt  }
0x61: {  	_ =	shalt  }
0x62: {  	_ =	shalt  }
0x63: {  	_ =	shalt  }
0x64: {  	_ =	shalt  }
0x65: {  	_ =	shalt  }
0x66: {  	_ =	shalt  }
0x67: {  	_ =	shalt  }
0x68: {  	_ =	shalt  }
0x69: {  	_ =	shalt  }
0x6a: {  	_ =	shalt  }
0x6b: {  	_ =	shalt  }
0x6c: {  	_ =	shalt  }
0x6d: {  	_ =	shalt  }
0x6e: {  	_ =	shalt  }
0x6f: {  	_ =	shalt  }
0x70: {  	_ =	shalt  }
0x71: {  	_ =	shalt  }
0x72: {  	_ =	shalt  }
0x73: {  	_ =	shalt  }
0x74: {  	_ =	shalt  }
0x75: {  	_ =	shalt  }
0x76: {  	_ =	shalt  }
0x77: {  	_ =	shalt  }
0x78: {  	_ =	shalt  }
0x79: {  	_ =	shalt  }
0x7a: {  	_ =	shalt  }
0x7b: {  	_ =	shalt  }
0x7c: {  	_ =	shalt  }
0x7d: {  	_ =	shalt  }
0x7e: {  	_ =	shalt  }
0x7f: {  	_ =	shalt  }
0x80: {  	_ =	shalt  }
0x81: {  	_ =	shalt  }
0x82: {  	_ =	shalt  }
0x83: {  	_ =	shalt  }
0x84: {  	_ =	shalt  }
0x85: {  	_ =	shalt  }
0x86: {  	_ =	shalt  }
0x87: {  	_ =	shalt  }
.Lfunc_end0:
.L_simem_size_0:
called_computation.1_lowered:
.L_overlay_start_0:
0x88: {  	s2 =	sld [smem:$0x3FD9]  }
0x89: {  	s3 =	sld [smem:$0x3FFE];
	_ =	sdelay $0x1  }
0x8a: {  	s1 =	srdreg.scid  }
0x8b: {  	s0 =	sand.u32 $0x1, s1  }
0x8c: {  	s17 =	sshll.u32 s0, $0xA;
	s2 =	sadd.s32 s3, s2  }
0x8d: {  	s2 =	sadd.s32 s2, s17  }
0x8e: {  	[smem:$0x3FC0] =	sst s2  }
0x8f: {  	_ = 	snop  }
0x90: {  	s2 =	sld [smem:$0x3FD0];
	(tm) =	ssettm $0x1  }
0x91: {  	s18 =	sld [smem:$0x3FFB];
	_ =	sdelay $0x3  }
0x92: {  	_ =	strace s18  }
0x93: {  	s3 =	sld [smem:$0x3FFC];
	_ =	sdelay $0x3  }
0x94: {  	_ =	strace s3  }
0x95: {  	s3 =	sld [smem:$0x3FFD];
	_ =	sdelay $0x3  }
0x96: {  	_ =	strace s3  }
0x97: {  	_ =	strace $0x8FFFFFFF  }
0x98: {  	s19 =	sld [smem:$0x3FDB];
	_ =	sdelay $0x1  }
0x99: {  	s4 =	simm.s32 $_scs_section_size  }
0x9a: {  	s5 =	simm.s32 $_size__tile_overlayer_lowered;
	s6 =	simm.s32 $_tile_overlayer_lowered  }
0x9b: {  	s22 =	simm.s32 $0x1BFF;
	s21 =	sshll.u32 s6, $0x1;
	s3 =	sadd.s32 s4, s19  }
0x9c: {  	s7 =	simm.s32 $0x0;
	s20 =	sshll.u32 s5, $0x1;
	s5 =	sadd.s32 s21, s3  }
0x9d: {  	[timem:s7], [sflag:s22] =	dma.local [hbm:s5], s20  }
0x9e: {  	_ =	swait.ge [sflag:s22], s20  }
0x9f: {  	s4 =	ssub.s32 $0x0, s20;
	[sflag:s22] =	ssyncset.done $0x0  }
0xa0: {  	[sflag:s22] =	ssyncadd.s32 s4;
	_ =	sdelay $0x1  }
0xa1: {  	s23 =	simm.s32 $0x1B8B  }
0xa2: {  	_ =	swait.ge [sflag:s23], $0x1  }
0xa3: {  	[sflag:s23] =	ssyncset.done $0x0  }
0xa4: {  	s25 =	simm.s32 $0x1B8E;
	s24 =	sld [smem:$0x3FFE];
	[sflag:s23] =	ssyncadd.s32 $0xFFFFFFFF  }
0xa5: {  	s26 =	simm.s32 $execute0_lowered;
	[smem:$0x3FD2] =	sst s25  }
0xa6: {  	s5 =	sshll.u32 s26, $0x1;
	_ =	strace $0x80000049;
	[dreg:$0x1] =	wrdreg $0xFFFFFFFF  }
0xa7: {  	s28 =	simm.s32 $_size_execute0_lowered;
	s3 =	sadd.s32 s3, s5;
	[dreg:$0x0] =	wrdreg $0x0  }
0xa8: {  	s5 =	sshll.u32 s28, $0x1;
	[dreg:$0x2] =	wrdreg s3  }
0xa9: {  	[dreg:$0x3] =	wrdreg s5  }
0xaa: {  	[dreg:$0x4] =	wrdreg $0xC0  }
0xab: {  	_ =	task [dreg:s7], $0x5FFFF  }
0xac: {  	[dreg:$0x1] =	wrdreg $0xFFFFFFFF  }
0xad: {  	[dreg:$0x0] =	wrdreg $0x60  }
0xae: {  	[dreg:$0x2] =	wrdreg s2  }
0xaf: {  	[dreg:$0x3] =	wrdreg s24  }
0xb0: {  	[dreg:$0x4] =	wrdreg $0x0  }
0xb1: {  	[dreg:$0x5] =	wrdreg $0x9  }
0xb2: {  	_ =	task.clear_ibuf [dreg:s7], $0x6FFFF;
	_ =	strace $0x90000049  }
0xb3: {  	s29 =	simm.s32 $0x9;
	_ =	strace $0x8000004B  }
0xb4: {  	_ =	swait.ge [sflag:s29], $0x1  }
0xb5: {  	[sflag:s29] =	ssyncadd.s32 $0xFFFFFFFF  }
0xb6: {  	_ =	strace $0x9000004B  }
0xb7: {  	_ =	sfence  }
0xb8: {  	s30 =	sld [smem:$0x0];
	_ =	sdelay $0x2  }
0xb9: {  	s31 =	sshll.u32 s1, $0xD;
	s1 =	sshrl.u32 s1, $0x2  }
0xba: {  	s3 =	sand.u32 $0x4000, s31;
	s1 =	sadd.s32 s1, s30  }
0xbb: {  	s0 =	sor.u32 s3, s0;
	s1 =	sshll.u32 s1, $0x11  }
0xbc: {  	s0 =	sor.u32 s1, s0  }
0xbd: {  	s0 =	sadd.s32 $0x8F2B, s0  }
0xbe: {  	[sflag:s0] =	ssyncadd.remote.s32 $0x1  }
0xbf: {  	_ =	sfence.sel $0xFFFF  }
0xc0: {  	[dreg:$0x0] =	wrdreg $0xFFFFFFFF;
	(pc) =	sbr.abs _section_cstart, $3  }
0xc1: {  	[dreg:$0x1] =	wrdreg $0xFFFFFFFF  }
0xc2: {  	_ =	task.clear_ibuf [dreg:s7], $0x2FFFF;
	_ =	strace $0x9FFFFFFF  }
0xc3: {  	(tm) =	ssettm $0x7FFFFFFF  }
tec
execute0_lowered:
.L_overlay_start_1:
0x0: {  	(tag) =	ssettag $0x1  }
0x1: {  	s0 =	rddreg [dreg:$0x0]  }
0x2: {  	s3 =	rddreg [dreg:$0x1]  }
0x3: {  	s1 =	rddreg [dreg:$0x2]  }
0x4: {  	s4 =	srdreg.scid;
	s2 =	simm.s32 $0x0;
	s16 =	stileid.u32  }
0x5: {  	s28 =	simm.s32 $0x1;
	s29 =	simm.s32 $0x14000;
	s30 =	simm.s32 $0x15000  }
0x6: {  	s31 =	simm.s32 $0x80;
	s5 =	sand.u32 $0x1, s4;
	s7 =	smul.u32 $0x50000, s16  }
0x7: {  	[smem:$0x7FF] =	sst s2;
	s4 =	sadd.s32 $0x2800, s3;
	s10 =	smul.u32 $0x280, s16  }
0x8: {  	s9 =	sshll.u32 s16, $0x1;
	s6 =	smul.u32 $0x28000, s5;
	s12 =	ssub.s32 $0x2, s5  }
0x9: {  	_ =	strace $0x8000004A;
	s13 =	sor.u32 s5, s9;
	s8 =	sshrl.u32 s12, $0x1  }
0xa: {  	s14 =	sshrl.u32 s7, $0x2;
	s9 =	sadd.s32 $0x80, s10;
	s13 =	smul.u32 $0x2800, s13  }
0xb: {  	s3 =	sadd.s32 s6, s3;
	s11 =	ssub.s32 s12, s8;
	s5 =	sadd.s32 s14, s1  }
0xc: {  	s12 =	sadd.s32 $0x100, s10;
	s15 =	sshll.u32 s9, $0x7;
	s14 =	sadd.s32 $0x180, s10  }
0xd: {  	s9 =	sshll.u32 s9, $0x4;
	s17 =	sshll.u32 s12, $0x7;
	s6 =	sadd.s32 s15, s1  }
0xe: {  	s18 =	sshll.u32 s14, $0x7;
	s15 =	sadd.s32 $0x200, s10;
	s19 =	sshrl.u32 s13, $0x3  }
0xf: {  	s12 =	sshll.u32 s12, $0x4;
	s7 =	sadd.s32 s17, s1;
	s17 =	sadd.s32 s0, s19  }
0x10: {  	s8 =	sadd.s32 s18, s1;
	s0 =	sadd.s32 $0xA000, s17;
	[dreg:$0x4] =	wrdreg s17  }
0x11: {  	s20 =	sshll.u32 s15, $0x7;
	s21 =	sadd.s32 $0x100, s17;
	[dreg:$0x5] =	wrdreg s0  }
0x12: {  	s18 =	sadd.s32 $0x2A800, s3;
	s22 =	sadd.s32 $0xA100, s17;
	[dreg:$0x6] =	wrdreg s21  }
0x13: {  	s19 =	smul.u32 $0x2800, s16;
	s23 =	sadd.s32 $0x200, s17;
	[dreg:$0x7] =	wrdreg s22  }
0x14: {  	s16 =	simm.s32 $0x3;
	s24 =	sadd.s32 $0xA200, s17;
	[dreg:$0x8] =	wrdreg s23  }
0x15: {  	s10 =	sadd.s32 s20, s1;
	s25 =	sadd.s32 $0x300, s17;
	[dreg:$0x9] =	wrdreg s24  }
0x16: {  	s26 =	sadd.s32 $0xA300, s17;
	s13 =	sadd.s32 $0x400, s17;
	[dreg:$0xa] =	wrdreg s25  }
0x17: {  	s20 =	sshll.u32 s14, $0x4;
	s14 =	simm.s32 $0x4;
	[dreg:$0xb] =	wrdreg s26  }
0x18: {  	[dreg:$0xc] =	wrdreg s13;
	s21 =	sshll.u32 s15, $0x4;
	s3 =	sadd.s32 s19, s18  }
0x19: {  	s22 =	sadd.s32 s9, s18;
	s23 =	sadd.s32 s12, s18;
	s24 =	sadd.s32 s20, s18  }
0x1a: {  	s25 =	sadd.s32 $0xA400, s17;
	s26 =	smax.u32 s11, $0x1;
	[dreg:$0xd] =	wrdreg s3  }
0x1b: {  	s12 =	simm.s32 $0x1A000;
	s13 =	simm.s32 $0x2;
	[dreg:$0xe] =	wrdreg s22  }
0x1c: {  	s9 =	simm.s32 $0x14680;
	s11 =	simm.s32 $0x15600;
	[dreg:$0xf] =	wrdreg s23  }
0x1d: {  	s15 =	simm.s32 $0x14700;
	s17 =	simm.s32 $0x15680;
	[dreg:$0x10] =	wrdreg s24  }
0x1e: {  	s19 =	simm.s32 $0x15700;
	s20 =	simm.s32 $0x15780;
	[dreg:$0x12] =	wrdreg s25  }
0x1f: {  	s0 =	sadd.s32 s21, s18;
	[dreg:$0x13] =	wrdreg s26;
	s26 =	simm.s32 $0x16000  }
0x20: {  	s3 =	simm.s32 $0x15800;
	s24 =	simm.s32 $0x14600;
	s25 =	simm.s32 $0x15580  }
0x21: {  	v0 =	vimm.f32 $0.0e+00;
	s18 =	simm.s32 $0x14780;
	[dreg:$0x11] =	wrdreg s0;
	s0 =	simm.s32 $0x14800  }
.LBB2_1:
0x22: {  	s21 =	simm.s32 $0x0;
	s22 =	simm.s32 $0x200  }
.LBB2_2:
0x23: {  	p0 =	sne.s32 s22, $0xFE00;
	[tilespmem:s21+$0x16070] =	vst v0  }
0x24: {  	[tilespmem:s21+$0x16000] =	vst v0  }
0x25: {  	[tilespmem:s21+$0x16010] =	vst v0  }
.Ltmp0:
0x26: {  	[tilespmem:s21+$0x16020] =	vst v0;
	(pc) =	sbr.rel @p0 .LBB2_2-.Ltmp0, $4  }
0x27: {  	[tilespmem:s21+$0x16030] =	vst v0  }
0x28: {  	[tilespmem:s21+$0x16040] =	vst v0  }
0x29: {  	[tilespmem:s21+$0x16050] =	vst v0  }
0x2a: {  	[tilespmem:s21+$0x16060] =	vst v0;
	s21 =	sshra.s32 s22, $0x2;
	s22 =	sadd.s32 $0x200, s22  }
0x2b: {  	[tilespmem:s21+$0x16070] =	vst v0  }
0x2c: {  	[tilespmem:s21+$0x16000] =	vst v0  }
0x2d: {  	[tilespmem:s21+$0x16010] =	vst v0  }
0x2e: {  	[tilespmem:s21+$0x16020] =	vst v0  }
0x2f: {  	[tilespmem:s21+$0x16030] =	vst v0  }
0x30: {  	[tilespmem:s21+$0x16040] =	vst v0  }
0x31: {  	[tilespmem:s21+$0x16050] =	vst v0  }
0x32: {  	[tilespmem:s21+$0x16060] =	vst v0  }
0x33: {  	[spmem:s5] =	stream.linear.scatter [tilespmem:s26], [sflag:$0x1], $0x4000, $0x38;
	[tilespmem:$0x1E000] =	vst v63  }
0x34: {  	_ =	swait.ge [sflag:s28], $0x4000  }
0x35: {  	[sflag:s28] =	ssyncset.done $0x0  }
0x36: {  	[sflag:s28] =	ssyncadd.s32 $0xFFFFC000  }
0x37: {  	[spmem:s6] =	stream.linear.scatter [tilespmem:s26], [sflag:$0x1], $0x4000, $0x38;
	[tilespmem:$0x1E000] =	vst v63  }
0x38: {  	_ =	swait.ge [sflag:s28], $0x4000  }
0x39: {  	[sflag:s28] =	ssyncset.done $0x0  }
0x3a: {  	[sflag:s28] =	ssyncadd.s32 $0xFFFFC000  }
0x3b: {  	[spmem:s7] =	stream.linear.scatter [tilespmem:s26], [sflag:$0x1], $0x4000, $0x38;
	[tilespmem:$0x1E000] =	vst v63  }
0x3c: {  	_ =	swait.ge [sflag:s28], $0x4000  }
0x3d: {  	[sflag:s28] =	ssyncset.done $0x0  }
0x3e: {  	[sflag:s28] =	ssyncadd.s32 $0xFFFFC000  }
0x3f: {  	[spmem:s8] =	stream.linear.scatter [tilespmem:s26], [sflag:$0x1], $0x4000, $0x38;
	[tilespmem:$0x1E000] =	vst v63  }
0x40: {  	_ =	swait.ge [sflag:s28], $0x4000  }
0x41: {  	[sflag:s28] =	ssyncset.done $0x0  }
0x42: {  	[sflag:s28] =	ssyncadd.s32 $0xFFFFC000  }
0x43: {  	[spmem:s10] =	stream.linear.scatter [tilespmem:s26], [sflag:$0x1], $0x4000, $0x38;
	[tilespmem:$0x1E000] =	vst v63  }
0x44: {  	_ =	swait.ge [sflag:s28], $0x4000  }
0x45: {  	[sflag:s28] =	ssyncset.done $0x0  }
0x46: {  	[sflag:s28] =	ssyncadd.s32 $0xFFFFC000  }
0x47: {  	[bflag:$0x0] =	sbarrier.arrive $0xFFFF  }
0x48: {  	s21 =	simm.s32 $0x0;
	s22 =	rddreg [dreg:$0x4]  }
0x49: {  	[tilespmem:s29], [sflag:$0x1] =	stream.linear.gather [hbm4b:s22+s21], $0x800, $0x38;
	[tilespmem:$0x1E000] =	vst v63  }
0x4a: {  	s23 =	rddreg [dreg:$0x5]  }
0x4b: {  	[tilespmem:s30], [sflag:$0x1] =	stream.linear.gather [hbm4b:s23+s21], $0x800, $0x38;
	[tilespmem:$0x1E000] =	vst v63  }
0x4c: {  	_ =	swait.ge [sflag:s28], $0x800  }
0x4d: {  	[sflag:s28] =	ssyncset.done $0x0  }
0x4e: {  	[sflag:s28] =	ssyncadd.s32 $0xFFFFF800  }
0x4f: {  	_ =	swait.ge [sflag:s28], $0x800  }
0x50: {  	[sflag:s28] =	ssyncset.done $0x0  }
0x51: {  	s21 =	simm.s32 $0x0;
	[sflag:s28] =	ssyncadd.s32 $0xFFFFF800  }
0x52: {  	v7 =	vld [tilespmem:s21+$0x15000]  }
0x53: {  	v14 =	vld [tilespmem:s21+$0x15010]  }
0x54: {  	v6 =	vld [tilespmem:s21+$0x15020]  }
0x55: {  	v5 =	vld [tilespmem:s21+$0x15030]  }
0x56: {  	v4 =	vld [tilespmem:s21+$0x15040]  }
0x57: {  	v3 =	vld [tilespmem:s21+$0x15050]  }
0x58: {  	v2 =	vld [tilespmem:s21+$0x15060]  }
0x59: {  	v1 =	vld [tilespmem:s21+$0x15070]  }
0x5a: {  	v13 =	vld [tilespmem:s21+$0x14000]  }
0x5b: {  	v12 =	vld [tilespmem:s21+$0x14010]  }
0x5c: {  	v11 =	vld [tilespmem:s21+$0x14020]  }
0x5d: {  	v10 =	vld [tilespmem:s21+$0x14030]  }
0x5e: {  	v9 =	vld [tilespmem:s21+$0x14040]  }
0x5f: {  	v8 =	vld [tilespmem:s21+$0x14050];
	vm0 =	veq.s32 v13, v7  }
0x60: {  	s22 =	simm.s32 $0x200;
	v7 =	vld [tilespmem:s21+$0x14060];
	v13 =	vsel vm0, $0x2710, v13;
	vm0 =	veq.s32 v12, v14  }
.LBB2_4:
0x61: {  	s23 =	sshra.s32 s22, $0x2;
	p0 =	sne.s32 s22, $0x1E00;
	[tilespmem:s21+$0x14000] =	vst v13;
	v12 =	vsel vm0, $0x2710, v12;
	vm0 =	veq.s32 v11, v6;
	v13 =	vld [tilespmem:s21+$0x14070]  }
0x62: {  	v14 =	vld [tilespmem:s23+$0x15000];
	[tilespmem:s21+$0x14010] =	vst v12;
	v6 =	vsel vm0, $0x2710, v11;
	vm0 =	veq.s32 v10, v5  }
0x63: {  	v15 =	vld [tilespmem:s23+$0x15010];
	[tilespmem:s21+$0x14020] =	vst v6;
	v5 =	vsel vm0, $0x2710, v10;
	vm0 =	veq.s32 v9, v4  }
0x64: {  	v6 =	vld [tilespmem:s23+$0x15020];
	[tilespmem:s21+$0x14030] =	vst v5;
	v4 =	vsel vm0, $0x2710, v9;
	vm0 =	veq.s32 v8, v3  }
0x65: {  	v5 =	vld [tilespmem:s23+$0x15030];
	[tilespmem:s21+$0x14040] =	vst v4;
	v3 =	vsel vm0, $0x2710, v8;
	vm0 =	veq.s32 v7, v2  }
0x66: {  	v4 =	vld [tilespmem:s23+$0x15040];
	[tilespmem:s21+$0x14050] =	vst v3;
	v2 =	vsel vm0, $0x2710, v7;
	vm0 =	veq.s32 v13, v1  }
0x67: {  	v3 =	vld [tilespmem:s23+$0x15050];
	[tilespmem:s21+$0x14060] =	vst v2;
	v1 =	vsel vm0, $0x2710, v13  }
0x68: {  	v2 =	vld [tilespmem:s23+$0x15060];
	[tilespmem:s21+$0x14070] =	vst v1;
	s21 =	smov.u32 s23  }
0x69: {  	v1 =	vld [tilespmem:s21+$0x15070]  }
0x6a: {  	v7 =	vld [tilespmem:s21+$0x14000]  }
0x6b: {  	v12 =	vld [tilespmem:s21+$0x14010]  }
.Ltmp1:
0x6c: {  	v11 =	vld [tilespmem:s21+$0x14020];
	(pc) =	sbr.rel @p0 .LBB2_4-.Ltmp1, $4  }
0x6d: {  	v10 =	vld [tilespmem:s21+$0x14030]  }
0x6e: {  	v9 =	vld [tilespmem:s21+$0x14040]  }
0x6f: {  	vm0 =	veq.s32 v7, v14;
	v8 =	vld [tilespmem:s21+$0x14050]  }
0x70: {  	s22 =	sadd.s32 $0x200, s22;
	v13 =	vsel vm0, $0x2710, v7;
	vm0 =	veq.s32 v12, v15;
	v7 =	vld [tilespmem:s21+$0x14060]  }
0x71: {  	[tilespmem:s21+$0x14000] =	vst v13;
	v12 =	vsel vm0, $0x2710, v12;
	vm0 =	veq.s32 v11, v6;
	v6 =	vld [tilespmem:s21+$0x14070]  }
0x72: {  	[tilespmem:s21+$0x14010] =	vst v12;
	v11 =	vsel vm0, $0x2710, v11;
	vm0 =	veq.s32 v10, v5  }
0x73: {  	[tilespmem:s21+$0x14020] =	vst v11;
	v5 =	vsel vm0, $0x2710, v10;
	vm0 =	veq.s32 v9, v4  }
0x74: {  	[tilespmem:s21+$0x14030] =	vst v5;
	v4 =	vsel vm0, $0x2710, v9;
	vm0 =	veq.s32 v8, v3  }
0x75: {  	[tilespmem:s21+$0x14040] =	vst v4;
	v3 =	vsel vm0, $0x2710, v8;
	vm0 =	veq.s32 v7, v2  }
0x76: {  	[tilespmem:s21+$0x14050] =	vst v3;
	v2 =	vsel vm0, $0x2710, v7;
	vm0 =	veq.s32 v6, v1  }
0x77: {  	[tilespmem:s21+$0x14060] =	vst v2;
	v1 =	vsel vm0, $0x2710, v6  }
0x78: {  	[tilespmem:s21+$0x14070] =	vst v1  }
0x79: {  	[tilespmem:s26], [sflag:$0x2] =	stream.indirect.gather [hbm4b:s4+s31], $0x80, s29, s31, $0xb8;
	[tilespmem:$0x1E000] =	vst v63  }
0x7a: {  	s22 =	rddreg [dreg:$0x6];
	s21 =	simm.s32 $0x0  }
0x7b: {  	[tilespmem:s0], [sflag:$0x1] =	stream.linear.gather [hbm4b:s22+s21], $0x800, $0x38;
	[tilespmem:$0x1E000] =	vst v63  }
0x7c: {  	s23 =	rddreg [dreg:$0x7]  }
0x7d: {  	[tilespmem:s3], [sflag:$0x1] =	stream.linear.gather [hbm4b:s23+s21], $0x800, $0x38;
	[tilespmem:$0x1E000] =	vst v63  }
0x7e: {  	s23 =	simm.s32 $0x14080  }
0x7f: {  	[tilespmem:s12], [sflag:$0x3] =	stream.indirect.gather [hbm4b:s4+s31], $0x80, s23, s31, $0xb8;
	[tilespmem:$0x1E000] =	vst v63  }
0x80: {  	_ =	swait.ge [sflag:s13], $0x4000  }
0x81: {  	[sflag:s13] =	ssyncset.done $0x0  }
0x82: {  	[sflag:s13] =	ssyncadd.s32 $0xFFFFC000  }
0x83: {  	[spmem:s1] =	stream.indirect.scatter.add.f32 [tilespmem:s26], [sflag:$0x4], $0x80, s30, s31, $0xb8;
	[tilespmem:$0x1E000] =	vst v63  }
0x84: {  	_ =	swait.ge [sflag:s14], $0x4000  }
0x85: {  	[sflag:s14] =	ssyncset.done $0x0  }
0x86: {  	s22 =	simm.s32 $0x14100;
	[sflag:s14] =	ssyncadd.s32 $0xFFFFC000  }
0x87: {  	[tilespmem:s26], [sflag:$0x2] =	stream.indirect.gather [hbm4b:s4+s31], $0x80, s22, s31, $0xb8;
	[tilespmem:$0x1E000] =	vst v63  }
0x88: {  	_ =	swait.ge [sflag:s16], $0x4000  }
0x89: {  	[sflag:s16] =	ssyncset.done $0x0  }
0x8a: {  	s23 =	simm.s32 $0x15080;
	[sflag:s16] =	ssyncadd.s32 $0xFFFFC000  }
0x8b: {  	[spmem:s1] =	stream.indirect.scatter.add.f32 [tilespmem:s12], [sflag:$0x4], $0x80, s23, s31, $0xb8;
	[tilespmem:$0x1E000] =	vst v63  }
0x8c: {  	_ =	swait.ge [sflag:s14], $0x4000  }
0x8d: {  	[sflag:s14] =	ssyncset.done $0x0  }
0x8e: {  	s22 =	simm.s32 $0x14180;
	[sflag:s14] =	ssyncadd.s32 $0xFFFFC000  }
0x8f: {  	[tilespmem:s12], [sflag:$0x3] =	stream.indirect.gather [hbm4b:s4+s31], $0x80, s22, s31, $0xb8;
	[tilespmem:$0x1E000] =	vst v63  }
0x90: {  	_ =	swait.ge [sflag:s13], $0x4000  }
0x91: {  	[sflag:s13] =	ssyncset.done $0x0  }
0x92: {  	s23 =	simm.s32 $0x15100;
	[sflag:s13] =	ssyncadd.s32 $0xFFFFC000  }
0x93: {  	[spmem:s1] =	stream.indirect.scatter.add.f32 [tilespmem:s26], [sflag:$0x4], $0x80, s23, s31, $0xb8;
	[tilespmem:$0x1E000] =	vst v63  }
0x94: {  	_ =	swait.ge [sflag:s14], $0x4000  }
0x95: {  	[sflag:s14] =	ssyncset.done $0x0  }
0x96: {  	s22 =	simm.s32 $0x14200;
	[sflag:s14] =	ssyncadd.s32 $0xFFFFC000  }
0x97: {  	[tilespmem:s26], [sflag:$0x2] =	stream.indirect.gather [hbm4b:s4+s31], $0x80, s22, s31, $0xb8;
	[tilespmem:$0x1E000] =	vst v63  }
0x98: {  	_ =	swait.ge [sflag:s16], $0x4000  }
0x99: {  	[sflag:s16] =	ssyncset.done $0x0  }
0x9a: {  	s23 =	simm.s32 $0x15180;
	[sflag:s16] =	ssyncadd.s32 $0xFFFFC000  }
0x9b: {  	[spmem:s1] =	stream.indirect.scatter.add.f32 [tilespmem:s12], [sflag:$0x4], $0x80, s23, s31, $0xb8;
	[tilespmem:$0x1E000] =	vst v63  }
0x9c: {  	_ =	swait.ge [sflag:s14], $0x4000  }
0x9d: {  	[sflag:s14] =	ssyncset.done $0x0  }
0x9e: {  	s22 =	simm.s32 $0x14280;
	[sflag:s14] =	ssyncadd.s32 $0xFFFFC000  }
0x9f: {  	[tilespmem:s12], [sflag:$0x3] =	stream.indirect.gather [hbm4b:s4+s31], $0x80, s22, s31, $0xb8;
	[tilespmem:$0x1E000] =	vst v63  }
0xa0: {  	_ =	swait.ge [sflag:s13], $0x4000  }
0xa1: {  	[sflag:s13] =	ssyncset.done $0x0  }
0xa2: {  	s23 =	simm.s32 $0x15200;
	[sflag:s13] =	ssyncadd.s32 $0xFFFFC000  }
0xa3: {  	[spmem:s1] =	stream.indirect.scatter.add.f32 [tilespmem:s26], [sflag:$0x4], $0x80, s23, s31, $0xb8;
	[tilespmem:$0x1E000] =	vst v63  }
0xa4: {  	_ =	swait.ge [sflag:s14], $0x4000  }
0xa5: {  	[sflag:s14] =	ssyncset.done $0x0  }
0xa6: {  	s22 =	simm.s32 $0x14300;
	[sflag:s14] =	ssyncadd.s32 $0xFFFFC000  }
0xa7: {  	[tilespmem:s26], [sflag:$0x2] =	stream.indirect.gather [hbm4b:s4+s31], $0x80, s22, s31, $0xb8;
	[tilespmem:$0x1E000] =	vst v63  }
0xa8: {  	_ =	swait.ge [sflag:s16], $0x4000  }
0xa9: {  	[sflag:s16] =	ssyncset.done $0x0  }
0xaa: {  	s23 =	simm.s32 $0x15280;
	[sflag:s16] =	ssyncadd.s32 $0xFFFFC000  }
0xab: {  	[spmem:s1] =	stream.indirect.scatter.add.f32 [tilespmem:s12], [sflag:$0x4], $0x80, s23, s31, $0xb8;
	[tilespmem:$0x1E000] =	vst v63  }
0xac: {  	_ =	swait.ge [sflag:s14], $0x4000  }
0xad: {  	[sflag:s14] =	ssyncset.done $0x0  }
0xae: {  	s22 =	simm.s32 $0x14380;
	[sflag:s14] =	ssyncadd.s32 $0xFFFFC000  }
0xaf: {  	[tilespmem:s12], [sflag:$0x3] =	stream.indirect.gather [hbm4b:s4+s31], $0x80, s22, s31, $0xb8;
	[tilespmem:$0x1E000] =	vst v63  }
0xb0: {  	_ =	swait.ge [sflag:s13], $0x4000  }
0xb1: {  	[sflag:s13] =	ssyncset.done $0x0  }
0xb2: {  	s23 =	simm.s32 $0x15300;
	[sflag:s13] =	ssyncadd.s32 $0xFFFFC000  }
0xb3: {  	[spmem:s1] =	stream.indirect.scatter.add.f32 [tilespmem:s26], [sflag:$0x4], $0x80, s23, s31, $0xb8;
	[tilespmem:$0x1E000] =	vst v63  }
0xb4: {  	_ =	swait.ge [sflag:s14], $0x4000  }
0xb5: {  	[sflag:s14] =	ssyncset.done $0x0  }
0xb6: {  	s22 =	simm.s32 $0x14400;
	[sflag:s14] =	ssyncadd.s32 $0xFFFFC000  }
0xb7: {  	[tilespmem:s26], [sflag:$0x2] =	stream.indirect.gather [hbm4b:s4+s31], $0x80, s22, s31, $0xb8;
	[tilespmem:$0x1E000] =	vst v63  }
0xb8: {  	_ =	swait.ge [sflag:s16], $0x4000  }
0xb9: {  	[sflag:s16] =	ssyncset.done $0x0  }
0xba: {  	s23 =	simm.s32 $0x15380;
	[sflag:s16] =	ssyncadd.s32 $0xFFFFC000  }
0xbb: {  	[spmem:s1] =	stream.indirect.scatter.add.f32 [tilespmem:s12], [sflag:$0x4], $0x80, s23, s31, $0xb8;
	[tilespmem:$0x1E000] =	vst v63  }
0xbc: {  	_ =	swait.ge [sflag:s14], $0x4000  }
0xbd: {  	[sflag:s14] =	ssyncset.done $0x0  }
0xbe: {  	s22 =	simm.s32 $0x14480;
	[sflag:s14] =	ssyncadd.s32 $0xFFFFC000  }
0xbf: {  	[tilespmem:s12], [sflag:$0x3] =	stream.indirect.gather [hbm4b:s4+s31], $0x80, s22, s31, $0xb8;
	[tilespmem:$0x1E000] =	vst v63  }
0xc0: {  	_ =	swait.ge [sflag:s13], $0x4000  }
0xc1: {  	[sflag:s13] =	ssyncset.done $0x0  }
0xc2: {  	s23 =	simm.s32 $0x15400;
	[sflag:s13] =	ssyncadd.s32 $0xFFFFC000  }
0xc3: {  	[spmem:s1] =	stream.indirect.scatter.add.f32 [tilespmem:s26], [sflag:$0x4], $0x80, s23, s31, $0xb8;
	[tilespmem:$0x1E000] =	vst v63  }
0xc4: {  	_ =	swait.ge [sflag:s14], $0x4000  }
0xc5: {  	[sflag:s14] =	ssyncset.done $0x0  }
0xc6: {  	s22 =	simm.s32 $0x14500;
	[sflag:s14] =	ssyncadd.s32 $0xFFFFC000  }
0xc7: {  	[tilespmem:s26], [sflag:$0x2] =	stream.indirect.gather [hbm4b:s4+s31], $0x80, s22, s31, $0xb8;
	[tilespmem:$0x1E000] =	vst v63  }
0xc8: {  	_ =	swait.ge [sflag:s16], $0x4000  }
0xc9: {  	[sflag:s16] =	ssyncset.done $0x0  }
0xca: {  	s23 =	simm.s32 $0x15480;
	[sflag:s16] =	ssyncadd.s32 $0xFFFFC000  }
0xcb: {  	[spmem:s1] =	stream.indirect.scatter.add.f32 [tilespmem:s12], [sflag:$0x4], $0x80, s23, s31, $0xb8;
	[tilespmem:$0x1E000] =	vst v63  }
0xcc: {  	_ =	swait.ge [sflag:s14], $0x4000  }
0xcd: {  	[sflag:s14] =	ssyncset.done $0x0  }
0xce: {  	s22 =	simm.s32 $0x14580;
	[sflag:s14] =	ssyncadd.s32 $0xFFFFC000  }
0xcf: {  	[tilespmem:s12], [sflag:$0x3] =	stream.indirect.gather [hbm4b:s4+s31], $0x80, s22, s31, $0xb8;
	[tilespmem:$0x1E000] =	vst v63  }
0xd0: {  	_ =	swait.ge [sflag:s13], $0x4000  }
0xd1: {  	[sflag:s13] =	ssyncset.done $0x0  }
0xd2: {  	s23 =	simm.s32 $0x15500;
	[sflag:s13] =	ssyncadd.s32 $0xFFFFC000  }
0xd3: {  	[spmem:s1] =	stream.indirect.scatter.add.f32 [tilespmem:s26], [sflag:$0x4], $0x80, s23, s31, $0xb8;
	[tilespmem:$0x1E000] =	vst v63  }
0xd4: {  	_ =	swait.ge [sflag:s14], $0x4000  }
0xd5: {  	[sflag:s14] =	ssyncset.done $0x0  }
0xd6: {  	[sflag:s14] =	ssyncadd.s32 $0xFFFFC000  }
0xd7: {  	[tilespmem:s26], [sflag:$0x2] =	stream.indirect.gather [hbm4b:s4+s31], $0x80, s24, s31, $0xb8;
	[tilespmem:$0x1E000] =	vst v63  }
0xd8: {  	_ =	swait.ge [sflag:s16], $0x4000  }
0xd9: {  	[sflag:s16] =	ssyncset.done $0x0  }
0xda: {  	[sflag:s16] =	ssyncadd.s32 $0xFFFFC000  }
0xdb: {  	[spmem:s1] =	stream.indirect.scatter.add.f32 [tilespmem:s12], [sflag:$0x4], $0x80, s25, s31, $0xb8;
	[tilespmem:$0x1E000] =	vst v63  }
0xdc: {  	_ =	swait.ge [sflag:s14], $0x4000  }
0xdd: {  	[sflag:s14] =	ssyncset.done $0x0  }
0xde: {  	[sflag:s14] =	ssyncadd.s32 $0xFFFFC000  }
0xdf: {  	[tilespmem:s12], [sflag:$0x3] =	stream.indirect.gather [hbm4b:s4+s31], $0x80, s9, s31, $0xb8;
	[tilespmem:$0x1E000] =	vst v63  }
0xe0: {  	_ =	swait.ge [sflag:s13], $0x4000  }
0xe1: {  	[sflag:s13] =	ssyncset.done $0x0  }
0xe2: {  	[sflag:s13] =	ssyncadd.s32 $0xFFFFC000  }
0xe3: {  	[spmem:s1] =	stream.indirect.scatter.add.f32 [tilespmem:s26], [sflag:$0x4], $0x80, s11, s31, $0xb8;
	[tilespmem:$0x1E000] =	vst v63  }
0xe4: {  	_ =	swait.ge [sflag:s14], $0x4000  }
0xe5: {  	[sflag:s14] =	ssyncset.done $0x0  }
0xe6: {  	[sflag:s14] =	ssyncadd.s32 $0xFFFFC000  }
0xe7: {  	[tilespmem:s26], [sflag:$0x2] =	stream.indirect.gather [hbm4b:s4+s31], $0x80, s15, s31, $0xb8;
	[tilespmem:$0x1E000] =	vst v63  }
0xe8: {  	_ =	swait.ge [sflag:s16], $0x4000  }
0xe9: {  	[sflag:s16] =	ssyncset.done $0x0  }
0xea: {  	[sflag:s16] =	ssyncadd.s32 $0xFFFFC000  }
0xeb: {  	[spmem:s1] =	stream.indirect.scatter.add.f32 [tilespmem:s12], [sflag:$0x4], $0x80, s17, s31, $0xb8;
	[tilespmem:$0x1E000] =	vst v63  }
0xec: {  	_ =	swait.ge [sflag:s14], $0x4000  }
0xed: {  	[sflag:s14] =	ssyncset.done $0x0  }
0xee: {  	[sflag:s14] =	ssyncadd.s32 $0xFFFFC000  }
0xef: {  	[tilespmem:s12], [sflag:$0x3] =	stream.indirect.gather [hbm4b:s4+s31], $0x80, s18, s31, $0xb8;
	[tilespmem:$0x1E000] =	vst v63  }
0xf0: {  	_ =	swait.ge [sflag:s13], $0x4000  }
0xf1: {  	[sflag:s13] =	ssyncset.done $0x0  }
0xf2: {  	[sflag:s13] =	ssyncadd.s32 $0xFFFFC000  }
0xf3: {  	[spmem:s1] =	stream.indirect.scatter.add.f32 [tilespmem:s26], [sflag:$0x4], $0x80, s19, s31, $0xb8;
	[tilespmem:$0x1E000] =	vst v63  }
0xf4: {  	_ =	swait.ge [sflag:s14], $0x4000  }
0xf5: {  	[sflag:s14] =	ssyncset.done $0x0  }
0xf6: {  	[sflag:s14] =	ssyncadd.s32 $0xFFFFC000  }
0xf7: {  	_ =	swait.ge [sflag:s16], $0x4000  }
0xf8: {  	[sflag:s16] =	ssyncset.done $0x0  }
0xf9: {  	[sflag:s16] =	ssyncadd.s32 $0xFFFFC000  }
0xfa: {  	[spmem:s1] =	stream.indirect.scatter.add.f32 [tilespmem:s12], [sflag:$0x4], $0x80, s20, s31, $0xb8;
	[tilespmem:$0x1E000] =	vst v63  }
0xfb: {  	_ =	swait.ge [sflag:s14], $0x4000  }
0xfc: {  	[sflag:s14] =	ssyncset.done $0x0  }
0xfd: {  	[sflag:s14] =	ssyncadd.s32 $0xFFFFC000  }
0xfe: {  	_ =	swait.ge [sflag:s28], $0x800  }
0xff: {  	[sflag:s28] =	ssyncset.done $0x0  }
0x100: {  	[sflag:s28] =	ssyncadd.s32 $0xFFFFF800  }
0x101: {  	_ =	swait.ge [sflag:s28], $0x800  }
0x102: {  	[sflag:s28] =	ssyncset.done $0x0  }
0x103: {  	s21 =	simm.s32 $0x0;
	[sflag:s28] =	ssyncadd.s32 $0xFFFFF800  }
0x104: {  	v7 =	vld [tilespmem:s21+$0x15800]  }
0x105: {  	v14 =	vld [tilespmem:s21+$0x15810]  }
0x106: {  	v6 =	vld [tilespmem:s21+$0x15820]  }
0x107: {  	v5 =	vld [tilespmem:s21+$0x15830]  }
0x108: {  	v4 =	vld [tilespmem:s21+$0x15840]  }
0x109: {  	v3 =	vld [tilespmem:s21+$0x15850]  }
0x10a: {  	v2 =	vld [tilespmem:s21+$0x15860]  }
0x10b: {  	v1 =	vld [tilespmem:s21+$0x15870]  }
0x10c: {  	v13 =	vld [tilespmem:s21+$0x14800]  }
0x10d: {  	v12 =	vld [tilespmem:s21+$0x14810]  }
0x10e: {  	v11 =	vld [tilespmem:s21+$0x14820]  }
0x10f: {  	v10 =	vld [tilespmem:s21+$0x14830]  }
0x110: {  	v9 =	vld [tilespmem:s21+$0x14840]  }
0x111: {  	v8 =	vld [tilespmem:s21+$0x14850];
	vm0 =	veq.s32 v13, v7  }
0x112: {  	s22 =	simm.s32 $0x200;
	v7 =	vld [tilespmem:s21+$0x14860];
	v13 =	vsel vm0, $0x2710, v13;
	vm0 =	veq.s32 v12, v14  }
.LBB2_6:
0x113: {  	s23 =	sshra.s32 s22, $0x2;
	p0 =	sne.s32 s22, $0x1E00;
	[tilespmem:s21+$0x14800] =	vst v13;
	v12 =	vsel vm0, $0x2710, v12;
	vm0 =	veq.s32 v11, v6;
	v13 =	vld [tilespmem:s21+$0x14870]  }
0x114: {  	v14 =	vld [tilespmem:s23+$0x15800];
	[tilespmem:s21+$0x14810] =	vst v12;
	v6 =	vsel vm0, $0x2710, v11;
	vm0 =	veq.s32 v10, v5  }
0x115: {  	v15 =	vld [tilespmem:s23+$0x15810];
	[tilespmem:s21+$0x14820] =	vst v6;
	v5 =	vsel vm0, $0x2710, v10;
	vm0 =	veq.s32 v9, v4  }
0x116: {  	v6 =	vld [tilespmem:s23+$0x15820];
	[tilespmem:s21+$0x14830] =	vst v5;
	v4 =	vsel vm0, $0x2710, v9;
	vm0 =	veq.s32 v8, v3  }
0x117: {  	v5 =	vld [tilespmem:s23+$0x15830];
	[tilespmem:s21+$0x14840] =	vst v4;
	v3 =	vsel vm0, $0x2710, v8;
	vm0 =	veq.s32 v7, v2  }
0x118: {  	v4 =	vld [tilespmem:s23+$0x15840];
	[tilespmem:s21+$0x14850] =	vst v3;
	v2 =	vsel vm0, $0x2710, v7;
	vm0 =	veq.s32 v13, v1  }
0x119: {  	v3 =	vld [tilespmem:s23+$0x15850];
	[tilespmem:s21+$0x14860] =	vst v2;
	v1 =	vsel vm0, $0x2710, v13  }
0x11a: {  	v2 =	vld [tilespmem:s23+$0x15860];
	[tilespmem:s21+$0x14870] =	vst v1;
	s21 =	smov.u32 s23  }
0x11b: {  	v1 =	vld [tilespmem:s21+$0x15870]  }
0x11c: {  	v7 =	vld [tilespmem:s21+$0x14800]  }
0x11d: {  	v12 =	vld [tilespmem:s21+$0x14810]  }
.Ltmp2:
0x11e: {  	v11 =	vld [tilespmem:s21+$0x14820];
	(pc) =	sbr.rel @p0 .LBB2_6-.Ltmp2, $4  }
0x11f: {  	v10 =	vld [tilespmem:s21+$0x14830]  }
0x120: {  	v9 =	vld [tilespmem:s21+$0x14840]  }
0x121: {  	vm0 =	veq.s32 v7, v14;
	v8 =	vld [tilespmem:s21+$0x14850]  }
0x122: {  	s22 =	sadd.s32 $0x200, s22;
	v13 =	vsel vm0, $0x2710, v7;
	vm0 =	veq.s32 v12, v15;
	v7 =	vld [tilespmem:s21+$0x14860]  }
0x123: {  	[tilespmem:s21+$0x14800] =	vst v13;
	v12 =	vsel vm0, $0x2710, v12;
	vm0 =	veq.s32 v11, v6;
	v6 =	vld [tilespmem:s21+$0x14870]  }
0x124: {  	[tilespmem:s21+$0x14810] =	vst v12;
	v11 =	vsel vm0, $0x2710, v11;
	vm0 =	veq.s32 v10, v5  }
0x125: {  	[tilespmem:s21+$0x14820] =	vst v11;
	v5 =	vsel vm0, $0x2710, v10;
	vm0 =	veq.s32 v9, v4  }
0x126: {  	[tilespmem:s21+$0x14830] =	vst v5;
	v4 =	vsel vm0, $0x2710, v9;
	vm0 =	veq.s32 v8, v3  }
0x127: {  	[tilespmem:s21+$0x14840] =	vst v4;
	v3 =	vsel vm0, $0x2710, v8;
	vm0 =	veq.s32 v7, v2  }
0x128: {  	[tilespmem:s21+$0x14850] =	vst v3;
	v2 =	vsel vm0, $0x2710, v7;
	vm0 =	veq.s32 v6, v1  }
0x129: {  	[tilespmem:s21+$0x14860] =	vst v2;
	v1 =	vsel vm0, $0x2710, v6  }
0x12a: {  	[tilespmem:s21+$0x14870] =	vst v1  }
0x12b: {  	[tilespmem:s26], [sflag:$0x2] =	stream.indirect.gather [hbm4b:s4+s31], $0x80, s0, s31, $0xb8;
	[tilespmem:$0x1E000] =	vst v63  }
0x12c: {  	s22 =	rddreg [dreg:$0x8];
	s21 =	simm.s32 $0x0  }
0x12d: {  	[tilespmem:s29], [sflag:$0x1] =	stream.linear.gather [hbm4b:s22+s21], $0x800, $0x38;
	[tilespmem:$0x1E000] =	vst v63  }
0x12e: {  	s23 =	rddreg [dreg:$0x9]  }
0x12f: {  	[tilespmem:s30], [sflag:$0x1] =	stream.linear.gather [hbm4b:s23+s21], $0x800, $0x38;
	[tilespmem:$0x1E000] =	vst v63  }
0x130: {  	s22 =	simm.s32 $0x14880  }
0x131: {  	[tilespmem:s12], [sflag:$0x3] =	stream.indirect.gather [hbm4b:s4+s31], $0x80, s22, s31, $0xb8;
	[tilespmem:$0x1E000] =	vst v63  }
0x132: {  	_ =	swait.ge [sflag:s13], $0x4000  }
0x133: {  	[sflag:s13] =	ssyncset.done $0x0  }
0x134: {  	[sflag:s13] =	ssyncadd.s32 $0xFFFFC000  }
0x135: {  	[spmem:s1] =	stream.indirect.scatter.add.f32 [tilespmem:s26], [sflag:$0x4], $0x80, s3, s31, $0xb8;
	[tilespmem:$0x1E000] =	vst v63  }
0x136: {  	_ =	swait.ge [sflag:s14], $0x4000  }
0x137: {  	[sflag:s14] =	ssyncset.done $0x0  }
0x138: {  	s23 =	simm.s32 $0x14900;
	[sflag:s14] =	ssyncadd.s32 $0xFFFFC000  }
0x139: {  	[tilespmem:s26], [sflag:$0x2] =	stream.indirect.gather [hbm4b:s4+s31], $0x80, s23, s31, $0xb8;
	[tilespmem:$0x1E000] =	vst v63  }
0x13a: {  	_ =	swait.ge [sflag:s16], $0x4000  }
0x13b: {  	[sflag:s16] =	ssyncset.done $0x0  }
0x13c: {  	s22 =	simm.s32 $0x15880;
	[sflag:s16] =	ssyncadd.s32 $0xFFFFC000  }
0x13d: {  	[spmem:s1] =	stream.indirect.scatter.add.f32 [tilespmem:s12], [sflag:$0x4], $0x80, s22, s31, $0xb8;
	[tilespmem:$0x1E000] =	vst v63  }
0x13e: {  	_ =	swait.ge [sflag:s14], $0x4000  }
0x13f: {  	[sflag:s14] =	ssyncset.done $0x0  }
0x140: {  	s23 =	simm.s32 $0x14980;
	[sflag:s14] =	ssyncadd.s32 $0xFFFFC000  }
0x141: {  	[tilespmem:s12], [sflag:$0x3] =	stream.indirect.gather [hbm4b:s4+s31], $0x80, s23, s31, $0xb8;
	[tilespmem:$0x1E000] =	vst v63  }
0x142: {  	_ =	swait.ge [sflag:s13], $0x4000  }
0x143: {  	[sflag:s13] =	ssyncset.done $0x0  }
0x144: {  	s22 =	simm.s32 $0x15900;
	[sflag:s13] =	ssyncadd.s32 $0xFFFFC000  }
0x145: {  	[spmem:s1] =	stream.indirect.scatter.add.f32 [tilespmem:s26], [sflag:$0x4], $0x80, s22, s31, $0xb8;
	[tilespmem:$0x1E000] =	vst v63  }
0x146: {  	_ =	swait.ge [sflag:s14], $0x4000  }
0x147: {  	[sflag:s14] =	ssyncset.done $0x0  }
0x148: {  	s23 =	simm.s32 $0x14A00;
	[sflag:s14] =	ssyncadd.s32 $0xFFFFC000  }
0x149: {  	[tilespmem:s26], [sflag:$0x2] =	stream.indirect.gather [hbm4b:s4+s31], $0x80, s23, s31, $0xb8;
	[tilespmem:$0x1E000] =	vst v63  }
0x14a: {  	_ =	swait.ge [sflag:s16], $0x4000  }
0x14b: {  	[sflag:s16] =	ssyncset.done $0x0  }
0x14c: {  	s22 =	simm.s32 $0x15980;
	[sflag:s16] =	ssyncadd.s32 $0xFFFFC000  }
0x14d: {  	[spmem:s1] =	stream.indirect.scatter.add.f32 [tilespmem:s12], [sflag:$0x4], $0x80, s22, s31, $0xb8;
	[tilespmem:$0x1E000] =	vst v63  }
0x14e: {  	_ =	swait.ge [sflag:s14], $0x4000  }
0x14f: {  	[sflag:s14] =	ssyncset.done $0x0  }
0x150: {  	s23 =	simm.s32 $0x14A80;
	[sflag:s14] =	ssyncadd.s32 $0xFFFFC000  }
0x151: {  	[tilespmem:s12], [sflag:$0x3] =	stream.indirect.gather [hbm4b:s4+s31], $0x80, s23, s31, $0xb8;
	[tilespmem:$0x1E000] =	vst v63  }
0x152: {  	_ =	swait.ge [sflag:s13], $0x4000  }
0x153: {  	[sflag:s13] =	ssyncset.done $0x0  }
0x154: {  	s22 =	simm.s32 $0x15A00;
	[sflag:s13] =	ssyncadd.s32 $0xFFFFC000  }
0x155: {  	[spmem:s1] =	stream.indirect.scatter.add.f32 [tilespmem:s26], [sflag:$0x4], $0x80, s22, s31, $0xb8;
	[tilespmem:$0x1E000] =	vst v63  }
0x156: {  	_ =	swait.ge [sflag:s14], $0x4000  }
0x157: {  	[sflag:s14] =	ssyncset.done $0x0  }
0x158: {  	s23 =	simm.s32 $0x14B00;
	[sflag:s14] =	ssyncadd.s32 $0xFFFFC000  }
0x159: {  	[tilespmem:s26], [sflag:$0x2] =	stream.indirect.gather [hbm4b:s4+s31], $0x80, s23, s31, $0xb8;
	[tilespmem:$0x1E000] =	vst v63  }
0x15a: {  	_ =	swait.ge [sflag:s16], $0x4000  }
0x15b: {  	[sflag:s16] =	ssyncset.done $0x0  }
0x15c: {  	s22 =	simm.s32 $0x15A80;
	[sflag:s16] =	ssyncadd.s32 $0xFFFFC000  }
0x15d: {  	[spmem:s1] =	stream.indirect.scatter.add.f32 [tilespmem:s12], [sflag:$0x4], $0x80, s22, s31, $0xb8;
	[tilespmem:$0x1E000] =	vst v63  }
0x15e: {  	_ =	swait.ge [sflag:s14], $0x4000  }
0x15f: {  	[sflag:s14] =	ssyncset.done $0x0  }
0x160: {  	s23 =	simm.s32 $0x14B80;
	[sflag:s14] =	ssyncadd.s32 $0xFFFFC000  }
0x161: {  	[tilespmem:s12], [sflag:$0x3] =	stream.indirect.gather [hbm4b:s4+s31], $0x80, s23, s31, $0xb8;
	[tilespmem:$0x1E000] =	vst v63  }
0x162: {  	_ =	swait.ge [sflag:s13], $0x4000  }
0x163: {  	[sflag:s13] =	ssyncset.done $0x0  }
0x164: {  	s22 =	simm.s32 $0x15B00;
	[sflag:s13] =	ssyncadd.s32 $0xFFFFC000  }
0x165: {  	[spmem:s1] =	stream.indirect.scatter.add.f32 [tilespmem:s26], [sflag:$0x4], $0x80, s22, s31, $0xb8;
	[tilespmem:$0x1E000] =	vst v63  }
0x166: {  	_ =	swait.ge [sflag:s14], $0x4000  }
0x167: {  	[sflag:s14] =	ssyncset.done $0x0  }
0x168: {  	s23 =	simm.s32 $0x14C00;
	[sflag:s14] =	ssyncadd.s32 $0xFFFFC000  }
0x169: {  	[tilespmem:s26], [sflag:$0x2] =	stream.indirect.gather [hbm4b:s4+s31], $0x80, s23, s31, $0xb8;
	[tilespmem:$0x1E000] =	vst v63  }
0x16a: {  	_ =	swait.ge [sflag:s16], $0x4000  }
0x16b: {  	[sflag:s16] =	ssyncset.done $0x0  }
0x16c: {  	s22 =	simm.s32 $0x15B80;
	[sflag:s16] =	ssyncadd.s32 $0xFFFFC000  }
0x16d: {  	[spmem:s1] =	stream.indirect.scatter.add.f32 [tilespmem:s12], [sflag:$0x4], $0x80, s22, s31, $0xb8;
	[tilespmem:$0x1E000] =	vst v63  }
0x16e: {  	_ =	swait.ge [sflag:s14], $0x4000  }
0x16f: {  	[sflag:s14] =	ssyncset.done $0x0  }
0x170: {  	s23 =	simm.s32 $0x14C80;
	[sflag:s14] =	ssyncadd.s32 $0xFFFFC000  }
0x171: {  	[tilespmem:s12], [sflag:$0x3] =	stream.indirect.gather [hbm4b:s4+s31], $0x80, s23, s31, $0xb8;
	[tilespmem:$0x1E000] =	vst v63  }
0x172: {  	_ =	swait.ge [sflag:s13], $0x4000  }
0x173: {  	[sflag:s13] =	ssyncset.done $0x0  }
0x174: {  	s22 =	simm.s32 $0x15C00;
	[sflag:s13] =	ssyncadd.s32 $0xFFFFC000  }
0x175: {  	[spmem:s1] =	stream.indirect.scatter.add.f32 [tilespmem:s26], [sflag:$0x4], $0x80, s22, s31, $0xb8;
	[tilespmem:$0x1E000] =	vst v63  }
0x176: {  	_ =	swait.ge [sflag:s14], $0x4000  }
0x177: {  	[sflag:s14] =	ssyncset.done $0x0  }
0x178: {  	s23 =	simm.s32 $0x14D00;
	[sflag:s14] =	ssyncadd.s32 $0xFFFFC000  }
0x179: {  	[tilespmem:s26], [sflag:$0x2] =	stream.indirect.gather [hbm4b:s4+s31], $0x80, s23, s31, $0xb8;
	[tilespmem:$0x1E000] =	vst v63  }
0x17a: {  	_ =	swait.ge [sflag:s16], $0x4000  }
0x17b: {  	[sflag:s16] =	ssyncset.done $0x0  }
0x17c: {  	s22 =	simm.s32 $0x15C80;
	[sflag:s16] =	ssyncadd.s32 $0xFFFFC000  }
0x17d: {  	[spmem:s1] =	stream.indirect.scatter.add.f32 [tilespmem:s12], [sflag:$0x4], $0x80, s22, s31, $0xb8;
	[tilespmem:$0x1E000] =	vst v63  }
0x17e: {  	_ =	swait.ge [sflag:s14], $0x4000  }
0x17f: {  	[sflag:s14] =	ssyncset.done $0x0  }
0x180: {  	s23 =	simm.s32 $0x14D80;
	[sflag:s14] =	ssyncadd.s32 $0xFFFFC000  }
0x181: {  	[tilespmem:s12], [sflag:$0x3] =	stream.indirect.gather [hbm4b:s4+s31], $0x80, s23, s31, $0xb8;
	[tilespmem:$0x1E000] =	vst v63  }
0x182: {  	_ =	swait.ge [sflag:s13], $0x4000  }
0x183: {  	[sflag:s13] =	ssyncset.done $0x0  }
0x184: {  	s22 =	simm.s32 $0x15D00;
	[sflag:s13] =	ssyncadd.s32 $0xFFFFC000  }
0x185: {  	[spmem:s1] =	stream.indirect.scatter.add.f32 [tilespmem:s26], [sflag:$0x4], $0x80, s22, s31, $0xb8;
	[tilespmem:$0x1E000] =	vst v63  }
0x186: {  	_ =	swait.ge [sflag:s14], $0x4000  }
0x187: {  	[sflag:s14] =	ssyncset.done $0x0  }
0x188: {  	s23 =	simm.s32 $0x14E00;
	[sflag:s14] =	ssyncadd.s32 $0xFFFFC000  }
0x189: {  	[tilespmem:s26], [sflag:$0x2] =	stream.indirect.gather [hbm4b:s4+s31], $0x80, s23, s31, $0xb8;
	[tilespmem:$0x1E000] =	vst v63  }
0x18a: {  	_ =	swait.ge [sflag:s16], $0x4000  }
0x18b: {  	[sflag:s16] =	ssyncset.done $0x0  }
0x18c: {  	s22 =	simm.s32 $0x15D80;
	[sflag:s16] =	ssyncadd.s32 $0xFFFFC000  }
0x18d: {  	[spmem:s1] =	stream.indirect.scatter.add.f32 [tilespmem:s12], [sflag:$0x4], $0x80, s22, s31, $0xb8;
	[tilespmem:$0x1E000] =	vst v63  }
0x18e: {  	_ =	swait.ge [sflag:s14], $0x4000  }
0x18f: {  	[sflag:s14] =	ssyncset.done $0x0  }
0x190: {  	s23 =	simm.s32 $0x14E80;
	[sflag:s14] =	ssyncadd.s32 $0xFFFFC000  }
0x191: {  	[tilespmem:s12], [sflag:$0x3] =	stream.indirect.gather [hbm4b:s4+s31], $0x80, s23, s31, $0xb8;
	[tilespmem:$0x1E000] =	vst v63  }
0x192: {  	_ =	swait.ge [sflag:s13], $0x4000  }
0x193: {  	[sflag:s13] =	ssyncset.done $0x0  }
0x194: {  	s22 =	simm.s32 $0x15E00;
	[sflag:s13] =	ssyncadd.s32 $0xFFFFC000  }
0x195: {  	[spmem:s1] =	stream.indirect.scatter.add.f32 [tilespmem:s26], [sflag:$0x4], $0x80, s22, s31, $0xb8;
	[tilespmem:$0x1E000] =	vst v63  }
0x196: {  	_ =	swait.ge [sflag:s14], $0x4000  }
0x197: {  	[sflag:s14] =	ssyncset.done $0x0  }
0x198: {  	s23 =	simm.s32 $0x14F00;
	[sflag:s14] =	ssyncadd.s32 $0xFFFFC000  }
0x199: {  	[tilespmem:s26], [sflag:$0x2] =	stream.indirect.gather [hbm4b:s4+s31], $0x80, s23, s31, $0xb8;
	[tilespmem:$0x1E000] =	vst v63  }
0x19a: {  	_ =	swait.ge [sflag:s16], $0x4000  }
0x19b: {  	[sflag:s16] =	ssyncset.done $0x0  }
0x19c: {  	s22 =	simm.s32 $0x15E80;
	[sflag:s16] =	ssyncadd.s32 $0xFFFFC000  }
0x19d: {  	[spmem:s1] =	stream.indirect.scatter.add.f32 [tilespmem:s12], [sflag:$0x4], $0x80, s22, s31, $0xb8;
	[tilespmem:$0x1E000] =	vst v63  }
0x19e: {  	_ =	swait.ge [sflag:s14], $0x4000  }
0x19f: {  	[sflag:s14] =	ssyncset.done $0x0  }
0x1a0: {  	s23 =	simm.s32 $0x14F80;
	[sflag:s14] =	ssyncadd.s32 $0xFFFFC000  }
0x1a1: {  	[tilespmem:s12], [sflag:$0x3] =	stream.indirect.gather [hbm4b:s4+s31], $0x80, s23, s31, $0xb8;
	[tilespmem:$0x1E000] =	vst v63  }
0x1a2: {  	_ =	swait.ge [sflag:s13], $0x4000  }
0x1a3: {  	[sflag:s13] =	ssyncset.done $0x0  }
0x1a4: {  	s22 =	simm.s32 $0x15F00;
	[sflag:s13] =	ssyncadd.s32 $0xFFFFC000  }
0x1a5: {  	[spmem:s1] =	stream.indirect.scatter.add.f32 [tilespmem:s26], [sflag:$0x4], $0x80, s22, s31, $0xb8;
	[tilespmem:$0x1E000] =	vst v63  }
0x1a6: {  	_ =	swait.ge [sflag:s14], $0x4000  }
0x1a7: {  	[sflag:s14] =	ssyncset.done $0x0  }
0x1a8: {  	[sflag:s14] =	ssyncadd.s32 $0xFFFFC000  }
0x1a9: {  	_ =	swait.ge [sflag:s16], $0x4000  }
0x1aa: {  	[sflag:s16] =	ssyncset.done $0x0  }
0x1ab: {  	s23 =	simm.s32 $0x15F80;
	[sflag:s16] =	ssyncadd.s32 $0xFFFFC000  }
0x1ac: {  	[spmem:s1] =	stream.indirect.scatter.add.f32 [tilespmem:s12], [sflag:$0x4], $0x80, s23, s31, $0xb8;
	[tilespmem:$0x1E000] =	vst v63  }
0x1ad: {  	_ =	swait.ge [sflag:s14], $0x4000  }
0x1ae: {  	[sflag:s14] =	ssyncset.done $0x0  }
0x1af: {  	[sflag:s14] =	ssyncadd.s32 $0xFFFFC000  }
0x1b0: {  	_ =	swait.ge [sflag:s28], $0x800  }
0x1b1: {  	[sflag:s28] =	ssyncset.done $0x0  }
0x1b2: {  	[sflag:s28] =	ssyncadd.s32 $0xFFFFF800  }
0x1b3: {  	_ =	swait.ge [sflag:s28], $0x800  }
0x1b4: {  	[sflag:s28] =	ssyncset.done $0x0  }
0x1b5: {  	s21 =	simm.s32 $0x0;
	[sflag:s28] =	ssyncadd.s32 $0xFFFFF800  }
0x1b6: {  	v7 =	vld [tilespmem:s21+$0x15000]  }
0x1b7: {  	v14 =	vld [tilespmem:s21+$0x15010]  }
0x1b8: {  	v6 =	vld [tilespmem:s21+$0x15020]  }
0x1b9: {  	v5 =	vld [tilespmem:s21+$0x15030]  }
0x1ba: {  	v4 =	vld [tilespmem:s21+$0x15040]  }
0x1bb: {  	v3 =	vld [tilespmem:s21+$0x15050]  }
0x1bc: {  	v2 =	vld [tilespmem:s21+$0x15060]  }
0x1bd: {  	v1 =	vld [tilespmem:s21+$0x15070]  }
0x1be: {  	v13 =	vld [tilespmem:s21+$0x14000]  }
0x1bf: {  	v12 =	vld [tilespmem:s21+$0x14010]  }
0x1c0: {  	v11 =	vld [tilespmem:s21+$0x14020]  }
0x1c1: {  	v10 =	vld [tilespmem:s21+$0x14030]  }
0x1c2: {  	v9 =	vld [tilespmem:s21+$0x14040]  }
0x1c3: {  	v8 =	vld [tilespmem:s21+$0x14050];
	vm0 =	veq.s32 v13, v7  }
0x1c4: {  	s22 =	simm.s32 $0x200;
	v7 =	vld [tilespmem:s21+$0x14060];
	v13 =	vsel vm0, $0x2710, v13;
	vm0 =	veq.s32 v12, v14  }
.LBB2_8:
0x1c5: {  	s23 =	sshra.s32 s22, $0x2;
	p0 =	sne.s32 s22, $0x1E00;
	[tilespmem:s21+$0x14000] =	vst v13;
	v12 =	vsel vm0, $0x2710, v12;
	vm0 =	veq.s32 v11, v6;
	v13 =	vld [tilespmem:s21+$0x14070]  }
0x1c6: {  	v14 =	vld [tilespmem:s23+$0x15000];
	[tilespmem:s21+$0x14010] =	vst v12;
	v6 =	vsel vm0, $0x2710, v11;
	vm0 =	veq.s32 v10, v5  }
0x1c7: {  	v15 =	vld [tilespmem:s23+$0x15010];
	[tilespmem:s21+$0x14020] =	vst v6;
	v5 =	vsel vm0, $0x2710, v10;
	vm0 =	veq.s32 v9, v4  }
0x1c8: {  	v6 =	vld [tilespmem:s23+$0x15020];
	[tilespmem:s21+$0x14030] =	vst v5;
	v4 =	vsel vm0, $0x2710, v9;
	vm0 =	veq.s32 v8, v3  }
0x1c9: {  	v5 =	vld [tilespmem:s23+$0x15030];
	[tilespmem:s21+$0x14040] =	vst v4;
	v3 =	vsel vm0, $0x2710, v8;
	vm0 =	veq.s32 v7, v2  }
0x1ca: {  	v4 =	vld [tilespmem:s23+$0x15040];
	[tilespmem:s21+$0x14050] =	vst v3;
	v2 =	vsel vm0, $0x2710, v7;
	vm0 =	veq.s32 v13, v1  }
0x1cb: {  	v3 =	vld [tilespmem:s23+$0x15050];
	[tilespmem:s21+$0x14060] =	vst v2;
	v1 =	vsel vm0, $0x2710, v13  }
0x1cc: {  	v2 =	vld [tilespmem:s23+$0x15060];
	[tilespmem:s21+$0x14070] =	vst v1;
	s21 =	smov.u32 s23  }
0x1cd: {  	v1 =	vld [tilespmem:s21+$0x15070]  }
0x1ce: {  	v7 =	vld [tilespmem:s21+$0x14000]  }
0x1cf: {  	v12 =	vld [tilespmem:s21+$0x14010]  }
.Ltmp3:
0x1d0: {  	v11 =	vld [tilespmem:s21+$0x14020];
	(pc) =	sbr.rel @p0 .LBB2_8-.Ltmp3, $4  }
0x1d1: {  	v10 =	vld [tilespmem:s21+$0x14030]  }
0x1d2: {  	v9 =	vld [tilespmem:s21+$0x14040]  }
0x1d3: {  	vm0 =	veq.s32 v7, v14;
	v8 =	vld [tilespmem:s21+$0x14050]  }
0x1d4: {  	s22 =	sadd.s32 $0x200, s22;
	v13 =	vsel vm0, $0x2710, v7;
	vm0 =	veq.s32 v12, v15;
	v7 =	vld [tilespmem:s21+$0x14060]  }
0x1d5: {  	[tilespmem:s21+$0x14000] =	vst v13;
	v12 =	vsel vm0, $0x2710, v12;
	vm0 =	veq.s32 v11, v6;
	v6 =	vld [tilespmem:s21+$0x14070]  }
0x1d6: {  	[tilespmem:s21+$0x14010] =	vst v12;
	v11 =	vsel vm0, $0x2710, v11;
	vm0 =	veq.s32 v10, v5  }
0x1d7: {  	[tilespmem:s21+$0x14020] =	vst v11;
	v5 =	vsel vm0, $0x2710, v10;
	vm0 =	veq.s32 v9, v4  }
0x1d8: {  	[tilespmem:s21+$0x14030] =	vst v5;
	v4 =	vsel vm0, $0x2710, v9;
	vm0 =	veq.s32 v8, v3  }
0x1d9: {  	[tilespmem:s21+$0x14040] =	vst v4;
	v3 =	vsel vm0, $0x2710, v8;
	vm0 =	veq.s32 v7, v2  }
0x1da: {  	[tilespmem:s21+$0x14050] =	vst v3;
	v2 =	vsel vm0, $0x2710, v7;
	vm0 =	veq.s32 v6, v1  }
0x1db: {  	[tilespmem:s21+$0x14060] =	vst v2;
	v1 =	vsel vm0, $0x2710, v6  }
0x1dc: {  	[tilespmem:s21+$0x14070] =	vst v1  }
0x1dd: {  	[tilespmem:s26], [sflag:$0x2] =	stream.indirect.gather [hbm4b:s4+s31], $0x80, s29, s31, $0xb8;
	[tilespmem:$0x1E000] =	vst v63  }
0x1de: {  	s22 =	rddreg [dreg:$0xa];
	s21 =	simm.s32 $0x0  }
0x1df: {  	[tilespmem:s0], [sflag:$0x1] =	stream.linear.gather [hbm4b:s22+s21], $0x800, $0x38;
	[tilespmem:$0x1E000] =	vst v63  }
0x1e0: {  	s23 =	rddreg [dreg:$0xb]  }
0x1e1: {  	[tilespmem:s3], [sflag:$0x1] =	stream.linear.gather [hbm4b:s23+s21], $0x800, $0x38;
	[tilespmem:$0x1E000] =	vst v63  }
0x1e2: {  	s23 =	simm.s32 $0x14080  }
0x1e3: {  	[tilespmem:s12], [sflag:$0x3] =	stream.indirect.gather [hbm4b:s4+s31], $0x80, s23, s31, $0xb8;
	[tilespmem:$0x1E000] =	vst v63  }
0x1e4: {  	_ =	swait.ge [sflag:s13], $0x4000  }
0x1e5: {  	[sflag:s13] =	ssyncset.done $0x0  }
0x1e6: {  	[sflag:s13] =	ssyncadd.s32 $0xFFFFC000  }
0x1e7: {  	[spmem:s1] =	stream.indirect.scatter.add.f32 [tilespmem:s26], [sflag:$0x4], $0x80, s30, s31, $0xb8;
	[tilespmem:$0x1E000] =	vst v63  }
0x1e8: {  	_ =	swait.ge [sflag:s14], $0x4000  }
0x1e9: {  	[sflag:s14] =	ssyncset.done $0x0  }
0x1ea: {  	s22 =	simm.s32 $0x14100;
	[sflag:s14] =	ssyncadd.s32 $0xFFFFC000  }
0x1eb: {  	[tilespmem:s26], [sflag:$0x2] =	stream.indirect.gather [hbm4b:s4+s31], $0x80, s22, s31, $0xb8;
	[tilespmem:$0x1E000] =	vst v63  }
0x1ec: {  	_ =	swait.ge [sflag:s16], $0x4000  }
0x1ed: {  	[sflag:s16] =	ssyncset.done $0x0  }
0x1ee: {  	s23 =	simm.s32 $0x15080;
	[sflag:s16] =	ssyncadd.s32 $0xFFFFC000  }
0x1ef: {  	[spmem:s1] =	stream.indirect.scatter.add.f32 [tilespmem:s12], [sflag:$0x4], $0x80, s23, s31, $0xb8;
	[tilespmem:$0x1E000] =	vst v63  }
0x1f0: {  	_ =	swait.ge [sflag:s14], $0x4000  }
0x1f1: {  	[sflag:s14] =	ssyncset.done $0x0  }
0x1f2: {  	s22 =	simm.s32 $0x14180;
	[sflag:s14] =	ssyncadd.s32 $0xFFFFC000  }
0x1f3: {  	[tilespmem:s12], [sflag:$0x3] =	stream.indirect.gather [hbm4b:s4+s31], $0x80, s22, s31, $0xb8;
	[tilespmem:$0x1E000] =	vst v63  }
0x1f4: {  	_ =	swait.ge [sflag:s13], $0x4000  }
0x1f5: {  	[sflag:s13] =	ssyncset.done $0x0  }
0x1f6: {  	s23 =	simm.s32 $0x15100;
	[sflag:s13] =	ssyncadd.s32 $0xFFFFC000  }
0x1f7: {  	[spmem:s1] =	stream.indirect.scatter.add.f32 [tilespmem:s26], [sflag:$0x4], $0x80, s23, s31, $0xb8;
	[tilespmem:$0x1E000] =	vst v63  }
0x1f8: {  	_ =	swait.ge [sflag:s14], $0x4000  }
0x1f9: {  	[sflag:s14] =	ssyncset.done $0x0  }
0x1fa: {  	s22 =	simm.s32 $0x14200;
	[sflag:s14] =	ssyncadd.s32 $0xFFFFC000  }
0x1fb: {  	[tilespmem:s26], [sflag:$0x2] =	stream.indirect.gather [hbm4b:s4+s31], $0x80, s22, s31, $0xb8;
	[tilespmem:$0x1E000] =	vst v63  }
0x1fc: {  	_ =	swait.ge [sflag:s16], $0x4000  }
0x1fd: {  	[sflag:s16] =	ssyncset.done $0x0  }
0x1fe: {  	s23 =	simm.s32 $0x15180;
	[sflag:s16] =	ssyncadd.s32 $0xFFFFC000  }
0x1ff: {  	[spmem:s1] =	stream.indirect.scatter.add.f32 [tilespmem:s12], [sflag:$0x4], $0x80, s23, s31, $0xb8;
	[tilespmem:$0x1E000] =	vst v63  }
0x200: {  	_ =	swait.ge [sflag:s14], $0x4000  }
0x201: {  	[sflag:s14] =	ssyncset.done $0x0  }
0x202: {  	s22 =	simm.s32 $0x14280;
	[sflag:s14] =	ssyncadd.s32 $0xFFFFC000  }
0x203: {  	[tilespmem:s12], [sflag:$0x3] =	stream.indirect.gather [hbm4b:s4+s31], $0x80, s22, s31, $0xb8;
	[tilespmem:$0x1E000] =	vst v63  }
0x204: {  	_ =	swait.ge [sflag:s13], $0x4000  }
0x205: {  	[sflag:s13] =	ssyncset.done $0x0  }
0x206: {  	s23 =	simm.s32 $0x15200;
	[sflag:s13] =	ssyncadd.s32 $0xFFFFC000  }
0x207: {  	[spmem:s1] =	stream.indirect.scatter.add.f32 [tilespmem:s26], [sflag:$0x4], $0x80, s23, s31, $0xb8;
	[tilespmem:$0x1E000] =	vst v63  }
0x208: {  	_ =	swait.ge [sflag:s14], $0x4000  }
0x209: {  	[sflag:s14] =	ssyncset.done $0x0  }
0x20a: {  	s22 =	simm.s32 $0x14300;
	[sflag:s14] =	ssyncadd.s32 $0xFFFFC000  }
0x20b: {  	[tilespmem:s26], [sflag:$0x2] =	stream.indirect.gather [hbm4b:s4+s31], $0x80, s22, s31, $0xb8;
	[tilespmem:$0x1E000] =	vst v63  }
0x20c: {  	_ =	swait.ge [sflag:s16], $0x4000  }
0x20d: {  	[sflag:s16] =	ssyncset.done $0x0  }
0x20e: {  	s23 =	simm.s32 $0x15280;
	[sflag:s16] =	ssyncadd.s32 $0xFFFFC000  }
0x20f: {  	[spmem:s1] =	stream.indirect.scatter.add.f32 [tilespmem:s12], [sflag:$0x4], $0x80, s23, s31, $0xb8;
	[tilespmem:$0x1E000] =	vst v63  }
0x210: {  	_ =	swait.ge [sflag:s14], $0x4000  }
0x211: {  	[sflag:s14] =	ssyncset.done $0x0  }
0x212: {  	s22 =	simm.s32 $0x14380;
	[sflag:s14] =	ssyncadd.s32 $0xFFFFC000  }
0x213: {  	[tilespmem:s12], [sflag:$0x3] =	stream.indirect.gather [hbm4b:s4+s31], $0x80, s22, s31, $0xb8;
	[tilespmem:$0x1E000] =	vst v63  }
0x214: {  	_ =	swait.ge [sflag:s13], $0x4000  }
0x215: {  	[sflag:s13] =	ssyncset.done $0x0  }
0x216: {  	s23 =	simm.s32 $0x15300;
	[sflag:s13] =	ssyncadd.s32 $0xFFFFC000  }
0x217: {  	[spmem:s1] =	stream.indirect.scatter.add.f32 [tilespmem:s26], [sflag:$0x4], $0x80, s23, s31, $0xb8;
	[tilespmem:$0x1E000] =	vst v63  }
0x218: {  	_ =	swait.ge [sflag:s14], $0x4000  }
0x219: {  	[sflag:s14] =	ssyncset.done $0x0  }
0x21a: {  	s22 =	simm.s32 $0x14400;
	[sflag:s14] =	ssyncadd.s32 $0xFFFFC000  }
0x21b: {  	[tilespmem:s26], [sflag:$0x2] =	stream.indirect.gather [hbm4b:s4+s31], $0x80, s22, s31, $0xb8;
	[tilespmem:$0x1E000] =	vst v63  }
0x21c: {  	_ =	swait.ge [sflag:s16], $0x4000  }
0x21d: {  	[sflag:s16] =	ssyncset.done $0x0  }
0x21e: {  	s23 =	simm.s32 $0x15380;
	[sflag:s16] =	ssyncadd.s32 $0xFFFFC000  }
0x21f: {  	[spmem:s1] =	stream.indirect.scatter.add.f32 [tilespmem:s12], [sflag:$0x4], $0x80, s23, s31, $0xb8;
	[tilespmem:$0x1E000] =	vst v63  }
0x220: {  	_ =	swait.ge [sflag:s14], $0x4000  }
0x221: {  	[sflag:s14] =	ssyncset.done $0x0  }
0x222: {  	s22 =	simm.s32 $0x14480;
	[sflag:s14] =	ssyncadd.s32 $0xFFFFC000  }
0x223: {  	[tilespmem:s12], [sflag:$0x3] =	stream.indirect.gather [hbm4b:s4+s31], $0x80, s22, s31, $0xb8;
	[tilespmem:$0x1E000] =	vst v63  }
0x224: {  	_ =	swait.ge [sflag:s13], $0x4000  }
0x225: {  	[sflag:s13] =	ssyncset.done $0x0  }
0x226: {  	s23 =	simm.s32 $0x15400;
	[sflag:s13] =	ssyncadd.s32 $0xFFFFC000  }
0x227: {  	[spmem:s1] =	stream.indirect.scatter.add.f32 [tilespmem:s26], [sflag:$0x4], $0x80, s23, s31, $0xb8;
	[tilespmem:$0x1E000] =	vst v63  }
0x228: {  	_ =	swait.ge [sflag:s14], $0x4000  }
0x229: {  	[sflag:s14] =	ssyncset.done $0x0  }
0x22a: {  	s22 =	simm.s32 $0x14500;
	[sflag:s14] =	ssyncadd.s32 $0xFFFFC000  }
0x22b: {  	[tilespmem:s26], [sflag:$0x2] =	stream.indirect.gather [hbm4b:s4+s31], $0x80, s22, s31, $0xb8;
	[tilespmem:$0x1E000] =	vst v63  }
0x22c: {  	_ =	swait.ge [sflag:s16], $0x4000  }
0x22d: {  	[sflag:s16] =	ssyncset.done $0x0  }
0x22e: {  	s23 =	simm.s32 $0x15480;
	[sflag:s16] =	ssyncadd.s32 $0xFFFFC000  }
0x22f: {  	[spmem:s1] =	stream.indirect.scatter.add.f32 [tilespmem:s12], [sflag:$0x4], $0x80, s23, s31, $0xb8;
	[tilespmem:$0x1E000] =	vst v63  }
0x230: {  	_ =	swait.ge [sflag:s14], $0x4000  }
0x231: {  	[sflag:s14] =	ssyncset.done $0x0  }
0x232: {  	s22 =	simm.s32 $0x14580;
	[sflag:s14] =	ssyncadd.s32 $0xFFFFC000  }
0x233: {  	[tilespmem:s12], [sflag:$0x3] =	stream.indirect.gather [hbm4b:s4+s31], $0x80, s22, s31, $0xb8;
	[tilespmem:$0x1E000] =	vst v63  }
0x234: {  	_ =	swait.ge [sflag:s13], $0x4000  }
0x235: {  	[sflag:s13] =	ssyncset.done $0x0  }
0x236: {  	s23 =	simm.s32 $0x15500;
	[sflag:s13] =	ssyncadd.s32 $0xFFFFC000  }
0x237: {  	[spmem:s1] =	stream.indirect.scatter.add.f32 [tilespmem:s26], [sflag:$0x4], $0x80, s23, s31, $0xb8;
	[tilespmem:$0x1E000] =	vst v63  }
0x238: {  	_ =	swait.ge [sflag:s14], $0x4000  }
0x239: {  	[sflag:s14] =	ssyncset.done $0x0  }
0x23a: {  	[sflag:s14] =	ssyncadd.s32 $0xFFFFC000  }
0x23b: {  	[tilespmem:s26], [sflag:$0x2] =	stream.indirect.gather [hbm4b:s4+s31], $0x80, s24, s31, $0xb8;
	[tilespmem:$0x1E000] =	vst v63  }
0x23c: {  	_ =	swait.ge [sflag:s16], $0x4000  }
0x23d: {  	[sflag:s16] =	ssyncset.done $0x0  }
0x23e: {  	[sflag:s16] =	ssyncadd.s32 $0xFFFFC000  }
0x23f: {  	[spmem:s1] =	stream.indirect.scatter.add.f32 [tilespmem:s12], [sflag:$0x4], $0x80, s25, s31, $0xb8;
	[tilespmem:$0x1E000] =	vst v63  }
0x240: {  	_ =	swait.ge [sflag:s14], $0x4000  }
0x241: {  	[sflag:s14] =	ssyncset.done $0x0  }
0x242: {  	[sflag:s14] =	ssyncadd.s32 $0xFFFFC000  }
0x243: {  	[tilespmem:s12], [sflag:$0x3] =	stream.indirect.gather [hbm4b:s4+s31], $0x80, s9, s31, $0xb8;
	[tilespmem:$0x1E000] =	vst v63  }
0x244: {  	_ =	swait.ge [sflag:s13], $0x4000  }
0x245: {  	[sflag:s13] =	ssyncset.done $0x0  }
0x246: {  	[sflag:s13] =	ssyncadd.s32 $0xFFFFC000  }
0x247: {  	[spmem:s1] =	stream.indirect.scatter.add.f32 [tilespmem:s26], [sflag:$0x4], $0x80, s11, s31, $0xb8;
	[tilespmem:$0x1E000] =	vst v63  }
0x248: {  	_ =	swait.ge [sflag:s14], $0x4000  }
0x249: {  	[sflag:s14] =	ssyncset.done $0x0  }
0x24a: {  	[sflag:s14] =	ssyncadd.s32 $0xFFFFC000  }
0x24b: {  	[tilespmem:s26], [sflag:$0x2] =	stream.indirect.gather [hbm4b:s4+s31], $0x80, s15, s31, $0xb8;
	[tilespmem:$0x1E000] =	vst v63  }
0x24c: {  	_ =	swait.ge [sflag:s16], $0x4000  }
0x24d: {  	[sflag:s16] =	ssyncset.done $0x0  }
0x24e: {  	[sflag:s16] =	ssyncadd.s32 $0xFFFFC000  }
0x24f: {  	[spmem:s1] =	stream.indirect.scatter.add.f32 [tilespmem:s12], [sflag:$0x4], $0x80, s17, s31, $0xb8;
	[tilespmem:$0x1E000] =	vst v63  }
0x250: {  	_ =	swait.ge [sflag:s14], $0x4000  }
0x251: {  	[sflag:s14] =	ssyncset.done $0x0  }
0x252: {  	[sflag:s14] =	ssyncadd.s32 $0xFFFFC000  }
0x253: {  	[tilespmem:s12], [sflag:$0x3] =	stream.indirect.gather [hbm4b:s4+s31], $0x80, s18, s31, $0xb8;
	[tilespmem:$0x1E000] =	vst v63  }
0x254: {  	_ =	swait.ge [sflag:s13], $0x4000  }
0x255: {  	[sflag:s13] =	ssyncset.done $0x0  }
0x256: {  	[sflag:s13] =	ssyncadd.s32 $0xFFFFC000  }
0x257: {  	[spmem:s1] =	stream.indirect.scatter.add.f32 [tilespmem:s26], [sflag:$0x4], $0x80, s19, s31, $0xb8;
	[tilespmem:$0x1E000] =	vst v63  }
0x258: {  	_ =	swait.ge [sflag:s14], $0x4000  }
0x259: {  	[sflag:s14] =	ssyncset.done $0x0  }
0x25a: {  	[sflag:s14] =	ssyncadd.s32 $0xFFFFC000  }
0x25b: {  	_ =	swait.ge [sflag:s16], $0x4000  }
0x25c: {  	[sflag:s16] =	ssyncset.done $0x0  }
0x25d: {  	[sflag:s16] =	ssyncadd.s32 $0xFFFFC000  }
0x25e: {  	[spmem:s1] =	stream.indirect.scatter.add.f32 [tilespmem:s12], [sflag:$0x4], $0x80, s20, s31, $0xb8;
	[tilespmem:$0x1E000] =	vst v63  }
0x25f: {  	_ =	swait.ge [sflag:s14], $0x4000  }
0x260: {  	[sflag:s14] =	ssyncset.done $0x0  }
0x261: {  	[sflag:s14] =	ssyncadd.s32 $0xFFFFC000  }
0x262: {  	_ =	swait.ge [sflag:s28], $0x800  }
0x263: {  	[sflag:s28] =	ssyncset.done $0x0  }
0x264: {  	[sflag:s28] =	ssyncadd.s32 $0xFFFFF800  }
0x265: {  	_ =	swait.ge [sflag:s28], $0x800  }
0x266: {  	[sflag:s28] =	ssyncset.done $0x0  }
0x267: {  	s21 =	simm.s32 $0x0;
	[sflag:s28] =	ssyncadd.s32 $0xFFFFF800  }
0x268: {  	v7 =	vld [tilespmem:s21+$0x15800]  }
0x269: {  	v14 =	vld [tilespmem:s21+$0x15810]  }
0x26a: {  	v6 =	vld [tilespmem:s21+$0x15820]  }
0x26b: {  	v5 =	vld [tilespmem:s21+$0x15830]  }
0x26c: {  	v4 =	vld [tilespmem:s21+$0x15840]  }
0x26d: {  	v3 =	vld [tilespmem:s21+$0x15850]  }
0x26e: {  	v2 =	vld [tilespmem:s21+$0x15860]  }
0x26f: {  	v1 =	vld [tilespmem:s21+$0x15870]  }
0x270: {  	v13 =	vld [tilespmem:s21+$0x14800]  }
0x271: {  	v12 =	vld [tilespmem:s21+$0x14810]  }
0x272: {  	v11 =	vld [tilespmem:s21+$0x14820]  }
0x273: {  	v10 =	vld [tilespmem:s21+$0x14830]  }
0x274: {  	v9 =	vld [tilespmem:s21+$0x14840]  }
0x275: {  	v8 =	vld [tilespmem:s21+$0x14850];
	vm0 =	veq.s32 v13, v7  }
0x276: {  	s22 =	simm.s32 $0x200;
	v7 =	vld [tilespmem:s21+$0x14860];
	v13 =	vsel vm0, $0x2710, v13;
	vm0 =	veq.s32 v12, v14  }
.LBB2_10:
0x277: {  	s23 =	sshra.s32 s22, $0x2;
	p0 =	sne.s32 s22, $0x1E00;
	[tilespmem:s21+$0x14800] =	vst v13;
	v12 =	vsel vm0, $0x2710, v12;
	vm0 =	veq.s32 v11, v6;
	v13 =	vld [tilespmem:s21+$0x14870]  }
0x278: {  	v14 =	vld [tilespmem:s23+$0x15800];
	[tilespmem:s21+$0x14810] =	vst v12;
	v6 =	vsel vm0, $0x2710, v11;
	vm0 =	veq.s32 v10, v5  }
0x279: {  	v15 =	vld [tilespmem:s23+$0x15810];
	[tilespmem:s21+$0x14820] =	vst v6;
	v5 =	vsel vm0, $0x2710, v10;
	vm0 =	veq.s32 v9, v4  }
0x27a: {  	v6 =	vld [tilespmem:s23+$0x15820];
	[tilespmem:s21+$0x14830] =	vst v5;
	v4 =	vsel vm0, $0x2710, v9;
	vm0 =	veq.s32 v8, v3  }
0x27b: {  	v5 =	vld [tilespmem:s23+$0x15830];
	[tilespmem:s21+$0x14840] =	vst v4;
	v3 =	vsel vm0, $0x2710, v8;
	vm0 =	veq.s32 v7, v2  }
0x27c: {  	v4 =	vld [tilespmem:s23+$0x15840];
	[tilespmem:s21+$0x14850] =	vst v3;
	v2 =	vsel vm0, $0x2710, v7;
	vm0 =	veq.s32 v13, v1  }
0x27d: {  	v3 =	vld [tilespmem:s23+$0x15850];
	[tilespmem:s21+$0x14860] =	vst v2;
	v1 =	vsel vm0, $0x2710, v13  }
0x27e: {  	v2 =	vld [tilespmem:s23+$0x15860];
	[tilespmem:s21+$0x14870] =	vst v1;
	s21 =	smov.u32 s23  }
0x27f: {  	v1 =	vld [tilespmem:s21+$0x15870]  }
0x280: {  	v7 =	vld [tilespmem:s21+$0x14800]  }
0x281: {  	v12 =	vld [tilespmem:s21+$0x14810]  }
.Ltmp4:
0x282: {  	v11 =	vld [tilespmem:s21+$0x14820];
	(pc) =	sbr.rel @p0 .LBB2_10-.Ltmp4, $4  }
0x283: {  	v10 =	vld [tilespmem:s21+$0x14830]  }
0x284: {  	v9 =	vld [tilespmem:s21+$0x14840]  }
0x285: {  	vm0 =	veq.s32 v7, v14;
	v8 =	vld [tilespmem:s21+$0x14850]  }
0x286: {  	s22 =	sadd.s32 $0x200, s22;
	v13 =	vsel vm0, $0x2710, v7;
	vm0 =	veq.s32 v12, v15;
	v7 =	vld [tilespmem:s21+$0x14860]  }
0x287: {  	[tilespmem:s21+$0x14800] =	vst v13;
	v12 =	vsel vm0, $0x2710, v12;
	vm0 =	veq.s32 v11, v6;
	v6 =	vld [tilespmem:s21+$0x14870]  }
0x288: {  	[tilespmem:s21+$0x14810] =	vst v12;
	v11 =	vsel vm0, $0x2710, v11;
	vm0 =	veq.s32 v10, v5  }
0x289: {  	[tilespmem:s21+$0x14820] =	vst v11;
	v5 =	vsel vm0, $0x2710, v10;
	vm0 =	veq.s32 v9, v4  }
0x28a: {  	[tilespmem:s21+$0x14830] =	vst v5;
	v4 =	vsel vm0, $0x2710, v9;
	vm0 =	veq.s32 v8, v3  }
0x28b: {  	[tilespmem:s21+$0x14840] =	vst v4;
	v3 =	vsel vm0, $0x2710, v8;
	vm0 =	veq.s32 v7, v2  }
0x28c: {  	[tilespmem:s21+$0x14850] =	vst v3;
	v2 =	vsel vm0, $0x2710, v7;
	vm0 =	veq.s32 v6, v1  }
0x28d: {  	[tilespmem:s21+$0x14860] =	vst v2;
	v1 =	vsel vm0, $0x2710, v6  }
0x28e: {  	[tilespmem:s21+$0x14870] =	vst v1  }
0x28f: {  	[tilespmem:s26], [sflag:$0x2] =	stream.indirect.gather [hbm4b:s4+s31], $0x80, s0, s31, $0xb8;
	[tilespmem:$0x1E000] =	vst v63  }
0x290: {  	s22 =	rddreg [dreg:$0xc];
	s21 =	simm.s32 $0x0  }
0x291: {  	[tilespmem:s29], [sflag:$0x1] =	stream.linear.gather [hbm4b:s22+s21], $0x800, $0x38;
	[tilespmem:$0x1E000] =	vst v63  }
0x292: {  	s23 =	rddreg [dreg:$0x12]  }
0x293: {  	[tilespmem:s30], [sflag:$0x1] =	stream.linear.gather [hbm4b:s23+s21], $0x800, $0x38;
	[tilespmem:$0x1E000] =	vst v63  }
0x294: {  	s22 =	simm.s32 $0x14880  }
0x295: {  	[tilespmem:s12], [sflag:$0x3] =	stream.indirect.gather [hbm4b:s4+s31], $0x80, s22, s31, $0xb8;
	[tilespmem:$0x1E000] =	vst v63  }
0x296: {  	_ =	swait.ge [sflag:s13], $0x4000  }
0x297: {  	[sflag:s13] =	ssyncset.done $0x0  }
0x298: {  	[sflag:s13] =	ssyncadd.s32 $0xFFFFC000  }
0x299: {  	[spmem:s1] =	stream.indirect.scatter.add.f32 [tilespmem:s26], [sflag:$0x4], $0x80, s3, s31, $0xb8;
	[tilespmem:$0x1E000] =	vst v63  }
0x29a: {  	_ =	swait.ge [sflag:s14], $0x4000  }
0x29b: {  	[sflag:s14] =	ssyncset.done $0x0  }
0x29c: {  	s23 =	simm.s32 $0x14900;
	[sflag:s14] =	ssyncadd.s32 $0xFFFFC000  }
0x29d: {  	[tilespmem:s26], [sflag:$0x2] =	stream.indirect.gather [hbm4b:s4+s31], $0x80, s23, s31, $0xb8;
	[tilespmem:$0x1E000] =	vst v63  }
0x29e: {  	_ =	swait.ge [sflag:s16], $0x4000  }
0x29f: {  	[sflag:s16] =	ssyncset.done $0x0  }
0x2a0: {  	s22 =	simm.s32 $0x15880;
	[sflag:s16] =	ssyncadd.s32 $0xFFFFC000  }
0x2a1: {  	[spmem:s1] =	stream.indirect.scatter.add.f32 [tilespmem:s12], [sflag:$0x4], $0x80, s22, s31, $0xb8;
	[tilespmem:$0x1E000] =	vst v63  }
0x2a2: {  	_ =	swait.ge [sflag:s14], $0x4000  }
0x2a3: {  	[sflag:s14] =	ssyncset.done $0x0  }
0x2a4: {  	s23 =	simm.s32 $0x14980;
	[sflag:s14] =	ssyncadd.s32 $0xFFFFC000  }
0x2a5: {  	[tilespmem:s12], [sflag:$0x3] =	stream.indirect.gather [hbm4b:s4+s31], $0x80, s23, s31, $0xb8;
	[tilespmem:$0x1E000] =	vst v63  }
0x2a6: {  	_ =	swait.ge [sflag:s13], $0x4000  }
0x2a7: {  	[sflag:s13] =	ssyncset.done $0x0  }
0x2a8: {  	s22 =	simm.s32 $0x15900;
	[sflag:s13] =	ssyncadd.s32 $0xFFFFC000  }
0x2a9: {  	[spmem:s1] =	stream.indirect.scatter.add.f32 [tilespmem:s26], [sflag:$0x4], $0x80, s22, s31, $0xb8;
	[tilespmem:$0x1E000] =	vst v63  }
0x2aa: {  	_ =	swait.ge [sflag:s14], $0x4000  }
0x2ab: {  	[sflag:s14] =	ssyncset.done $0x0  }
0x2ac: {  	s23 =	simm.s32 $0x14A00;
	[sflag:s14] =	ssyncadd.s32 $0xFFFFC000  }
0x2ad: {  	[tilespmem:s26], [sflag:$0x2] =	stream.indirect.gather [hbm4b:s4+s31], $0x80, s23, s31, $0xb8;
	[tilespmem:$0x1E000] =	vst v63  }
0x2ae: {  	_ =	swait.ge [sflag:s16], $0x4000  }
0x2af: {  	[sflag:s16] =	ssyncset.done $0x0  }
0x2b0: {  	s22 =	simm.s32 $0x15980;
	[sflag:s16] =	ssyncadd.s32 $0xFFFFC000  }
0x2b1: {  	[spmem:s1] =	stream.indirect.scatter.add.f32 [tilespmem:s12], [sflag:$0x4], $0x80, s22, s31, $0xb8;
	[tilespmem:$0x1E000] =	vst v63  }
0x2b2: {  	_ =	swait.ge [sflag:s14], $0x4000  }
0x2b3: {  	[sflag:s14] =	ssyncset.done $0x0  }
0x2b4: {  	s23 =	simm.s32 $0x14A80;
	[sflag:s14] =	ssyncadd.s32 $0xFFFFC000  }
0x2b5: {  	[tilespmem:s12], [sflag:$0x3] =	stream.indirect.gather [hbm4b:s4+s31], $0x80, s23, s31, $0xb8;
	[tilespmem:$0x1E000] =	vst v63  }
0x2b6: {  	_ =	swait.ge [sflag:s13], $0x4000  }
0x2b7: {  	[sflag:s13] =	ssyncset.done $0x0  }
0x2b8: {  	s22 =	simm.s32 $0x15A00;
	[sflag:s13] =	ssyncadd.s32 $0xFFFFC000  }
0x2b9: {  	[spmem:s1] =	stream.indirect.scatter.add.f32 [tilespmem:s26], [sflag:$0x4], $0x80, s22, s31, $0xb8;
	[tilespmem:$0x1E000] =	vst v63  }
0x2ba: {  	_ =	swait.ge [sflag:s14], $0x4000  }
0x2bb: {  	[sflag:s14] =	ssyncset.done $0x0  }
0x2bc: {  	s23 =	simm.s32 $0x14B00;
	[sflag:s14] =	ssyncadd.s32 $0xFFFFC000  }
0x2bd: {  	[tilespmem:s26], [sflag:$0x2] =	stream.indirect.gather [hbm4b:s4+s31], $0x80, s23, s31, $0xb8;
	[tilespmem:$0x1E000] =	vst v63  }
0x2be: {  	_ =	swait.ge [sflag:s16], $0x4000  }
0x2bf: {  	[sflag:s16] =	ssyncset.done $0x0  }
0x2c0: {  	s22 =	simm.s32 $0x15A80;
	[sflag:s16] =	ssyncadd.s32 $0xFFFFC000  }
0x2c1: {  	[spmem:s1] =	stream.indirect.scatter.add.f32 [tilespmem:s12], [sflag:$0x4], $0x80, s22, s31, $0xb8;
	[tilespmem:$0x1E000] =	vst v63  }
0x2c2: {  	_ =	swait.ge [sflag:s14], $0x4000  }
0x2c3: {  	[sflag:s14] =	ssyncset.done $0x0  }
0x2c4: {  	s23 =	simm.s32 $0x14B80;
	[sflag:s14] =	ssyncadd.s32 $0xFFFFC000  }
0x2c5: {  	[tilespmem:s12], [sflag:$0x3] =	stream.indirect.gather [hbm4b:s4+s31], $0x80, s23, s31, $0xb8;
	[tilespmem:$0x1E000] =	vst v63  }
0x2c6: {  	_ =	swait.ge [sflag:s13], $0x4000  }
0x2c7: {  	[sflag:s13] =	ssyncset.done $0x0  }
0x2c8: {  	s22 =	simm.s32 $0x15B00;
	[sflag:s13] =	ssyncadd.s32 $0xFFFFC000  }
0x2c9: {  	[spmem:s1] =	stream.indirect.scatter.add.f32 [tilespmem:s26], [sflag:$0x4], $0x80, s22, s31, $0xb8;
	[tilespmem:$0x1E000] =	vst v63  }
0x2ca: {  	_ =	swait.ge [sflag:s14], $0x4000  }
0x2cb: {  	[sflag:s14] =	ssyncset.done $0x0  }
0x2cc: {  	s23 =	simm.s32 $0x14C00;
	[sflag:s14] =	ssyncadd.s32 $0xFFFFC000  }
0x2cd: {  	[tilespmem:s26], [sflag:$0x2] =	stream.indirect.gather [hbm4b:s4+s31], $0x80, s23, s31, $0xb8;
	[tilespmem:$0x1E000] =	vst v63  }
0x2ce: {  	_ =	swait.ge [sflag:s16], $0x4000  }
0x2cf: {  	[sflag:s16] =	ssyncset.done $0x0  }
0x2d0: {  	s22 =	simm.s32 $0x15B80;
	[sflag:s16] =	ssyncadd.s32 $0xFFFFC000  }
0x2d1: {  	[spmem:s1] =	stream.indirect.scatter.add.f32 [tilespmem:s12], [sflag:$0x4], $0x80, s22, s31, $0xb8;
	[tilespmem:$0x1E000] =	vst v63  }
0x2d2: {  	_ =	swait.ge [sflag:s14], $0x4000  }
0x2d3: {  	[sflag:s14] =	ssyncset.done $0x0  }
0x2d4: {  	s23 =	simm.s32 $0x14C80;
	[sflag:s14] =	ssyncadd.s32 $0xFFFFC000  }
0x2d5: {  	[tilespmem:s12], [sflag:$0x3] =	stream.indirect.gather [hbm4b:s4+s31], $0x80, s23, s31, $0xb8;
	[tilespmem:$0x1E000] =	vst v63  }
0x2d6: {  	_ =	swait.ge [sflag:s13], $0x4000  }
0x2d7: {  	[sflag:s13] =	ssyncset.done $0x0  }
0x2d8: {  	s22 =	simm.s32 $0x15C00;
	[sflag:s13] =	ssyncadd.s32 $0xFFFFC000  }
0x2d9: {  	[spmem:s1] =	stream.indirect.scatter.add.f32 [tilespmem:s26], [sflag:$0x4], $0x80, s22, s31, $0xb8;
	[tilespmem:$0x1E000] =	vst v63  }
0x2da: {  	_ =	swait.ge [sflag:s14], $0x4000  }
0x2db: {  	[sflag:s14] =	ssyncset.done $0x0  }
0x2dc: {  	s23 =	simm.s32 $0x14D00;
	[sflag:s14] =	ssyncadd.s32 $0xFFFFC000  }
0x2dd: {  	[tilespmem:s26], [sflag:$0x2] =	stream.indirect.gather [hbm4b:s4+s31], $0x80, s23, s31, $0xb8;
	[tilespmem:$0x1E000] =	vst v63  }
0x2de: {  	_ =	swait.ge [sflag:s16], $0x4000  }
0x2df: {  	[sflag:s16] =	ssyncset.done $0x0  }
0x2e0: {  	s22 =	simm.s32 $0x15C80;
	[sflag:s16] =	ssyncadd.s32 $0xFFFFC000  }
0x2e1: {  	[spmem:s1] =	stream.indirect.scatter.add.f32 [tilespmem:s12], [sflag:$0x4], $0x80, s22, s31, $0xb8;
	[tilespmem:$0x1E000] =	vst v63  }
0x2e2: {  	_ =	swait.ge [sflag:s14], $0x4000  }
0x2e3: {  	[sflag:s14] =	ssyncset.done $0x0  }
0x2e4: {  	s23 =	simm.s32 $0x14D80;
	[sflag:s14] =	ssyncadd.s32 $0xFFFFC000  }
0x2e5: {  	[tilespmem:s12], [sflag:$0x3] =	stream.indirect.gather [hbm4b:s4+s31], $0x80, s23, s31, $0xb8;
	[tilespmem:$0x1E000] =	vst v63  }
0x2e6: {  	_ =	swait.ge [sflag:s13], $0x4000  }
0x2e7: {  	[sflag:s13] =	ssyncset.done $0x0  }
0x2e8: {  	s22 =	simm.s32 $0x15D00;
	[sflag:s13] =	ssyncadd.s32 $0xFFFFC000  }
0x2e9: {  	[spmem:s1] =	stream.indirect.scatter.add.f32 [tilespmem:s26], [sflag:$0x4], $0x80, s22, s31, $0xb8;
	[tilespmem:$0x1E000] =	vst v63  }
0x2ea: {  	_ =	swait.ge [sflag:s14], $0x4000  }
0x2eb: {  	[sflag:s14] =	ssyncset.done $0x0  }
0x2ec: {  	s23 =	simm.s32 $0x14E00;
	[sflag:s14] =	ssyncadd.s32 $0xFFFFC000  }
0x2ed: {  	[tilespmem:s26], [sflag:$0x2] =	stream.indirect.gather [hbm4b:s4+s31], $0x80, s23, s31, $0xb8;
	[tilespmem:$0x1E000] =	vst v63  }
0x2ee: {  	_ =	swait.ge [sflag:s16], $0x4000  }
0x2ef: {  	[sflag:s16] =	ssyncset.done $0x0  }
0x2f0: {  	s22 =	simm.s32 $0x15D80;
	[sflag:s16] =	ssyncadd.s32 $0xFFFFC000  }
0x2f1: {  	[spmem:s1] =	stream.indirect.scatter.add.f32 [tilespmem:s12], [sflag:$0x4], $0x80, s22, s31, $0xb8;
	[tilespmem:$0x1E000] =	vst v63  }
0x2f2: {  	_ =	swait.ge [sflag:s14], $0x4000  }
0x2f3: {  	[sflag:s14] =	ssyncset.done $0x0  }
0x2f4: {  	s23 =	simm.s32 $0x14E80;
	[sflag:s14] =	ssyncadd.s32 $0xFFFFC000  }
0x2f5: {  	[tilespmem:s12], [sflag:$0x3] =	stream.indirect.gather [hbm4b:s4+s31], $0x80, s23, s31, $0xb8;
	[tilespmem:$0x1E000] =	vst v63  }
0x2f6: {  	_ =	swait.ge [sflag:s13], $0x4000  }
0x2f7: {  	[sflag:s13] =	ssyncset.done $0x0  }
0x2f8: {  	s22 =	simm.s32 $0x15E00;
	[sflag:s13] =	ssyncadd.s32 $0xFFFFC000  }
0x2f9: {  	[spmem:s1] =	stream.indirect.scatter.add.f32 [tilespmem:s26], [sflag:$0x4], $0x80, s22, s31, $0xb8;
	[tilespmem:$0x1E000] =	vst v63  }
0x2fa: {  	_ =	swait.ge [sflag:s14], $0x4000  }
0x2fb: {  	[sflag:s14] =	ssyncset.done $0x0  }
0x2fc: {  	s23 =	simm.s32 $0x14F00;
	[sflag:s14] =	ssyncadd.s32 $0xFFFFC000  }
0x2fd: {  	[tilespmem:s26], [sflag:$0x2] =	stream.indirect.gather [hbm4b:s4+s31], $0x80, s23, s31, $0xb8;
	[tilespmem:$0x1E000] =	vst v63  }
0x2fe: {  	_ =	swait.ge [sflag:s16], $0x4000  }
0x2ff: {  	[sflag:s16] =	ssyncset.done $0x0  }
0x300: {  	s22 =	simm.s32 $0x15E80;
	[sflag:s16] =	ssyncadd.s32 $0xFFFFC000  }
0x301: {  	[spmem:s1] =	stream.indirect.scatter.add.f32 [tilespmem:s12], [sflag:$0x4], $0x80, s22, s31, $0xb8;
	[tilespmem:$0x1E000] =	vst v63  }
0x302: {  	_ =	swait.ge [sflag:s14], $0x4000  }
0x303: {  	[sflag:s14] =	ssyncset.done $0x0  }
0x304: {  	s23 =	simm.s32 $0x14F80;
	[sflag:s14] =	ssyncadd.s32 $0xFFFFC000  }
0x305: {  	[tilespmem:s12], [sflag:$0x3] =	stream.indirect.gather [hbm4b:s4+s31], $0x80, s23, s31, $0xb8;
	[tilespmem:$0x1E000] =	vst v63  }
0x306: {  	_ =	swait.ge [sflag:s13], $0x4000  }
0x307: {  	[sflag:s13] =	ssyncset.done $0x0  }
0x308: {  	s22 =	simm.s32 $0x15F00;
	[sflag:s13] =	ssyncadd.s32 $0xFFFFC000  }
0x309: {  	[spmem:s1] =	stream.indirect.scatter.add.f32 [tilespmem:s26], [sflag:$0x4], $0x80, s22, s31, $0xb8;
	[tilespmem:$0x1E000] =	vst v63  }
0x30a: {  	_ =	swait.ge [sflag:s14], $0x4000  }
0x30b: {  	[sflag:s14] =	ssyncset.done $0x0  }
0x30c: {  	[sflag:s14] =	ssyncadd.s32 $0xFFFFC000  }
0x30d: {  	_ =	swait.ge [sflag:s16], $0x4000  }
0x30e: {  	[sflag:s16] =	ssyncset.done $0x0  }
0x30f: {  	s23 =	simm.s32 $0x15F80;
	[sflag:s16] =	ssyncadd.s32 $0xFFFFC000  }
0x310: {  	[spmem:s1] =	stream.indirect.scatter.add.f32 [tilespmem:s12], [sflag:$0x4], $0x80, s23, s31, $0xb8;
	[tilespmem:$0x1E000] =	vst v63  }
0x311: {  	_ =	swait.ge [sflag:s14], $0x4000  }
0x312: {  	[sflag:s14] =	ssyncset.done $0x0  }
0x313: {  	[sflag:s14] =	ssyncadd.s32 $0xFFFFC000  }
0x314: {  	_ =	swait.ge [sflag:s28], $0x800  }
0x315: {  	[sflag:s28] =	ssyncset.done $0x0  }
0x316: {  	[sflag:s28] =	ssyncadd.s32 $0xFFFFF800  }
0x317: {  	_ =	swait.ge [sflag:s28], $0x800  }
0x318: {  	[sflag:s28] =	ssyncset.done $0x0  }
0x319: {  	s21 =	simm.s32 $0x0;
	[sflag:s28] =	ssyncadd.s32 $0xFFFFF800  }
0x31a: {  	v7 =	vld [tilespmem:s21+$0x15000]  }
0x31b: {  	v14 =	vld [tilespmem:s21+$0x15010]  }
0x31c: {  	v6 =	vld [tilespmem:s21+$0x15020]  }
0x31d: {  	v5 =	vld [tilespmem:s21+$0x15030]  }
0x31e: {  	v4 =	vld [tilespmem:s21+$0x15040]  }
0x31f: {  	v3 =	vld [tilespmem:s21+$0x15050]  }
0x320: {  	v2 =	vld [tilespmem:s21+$0x15060]  }
0x321: {  	v1 =	vld [tilespmem:s21+$0x15070]  }
0x322: {  	v13 =	vld [tilespmem:s21+$0x14000]  }
0x323: {  	v12 =	vld [tilespmem:s21+$0x14010]  }
0x324: {  	v11 =	vld [tilespmem:s21+$0x14020]  }
0x325: {  	v10 =	vld [tilespmem:s21+$0x14030]  }
0x326: {  	v9 =	vld [tilespmem:s21+$0x14040]  }
0x327: {  	v8 =	vld [tilespmem:s21+$0x14050];
	vm0 =	veq.s32 v13, v7  }
0x328: {  	s22 =	simm.s32 $0x200;
	v7 =	vld [tilespmem:s21+$0x14060];
	v13 =	vsel vm0, $0x2710, v13;
	vm0 =	veq.s32 v12, v14  }
.LBB2_12:
0x329: {  	s23 =	sshra.s32 s22, $0x2;
	p0 =	sne.s32 s22, $0x1E00;
	[tilespmem:s21+$0x14000] =	vst v13;
	v12 =	vsel vm0, $0x2710, v12;
	vm0 =	veq.s32 v11, v6;
	v13 =	vld [tilespmem:s21+$0x14070]  }
0x32a: {  	v14 =	vld [tilespmem:s23+$0x15000];
	[tilespmem:s21+$0x14010] =	vst v12;
	v6 =	vsel vm0, $0x2710, v11;
	vm0 =	veq.s32 v10, v5  }
0x32b: {  	v15 =	vld [tilespmem:s23+$0x15010];
	[tilespmem:s21+$0x14020] =	vst v6;
	v5 =	vsel vm0, $0x2710, v10;
	vm0 =	veq.s32 v9, v4  }
0x32c: {  	v6 =	vld [tilespmem:s23+$0x15020];
	[tilespmem:s21+$0x14030] =	vst v5;
	v4 =	vsel vm0, $0x2710, v9;
	vm0 =	veq.s32 v8, v3  }
0x32d: {  	v5 =	vld [tilespmem:s23+$0x15030];
	[tilespmem:s21+$0x14040] =	vst v4;
	v3 =	vsel vm0, $0x2710, v8;
	vm0 =	veq.s32 v7, v2  }
0x32e: {  	v4 =	vld [tilespmem:s23+$0x15040];
	[tilespmem:s21+$0x14050] =	vst v3;
	v2 =	vsel vm0, $0x2710, v7;
	vm0 =	veq.s32 v13, v1  }
0x32f: {  	v3 =	vld [tilespmem:s23+$0x15050];
	[tilespmem:s21+$0x14060] =	vst v2;
	v1 =	vsel vm0, $0x2710, v13  }
0x330: {  	v2 =	vld [tilespmem:s23+$0x15060];
	[tilespmem:s21+$0x14070] =	vst v1;
	s21 =	smov.u32 s23  }
0x331: {  	v1 =	vld [tilespmem:s21+$0x15070]  }
0x332: {  	v7 =	vld [tilespmem:s21+$0x14000]  }
0x333: {  	v12 =	vld [tilespmem:s21+$0x14010]  }
.Ltmp5:
0x334: {  	v11 =	vld [tilespmem:s21+$0x14020];
	(pc) =	sbr.rel @p0 .LBB2_12-.Ltmp5, $4  }
0x335: {  	v10 =	vld [tilespmem:s21+$0x14030]  }
0x336: {  	v9 =	vld [tilespmem:s21+$0x14040]  }
0x337: {  	vm0 =	veq.s32 v7, v14;
	v8 =	vld [tilespmem:s21+$0x14050]  }
0x338: {  	s22 =	sadd.s32 $0x200, s22;
	v13 =	vsel vm0, $0x2710, v7;
	vm0 =	veq.s32 v12, v15;
	v7 =	vld [tilespmem:s21+$0x14060]  }
0x339: {  	[tilespmem:s21+$0x14000] =	vst v13;
	v12 =	vsel vm0, $0x2710, v12;
	vm10 =	veq.s32 v11, v6;
	v63 =	vld [tilespmem:s21+$0x14070]  }
0x33a: {  	[tilespmem:s21+$0x14010] =	vst v12;
	v11 =	vsel vm10, $0x2710, v11;
	vm11 =	veq.s32 v10, v5  }
0x33b: {  	[tilespmem:s21+$0x14020] =	vst v11;
	v5 =	vsel vm11, $0x2710, v10;
	vm12 =	veq.s32 v9, v4  }
0x33c: {  	[tilespmem:s21+$0x14030] =	vst v5;
	v4 =	vsel vm12, $0x2710, v9;
	vm13 =	veq.s32 v8, v3  }
0x33d: {  	[tilespmem:s21+$0x14040] =	vst v4;
	v3 =	vsel vm13, $0x2710, v8;
	vm14 =	veq.s32 v7, v2  }
0x33e: {  	[tilespmem:s21+$0x14050] =	vst v3;
	v2 =	vsel vm14, $0x2710, v7;
	vm15 =	veq.s32 v63, v1  }
0x33f: {  	[tilespmem:s21+$0x14060] =	vst v2;
	v1 =	vsel vm15, $0x2710, v63  }
0x340: {  	[tilespmem:s21+$0x14070] =	vst v1  }
0x341: {  	[tilespmem:s26], [sflag:$0x2] =	stream.indirect.gather [hbm4b:s4+s31], $0x80, s29, s31, $0xb8;
	[tilespmem:$0x1E000] =	vst v63  }
0x342: {  	s23 =	simm.s32 $0x14080  }
0x343: {  	[tilespmem:s12], [sflag:$0x3] =	stream.indirect.gather [hbm4b:s4+s31], $0x80, s23, s31, $0xb8;
	[tilespmem:$0x1E000] =	vst v63  }
0x344: {  	_ =	swait.ge [sflag:s13], $0x4000  }
0x345: {  	[sflag:s13] =	ssyncset.done $0x0  }
0x346: {  	[sflag:s13] =	ssyncadd.s32 $0xFFFFC000  }
0x347: {  	[spmem:s1] =	stream.indirect.scatter.add.f32 [tilespmem:s26], [sflag:$0x4], $0x80, s30, s31, $0xb8;
	[tilespmem:$0x1E000] =	vst v63  }
0x348: {  	_ =	swait.ge [sflag:s14], $0x4000  }
0x349: {  	[sflag:s14] =	ssyncset.done $0x0  }
0x34a: {  	s22 =	simm.s32 $0x14100;
	[sflag:s14] =	ssyncadd.s32 $0xFFFFC000  }
0x34b: {  	[tilespmem:s26], [sflag:$0x2] =	stream.indirect.gather [hbm4b:s4+s31], $0x80, s22, s31, $0xb8;
	[tilespmem:$0x1E000] =	vst v63  }
0x34c: {  	_ =	swait.ge [sflag:s16], $0x4000  }
0x34d: {  	[sflag:s16] =	ssyncset.done $0x0  }
0x34e: {  	s23 =	simm.s32 $0x15080;
	[sflag:s16] =	ssyncadd.s32 $0xFFFFC000  }
0x34f: {  	[spmem:s1] =	stream.indirect.scatter.add.f32 [tilespmem:s12], [sflag:$0x4], $0x80, s23, s31, $0xb8;
	[tilespmem:$0x1E000] =	vst v63  }
0x350: {  	_ =	swait.ge [sflag:s14], $0x4000  }
0x351: {  	[sflag:s14] =	ssyncset.done $0x0  }
0x352: {  	s22 =	simm.s32 $0x14180;
	[sflag:s14] =	ssyncadd.s32 $0xFFFFC000  }
0x353: {  	[tilespmem:s12], [sflag:$0x3] =	stream.indirect.gather [hbm4b:s4+s31], $0x80, s22, s31, $0xb8;
	[tilespmem:$0x1E000] =	vst v63  }
0x354: {  	_ =	swait.ge [sflag:s13], $0x4000  }
0x355: {  	[sflag:s13] =	ssyncset.done $0x0  }
0x356: {  	s23 =	simm.s32 $0x15100;
	[sflag:s13] =	ssyncadd.s32 $0xFFFFC000  }
0x357: {  	[spmem:s1] =	stream.indirect.scatter.add.f32 [tilespmem:s26], [sflag:$0x4], $0x80, s23, s31, $0xb8;
	[tilespmem:$0x1E000] =	vst v63  }
0x358: {  	_ =	swait.ge [sflag:s14], $0x4000  }
0x359: {  	[sflag:s14] =	ssyncset.done $0x0  }
0x35a: {  	s22 =	simm.s32 $0x14200;
	[sflag:s14] =	ssyncadd.s32 $0xFFFFC000  }
0x35b: {  	[tilespmem:s26], [sflag:$0x2] =	stream.indirect.gather [hbm4b:s4+s31], $0x80, s22, s31, $0xb8;
	[tilespmem:$0x1E000] =	vst v63  }
0x35c: {  	_ =	swait.ge [sflag:s16], $0x4000  }
0x35d: {  	[sflag:s16] =	ssyncset.done $0x0  }
0x35e: {  	s23 =	simm.s32 $0x15180;
	[sflag:s16] =	ssyncadd.s32 $0xFFFFC000  }
0x35f: {  	[spmem:s1] =	stream.indirect.scatter.add.f32 [tilespmem:s12], [sflag:$0x4], $0x80, s23, s31, $0xb8;
	[tilespmem:$0x1E000] =	vst v63  }
0x360: {  	_ =	swait.ge [sflag:s14], $0x4000  }
0x361: {  	[sflag:s14] =	ssyncset.done $0x0  }
0x362: {  	s22 =	simm.s32 $0x14280;
	[sflag:s14] =	ssyncadd.s32 $0xFFFFC000  }
0x363: {  	[tilespmem:s12], [sflag:$0x3] =	stream.indirect.gather [hbm4b:s4+s31], $0x80, s22, s31, $0xb8;
	[tilespmem:$0x1E000] =	vst v63  }
0x364: {  	_ =	swait.ge [sflag:s13], $0x4000  }
0x365: {  	[sflag:s13] =	ssyncset.done $0x0  }
0x366: {  	s23 =	simm.s32 $0x15200;
	[sflag:s13] =	ssyncadd.s32 $0xFFFFC000  }
0x367: {  	[spmem:s1] =	stream.indirect.scatter.add.f32 [tilespmem:s26], [sflag:$0x4], $0x80, s23, s31, $0xb8;
	[tilespmem:$0x1E000] =	vst v63  }
0x368: {  	_ =	swait.ge [sflag:s14], $0x4000  }
0x369: {  	[sflag:s14] =	ssyncset.done $0x0  }
0x36a: {  	s22 =	simm.s32 $0x14300;
	[sflag:s14] =	ssyncadd.s32 $0xFFFFC000  }
0x36b: {  	[tilespmem:s26], [sflag:$0x2] =	stream.indirect.gather [hbm4b:s4+s31], $0x80, s22, s31, $0xb8;
	[tilespmem:$0x1E000] =	vst v63  }
0x36c: {  	_ =	swait.ge [sflag:s16], $0x4000  }
0x36d: {  	[sflag:s16] =	ssyncset.done $0x0  }
0x36e: {  	s23 =	simm.s32 $0x15280;
	[sflag:s16] =	ssyncadd.s32 $0xFFFFC000  }
0x36f: {  	[spmem:s1] =	stream.indirect.scatter.add.f32 [tilespmem:s12], [sflag:$0x4], $0x80, s23, s31, $0xb8;
	[tilespmem:$0x1E000] =	vst v63  }
0x370: {  	_ =	swait.ge [sflag:s14], $0x4000  }
0x371: {  	[sflag:s14] =	ssyncset.done $0x0  }
0x372: {  	s22 =	simm.s32 $0x14380;
	[sflag:s14] =	ssyncadd.s32 $0xFFFFC000  }
0x373: {  	[tilespmem:s12], [sflag:$0x3] =	stream.indirect.gather [hbm4b:s4+s31], $0x80, s22, s31, $0xb8;
	[tilespmem:$0x1E000] =	vst v63  }
0x374: {  	_ =	swait.ge [sflag:s13], $0x4000  }
0x375: {  	[sflag:s13] =	ssyncset.done $0x0  }
0x376: {  	s23 =	simm.s32 $0x15300;
	[sflag:s13] =	ssyncadd.s32 $0xFFFFC000  }
0x377: {  	[spmem:s1] =	stream.indirect.scatter.add.f32 [tilespmem:s26], [sflag:$0x4], $0x80, s23, s31, $0xb8;
	[tilespmem:$0x1E000] =	vst v63  }
0x378: {  	_ =	swait.ge [sflag:s14], $0x4000  }
0x379: {  	[sflag:s14] =	ssyncset.done $0x0  }
0x37a: {  	s22 =	simm.s32 $0x14400;
	[sflag:s14] =	ssyncadd.s32 $0xFFFFC000  }
0x37b: {  	[tilespmem:s26], [sflag:$0x2] =	stream.indirect.gather [hbm4b:s4+s31], $0x80, s22, s31, $0xb8;
	[tilespmem:$0x1E000] =	vst v63  }
0x37c: {  	_ =	swait.ge [sflag:s16], $0x4000  }
0x37d: {  	[sflag:s16] =	ssyncset.done $0x0  }
0x37e: {  	s23 =	simm.s32 $0x15380;
	[sflag:s16] =	ssyncadd.s32 $0xFFFFC000  }
0x37f: {  	[spmem:s1] =	stream.indirect.scatter.add.f32 [tilespmem:s12], [sflag:$0x4], $0x80, s23, s31, $0xb8;
	[tilespmem:$0x1E000] =	vst v63  }
0x380: {  	_ =	swait.ge [sflag:s14], $0x4000  }
0x381: {  	[sflag:s14] =	ssyncset.done $0x0  }
0x382: {  	s22 =	simm.s32 $0x14480;
	[sflag:s14] =	ssyncadd.s32 $0xFFFFC000  }
0x383: {  	[tilespmem:s12], [sflag:$0x3] =	stream.indirect.gather [hbm4b:s4+s31], $0x80, s22, s31, $0xb8;
	[tilespmem:$0x1E000] =	vst v63  }
0x384: {  	_ =	swait.ge [sflag:s13], $0x4000  }
0x385: {  	[sflag:s13] =	ssyncset.done $0x0  }
0x386: {  	s23 =	simm.s32 $0x15400;
	[sflag:s13] =	ssyncadd.s32 $0xFFFFC000  }
0x387: {  	[spmem:s1] =	stream.indirect.scatter.add.f32 [tilespmem:s26], [sflag:$0x4], $0x80, s23, s31, $0xb8;
	[tilespmem:$0x1E000] =	vst v63  }
0x388: {  	_ =	swait.ge [sflag:s14], $0x4000  }
0x389: {  	[sflag:s14] =	ssyncset.done $0x0  }
0x38a: {  	s22 =	simm.s32 $0x14500;
	[sflag:s14] =	ssyncadd.s32 $0xFFFFC000  }
0x38b: {  	[tilespmem:s26], [sflag:$0x2] =	stream.indirect.gather [hbm4b:s4+s31], $0x80, s22, s31, $0xb8;
	[tilespmem:$0x1E000] =	vst v63  }
0x38c: {  	_ =	swait.ge [sflag:s16], $0x4000  }
0x38d: {  	[sflag:s16] =	ssyncset.done $0x0  }
0x38e: {  	s23 =	simm.s32 $0x15480;
	[sflag:s16] =	ssyncadd.s32 $0xFFFFC000  }
0x38f: {  	[spmem:s1] =	stream.indirect.scatter.add.f32 [tilespmem:s12], [sflag:$0x4], $0x80, s23, s31, $0xb8;
	[tilespmem:$0x1E000] =	vst v63  }
0x390: {  	_ =	swait.ge [sflag:s14], $0x4000  }
0x391: {  	[sflag:s14] =	ssyncset.done $0x0  }
0x392: {  	s22 =	simm.s32 $0x14580;
	[sflag:s14] =	ssyncadd.s32 $0xFFFFC000  }
0x393: {  	[tilespmem:s12], [sflag:$0x3] =	stream.indirect.gather [hbm4b:s4+s31], $0x80, s22, s31, $0xb8;
	[tilespmem:$0x1E000] =	vst v63  }
0x394: {  	_ =	swait.ge [sflag:s13], $0x4000  }
0x395: {  	[sflag:s13] =	ssyncset.done $0x0  }
0x396: {  	s23 =	simm.s32 $0x15500;
	[sflag:s13] =	ssyncadd.s32 $0xFFFFC000  }
0x397: {  	[spmem:s1] =	stream.indirect.scatter.add.f32 [tilespmem:s26], [sflag:$0x4], $0x80, s23, s31, $0xb8;
	[tilespmem:$0x1E000] =	vst v63  }
0x398: {  	_ =	swait.ge [sflag:s14], $0x4000  }
0x399: {  	[sflag:s14] =	ssyncset.done $0x0  }
0x39a: {  	[sflag:s14] =	ssyncadd.s32 $0xFFFFC000  }
0x39b: {  	[tilespmem:s26], [sflag:$0x2] =	stream.indirect.gather [hbm4b:s4+s31], $0x80, s24, s31, $0xb8;
	[tilespmem:$0x1E000] =	vst v63  }
0x39c: {  	_ =	swait.ge [sflag:s16], $0x4000  }
0x39d: {  	[sflag:s16] =	ssyncset.done $0x0  }
0x39e: {  	[sflag:s16] =	ssyncadd.s32 $0xFFFFC000  }
0x39f: {  	[spmem:s1] =	stream.indirect.scatter.add.f32 [tilespmem:s12], [sflag:$0x4], $0x80, s25, s31, $0xb8;
	[tilespmem:$0x1E000] =	vst v63  }
0x3a0: {  	_ =	swait.ge [sflag:s14], $0x4000  }
0x3a1: {  	[sflag:s14] =	ssyncset.done $0x0  }
0x3a2: {  	[sflag:s14] =	ssyncadd.s32 $0xFFFFC000  }
0x3a3: {  	[tilespmem:s12], [sflag:$0x3] =	stream.indirect.gather [hbm4b:s4+s31], $0x80, s9, s31, $0xb8;
	[tilespmem:$0x1E000] =	vst v63  }
0x3a4: {  	_ =	swait.ge [sflag:s13], $0x4000  }
0x3a5: {  	[sflag:s13] =	ssyncset.done $0x0  }
0x3a6: {  	[sflag:s13] =	ssyncadd.s32 $0xFFFFC000  }
0x3a7: {  	[spmem:s1] =	stream.indirect.scatter.add.f32 [tilespmem:s26], [sflag:$0x4], $0x80, s11, s31, $0xb8;
	[tilespmem:$0x1E000] =	vst v63  }
0x3a8: {  	_ =	swait.ge [sflag:s14], $0x4000  }
0x3a9: {  	[sflag:s14] =	ssyncset.done $0x0  }
0x3aa: {  	[sflag:s14] =	ssyncadd.s32 $0xFFFFC000  }
0x3ab: {  	[tilespmem:s26], [sflag:$0x2] =	stream.indirect.gather [hbm4b:s4+s31], $0x80, s15, s31, $0xb8;
	[tilespmem:$0x1E000] =	vst v63  }
0x3ac: {  	_ =	swait.ge [sflag:s16], $0x4000  }
0x3ad: {  	[sflag:s16] =	ssyncset.done $0x0  }
0x3ae: {  	[sflag:s16] =	ssyncadd.s32 $0xFFFFC000  }
0x3af: {  	[spmem:s1] =	stream.indirect.scatter.add.f32 [tilespmem:s12], [sflag:$0x4], $0x80, s17, s31, $0xb8;
	[tilespmem:$0x1E000] =	vst v63  }
0x3b0: {  	_ =	swait.ge [sflag:s14], $0x4000  }
0x3b1: {  	[sflag:s14] =	ssyncset.done $0x0  }
0x3b2: {  	[sflag:s14] =	ssyncadd.s32 $0xFFFFC000  }
0x3b3: {  	[tilespmem:s12], [sflag:$0x3] =	stream.indirect.gather [hbm4b:s4+s31], $0x80, s18, s31, $0xb8;
	[tilespmem:$0x1E000] =	vst v63  }
0x3b4: {  	_ =	swait.ge [sflag:s13], $0x4000  }
0x3b5: {  	[sflag:s13] =	ssyncset.done $0x0  }
0x3b6: {  	[sflag:s13] =	ssyncadd.s32 $0xFFFFC000  }
0x3b7: {  	[spmem:s1] =	stream.indirect.scatter.add.f32 [tilespmem:s26], [sflag:$0x4], $0x80, s19, s31, $0xb8;
	[tilespmem:$0x1E000] =	vst v63  }
0x3b8: {  	_ =	swait.ge [sflag:s14], $0x4000  }
0x3b9: {  	[sflag:s14] =	ssyncset.done $0x0  }
0x3ba: {  	[sflag:s14] =	ssyncadd.s32 $0xFFFFC000  }
0x3bb: {  	_ =	swait.ge [sflag:s16], $0x4000  }
0x3bc: {  	[sflag:s16] =	ssyncset.done $0x0  }
0x3bd: {  	[sflag:s16] =	ssyncadd.s32 $0xFFFFC000  }
0x3be: {  	[spmem:s1] =	stream.indirect.scatter.add.f32 [tilespmem:s12], [sflag:$0x4], $0x80, s20, s31, $0xb8;
	[tilespmem:$0x1E000] =	vst v63  }
0x3bf: {  	_ =	swait.ge [sflag:s14], $0x4000  }
0x3c0: {  	[sflag:s14] =	ssyncset.done $0x0  }
0x3c1: {  	s22 =	stileid.u32;
	[sflag:s14] =	ssyncadd.s32 $0xFFFFC000  }
0x3c2: {  	s21 =	sshll.u32 s22, $0x6;
	[bflag:$0x0] =	sbarrier.arrive $0xFFFF  }
0x3c3: {  	s22 =	sshrl.u32 s5, $0x3;
	s21 =	sor.u32 $0x1C01, s21;
	s23 =	rddreg [dreg:$0xd]  }
0x3c4: {  	[hbm:s23], [sflag:s21] =	dma.local [spmem:s22], $0x800  }
0x3c5: {  	_ =	swait.ge [sflag:s28], $0x800  }
0x3c6: {  	[sflag:s28] =	ssyncset.done $0x0  }
0x3c7: {  	s22 =	sshrl.u32 s6, $0x3;
	s23 =	rddreg [dreg:$0xe];
	[sflag:s28] =	ssyncadd.s32 $0xFFFFF800  }
0x3c8: {  	[hbm:s23], [sflag:s21] =	dma.local [spmem:s22], $0x800  }
0x3c9: {  	_ =	swait.ge [sflag:s28], $0x800  }
0x3ca: {  	[sflag:s28] =	ssyncset.done $0x0  }
0x3cb: {  	s22 =	sshrl.u32 s7, $0x3;
	s23 =	rddreg [dreg:$0xf];
	[sflag:s28] =	ssyncadd.s32 $0xFFFFF800  }
0x3cc: {  	[hbm:s23], [sflag:s21] =	dma.local [spmem:s22], $0x800  }
0x3cd: {  	_ =	swait.ge [sflag:s28], $0x800  }
0x3ce: {  	[sflag:s28] =	ssyncset.done $0x0  }
0x3cf: {  	s22 =	sshrl.u32 s8, $0x3;
	s23 =	rddreg [dreg:$0x10];
	[sflag:s28] =	ssyncadd.s32 $0xFFFFF800  }
0x3d0: {  	[hbm:s23], [sflag:s21] =	dma.local [spmem:s22], $0x800  }
0x3d1: {  	_ =	swait.ge [sflag:s28], $0x800  }
0x3d2: {  	[sflag:s28] =	ssyncset.done $0x0  }
0x3d3: {  	s22 =	sshrl.u32 s10, $0x3;
	s23 =	rddreg [dreg:$0x11];
	[sflag:s28] =	ssyncadd.s32 $0xFFFFF800  }
0x3d4: {  	[hbm:s23], [sflag:s21] =	dma.local [spmem:s22], $0x800  }
0x3d5: {  	_ =	swait.ge [sflag:s28], $0x800  }
0x3d6: {  	s2 =	sadd.s32 $0x1, s2;
	s23 =	rddreg [dreg:$0x13]  }
0x3d7: {  	p0 =	sne.s32 s2, s23  }
.Ltmp6:
0x3d8: {  	_ = 	snop;
	(pc) =	sbr.rel @p0 .LBB2_1-.Ltmp6, $3  }
0x3d9: {  	_ =	sdelay $0x1  }
0x3da: {  	[sflag:s28] =	ssyncset.done $0x0  }
0x3db: {  	[sflag:s28] =	ssyncadd.s32 $0xFFFFF800  }
0x3dc: {  	_ =	sfence.sel $0x180000  }
0x3dd: {  	[bflag:$0x0] =	sbarrier.arrive $0xFFFF  }
0x3de: {  	_ =	strace $0x9000004A  }
0x3df: {  	s0 =	stileid.u32;
	[bflag:$0x2] =	sbarrier.arrive $0xFFFF  }
0x3e0: {  	p0 =	sne.s32 s0, $0x0;
	s0 =	rddreg [dreg:$0x3]  }
0x3e1: {  	s0 =	sadd.s32 @!p0 $0x100000, s0  }
0x3e2: {  	[sflag:s0] =	ssyncadd.tile.s32 @!p0 $0x1;
	_ =	shalt  }
.Lfunc_end2:
_tile_overlayer_lowered:
.L_overlay_start_2:
0x3e3: {  	(tag) =	ssettag $0x2  }
0x3e4: {  	s0 =	rddreg [dreg:$0x0];
	s2 =	stileid.u32  }
0x3e5: {  	s1 =	rddreg [dreg:$0x1];
	p0 =	sne.s32 s2, $0x0  }
0x3e6: {  	s3 =	rddreg [dreg:$0x2];
	[bflag:$0x3] =	sbarrier.arrive $0xFFFF;
	s2 =	simm.s32 @!p0 $0x1C04  }
0x3e7: {  	[timem:s3], [sflag:s2] =	dma.local @!p0 [hbm:s0], s1  }
0x3e8: {  	s0 =	simm.s32 @!p0 $0x4  }
0x3e9: {  	_ =	swait.ge @!p0 [sflag:s0], s1  }
0x3ea: {  	s1 =	ssub.s32 @!p0 $0x0, s1;
	[sflag:s0] =	ssyncset.done @!p0 $0x0  }
0x3eb: {  	[sflag:s0] =	ssyncadd.s32 @!p0 s1  }
0x3ec: {  	[bflag:$0x3] =	sbarrier.arrive $0xFFFF  }
0x3ed: {  	_ =	shalt  }

// kernel: kernel.7.cloned.1.call-start
scs
__scs_entry_jumppad:
0x0: {  	(pc) =	sbr.rel $0x88, $3  }
0x1: {  	(tag) =	ssettag $0x0;
	lr =	simm.s32 $0x1  }
0x2: {  	[smem:$0x3F99] =	sst lr;
	_ =	strace $0xD0000000  }
0x3: {  	_ = 	snop  }
0x4: {  	_ = 	snop  }
0x5: {  	_ = 	snop  }
0x6: {  	_ = 	snop  }
0x7: {  	_ = 	snop  }
__scs_overlays_trampoline_lowered:
0x8: {  	[smem:$0x3FA8] =	sst s0  }
0x9: {  	[smem:$0x3FA9] =	sst s1  }
0xa: {  	[smem:$0x3FAA] =	sst s2  }
0xb: {  	[smem:$0x3FAB] =	sst s3  }
0xc: {  	[smem:$0x3FAC] =	sst s4  }
0xd: {  	[smem:$0x3FAD] =	sst s5  }
0xe: {  	[smem:$0x3FAE] =	sst s6  }
0xf: {  	[smem:$0x3FAF] =	sst s7  }
0x10: {  	[smem:$0x3FB0] =	sst s8  }
0x11: {  	[smem:$0x3FB1] =	sst s9;
	s0 =	simm.s32 @!p0 $0x0  }
0x12: {  	s1 =	sld [smem:$0x3F97];
	s0 =	simm.s32 @p0 $0x1  }
0x13: {  	[smem:$0x3FB2] =	sst s0;
	s0 =	simm.s32 @!p1 $0x0  }
0x14: {  	s2 =	sld [smem:$0x3F96];
	s0 =	simm.s32 @p1 $0x1  }
0x15: {  	[smem:$0x3FB3] =	sst s0;
	s0 =	simm.s32 @!p2 $0x0  }
0x16: {  	s3 =	sld [smem:$0x3FDB];
	s0 =	simm.s32 @p2 $0x1  }
0x17: {  	s4 =	simm.s32 $0x1BF5;
	[smem:$0x3FB5] =	sst s0  }
0x18: {  	s0 =	sld [smem:$0x3F98];
	_ =	swait.ge [sflag:s4], $0x0  }
0x19: {  	s7 =	sld [smem:$0x3F99]  }
0x1a: {  	s8 =	sadd.s32 $0xFFFFE003, lr  }
0x1b: {  	s9 =	sadd.s32 $0xFFFFFEF7, lr;
	s5 =	simm.s32 $0xFFFFFFFF;
	p2 =	slt.u32 s8, $0xFFFFF086  }
0x1c: {  	p1 =	slt.u32 s9, $0xF7A;
	s5 =	simm.s32 @!p2 $0x0  }
0x1d: {  	s5 =	simm.s32 @p1 $0x1;
	p0 =	seq.s32 s7, s2  }
0x1e: {  	s7 =	smul.u32 @!p0 $0xF7A, s2;
	p2 =	seq.s32 @!p0 s5, $0x0  }
0x1f: {  	s9 =	smul.u32 $0xF7A, s1;
	s8 =	simm.s32 @!p0 $0x1BF5;
	p2 =	por !p2, p0  }
0x20: {  	[sflag:s8] =	ssyncset.s32 @!p0 $0xFFFFF086;
	s6 =	sadd.s32 @!p0 s3, s7;
	s7 =	simm.s32 @!p0 $0x108  }
0x21: {  	s3 =	sadd.s32 s3, s9;
	s6 =	sadd.s32 @!p0 $0x88, s6;
	s7 =	simm.s32 @p2 $0x1082  }
0x22: {  	[simem:s7], [sflag:s8] =	dma.local @!p0 [hbm:s6], $0xF7A  }
0x23: {  	s9 =	sor.u32 $0xD0000000, s2;
	s6 =	simm.s32 $0x108;
	_ =	swait.ge @!p0 [sflag:s8], $0x0  }
0x24: {  	s3 =	sadd.s32 $0x88, s3;
	s6 =	simm.s32 @!p1 $0x1082;
	[sflag:s4] =	ssyncset.s32 $0xFFFFF086  }
0x25: {  	[simem:s6], [sflag:s4] =	dma.local [hbm:s3], $0xF7A  }
0x26: {  	[smem:$0x3F99] =	sst s1;
	(tag) =	ssettag s2;
	_ =	strace s9  }
0x27: {  	s1 =	sld [smem:$0x3FA9]  }
0x28: {  	s2 =	sld [smem:$0x3FAA]  }
0x29: {  	s4 =	sld [smem:$0x3FAC]  }
0x2a: {  	p0 =	seq.s32 s5, $0x0;
	s5 =	sld [smem:$0x3FAD]  }
0x2b: {  	s6 =	sld [smem:$0x3FAE]  }
0x2c: {  	s7 =	sld [smem:$0x3FAF]  }
0x2d: {  	s3 =	simm.s32 $0x108;
	s8 =	sld [smem:$0x3FB0]  }
0x2e: {  	s3 =	simm.s32 @!p0 $0x1082;
	s9 =	sld [smem:$0x3FB1]  }
0x2f: {  	lr =	sadd.s32 s0, s3;
	s0 =	sld [smem:$0x3FA8]  }
0x30: {  	s3 =	sld [smem:$0x3FAB]  }
0x31: {  	[smem:$0x3FB4] =	sst s10  }
0x32: {  	s10 =	sld [smem:$0x3FB2];
	_ =	sdelay $0x3  }
0x33: {  	p0 =	seq.s32 s10, $0x1;
	s10 =	sld [smem:$0x3FB4];
	_ =	sdelay $0x3  }
0x34: {  	[smem:$0x3FB4] =	sst s10  }
0x35: {  	s10 =	sld [smem:$0x3FB3];
	_ =	sdelay $0x3  }
0x36: {  	p1 =	seq.s32 s10, $0x1;
	s10 =	sld [smem:$0x3FB4];
	_ =	sdelay $0x3  }
0x37: {  	[smem:$0x3FB4] =	sst s10  }
0x38: {  	s10 =	sld [smem:$0x3FB5]  }
0x39: {  	_ = 	snop;
	(pc) =	sbr.ind lr, $3  }
0x3a: {  	_ = 	snop  }
0x3b: {  	_ = 	snop  }
0x3c: {  	p2 =	seq.s32 s10, $0x1;
	s10 =	sld [smem:$0x3FB4]  }
0x3d: {  	_ =	shalt  }
0x3e: {  	_ =	shalt  }
0x3f: {  	_ =	shalt  }
0x40: {  	_ =	shalt  }
0x41: {  	_ =	shalt  }
0x42: {  	_ =	shalt  }
0x43: {  	_ =	shalt  }
0x44: {  	_ =	shalt  }
0x45: {  	_ =	shalt  }
0x46: {  	_ =	shalt  }
0x47: {  	_ =	shalt  }
0x48: {  	_ =	shalt  }
0x49: {  	_ =	shalt  }
0x4a: {  	_ =	shalt  }
0x4b: {  	_ =	shalt  }
0x4c: {  	_ =	shalt  }
0x4d: {  	_ =	shalt  }
0x4e: {  	_ =	shalt  }
0x4f: {  	_ =	shalt  }
0x50: {  	_ =	shalt  }
0x51: {  	_ =	shalt  }
0x52: {  	_ =	shalt  }
0x53: {  	_ =	shalt  }
0x54: {  	_ =	shalt  }
0x55: {  	_ =	shalt  }
0x56: {  	_ =	shalt  }
0x57: {  	_ =	shalt  }
0x58: {  	_ =	shalt  }
0x59: {  	_ =	shalt  }
0x5a: {  	_ =	shalt  }
0x5b: {  	_ =	shalt  }
0x5c: {  	_ =	shalt  }
0x5d: {  	_ =	shalt  }
0x5e: {  	_ =	shalt  }
0x5f: {  	_ =	shalt  }
0x60: {  	_ =	shalt  }
0x61: {  	_ =	shalt  }
0x62: {  	_ =	shalt  }
0x63: {  	_ =	shalt  }
0x64: {  	_ =	shalt  }
0x65: {  	_ =	shalt  }
0x66: {  	_ =	shalt  }
0x67: {  	_ =	shalt  }
0x68: {  	_ =	shalt  }
0x69: {  	_ =	shalt  }
0x6a: {  	_ =	shalt  }
0x6b: {  	_ =	shalt  }
0x6c: {  	_ =	shalt  }
0x6d: {  	_ =	shalt  }
0x6e: {  	_ =	shalt  }
0x6f: {  	_ =	shalt  }
0x70: {  	_ =	shalt  }
0x71: {  	_ =	shalt  }
0x72: {  	_ =	shalt  }
0x73: {  	_ =	shalt  }
0x74: {  	_ =	shalt  }
0x75: {  	_ =	shalt  }
0x76: {  	_ =	shalt  }
0x77: {  	_ =	shalt  }
0x78: {  	_ =	shalt  }
0x79: {  	_ =	shalt  }
0x7a: {  	_ =	shalt  }
0x7b: {  	_ =	shalt  }
0x7c: {  	_ =	shalt  }
0x7d: {  	_ =	shalt  }
0x7e: {  	_ =	shalt  }
0x7f: {  	_ =	shalt  }
0x80: {  	_ =	shalt  }
0x81: {  	_ =	shalt  }
0x82: {  	_ =	shalt  }
0x83: {  	_ =	shalt  }
0x84: {  	_ =	shalt  }
0x85: {  	_ =	shalt  }
0x86: {  	_ =	shalt  }
0x87: {  	_ =	shalt  }
.Lfunc_end0:
.L_simem_size_0:
called_computation_lowered:
.L_overlay_start_0:
0x88: {  	s2 =	sld [smem:$0x3FD9]  }
0x89: {  	s3 =	sld [smem:$0x3FFE];
	_ =	sdelay $0x1  }
0x8a: {  	s1 =	srdreg.scid  }
0x8b: {  	s0 =	sand.u32 $0x1, s1  }
0x8c: {  	s17 =	sshll.u32 s0, $0xA;
	s2 =	sadd.s32 s3, s2  }
0x8d: {  	s2 =	sadd.s32 s2, s17  }
0x8e: {  	[smem:$0x3FC0] =	sst s2  }
0x8f: {  	_ = 	snop  }
0x90: {  	s2 =	sld [smem:$0x3FD0];
	(tm) =	ssettm $0x1  }
0x91: {  	s18 =	sld [smem:$0x3FFB];
	_ =	sdelay $0x3  }
0x92: {  	_ =	strace s18  }
0x93: {  	s3 =	sld [smem:$0x3FFC];
	_ =	sdelay $0x3  }
0x94: {  	_ =	strace s3  }
0x95: {  	s3 =	sld [smem:$0x3FFD];
	_ =	sdelay $0x3  }
0x96: {  	_ =	strace s3  }
0x97: {  	_ =	strace $0x8FFFFFFF  }
0x98: {  	s19 =	sld [smem:$0x3FDB];
	_ =	sdelay $0x1  }
0x99: {  	s4 =	simm.s32 $_scs_section_size  }
0x9a: {  	s5 =	simm.s32 $_size__tile_overlayer_lowered;
	s6 =	simm.s32 $_tile_overlayer_lowered  }
0x9b: {  	s22 =	simm.s32 $0x1BFF;
	s21 =	sshll.u32 s6, $0x1;
	s3 =	sadd.s32 s4, s19  }
0x9c: {  	s7 =	simm.s32 $0x0;
	s20 =	sshll.u32 s5, $0x1;
	s5 =	sadd.s32 s21, s3  }
0x9d: {  	[timem:s7], [sflag:s22] =	dma.local [hbm:s5], s20  }
0x9e: {  	_ =	swait.ge [sflag:s22], s20  }
0x9f: {  	s4 =	ssub.s32 $0x0, s20;
	[sflag:s22] =	ssyncset.done $0x0  }
0xa0: {  	[sflag:s22] =	ssyncadd.s32 s4;
	_ =	sdelay $0x1  }
0xa1: {  	s23 =	simm.s32 $0x1B8B  }
0xa2: {  	_ =	swait.ge [sflag:s23], $0x1  }
0xa3: {  	[sflag:s23] =	ssyncset.done $0x0  }
0xa4: {  	s25 =	simm.s32 $0x1B8E;
	s24 =	sld [smem:$0x3FFE];
	[sflag:s23] =	ssyncadd.s32 $0xFFFFFFFF  }
0xa5: {  	s26 =	simm.s32 $execute0_lowered;
	[smem:$0x3FD2] =	sst s25  }
0xa6: {  	s5 =	sshll.u32 s26, $0x1;
	_ =	strace $0x80000046;
	[dreg:$0x1] =	wrdreg $0xFFFFFFFF  }
0xa7: {  	s28 =	simm.s32 $_size_execute0_lowered;
	s3 =	sadd.s32 s3, s5;
	[dreg:$0x0] =	wrdreg $0x0  }
0xa8: {  	s5 =	sshll.u32 s28, $0x1;
	[dreg:$0x2] =	wrdreg s3  }
0xa9: {  	[dreg:$0x3] =	wrdreg s5  }
0xaa: {  	[dreg:$0x4] =	wrdreg $0xC0  }
0xab: {  	_ =	task [dreg:s7], $0x5FFFF  }
0xac: {  	[dreg:$0x1] =	wrdreg $0xFFFFFFFF  }
0xad: {  	[dreg:$0x0] =	wrdreg $0x60  }
0xae: {  	[dreg:$0x2] =	wrdreg s2  }
0xaf: {  	[dreg:$0x3] =	wrdreg s24  }
0xb0: {  	[dreg:$0x4] =	wrdreg $0x9  }
0xb1: {  	_ =	task.clear_ibuf [dreg:s7], $0x5FFFF;
	_ =	strace $0x90000046  }
0xb2: {  	s29 =	simm.s32 $0x9;
	_ =	strace $0x80000048  }
0xb3: {  	_ =	swait.ge [sflag:s29], $0x1  }
0xb4: {  	[sflag:s29] =	ssyncadd.s32 $0xFFFFFFFF  }
0xb5: {  	_ =	strace $0x90000048  }
0xb6: {  	_ =	sfence  }
0xb7: {  	s30 =	sld [smem:$0x0];
	_ =	sdelay $0x2  }
0xb8: {  	s31 =	sshll.u32 s1, $0xD;
	s1 =	sshrl.u32 s1, $0x2  }
0xb9: {  	s3 =	sand.u32 $0x4000, s31;
	s1 =	sadd.s32 s1, s30  }
0xba: {  	s0 =	sor.u32 s3, s0;
	s1 =	sshll.u32 s1, $0x11  }
0xbb: {  	s0 =	sor.u32 s1, s0  }
0xbc: {  	s0 =	sadd.s32 $0x8F2B, s0  }
0xbd: {  	[sflag:s0] =	ssyncadd.remote.s32 $0x1  }
0xbe: {  	_ =	sfence.sel $0xFFFF  }
0xbf: {  	[dreg:$0x0] =	wrdreg $0xFFFFFFFF;
	(pc) =	sbr.abs _section_cstart, $3  }
0xc0: {  	[dreg:$0x1] =	wrdreg $0xFFFFFFFF  }
0xc1: {  	_ =	task.clear_ibuf [dreg:s7], $0x2FFFF;
	_ =	strace $0x9FFFFFFF  }
0xc2: {  	(tm) =	ssettm $0x7FFFFFFF  }
0xc3: {  	_ =	shalt  }
tec
execute0_lowered:
.L_overlay_start_1:
0x0: {  	(tag) =	ssettag $0x1  }
0x1: {  	s3 =	rddreg [dreg:$0x0]  }
0x2: {  	s1 =	srdreg.scid;
	s0 =	stileid.u32  }
0x3: {  	s4 =	rddreg [dreg:$0x1];
	s9 =	simm.s32 $0x5000;
	s10 =	simm.s32 $0x80  }
0x4: {  	s11 =	simm.s32 $0x400;
	s12 =	simm.s32 $0x0;
	s5 =	sand.u32 $0x1, s1  }
0x5: {  	s2 =	sshll.u32 s0, $0x1;
	s1 =	rddreg [dreg:$0x2];
	s7 =	sshrl.u32 s0, $0x2  }
0x6: {  	s6 =	sor.u32 s5, s2;
	s2 =	simm.s32 $0x0;
	s7 =	smul.u32 $0x14000, s7  }
0x7: {  	s5 =	ssub.s32 $0x2, s5;
	s8 =	sshll.u32 s6, $0x7;
	s6 =	smul.u32 $0x2800, s6  }
0x8: {  	[smem:$0x7FF] =	sst s2;
	s31 =	sshrl.u32 s5, $0x1;
	s8 =	sand.u32 $0x380, s8  }
0x9: {  	_ =	strace $0x80000047;
	s7 =	sor.u32 s7, s8;
	s6 =	sshrl.u32 s6, $0x3  }
0xa: {  	s8 =	ssub.s32 s5, s31;
	s7 =	sshrl.u32 s7, $0x3;
	s3 =	sadd.s32 s3, s6  }
0xb: {  	s6 =	smax.u32 s8, $0x1;
	s8 =	simm.s32 $0x1;
	s7 =	sadd.s32 s7, s4  }
0xc: {  	v0 =	vimm.f32 $0.0e+00;
	v1 =	vimm.f32 $1.000000000e+00;
	s4 =	sadd.s32 $0xA000, s3;
	s5 =	sadd.s32 $0x2800, s7;
	s7 =	simm.s32 $0x2800  }
.LBB2_1:
0xd: {  	s13 =	simm.s32 $0x40;
	s14 =	simm.s32 $0x0  }
.LBB2_2:
0xe: {  	p0 =	sne.s32 s13, $0x9FC0;
	[tilespmem:s14+$0x0] =	vst v0;
	s14 =	smov.u32 s13;
	s13 =	sadd.s32 $0x40, s13  }
.Ltmp0:
0xf: {  	(pc) =	sbr.rel @p0 .LBB2_2-.Ltmp0, $2  }
0x10: {  	_ =	sdelay $0x2  }
0x11: {  	s14 =	sshra.s32 s14, $0x2  }
0x12: {  	[tilespmem:s14+$0x0] =	vst v0;
	s13 =	simm.s32 $0x0  }
0x13: {  	[tilespmem:s7], [sflag:$0x1] =	stream.linear.gather [hbm4b:s3+s13], $0x2800, $0x38;
	[tilespmem:$0x7800] =	vst v63  }
0x14: {  	_ =	swait.ge [sflag:s8], $0x2800  }
0x15: {  	[sflag:s8] =	ssyncset.done $0x0  }
0x16: {  	[sflag:s8] =	ssyncadd.s32 $0xFFFFD800  }
0x17: {  	[tilespmem:s9], [sflag:$0x1] =	stream.linear.gather [hbm4b:s4+s13], $0x2800, $0x38;
	[tilespmem:$0x7800] =	vst v63  }
0x18: {  	_ =	swait.ge [sflag:s8], $0x2800  }
0x19: {  	[sflag:s8] =	ssyncset.done $0x0  }
0x1a: {  	[sflag:s8] =	ssyncadd.s32 $0xFFFFD800  }
.LBB2_4:
0x1b: {  	s14 =	sshra.s32 s13, $0x2  }
0x1c: {  	v2 =	vld [tilespmem:s14+$0x2800]  }
0x1d: {  	v3 =	vld [tilespmem:s14+$0x5000];
	_ =	sdelay $0x4  }
0x1e: {  	vm0 =	vne.s32 v2, v3;
	_ =	sdelay $0x5  }
0x1f: {  	[tilespmem:v3+s2+$0x0] =	vst.idx.add.f32.msk vm0, v1  }
0x20: {  	v2 =	vld [tilespmem:s14+$0x2810]  }
0x21: {  	v3 =	vld [tilespmem:s14+$0x5010];
	_ =	sdelay $0x4  }
0x22: {  	vm9 =	vne.s32 v2, v3;
	_ =	sdelay $0x5  }
0x23: {  	[tilespmem:v3+s2+$0x0] =	vst.idx.add.f32.msk vm9, v1  }
0x24: {  	v2 =	vld [tilespmem:s14+$0x2820]  }
0x25: {  	v3 =	vld [tilespmem:s14+$0x5020];
	_ =	sdelay $0x4  }
0x26: {  	vm10 =	vne.s32 v2, v3;
	_ =	sdelay $0x5  }
0x27: {  	[tilespmem:v3+s2+$0x0] =	vst.idx.add.f32.msk vm10, v1  }
0x28: {  	v2 =	vld [tilespmem:s14+$0x2830]  }
0x29: {  	v3 =	vld [tilespmem:s14+$0x5030];
	_ =	sdelay $0x4  }
0x2a: {  	vm11 =	vne.s32 v2, v3;
	_ =	sdelay $0x5  }
0x2b: {  	[tilespmem:v3+s2+$0x0] =	vst.idx.add.f32.msk vm11, v1  }
0x2c: {  	v2 =	vld [tilespmem:s14+$0x2840]  }
0x2d: {  	v3 =	vld [tilespmem:s14+$0x5040];
	_ =	sdelay $0x4  }
0x2e: {  	vm12 =	vne.s32 v2, v3;
	_ =	sdelay $0x5  }
0x2f: {  	[tilespmem:v3+s2+$0x0] =	vst.idx.add.f32.msk vm12, v1  }
0x30: {  	v2 =	vld [tilespmem:s14+$0x2850]  }
0x31: {  	v3 =	vld [tilespmem:s14+$0x5050];
	_ =	sdelay $0x4  }
0x32: {  	vm13 =	vne.s32 v2, v3;
	_ =	sdelay $0x5  }
0x33: {  	[tilespmem:v3+s2+$0x0] =	vst.idx.add.f32.msk vm13, v1  }
0x34: {  	v2 =	vld [tilespmem:s14+$0x2860]  }
0x35: {  	v3 =	vld [tilespmem:s14+$0x5060];
	_ =	sdelay $0x4  }
0x36: {  	vm14 =	vne.s32 v2, v3;
	_ =	sdelay $0x5  }
0x37: {  	[tilespmem:v3+s2+$0x0] =	vst.idx.add.f32.msk vm14, v1  }
0x38: {  	v2 =	vld [tilespmem:s14+$0x2870]  }
0x39: {  	v3 =	vld [tilespmem:s14+$0x5070];
	_ =	sdelay $0x4  }
0x3a: {  	vm15 =	vne.s32 v2, v3  }
0x3b: {  	p0 =	sne.s32 s13, $0x9E00  }
.Ltmp1:
0x3c: {  	_ = 	snop;
	(pc) =	sbr.rel @p0 .LBB2_4-.Ltmp1, $2  }
0x3d: {  	_ =	sdelay $0x2  }
0x3e: {  	s13 =	sadd.s32 $0x200, s13;
	[tilespmem:v3+s2+$0x0] =	vst.idx.add.f32.msk vm15, v1  }
0x3f: {  	s12 =	sadd.s32 $0x1, s12  }
0x40: {  	p0 =	sne.s32 s12, s6  }
.Ltmp2:
0x41: {  	_ = 	snop;
	(pc) =	sbr.rel @p0 .LBB2_1-.Ltmp2, $4  }
0x42: {  	[hbm4b:s5+s10] =	stream.strided.scatter [tilespmem:s2], [sflag:$0x1], $0x2800, s11, s10, $0x38;
	[tilespmem:$0x7800] =	vst v63  }
0x43: {  	_ =	swait.ge [sflag:s8], $0x2800  }
0x44: {  	[sflag:s8] =	ssyncset.done $0x0  }
0x45: {  	[sflag:s8] =	ssyncadd.s32 $0xFFFFD800  }
0x46: {  	_ =	sfence.sel $0x180000  }
0x47: {  	[bflag:$0x0] =	sbarrier.arrive $0xFFFF  }
0x48: {  	p0 =	sne.s32 s0, $0x0;
	_ =	strace $0x90000047  }
0x49: {  	s0 =	sadd.s32 @!p0 $0x100000, s1;
	[bflag:$0x2] =	sbarrier.arrive $0xFFFF  }
0x4a: {  	[sflag:s0] =	ssyncadd.tile.s32 @!p0 $0x1;
	_ =	shalt  }
.Lfunc_end2:
_tile_overlayer_lowered:
.L_overlay_start_2:
0x4b: {  	(tag) =	ssettag $0x2  }
0x4c: {  	s0 =	rddreg [dreg:$0x0];
	s2 =	stileid.u32  }
0x4d: {  	s1 =	rddreg [dreg:$0x1];
	p0 =	sne.s32 s2, $0x0  }
0x4e: {  	s3 =	rddreg [dreg:$0x2];
	[bflag:$0x3] =	sbarrier.arrive $0xFFFF;
	s2 =	simm.s32 @!p0 $0x1C02  }
0x4f: {  	[timem:s3], [sflag:s2] =	dma.local @!p0 [hbm:s0], s1  }
0x50: {  	s0 =	simm.s32 @!p0 $0x2  }
0x51: {  	_ =	swait.ge @!p0 [sflag:s0], s1  }
0x52: {  	s1 =	ssub.s32 @!p0 $0x0, s1;
	[sflag:s0] =	ssyncset.done @!p0 $0x0  }
0x53: {  	[sflag:s0] =	ssyncadd.s32 @!p0 s1  }
0x54: {  	[bflag:$0x3] =	sbarrier.arrive $0xFFFF  }
0x55: {  	_ =	shalt  }

</sc_bundles>
